<compile_context>
chip_gen: v7x
topology: tpu7x:2x2x1
jax: 0.10.2.dev20260603
libtpu: 0.0.44.dev20260713+nightly
codegen_flags: <defaults>
</compile_context>

<pallas_src>
import functools

import jax
import jax.numpy as jnp
from jax import lax
from jax.experimental import pallas as pl
from jax.experimental.pallas import tpu as pltpu
from jax.experimental.pallas import tpu_sc as plsc

N = 10000
E = 320000
F = 128
H1, C1 = 8, 8
D1 = H1 * C1
C2 = 4
L = 16

NC, NS = 2, 16
NW = NC * NS
EW = E // NW
CH = 80
KJ = 5
B = CH * KJ
NCH = EW // B
RW = EW // CH

_f32 = jnp.float32

_SC_PARAMS = pltpu.CompilerParams(use_tc_tiling_on_sc=False,
                                  needs_layout_passes=False)


def _lane_gather(x, idx):
    return lax.gather(
        x, idx[:, None],
        lax.GatherDimensionNumbers(offset_dims=(), collapsed_slice_dims=(0,),
                                   start_index_map=(0,)),
        (1,), mode=lax.GatherScatterMode.PROMISE_IN_BOUNDS)


def _mesh():
    return plsc.VectorSubcoreMesh(core_axis_name="c", subcore_axis_name="s",
                                  num_cores=NC, num_subcores=NS)



def _tc_proj_body(x_ref, w_ref, as_ref, ad_ref, xw_ref, a1_ref):
    xw = jnp.dot(x_ref[...], w_ref[...], preferred_element_type=_f32)
    xw_ref[...] = xw
    asrc = jnp.dot(xw, as_ref[...], preferred_element_type=_f32)
    adst = jnp.dot(xw, ad_ref[...], preferred_element_type=_f32)
    a1_ref[...] = jnp.concatenate([asrc, adst], axis=1)


def _tc_proj(x, W1, As, Ad):
    bn = 1000
    return pl.pallas_call(
        _tc_proj_body,
        grid=(N // bn,),
        in_specs=[pl.BlockSpec((bn, F), lambda i: (i, 0)),
                  pl.BlockSpec((F, D1), lambda i: (0, 0)),
                  pl.BlockSpec((D1, H1), lambda i: (0, 0)),
                  pl.BlockSpec((D1, H1), lambda i: (0, 0))],
        out_specs=[pl.BlockSpec((bn, D1), lambda i: (i, 0)),
                   pl.BlockSpec((bn, L), lambda i: (i, 0))],
        out_shape=[jax.ShapeDtypeStruct((N, D1), _f32),
                   jax.ShapeDtypeStruct((N, L), _f32)],
    )(x, W1, As, Ad)


def _tc_rdenom_body(d_ref, out_ref):
    out_ref[...] = 1.0 / (d_ref[0] + d_ref[1] + 1e-16)


def _tc_rdenom_pad_body(d_ref, out_ref):
    r = 1.0 / (d_ref[0] + d_ref[1] + 1e-16)
    out_ref[...] = jnp.concatenate([r, jnp.zeros_like(r)], axis=1)


def _tc_rdenom_pad(denp):
    return pl.pallas_call(
        _tc_rdenom_pad_body,
        out_shape=jax.ShapeDtypeStruct((N, L), _f32),
    )(denp)


def _tc_rdenom(denp):
    shp = denp.shape[1:]
    return pl.pallas_call(
        _tc_rdenom_body,
        out_shape=jax.ShapeDtypeStruct(shp, _f32),
    )(denp)


def _tc_layer2_body(op_ref, b1_ref, w2_ref, as2_ref, ad2_ref,
                    h_ref, xw2_ref, a2_ref):
    o = op_ref[0] + op_ref[1] + b1_ref[...]
    h = jnp.maximum(o, 0.0)
    h_ref[...] = h
    xw2 = jnp.dot(h, w2_ref[...], preferred_element_type=_f32)
    xw2_ref[...] = xw2
    asrc2 = jnp.dot(xw2, as2_ref[...], preferred_element_type=_f32)
    adst2 = jnp.dot(xw2, ad2_ref[...], preferred_element_type=_f32)
    a2_ref[...] = jnp.concatenate([asrc2, adst2], axis=1)


def _tc_layer2(outp, bias1, W2, as2, ad2):
    bn = 1000
    return pl.pallas_call(
        _tc_layer2_body,
        grid=(N // bn,),
        in_specs=[pl.BlockSpec((2, bn, D1), lambda i: (0, i, 0)),
                  pl.BlockSpec((1, D1), lambda i: (0, 0)),
                  pl.BlockSpec((D1, C2), lambda i: (0, 0)),
                  pl.BlockSpec((C2, 1), lambda i: (0, 0)),
                  pl.BlockSpec((C2, 1), lambda i: (0, 0))],
        out_specs=[pl.BlockSpec((bn, D1), lambda i: (i, 0)),
                   pl.BlockSpec((bn, C2), lambda i: (i, 0)),
                   pl.BlockSpec((bn, 2), lambda i: (i, 0))],
        out_shape=[jax.ShapeDtypeStruct((N, D1), _f32),
                   jax.ShapeDtypeStruct((N, C2), _f32),
                   jax.ShapeDtypeStruct((N, 2), _f32)],
    )(outp, bias1, W2, as2, ad2)


def _tc_final_body(op_ref, b2_ref, z_ref):
    z_ref[...] = op_ref[0, :, :C2] + op_ref[1, :, :C2] + b2_ref[...]


def _tc_final(out2p, bias2):
    return pl.pallas_call(
        _tc_final_body,
        out_shape=jax.ShapeDtypeStruct((N, C2), _f32),
    )(out2p, bias2)



def _sc_edge_softmax1(e_src, e_dst, a1, zer16):

    @functools.partial(
        pl.kernel,
        compiler_params=_SC_PARAMS,
        out_type=(jax.ShapeDtypeStruct((E, L), _f32),
                  jax.ShapeDtypeStruct((NC, N, L), _f32)),
        mesh=_mesh(),
        scratch_types=[
            pltpu.VMEM((KJ, CH), jnp.int32), pltpu.VMEM((KJ, CH), jnp.int32),
            pltpu.VMEM((B, L), _f32), pltpu.VMEM((B, L), _f32),
            pltpu.VMEM((B, L), _f32),
            pltpu.VMEM_SHARED((N, L), _f32),
            pltpu.SemaphoreType.DMA,
        ])
    def k(eis, eid, a1h, zr, ex_out, den_out,
          src_i, dst_i, srows, drows, exb, den_sh, sem1):
        cid = lax.axis_index("c")
        sid = lax.axis_index("s")
        wid = cid * NS + sid
        rot8 = (lax.iota(jnp.int32, L) % 8) + 8

        @pl.when(sid == 0)
        def _zero():
            pltpu.sync_copy(zr, den_sh)
        plsc.subcore_barrier()

        @pl.loop(0, NCH)
        def _chunk(i):
            base = wid * EW + i * B
            rowb = wid * RW + i * KJ
            pltpu.sync_copy(eis.at[pl.ds(rowb, KJ)], src_i)
            pltpu.sync_copy(eid.at[pl.ds(rowb, KJ)], dst_i)
            descs = []
            for j in range(KJ):
                descs.append(pltpu.async_copy(
                    a1h.at[src_i.at[j]], srows.at[pl.ds(j * CH, CH)], sem1))
                descs.append(pltpu.async_copy(
                    a1h.at[dst_i.at[j]], drows.at[pl.ds(j * CH, CH)], sem1))
            for d in descs:
                d.wait()

            @pl.loop(0, B)
            def _edge(j):
                e = srows[j] + _lane_gather(drows[j], rot8)
                e = jnp.where(e >= 0.0, e, e * _f32(0.2))
                exb[j] = jnp.exp(e)

            pltpu.sync_copy(exb, ex_out.at[pl.ds(base, B)])
            for j in range(KJ):
                pltpu.sync_copy(exb.at[pl.ds(j * CH, CH)],
                                den_sh.at[dst_i.at[j]], add=True)

        plsc.subcore_barrier()

        @pl.when(sid == 0)
        def _flush():
            pltpu.sync_copy(den_sh, den_out.at[cid])

    return k(e_src, e_dst, a1, zer16)


def _sc_aggregate1(e_src, e_dst, xw, rdenom, ex, zer64):

    @functools.partial(
        pl.kernel,
        compiler_params=_SC_PARAMS,
        out_type=jax.ShapeDtypeStruct((NC, N, D1), _f32),
        mesh=_mesh(),
        scratch_types=[
            pltpu.VMEM((KJ, CH), jnp.int32), pltpu.VMEM((KJ, CH), jnp.int32),
            pltpu.VMEM((B, D1), _f32), pltpu.VMEM((B, L), _f32),
            pltpu.VMEM((B, L), _f32), pltpu.VMEM((B, D1), _f32),
            pltpu.VMEM_SHARED((N, D1), _f32),
            pltpu.SemaphoreType.DMA,
        ])
    def k(eis, eid, xwh, rdh, exh, zr, out_p,
          src_i, dst_i, xwrows, rdrows, exb, msgb, out_sh, sem1):
        cid = lax.axis_index("c")
        sid = lax.axis_index("s")
        wid = cid * NS + sid
        lane8 = lax.iota(jnp.int32, L) // 8

        @pl.when(sid == 0)
        def _zero():
            pltpu.sync_copy(zr, out_sh)
        plsc.subcore_barrier()

        @pl.loop(0, NCH)
        def _chunk(i):
            base = wid * EW + i * B
            rowb = wid * RW + i * KJ
            pltpu.sync_copy(eis.at[pl.ds(rowb, KJ)], src_i)
            pltpu.sync_copy(eid.at[pl.ds(rowb, KJ)], dst_i)
            descs = [pltpu.async_copy(exh.at[pl.ds(base, B)], exb, sem1)]
            for j in range(KJ):
                descs.append(pltpu.async_copy(
                    xwh.at[src_i.at[j]], xwrows.at[pl.ds(j * CH, CH)], sem1))
                descs.append(pltpu.async_copy(
                    rdh.at[dst_i.at[j]], rdrows.at[pl.ds(j * CH, CH)], sem1))
            for d in descs:
                d.wait()

            @pl.loop(0, B)
            def _edge(j):
                alpha = exb[j] * rdrows[j]
                for kk in range(4):
                    a_k = _lane_gather(alpha, 2 * kk + lane8)
                    sl = pl.ds(kk * L, L)
                    msgb[j, sl] = xwrows[j, sl] * a_k

            for j in range(KJ):
                pltpu.sync_copy(msgb.at[pl.ds(j * CH, CH)],
                                out_sh.at[dst_i.at[j]], add=True)

        plsc.subcore_barrier()

        @pl.when(sid == 0)
        def _flush():
            pltpu.sync_copy(out_sh, out_p.at[cid])

    return k(e_src, e_dst, xw, rdenom, ex, zer64)


def _sc_edge_softmax2(e_src, e_dst, a2, zer1):

    @functools.partial(
        pl.kernel,
        compiler_params=_SC_PARAMS,
        out_type=(jax.ShapeDtypeStruct((E,), _f32),
                  jax.ShapeDtypeStruct((NC, N), _f32)),
        mesh=_mesh(),
        scratch_types=[
            pltpu.VMEM((N, 2), _f32),
            pltpu.VMEM((KJ, CH), jnp.int32), pltpu.VMEM((KJ, CH), jnp.int32),
            pltpu.VMEM((B,), _f32),
            pltpu.VMEM_SHARED((N,), _f32),
        ])
    def k(eis, eid, a2h, zr, ex_out, den_out,
          a2_v, src_i, dst_i, exb, den_sh):
        cid = lax.axis_index("c")
        sid = lax.axis_index("s")
        wid = cid * NS + sid

        pltpu.sync_copy(a2h, a2_v)

        @pl.when(sid == 0)
        def _zero():
            pltpu.sync_copy(zr, den_sh)
        plsc.subcore_barrier()

        col0 = lax.iota(jnp.int32, L) * 0
        col1 = col0 + 1

        @pl.loop(0, NCH)
        def _chunk(i):
            base = wid * EW + i * B
            rowb = wid * RW + i * KJ
            pltpu.sync_copy(eis.at[pl.ds(rowb, KJ)], src_i)
            pltpu.sync_copy(eid.at[pl.ds(rowb, KJ)], dst_i)

            @pl.loop(0, KJ)
            def _row(r):
                @pl.loop(0, CH // L)
                def _grp(g):
                    sv = src_i[r, pl.ds(g * L, L)]
                    dv = dst_i[r, pl.ds(g * L, L)]
                    av = plsc.load_gather(a2_v, [sv, col0])
                    bv = plsc.load_gather(a2_v, [dv, col1])
                    e = av + bv
                    e = jnp.where(e >= 0.0, e, e * _f32(0.2))
                    exb[pl.ds(r * CH + g * L, L)] = jnp.exp(e)

            pltpu.sync_copy(exb, ex_out.at[pl.ds(base, B)])
            for j in range(KJ):
                pltpu.sync_copy(exb.at[pl.ds(j * CH, CH)],
                                den_sh.at[dst_i.at[j]], add=True)

        plsc.subcore_barrier()

        @pl.when(sid == 0)
        def _flush():
            pltpu.sync_copy(den_sh, den_out.at[cid])

    return k(e_src, e_dst, a2, zer1)


def _sc_aggregate2(e_src, e_dst, xw2, rd2, ex2, zer16):

    @functools.partial(
        pl.kernel,
        compiler_params=_SC_PARAMS,
        out_type=jax.ShapeDtypeStruct((NC, N, L), _f32),
        mesh=_mesh(),
        scratch_types=[
            pltpu.VMEM((N, C2), _f32), pltpu.VMEM((N,), _f32),
            pltpu.VMEM((KJ, CH), jnp.int32), pltpu.VMEM((KJ, CH), jnp.int32),
            pltpu.VMEM((B,), _f32), pltpu.VMEM((B, L), _f32),
            pltpu.VMEM_SHARED((N, L), _f32),
            pltpu.SemaphoreType.DMA,
        ])
    def k(eis, eid, xw2h, rd2h, ex2h, zr, out_p,
          xw2_v, rd2_v, src_i, dst_i, exb, msgb, out_sh, sem1):
        cid = lax.axis_index("c")
        sid = lax.axis_index("s")
        wid = cid * NS + sid
        lane_m4 = lax.iota(jnp.int32, L) % 4
        lane0 = lax.iota(jnp.int32, L) * 0

        pltpu.sync_copy(xw2h, xw2_v)
        pltpu.sync_copy(rd2h, rd2_v)

        @pl.when(sid == 0)
        def _zero():
            pltpu.sync_copy(zr, out_sh)
        plsc.subcore_barrier()

        @pl.loop(0, NCH)
        def _chunk(i):
            base = wid * EW + i * B
            rowb = wid * RW + i * KJ
            pltpu.sync_copy(eis.at[pl.ds(rowb, KJ)], src_i)
            pltpu.sync_copy(eid.at[pl.ds(rowb, KJ)], dst_i)
            pltpu.async_copy(ex2h.at[pl.ds(base, B)], exb, sem1).wait()

            @pl.loop(0, KJ)
            def _row(r):
                @pl.loop(0, CH // L)
                def _grp(g):
                    sv = src_i[r, pl.ds(g * L, L)]
                    dv = dst_i[r, pl.ds(g * L, L)]
                    rd = plsc.load_gather(rd2_v, [dv])
                    alpha = exb[pl.ds(r * CH + g * L, L)] * rd
                    for t in range(L):
                        srep = _lane_gather(sv, lane0 + t)
                        arep = _lane_gather(alpha, lane0 + t)
                        xwv = plsc.load_gather(xw2_v, [srep, lane_m4])
                        msgb[r * CH + g * L + t] = xwv * arep

            for j in range(KJ):
                pltpu.sync_copy(msgb.at[pl.ds(j * CH, CH)],
                                out_sh.at[dst_i.at[j]], add=True)

        plsc.subcore_barrier()

        @pl.when(sid == 0)
        def _flush():
            pltpu.sync_copy(out_sh, out_p.at[cid])

    return k(e_src, e_dst, xw2, rd2, ex2, zer16)



def kernel(x, edge_index, W1, att_src1, att_dst1, bias1,
           W2, att_src2, att_dst2, bias2):
    eye1 = jnp.eye(H1, dtype=_f32)
    As1 = (att_src1[:, :, None] * eye1[:, None, :]).reshape(D1, H1)
    Ad1 = (att_dst1[:, :, None] * eye1[:, None, :]).reshape(D1, H1)
    as2 = att_src2.reshape(C2, 1)
    ad2 = att_dst2.reshape(C2, 1)

    e_src = edge_index[0].reshape(E // CH, CH)
    e_dst = edge_index[1].reshape(E // CH, CH)

    xw1, a1 = _tc_proj(x, W1, As1, Ad1)

    zer16 = jnp.zeros((N, L), _f32)
    ex1, denp1 = _sc_edge_softmax1(e_src, e_dst, a1, zer16)
    rden1 = _tc_rdenom(denp1)

    zer64 = jnp.zeros((N, D1), _f32)
    outp1 = _sc_aggregate1(e_src, e_dst, xw1, rden1, ex1, zer64)

    h, xw2, a2 = _tc_layer2(outp1, bias1.reshape(1, D1), W2, as2, ad2)

    zer1 = jnp.zeros((N,), _f32)
    ex2, denp2 = _sc_edge_softmax2(e_src, e_dst, a2, zer1)
    rd2 = _tc_rdenom(denp2)

    outp2 = _sc_aggregate2(e_src, e_dst, xw2, rd2, ex2, zer16)

    z = _tc_final(outp2, bias2.reshape(1, C2))
    return (h, z)

# --- scband reference (transcript-rebuilt; emitter-appended) ---
"""Pipeline reference for scband-gat-63728724738761 (READ-ONLY COPY).

The authoritative reference and input builder live on the scoring server;
editing this copy changes nothing except your own understanding.
"""

import jax, jax.numpy as jnp
import numpy as np

N = 10000
E = 320000
NUM_FEATURES = 128
NUM_CLASSES = 4
H1, C1 = 8, 8
H2, C2 = 1, NUM_CLASSES


def setup_inputs(seed: int = 0) -> dict:
    key = jax.random.key(seed)
    ks = jax.random.split(key, 10)
    x = jax.random.normal(ks[0], (N, NUM_FEATURES), dtype=jnp.float32)
    edge_index = jax.random.randint(ks[1], (2, E), 0, N, dtype=jnp.int32)
    W1 = jax.random.normal(ks[2], (NUM_FEATURES, H1 * C1), dtype=jnp.float32) * 0.1
    att_src1 = jax.random.normal(ks[3], (H1, C1), dtype=jnp.float32) * 0.1
    att_dst1 = jax.random.normal(ks[4], (H1, C1), dtype=jnp.float32) * 0.1
    bias1 = jnp.zeros((H1 * C1,), dtype=jnp.float32)
    W2 = jax.random.normal(ks[5], (H1 * C1, H2 * C2), dtype=jnp.float32) * 0.1
    att_src2 = jax.random.normal(ks[6], (H2, C2), dtype=jnp.float32) * 0.1
    att_dst2 = jax.random.normal(ks[7], (H2, C2), dtype=jnp.float32) * 0.1
    bias2 = jnp.zeros((H2 * C2,), dtype=jnp.float32)
    return {"x": x, "edge_index": edge_index, "W1": W1, "att_src1": att_src1,
            "att_dst1": att_dst1, "bias1": bias1, "W2": W2, "att_src2": att_src2,
            "att_dst2": att_dst2, "bias2": bias2}


def gat_conv(x, edge_index, W, att_src, att_dst, bias):
    # PyG-style GATConv (eval mode, dropout inactive), concat heads.
    n = x.shape[0]
    heads, out_ch = att_src.shape
    xw = (x @ W).reshape(n, heads, out_ch)
    src = edge_index[0]
    dst = edge_index[1]
    a_src = jnp.sum(xw * att_src[None, :, :], axis=-1)  # [N, heads]
    a_dst = jnp.sum(xw * att_dst[None, :, :], axis=-1)  # [N, heads]
    e = a_src[src] + a_dst[dst]                          # [E, heads] gather
    e = jax.nn.leaky_relu(e, negative_slope=0.2)
    m = jax.ops.segment_max(e, dst, num_segments=n)
    m = jnp.where(jnp.isfinite(m), m, 0.0)
    ex = jnp.exp(e - m[dst])
    denom = jax.ops.segment_sum(ex, dst, num_segments=n)
    alpha = ex / (denom[dst] + 1e-16)                    # softmax over incoming edges
    msg = xw[src] * alpha[:, :, None]                    # [E, heads, out_ch]
    out = jax.ops.segment_sum(msg, dst, num_segments=n)  # scatter-add
    return out.reshape(n, heads * out_ch) + bias


def reference(x, edge_index, W1, att_src1, att_dst1, bias1, W2, att_src2, att_dst2, bias2):
    h = jax.nn.relu(gat_conv(x, edge_index, W1, att_src1, att_dst1, bias1))
    z = gat_conv(h, edge_index, W2, att_src2, att_dst2, bias2)
    return (h, z)

if __name__ == "__main__":
    import jax
    _d = setup_inputs()
    print(jax.jit(kernel)(*tuple(_d.values())))

</pallas_src>

<mosaic_0001>
#map = affine_map<(d0, d1) -> (0, 0)>
#map1 = affine_map<(d0, d1) -> (0, 0, 0)>
module attributes {stable_mosaic.version = 14 : i64} {
  func.func @k(%arg0: i32, %arg1: i32, %arg2: memref<4000x80xi32, #tpu.memory_space<hbm>>, %arg3: memref<4000x80xi32, #tpu.memory_space<hbm>>, %arg4: memref<10000x64xf32, #tpu.memory_space<hbm>>, %arg5: memref<10000x16xf32, #tpu.memory_space<hbm>>, %arg6: memref<320000x16xf32, #tpu.memory_space<hbm>>, %arg7: memref<10000x64xf32, #tpu.memory_space<hbm>>, %arg8: memref<2x10000x64xf32, #tpu.memory_space<hbm>>, %arg9: memref<5x80xi32, #tpu.memory_space<vmem>>, %arg10: memref<5x80xi32, #tpu.memory_space<vmem>>, %arg11: memref<400x64xf32, #tpu.memory_space<vmem>>, %arg12: memref<400x16xf32, #tpu.memory_space<vmem>>, %arg13: memref<400x16xf32, #tpu.memory_space<vmem>>, %arg14: memref<400x64xf32, #tpu.memory_space<vmem>>, %arg15: memref<10000x64xf32, #tpu.memory_space<vmem_shared>>, %arg16: memref<!tpu.dma_semaphore, #tpu.memory_space<semaphore_mem>>) attributes {dimension_semantics = [#tpu.dimension_semantics<core_parallel>, #tpu.dimension_semantics<subcore_parallel>], iteration_bounds = array<i64: 2, 16>, scalar_prefetch = 0 : i64, scratch_operands = 8 : i64, tpu.core_type = #tpu.core_type<sc_vector_subcore>, window_params = [{transform_indices = #map}, {transform_indices = #map}, {transform_indices = #map}, {transform_indices = #map}, {transform_indices = #map}, {transform_indices = #map}, {transform_indices = #map1}]} {
    %mul3A = arith.constant 16 : i32
    %mul3A_0 = arith.muli %arg0, %mul3A : i32
    %add3A = arith.addi %mul3A_0, %arg1 : i32
    %iota3A = tpu.iota {dimensions = array<i32: 0>} : vector<16xi32>
    %jit3A = arith.constant 8 : i32
    %div3A = vector.broadcast %jit3A : i32 to vector<16xi32>
    %div3A_1 = arith.divsi %iota3A, %div3A : vector<16xi32>
    %sign3A = arith.constant 0 : i32
    %sign3A_2 = vector.broadcast %sign3A : i32 to vector<16xi32>
    %sign3A_3 = arith.cmpi sgt, %iota3A, %sign3A_2 : vector<16xi32>
    %sign3A_4 = arith.extui %sign3A_3 : vector<16xi1> to vector<16xi32>
    %sign3A_5 = arith.constant 0 : i32
    %sign3A_6 = vector.broadcast %sign3A_5 : i32 to vector<16xi32>
    %sign3A_7 = arith.cmpi slt, %iota3A, %sign3A_6 : vector<16xi32>
    %sign3A_8 = arith.extui %sign3A_7 : vector<16xi1> to vector<16xi32>
    %sign3A_9 = arith.subi %sign3A_4, %sign3A_8 : vector<16xi32>
    %sign3A_10 = arith.constant 0 : i32
    %sign3A_11 = arith.cmpi sgt, %jit3A, %sign3A_10 : i32
    %sign3A_12 = arith.extui %sign3A_11 : i1 to i32
    %sign3A_13 = arith.constant 0 : i32
    %sign3A_14 = arith.cmpi slt, %jit3A, %sign3A_13 : i32
    %sign3A_15 = arith.extui %sign3A_14 : i1 to i32
    %sign3A_16 = arith.subi %sign3A_12, %sign3A_15 : i32
    %ne3A = vector.broadcast %sign3A_16 : i32 to vector<16xi32>
    %ne3A_17 = arith.cmpi ne, %sign3A_9, %ne3A : vector<16xi32>
    %rem3A = vector.broadcast %jit3A : i32 to vector<16xi32>
    %rem3A_18 = arith.remsi %iota3A, %rem3A : vector<16xi32>
    %ne3A_19 = arith.constant 0 : i32
    %ne3A_20 = vector.broadcast %ne3A_19 : i32 to vector<16xi32>
    %ne3A_21 = arith.cmpi ne, %rem3A_18, %ne3A_20 : vector<16xi32>
    %and3A = arith.andi %ne3A_17, %ne3A_21 : vector<16xi1>
    %sub3A = arith.constant 1 : i32
    %sub3A_22 = vector.broadcast %sub3A : i32 to vector<16xi32>
    %sub3A_23 = arith.subi %div3A_1, %sub3A_22 : vector<16xi32>
    %select_n3A = arith.select %and3A, %sub3A_23, %div3A_1 : vector<16xi1>, vector<16xi32>
    %eq3A = arith.constant 0 : i32
    %eq3A_24 = arith.cmpi eq, %arg1, %eq3A : i32
    %convert_element_type3A = arith.extui %eq3A_24 : i1 to i32
    %cond3A = arith.constant 0 : i32
    %cond3A_25 = arith.cmpi ne, %convert_element_type3A, %cond3A : i32
    scf.if %cond3A_25 {
      "tpu.region"() ({
        %run_scoped3A = tpu.sem_alloc : memref<!tpu.dma_semaphore, #tpu.memory_space<semaphore_mem>>
        tpu.enqueue_dma source(%arg7 : memref<10000x64xf32, #tpu.memory_space<hbm>>) target(%arg15 : memref<10000x64xf32, #tpu.memory_space<vmem_shared>>) target_semaphore(%run_scoped3A : memref<!tpu.dma_semaphore, #tpu.memory_space<semaphore_mem>>)
        tpu.wait_dma2 semaphore(%run_scoped3A : memref<!tpu.dma_semaphore, #tpu.memory_space<semaphore_mem>>) src(%arg7 : memref<10000x64xf32, #tpu.memory_space<hbm>>) dst(%arg15 : memref<10000x64xf32, #tpu.memory_space<vmem_shared>>)
        tpu.yield
      }) : () -> ()
    } else {
    }
    %barrier3A = arith.constant 0 : index
    tpu.barrier barrier_id(%barrier3A)
    %scan3A = arith.constant 0 : i32
    %scan3A_26 = arith.constant 25 : i32
    %scan3A_27 = arith.addi %scan3A, %scan3A_26 : i32
    %scan3A_28 = arith.constant 1 : i32
    scf.for %scan3A_36 = %scan3A to %scan3A_27 step %scan3A_28  : i32 {
      %mul3A_37 = arith.constant 1 : i32
      %mul3A_38 = arith.muli %scan3A_36, %mul3A_37 : i32
      %add3A_39 = arith.constant 0 : i32
      %add3A_40 = arith.addi %add3A_39, %mul3A_38 : i32
      %mul3A_41 = arith.constant 10000 : i32
      %mul3A_42 = arith.muli %add3A, %mul3A_41 : i32
      %mul3A_43 = arith.constant 400 : i32
      %mul3A_44 = arith.muli %add3A_40, %mul3A_43 : i32
      %add3A_45 = arith.addi %mul3A_42, %mul3A_44 : i32
      %mul3A_46 = arith.constant 125 : i32
      %mul3A_47 = arith.muli %add3A, %mul3A_46 : i32
      %mul3A_48 = arith.constant 5 : i32
      %mul3A_49 = arith.muli %add3A_40, %mul3A_48 : i32
      %add3A_50 = arith.addi %mul3A_47, %mul3A_49 : i32
      "tpu.region"() ({
        %run_scoped3A_266 = tpu.sem_alloc : memref<!tpu.dma_semaphore, #tpu.memory_space<semaphore_mem>>
        %dma_start3A_267 = arith.constant 0 : i32
        %dma_start3A_268 = tpu.memref_slice %arg2[%add3A_50, %dma_start3A_267] : memref<4000x80xi32, #tpu.memory_space<hbm>> -> memref<5x80xi32, #tpu.memory_space<hbm>>
        %dma_start3A_269 = arith.constant 0 : i32
        %dma_start3A_270 = tpu.memref_slice %arg2[%add3A_50, %dma_start3A_269] : memref<4000x80xi32, #tpu.memory_space<hbm>> -> memref<5x80xi32, #tpu.memory_space<hbm>>
        tpu.enqueue_dma source(%dma_start3A_270 : memref<5x80xi32, #tpu.memory_space<hbm>>) target(%arg9 : memref<5x80xi32, #tpu.memory_space<vmem>>) target_semaphore(%run_scoped3A_266 : memref<!tpu.dma_semaphore, #tpu.memory_space<semaphore_mem>>)
        %dma_wait3A_271 = arith.constant 0 : i32
        %dma_wait3A_272 = tpu.memref_slice %arg2[%add3A_50, %dma_wait3A_271] : memref<4000x80xi32, #tpu.memory_space<hbm>> -> memref<5x80xi32, #tpu.memory_space<hbm>>
        %dma_wait3A_273 = arith.constant 0 : i32
        %dma_wait3A_274 = tpu.memref_slice %arg2[%add3A_50, %dma_wait3A_273] : memref<4000x80xi32, #tpu.memory_space<hbm>> -> memref<5x80xi32, #tpu.memory_space<hbm>>
        tpu.wait_dma2 semaphore(%run_scoped3A_266 : memref<!tpu.dma_semaphore, #tpu.memory_space<semaphore_mem>>) src(%dma_wait3A_274 : memref<5x80xi32, #tpu.memory_space<hbm>>) dst(%arg9 : memref<5x80xi32, #tpu.memory_space<vmem>>)
        tpu.yield
      }) : () -> ()
      "tpu.region"() ({
        %run_scoped3A_266 = tpu.sem_alloc : memref<!tpu.dma_semaphore, #tpu.memory_space<semaphore_mem>>
        %dma_start3A_267 = arith.constant 0 : i32
        %dma_start3A_268 = tpu.memref_slice %arg3[%add3A_50, %dma_start3A_267] : memref<4000x80xi32, #tpu.memory_space<hbm>> -> memref<5x80xi32, #tpu.memory_space<hbm>>
        %dma_start3A_269 = arith.constant 0 : i32
        %dma_start3A_270 = tpu.memref_slice %arg3[%add3A_50, %dma_start3A_269] : memref<4000x80xi32, #tpu.memory_space<hbm>> -> memref<5x80xi32, #tpu.memory_space<hbm>>
        tpu.enqueue_dma source(%dma_start3A_270 : memref<5x80xi32, #tpu.memory_space<hbm>>) target(%arg10 : memref<5x80xi32, #tpu.memory_space<vmem>>) target_semaphore(%run_scoped3A_266 : memref<!tpu.dma_semaphore, #tpu.memory_space<semaphore_mem>>)
        %dma_wait3A_271 = arith.constant 0 : i32
        %dma_wait3A_272 = tpu.memref_slice %arg3[%add3A_50, %dma_wait3A_271] : memref<4000x80xi32, #tpu.memory_space<hbm>> -> memref<5x80xi32, #tpu.memory_space<hbm>>
        %dma_wait3A_273 = arith.constant 0 : i32
        %dma_wait3A_274 = tpu.memref_slice %arg3[%add3A_50, %dma_wait3A_273] : memref<4000x80xi32, #tpu.memory_space<hbm>> -> memref<5x80xi32, #tpu.memory_space<hbm>>
        tpu.wait_dma2 semaphore(%run_scoped3A_266 : memref<!tpu.dma_semaphore, #tpu.memory_space<semaphore_mem>>) src(%dma_wait3A_274 : memref<5x80xi32, #tpu.memory_space<hbm>>) dst(%arg10 : memref<5x80xi32, #tpu.memory_space<vmem>>)
        tpu.yield
      }) : () -> ()
      %dma_start3A = arith.constant 0 : i32
      %dma_start3A_51 = tpu.memref_slice %arg6[%add3A_45, %dma_start3A] : memref<320000x16xf32, #tpu.memory_space<hbm>> -> memref<400x16xf32, #tpu.memory_space<hbm>>
      %dma_start3A_52 = arith.constant 0 : i32
      %dma_start3A_53 = tpu.memref_slice %arg6[%add3A_45, %dma_start3A_52] : memref<320000x16xf32, #tpu.memory_space<hbm>> -> memref<400x16xf32, #tpu.memory_space<hbm>>
      tpu.enqueue_dma source(%dma_start3A_53 : memref<400x16xf32, #tpu.memory_space<hbm>>) target(%arg13 : memref<400x16xf32, #tpu.memory_space<vmem>>) target_semaphore(%arg16 : memref<!tpu.dma_semaphore, #tpu.memory_space<semaphore_mem>>)
      %dma_start3A_54 = arith.constant 0 : i32
      %dma_start3A_55 = arith.constant 0 : i32
      %dma_start3A_56 = arith.constant 0 : i32
      %dma_start3A_57 = tpu.memref_slice %arg11[%dma_start3A_55, %dma_start3A_56] : memref<400x64xf32, #tpu.memory_space<vmem>> -> memref<80x64xf32, #tpu.memory_space<vmem>>
      %dma_start3A_58 = arith.constant 0 : i32
      %dma_start3A_59 = tpu.memref_slice %arg9[%dma_start3A_54, %dma_start3A_58] : memref<5x80xi32, #tpu.memory_space<vmem>> -> memref<1x80xi32, #tpu.memory_space<vmem>>
      %dma_start3A_60 = tpu.memref_squeeze %dma_start3A_59 : memref<1x80xi32, #tpu.memory_space<vmem>> -> memref<80xi32, #tpu.memory_space<vmem>>
      %dma_start3A_61 = arith.constant 0 : i32
      %dma_start3A_62 = arith.constant 0 : i32
      %dma_start3A_63 = tpu.memref_slice %arg4[%dma_start3A_61, %dma_start3A_62] : memref<10000x64xf32, #tpu.memory_space<hbm>> -> memref<10000x64xf32, #tpu.memory_space<hbm>>
      tpu.enqueue_indirect_dma source(%dma_start3A_63 : memref<10000x64xf32, #tpu.memory_space<hbm>>) target(%dma_start3A_57 : memref<80x64xf32, #tpu.memory_space<vmem>>) offsets(%dma_start3A_60 : memref<80xi32, #tpu.memory_space<vmem>>) semaphore(%arg16 : memref<!tpu.dma_semaphore, #tpu.memory_space<semaphore_mem>>)
      %dma_start3A_64 = arith.constant 0 : i32
      %dma_start3A_65 = arith.constant 0 : i32
      %dma_start3A_66 = arith.constant 0 : i32
      %dma_start3A_67 = tpu.memref_slice %arg12[%dma_start3A_65, %dma_start3A_66] : memref<400x16xf32, #tpu.memory_space<vmem>> -> memref<80x16xf32, #tpu.memory_space<vmem>>
      %dma_start3A_68 = arith.constant 0 : i32
      %dma_start3A_69 = tpu.memref_slice %arg10[%dma_start3A_64, %dma_start3A_68] : memref<5x80xi32, #tpu.memory_space<vmem>> -> memref<1x80xi32, #tpu.memory_space<vmem>>
      %dma_start3A_70 = tpu.memref_squeeze %dma_start3A_69 : memref<1x80xi32, #tpu.memory_space<vmem>> -> memref<80xi32, #tpu.memory_space<vmem>>
      %dma_start3A_71 = arith.constant 0 : i32
      %dma_start3A_72 = arith.constant 0 : i32
      %dma_start3A_73 = tpu.memref_slice %arg5[%dma_start3A_71, %dma_start3A_72] : memref<10000x16xf32, #tpu.memory_space<hbm>> -> memref<10000x16xf32, #tpu.memory_space<hbm>>
      tpu.enqueue_indirect_dma source(%dma_start3A_73 : memref<10000x16xf32, #tpu.memory_space<hbm>>) target(%dma_start3A_67 : memref<80x16xf32, #tpu.memory_space<vmem>>) offsets(%dma_start3A_70 : memref<80xi32, #tpu.memory_space<vmem>>) semaphore(%arg16 : memref<!tpu.dma_semaphore, #tpu.memory_space<semaphore_mem>>)
      %dma_start3A_74 = arith.constant 1 : i32
      %dma_start3A_75 = arith.constant 80 : i32
      %dma_start3A_76 = arith.constant 0 : i32
      %dma_start3A_77 = tpu.memref_slice %arg11[%dma_start3A_75, %dma_start3A_76] : memref<400x64xf32, #tpu.memory_space<vmem>> -> memref<80x64xf32, #tpu.memory_space<vmem>>
      %dma_start3A_78 = arith.constant 0 : i32
      %dma_start3A_79 = tpu.memref_slice %arg9[%dma_start3A_74, %dma_start3A_78] : memref<5x80xi32, #tpu.memory_space<vmem>> -> memref<1x80xi32, #tpu.memory_space<vmem>>
      %dma_start3A_80 = tpu.memref_squeeze %dma_start3A_79 : memref<1x80xi32, #tpu.memory_space<vmem>> -> memref<80xi32, #tpu.memory_space<vmem>>
      %dma_start3A_81 = arith.constant 0 : i32
      %dma_start3A_82 = arith.constant 0 : i32
      %dma_start3A_83 = tpu.memref_slice %arg4[%dma_start3A_81, %dma_start3A_82] : memref<10000x64xf32, #tpu.memory_space<hbm>> -> memref<10000x64xf32, #tpu.memory_space<hbm>>
      tpu.enqueue_indirect_dma source(%dma_start3A_83 : memref<10000x64xf32, #tpu.memory_space<hbm>>) target(%dma_start3A_77 : memref<80x64xf32, #tpu.memory_space<vmem>>) offsets(%dma_start3A_80 : memref<80xi32, #tpu.memory_space<vmem>>) semaphore(%arg16 : memref<!tpu.dma_semaphore, #tpu.memory_space<semaphore_mem>>)
      %dma_start3A_84 = arith.constant 1 : i32
      %dma_start3A_85 = arith.constant 80 : i32
      %dma_start3A_86 = arith.constant 0 : i32
      %dma_start3A_87 = tpu.memref_slice %arg12[%dma_start3A_85, %dma_start3A_86] : memref<400x16xf32, #tpu.memory_space<vmem>> -> memref<80x16xf32, #tpu.memory_space<vmem>>
      %dma_start3A_88 = arith.constant 0 : i32
      %dma_start3A_89 = tpu.memref_slice %arg10[%dma_start3A_84, %dma_start3A_88] : memref<5x80xi32, #tpu.memory_space<vmem>> -> memref<1x80xi32, #tpu.memory_space<vmem>>
      %dma_start3A_90 = tpu.memref_squeeze %dma_start3A_89 : memref<1x80xi32, #tpu.memory_space<vmem>> -> memref<80xi32, #tpu.memory_space<vmem>>
      %dma_start3A_91 = arith.constant 0 : i32
      %dma_start3A_92 = arith.constant 0 : i32
      %dma_start3A_93 = tpu.memref_slice %arg5[%dma_start3A_91, %dma_start3A_92] : memref<10000x16xf32, #tpu.memory_space<hbm>> -> memref<10000x16xf32, #tpu.memory_space<hbm>>
      tpu.enqueue_indirect_dma source(%dma_start3A_93 : memref<10000x16xf32, #tpu.memory_space<hbm>>) target(%dma_start3A_87 : memref<80x16xf32, #tpu.memory_space<vmem>>) offsets(%dma_start3A_90 : memref<80xi32, #tpu.memory_space<vmem>>) semaphore(%arg16 : memref<!tpu.dma_semaphore, #tpu.memory_space<semaphore_mem>>)
      %dma_start3A_94 = arith.constant 2 : i32
      %dma_start3A_95 = arith.constant 160 : i32
      %dma_start3A_96 = arith.constant 0 : i32
      %dma_start3A_97 = tpu.memref_slice %arg11[%dma_start3A_95, %dma_start3A_96] : memref<400x64xf32, #tpu.memory_space<vmem>> -> memref<80x64xf32, #tpu.memory_space<vmem>>
      %dma_start3A_98 = arith.constant 0 : i32
      %dma_start3A_99 = tpu.memref_slice %arg9[%dma_start3A_94, %dma_start3A_98] : memref<5x80xi32, #tpu.memory_space<vmem>> -> memref<1x80xi32, #tpu.memory_space<vmem>>
      %dma_start3A_100 = tpu.memref_squeeze %dma_start3A_99 : memref<1x80xi32, #tpu.memory_space<vmem>> -> memref<80xi32, #tpu.memory_space<vmem>>
      %dma_start3A_101 = arith.constant 0 : i32
      %dma_start3A_102 = arith.constant 0 : i32
      %dma_start3A_103 = tpu.memref_slice %arg4[%dma_start3A_101, %dma_start3A_102] : memref<10000x64xf32, #tpu.memory_space<hbm>> -> memref<10000x64xf32, #tpu.memory_space<hbm>>
      tpu.enqueue_indirect_dma source(%dma_start3A_103 : memref<10000x64xf32, #tpu.memory_space<hbm>>) target(%dma_start3A_97 : memref<80x64xf32, #tpu.memory_space<vmem>>) offsets(%dma_start3A_100 : memref<80xi32, #tpu.memory_space<vmem>>) semaphore(%arg16 : memref<!tpu.dma_semaphore, #tpu.memory_space<semaphore_mem>>)
      %dma_start3A_104 = arith.constant 2 : i32
      %dma_start3A_105 = arith.constant 160 : i32
      %dma_start3A_106 = arith.constant 0 : i32
      %dma_start3A_107 = tpu.memref_slice %arg12[%dma_start3A_105, %dma_start3A_106] : memref<400x16xf32, #tpu.memory_space<vmem>> -> memref<80x16xf32, #tpu.memory_space<vmem>>
      %dma_start3A_108 = arith.constant 0 : i32
      %dma_start3A_109 = tpu.memref_slice %arg10[%dma_start3A_104, %dma_start3A_108] : memref<5x80xi32, #tpu.memory_space<vmem>> -> memref<1x80xi32, #tpu.memory_space<vmem>>
      %dma_start3A_110 = tpu.memref_squeeze %dma_start3A_109 : memref<1x80xi32, #tpu.memory_space<vmem>> -> memref<80xi32, #tpu.memory_space<vmem>>
      %dma_start3A_111 = arith.constant 0 : i32
      %dma_start3A_112 = arith.constant 0 : i32
      %dma_start3A_113 = tpu.memref_slice %arg5[%dma_start3A_111, %dma_start3A_112] : memref<10000x16xf32, #tpu.memory_space<hbm>> -> memref<10000x16xf32, #tpu.memory_space<hbm>>
      tpu.enqueue_indirect_dma source(%dma_start3A_113 : memref<10000x16xf32, #tpu.memory_space<hbm>>) target(%dma_start3A_107 : memref<80x16xf32, #tpu.memory_space<vmem>>) offsets(%dma_start3A_110 : memref<80xi32, #tpu.memory_space<vmem>>) semaphore(%arg16 : memref<!tpu.dma_semaphore, #tpu.memory_space<semaphore_mem>>)
      %dma_start3A_114 = arith.constant 3 : i32
      %dma_start3A_115 = arith.constant 240 : i32
      %dma_start3A_116 = arith.constant 0 : i32
      %dma_start3A_117 = tpu.memref_slice %arg11[%dma_start3A_115, %dma_start3A_116] : memref<400x64xf32, #tpu.memory_space<vmem>> -> memref<80x64xf32, #tpu.memory_space<vmem>>
      %dma_start3A_118 = arith.constant 0 : i32
      %dma_start3A_119 = tpu.memref_slice %arg9[%dma_start3A_114, %dma_start3A_118] : memref<5x80xi32, #tpu.memory_space<vmem>> -> memref<1x80xi32, #tpu.memory_space<vmem>>
      %dma_start3A_120 = tpu.memref_squeeze %dma_start3A_119 : memref<1x80xi32, #tpu.memory_space<vmem>> -> memref<80xi32, #tpu.memory_space<vmem>>
      %dma_start3A_121 = arith.constant 0 : i32
      %dma_start3A_122 = arith.constant 0 : i32
      %dma_start3A_123 = tpu.memref_slice %arg4[%dma_start3A_121, %dma_start3A_122] : memref<10000x64xf32, #tpu.memory_space<hbm>> -> memref<10000x64xf32, #tpu.memory_space<hbm>>
      tpu.enqueue_indirect_dma source(%dma_start3A_123 : memref<10000x64xf32, #tpu.memory_space<hbm>>) target(%dma_start3A_117 : memref<80x64xf32, #tpu.memory_space<vmem>>) offsets(%dma_start3A_120 : memref<80xi32, #tpu.memory_space<vmem>>) semaphore(%arg16 : memref<!tpu.dma_semaphore, #tpu.memory_space<semaphore_mem>>)
      %dma_start3A_124 = arith.constant 3 : i32
      %dma_start3A_125 = arith.constant 240 : i32
      %dma_start3A_126 = arith.constant 0 : i32
      %dma_start3A_127 = tpu.memref_slice %arg12[%dma_start3A_125, %dma_start3A_126] : memref<400x16xf32, #tpu.memory_space<vmem>> -> memref<80x16xf32, #tpu.memory_space<vmem>>
      %dma_start3A_128 = arith.constant 0 : i32
      %dma_start3A_129 = tpu.memref_slice %arg10[%dma_start3A_124, %dma_start3A_128] : memref<5x80xi32, #tpu.memory_space<vmem>> -> memref<1x80xi32, #tpu.memory_space<vmem>>
      %dma_start3A_130 = tpu.memref_squeeze %dma_start3A_129 : memref<1x80xi32, #tpu.memory_space<vmem>> -> memref<80xi32, #tpu.memory_space<vmem>>
      %dma_start3A_131 = arith.constant 0 : i32
      %dma_start3A_132 = arith.constant 0 : i32
      %dma_start3A_133 = tpu.memref_slice %arg5[%dma_start3A_131, %dma_start3A_132] : memref<10000x16xf32, #tpu.memory_space<hbm>> -> memref<10000x16xf32, #tpu.memory_space<hbm>>
      tpu.enqueue_indirect_dma source(%dma_start3A_133 : memref<10000x16xf32, #tpu.memory_space<hbm>>) target(%dma_start3A_127 : memref<80x16xf32, #tpu.memory_space<vmem>>) offsets(%dma_start3A_130 : memref<80xi32, #tpu.memory_space<vmem>>) semaphore(%arg16 : memref<!tpu.dma_semaphore, #tpu.memory_space<semaphore_mem>>)
      %dma_start3A_134 = arith.constant 4 : i32
      %dma_start3A_135 = arith.constant 320 : i32
      %dma_start3A_136 = arith.constant 0 : i32
      %dma_start3A_137 = tpu.memref_slice %arg11[%dma_start3A_135, %dma_start3A_136] : memref<400x64xf32, #tpu.memory_space<vmem>> -> memref<80x64xf32, #tpu.memory_space<vmem>>
      %dma_start3A_138 = arith.constant 0 : i32
      %dma_start3A_139 = tpu.memref_slice %arg9[%dma_start3A_134, %dma_start3A_138] : memref<5x80xi32, #tpu.memory_space<vmem>> -> memref<1x80xi32, #tpu.memory_space<vmem>>
      %dma_start3A_140 = tpu.memref_squeeze %dma_start3A_139 : memref<1x80xi32, #tpu.memory_space<vmem>> -> memref<80xi32, #tpu.memory_space<vmem>>
      %dma_start3A_141 = arith.constant 0 : i32
      %dma_start3A_142 = arith.constant 0 : i32
      %dma_start3A_143 = tpu.memref_slice %arg4[%dma_start3A_141, %dma_start3A_142] : memref<10000x64xf32, #tpu.memory_space<hbm>> -> memref<10000x64xf32, #tpu.memory_space<hbm>>
      tpu.enqueue_indirect_dma source(%dma_start3A_143 : memref<10000x64xf32, #tpu.memory_space<hbm>>) target(%dma_start3A_137 : memref<80x64xf32, #tpu.memory_space<vmem>>) offsets(%dma_start3A_140 : memref<80xi32, #tpu.memory_space<vmem>>) semaphore(%arg16 : memref<!tpu.dma_semaphore, #tpu.memory_space<semaphore_mem>>)
      %dma_start3A_144 = arith.constant 4 : i32
      %dma_start3A_145 = arith.constant 320 : i32
      %dma_start3A_146 = arith.constant 0 : i32
      %dma_start3A_147 = tpu.memref_slice %arg12[%dma_start3A_145, %dma_start3A_146] : memref<400x16xf32, #tpu.memory_space<vmem>> -> memref<80x16xf32, #tpu.memory_space<vmem>>
      %dma_start3A_148 = arith.constant 0 : i32
      %dma_start3A_149 = tpu.memref_slice %arg10[%dma_start3A_144, %dma_start3A_148] : memref<5x80xi32, #tpu.memory_space<vmem>> -> memref<1x80xi32, #tpu.memory_space<vmem>>
      %dma_start3A_150 = tpu.memref_squeeze %dma_start3A_149 : memref<1x80xi32, #tpu.memory_space<vmem>> -> memref<80xi32, #tpu.memory_space<vmem>>
      %dma_start3A_151 = arith.constant 0 : i32
      %dma_start3A_152 = arith.constant 0 : i32
      %dma_start3A_153 = tpu.memref_slice %arg5[%dma_start3A_151, %dma_start3A_152] : memref<10000x16xf32, #tpu.memory_space<hbm>> -> memref<10000x16xf32, #tpu.memory_space<hbm>>
      tpu.enqueue_indirect_dma source(%dma_start3A_153 : memref<10000x16xf32, #tpu.memory_space<hbm>>) target(%dma_start3A_147 : memref<80x16xf32, #tpu.memory_space<vmem>>) offsets(%dma_start3A_150 : memref<80xi32, #tpu.memory_space<vmem>>) semaphore(%arg16 : memref<!tpu.dma_semaphore, #tpu.memory_space<semaphore_mem>>)
      %dma_wait3A = arith.constant 0 : i32
      %dma_wait3A_154 = tpu.memref_slice %arg6[%add3A_45, %dma_wait3A] : memref<320000x16xf32, #tpu.memory_space<hbm>> -> memref<400x16xf32, #tpu.memory_space<hbm>>
      %dma_wait3A_155 = arith.constant 0 : i32
      %dma_wait3A_156 = tpu.memref_slice %arg6[%add3A_45, %dma_wait3A_155] : memref<320000x16xf32, #tpu.memory_space<hbm>> -> memref<400x16xf32, #tpu.memory_space<hbm>>
      tpu.wait_dma2 semaphore(%arg16 : memref<!tpu.dma_semaphore, #tpu.memory_space<semaphore_mem>>) src(%dma_wait3A_156 : memref<400x16xf32, #tpu.memory_space<hbm>>) dst(%arg13 : memref<400x16xf32, #tpu.memory_space<vmem>>)
      %dma_wait3A_157 = arith.constant 0 : i32
      %dma_wait3A_158 = arith.constant 0 : i32
      %dma_wait3A_159 = arith.constant 0 : i32
      %dma_wait3A_160 = tpu.memref_slice %arg11[%dma_wait3A_158, %dma_wait3A_159] : memref<400x64xf32, #tpu.memory_space<vmem>> -> memref<80x64xf32, #tpu.memory_space<vmem>>
      %dma_wait3A_161 = arith.constant 0 : i32
      %dma_wait3A_162 = tpu.memref_slice %arg9[%dma_wait3A_157, %dma_wait3A_161] : memref<5x80xi32, #tpu.memory_space<vmem>> -> memref<1x80xi32, #tpu.memory_space<vmem>>
      %dma_wait3A_163 = tpu.memref_squeeze %dma_wait3A_162 : memref<1x80xi32, #tpu.memory_space<vmem>> -> memref<80xi32, #tpu.memory_space<vmem>>
      %dma_wait3A_164 = arith.constant 0 : i32
      %dma_wait3A_165 = arith.constant 0 : i32
      %dma_wait3A_166 = tpu.memref_slice %arg4[%dma_wait3A_164, %dma_wait3A_165] : memref<10000x64xf32, #tpu.memory_space<hbm>> -> memref<10000x64xf32, #tpu.memory_space<hbm>>
      tpu.wait_indirect_dma semaphore(%arg16 : memref<!tpu.dma_semaphore, #tpu.memory_space<semaphore_mem>>) src(%dma_wait3A_166 : memref<10000x64xf32, #tpu.memory_space<hbm>>) dst(%dma_wait3A_160 : memref<80x64xf32, #tpu.memory_space<vmem>>)
      %dma_wait3A_167 = arith.constant 0 : i32
      %dma_wait3A_168 = arith.constant 0 : i32
      %dma_wait3A_169 = arith.constant 0 : i32
      %dma_wait3A_170 = tpu.memref_slice %arg12[%dma_wait3A_168, %dma_wait3A_169] : memref<400x16xf32, #tpu.memory_space<vmem>> -> memref<80x16xf32, #tpu.memory_space<vmem>>
      %dma_wait3A_171 = arith.constant 0 : i32
      %dma_wait3A_172 = tpu.memref_slice %arg10[%dma_wait3A_167, %dma_wait3A_171] : memref<5x80xi32, #tpu.memory_space<vmem>> -> memref<1x80xi32, #tpu.memory_space<vmem>>
      %dma_wait3A_173 = tpu.memref_squeeze %dma_wait3A_172 : memref<1x80xi32, #tpu.memory_space<vmem>> -> memref<80xi32, #tpu.memory_space<vmem>>
      %dma_wait3A_174 = arith.constant 0 : i32
      %dma_wait3A_175 = arith.constant 0 : i32
      %dma_wait3A_176 = tpu.memref_slice %arg5[%dma_wait3A_174, %dma_wait3A_175] : memref<10000x16xf32, #tpu.memory_space<hbm>> -> memref<10000x16xf32, #tpu.memory_space<hbm>>
      tpu.wait_indirect_dma semaphore(%arg16 : memref<!tpu.dma_semaphore, #tpu.memory_space<semaphore_mem>>) src(%dma_wait3A_176 : memref<10000x16xf32, #tpu.memory_space<hbm>>) dst(%dma_wait3A_170 : memref<80x16xf32, #tpu.memory_space<vmem>>)
      %dma_wait3A_177 = arith.constant 1 : i32
      %dma_wait3A_178 = arith.constant 80 : i32
      %dma_wait3A_179 = arith.constant 0 : i32
      %dma_wait3A_180 = tpu.memref_slice %arg11[%dma_wait3A_178, %dma_wait3A_179] : memref<400x64xf32, #tpu.memory_space<vmem>> -> memref<80x64xf32, #tpu.memory_space<vmem>>
      %dma_wait3A_181 = arith.constant 0 : i32
      %dma_wait3A_182 = tpu.memref_slice %arg9[%dma_wait3A_177, %dma_wait3A_181] : memref<5x80xi32, #tpu.memory_space<vmem>> -> memref<1x80xi32, #tpu.memory_space<vmem>>
      %dma_wait3A_183 = tpu.memref_squeeze %dma_wait3A_182 : memref<1x80xi32, #tpu.memory_space<vmem>> -> memref<80xi32, #tpu.memory_space<vmem>>
      %dma_wait3A_184 = arith.constant 0 : i32
      %dma_wait3A_185 = arith.constant 0 : i32
      %dma_wait3A_186 = tpu.memref_slice %arg4[%dma_wait3A_184, %dma_wait3A_185] : memref<10000x64xf32, #tpu.memory_space<hbm>> -> memref<10000x64xf32, #tpu.memory_space<hbm>>
      tpu.wait_indirect_dma semaphore(%arg16 : memref<!tpu.dma_semaphore, #tpu.memory_space<semaphore_mem>>) src(%dma_wait3A_186 : memref<10000x64xf32, #tpu.memory_space<hbm>>) dst(%dma_wait3A_180 : memref<80x64xf32, #tpu.memory_space<vmem>>)
      %dma_wait3A_187 = arith.constant 1 : i32
      %dma_wait3A_188 = arith.constant 80 : i32
      %dma_wait3A_189 = arith.constant 0 : i32
      %dma_wait3A_190 = tpu.memref_slice %arg12[%dma_wait3A_188, %dma_wait3A_189] : memref<400x16xf32, #tpu.memory_space<vmem>> -> memref<80x16xf32, #tpu.memory_space<vmem>>
      %dma_wait3A_191 = arith.constant 0 : i32
      %dma_wait3A_192 = tpu.memref_slice %arg10[%dma_wait3A_187, %dma_wait3A_191] : memref<5x80xi32, #tpu.memory_space<vmem>> -> memref<1x80xi32, #tpu.memory_space<vmem>>
      %dma_wait3A_193 = tpu.memref_squeeze %dma_wait3A_192 : memref<1x80xi32, #tpu.memory_space<vmem>> -> memref<80xi32, #tpu.memory_space<vmem>>
      %dma_wait3A_194 = arith.constant 0 : i32
      %dma_wait3A_195 = arith.constant 0 : i32
      %dma_wait3A_196 = tpu.memref_slice %arg5[%dma_wait3A_194, %dma_wait3A_195] : memref<10000x16xf32, #tpu.memory_space<hbm>> -> memref<10000x16xf32, #tpu.memory_space<hbm>>
      tpu.wait_indirect_dma semaphore(%arg16 : memref<!tpu.dma_semaphore, #tpu.memory_space<semaphore_mem>>) src(%dma_wait3A_196 : memref<10000x16xf32, #tpu.memory_space<hbm>>) dst(%dma_wait3A_190 : memref<80x16xf32, #tpu.memory_space<vmem>>)
      %dma_wait3A_197 = arith.constant 2 : i32
      %dma_wait3A_198 = arith.constant 160 : i32
      %dma_wait3A_199 = arith.constant 0 : i32
      %dma_wait3A_200 = tpu.memref_slice %arg11[%dma_wait3A_198, %dma_wait3A_199] : memref<400x64xf32, #tpu.memory_space<vmem>> -> memref<80x64xf32, #tpu.memory_space<vmem>>
      %dma_wait3A_201 = arith.constant 0 : i32
      %dma_wait3A_202 = tpu.memref_slice %arg9[%dma_wait3A_197, %dma_wait3A_201] : memref<5x80xi32, #tpu.memory_space<vmem>> -> memref<1x80xi32, #tpu.memory_space<vmem>>
      %dma_wait3A_203 = tpu.memref_squeeze %dma_wait3A_202 : memref<1x80xi32, #tpu.memory_space<vmem>> -> memref<80xi32, #tpu.memory_space<vmem>>
      %dma_wait3A_204 = arith.constant 0 : i32
      %dma_wait3A_205 = arith.constant 0 : i32
      %dma_wait3A_206 = tpu.memref_slice %arg4[%dma_wait3A_204, %dma_wait3A_205] : memref<10000x64xf32, #tpu.memory_space<hbm>> -> memref<10000x64xf32, #tpu.memory_space<hbm>>
      tpu.wait_indirect_dma semaphore(%arg16 : memref<!tpu.dma_semaphore, #tpu.memory_space<semaphore_mem>>) src(%dma_wait3A_206 : memref<10000x64xf32, #tpu.memory_space<hbm>>) dst(%dma_wait3A_200 : memref<80x64xf32, #tpu.memory_space<vmem>>)
      %dma_wait3A_207 = arith.constant 2 : i32
      %dma_wait3A_208 = arith.constant 160 : i32
      %dma_wait3A_209 = arith.constant 0 : i32
      %dma_wait3A_210 = tpu.memref_slice %arg12[%dma_wait3A_208, %dma_wait3A_209] : memref<400x16xf32, #tpu.memory_space<vmem>> -> memref<80x16xf32, #tpu.memory_space<vmem>>
      %dma_wait3A_211 = arith.constant 0 : i32
      %dma_wait3A_212 = tpu.memref_slice %arg10[%dma_wait3A_207, %dma_wait3A_211] : memref<5x80xi32, #tpu.memory_space<vmem>> -> memref<1x80xi32, #tpu.memory_space<vmem>>
      %dma_wait3A_213 = tpu.memref_squeeze %dma_wait3A_212 : memref<1x80xi32, #tpu.memory_space<vmem>> -> memref<80xi32, #tpu.memory_space<vmem>>
      %dma_wait3A_214 = arith.constant 0 : i32
      %dma_wait3A_215 = arith.constant 0 : i32
      %dma_wait3A_216 = tpu.memref_slice %arg5[%dma_wait3A_214, %dma_wait3A_215] : memref<10000x16xf32, #tpu.memory_space<hbm>> -> memref<10000x16xf32, #tpu.memory_space<hbm>>
      tpu.wait_indirect_dma semaphore(%arg16 : memref<!tpu.dma_semaphore, #tpu.memory_space<semaphore_mem>>) src(%dma_wait3A_216 : memref<10000x16xf32, #tpu.memory_space<hbm>>) dst(%dma_wait3A_210 : memref<80x16xf32, #tpu.memory_space<vmem>>)
      %dma_wait3A_217 = arith.constant 3 : i32
      %dma_wait3A_218 = arith.constant 240 : i32
      %dma_wait3A_219 = arith.constant 0 : i32
      %dma_wait3A_220 = tpu.memref_slice %arg11[%dma_wait3A_218, %dma_wait3A_219] : memref<400x64xf32, #tpu.memory_space<vmem>> -> memref<80x64xf32, #tpu.memory_space<vmem>>
      %dma_wait3A_221 = arith.constant 0 : i32
      %dma_wait3A_222 = tpu.memref_slice %arg9[%dma_wait3A_217, %dma_wait3A_221] : memref<5x80xi32, #tpu.memory_space<vmem>> -> memref<1x80xi32, #tpu.memory_space<vmem>>
      %dma_wait3A_223 = tpu.memref_squeeze %dma_wait3A_222 : memref<1x80xi32, #tpu.memory_space<vmem>> -> memref<80xi32, #tpu.memory_space<vmem>>
      %dma_wait3A_224 = arith.constant 0 : i32
      %dma_wait3A_225 = arith.constant 0 : i32
      %dma_wait3A_226 = tpu.memref_slice %arg4[%dma_wait3A_224, %dma_wait3A_225] : memref<10000x64xf32, #tpu.memory_space<hbm>> -> memref<10000x64xf32, #tpu.memory_space<hbm>>
      tpu.wait_indirect_dma semaphore(%arg16 : memref<!tpu.dma_semaphore, #tpu.memory_space<semaphore_mem>>) src(%dma_wait3A_226 : memref<10000x64xf32, #tpu.memory_space<hbm>>) dst(%dma_wait3A_220 : memref<80x64xf32, #tpu.memory_space<vmem>>)
      %dma_wait3A_227 = arith.constant 3 : i32
      %dma_wait3A_228 = arith.constant 240 : i32
      %dma_wait3A_229 = arith.constant 0 : i32
      %dma_wait3A_230 = tpu.memref_slice %arg12[%dma_wait3A_228, %dma_wait3A_229] : memref<400x16xf32, #tpu.memory_space<vmem>> -> memref<80x16xf32, #tpu.memory_space<vmem>>
      %dma_wait3A_231 = arith.constant 0 : i32
      %dma_wait3A_232 = tpu.memref_slice %arg10[%dma_wait3A_227, %dma_wait3A_231] : memref<5x80xi32, #tpu.memory_space<vmem>> -> memref<1x80xi32, #tpu.memory_space<vmem>>
      %dma_wait3A_233 = tpu.memref_squeeze %dma_wait3A_232 : memref<1x80xi32, #tpu.memory_space<vmem>> -> memref<80xi32, #tpu.memory_space<vmem>>
      %dma_wait3A_234 = arith.constant 0 : i32
      %dma_wait3A_235 = arith.constant 0 : i32
      %dma_wait3A_236 = tpu.memref_slice %arg5[%dma_wait3A_234, %dma_wait3A_235] : memref<10000x16xf32, #tpu.memory_space<hbm>> -> memref<10000x16xf32, #tpu.memory_space<hbm>>
      tpu.wait_indirect_dma semaphore(%arg16 : memref<!tpu.dma_semaphore, #tpu.memory_space<semaphore_mem>>) src(%dma_wait3A_236 : memref<10000x16xf32, #tpu.memory_space<hbm>>) dst(%dma_wait3A_230 : memref<80x16xf32, #tpu.memory_space<vmem>>)
      %dma_wait3A_237 = arith.constant 4 : i32
      %dma_wait3A_238 = arith.constant 320 : i32
      %dma_wait3A_239 = arith.constant 0 : i32
      %dma_wait3A_240 = tpu.memref_slice %arg11[%dma_wait3A_238, %dma_wait3A_239] : memref<400x64xf32, #tpu.memory_space<vmem>> -> memref<80x64xf32, #tpu.memory_space<vmem>>
      %dma_wait3A_241 = arith.constant 0 : i32
      %dma_wait3A_242 = tpu.memref_slice %arg9[%dma_wait3A_237, %dma_wait3A_241] : memref<5x80xi32, #tpu.memory_space<vmem>> -> memref<1x80xi32, #tpu.memory_space<vmem>>
      %dma_wait3A_243 = tpu.memref_squeeze %dma_wait3A_242 : memref<1x80xi32, #tpu.memory_space<vmem>> -> memref<80xi32, #tpu.memory_space<vmem>>
      %dma_wait3A_244 = arith.constant 0 : i32
      %dma_wait3A_245 = arith.constant 0 : i32
      %dma_wait3A_246 = tpu.memref_slice %arg4[%dma_wait3A_244, %dma_wait3A_245] : memref<10000x64xf32, #tpu.memory_space<hbm>> -> memref<10000x64xf32, #tpu.memory_space<hbm>>
      tpu.wait_indirect_dma semaphore(%arg16 : memref<!tpu.dma_semaphore, #tpu.memory_space<semaphore_mem>>) src(%dma_wait3A_246 : memref<10000x64xf32, #tpu.memory_space<hbm>>) dst(%dma_wait3A_240 : memref<80x64xf32, #tpu.memory_space<vmem>>)
      %dma_wait3A_247 = arith.constant 4 : i32
      %dma_wait3A_248 = arith.constant 320 : i32
      %dma_wait3A_249 = arith.constant 0 : i32
      %dma_wait3A_250 = tpu.memref_slice %arg12[%dma_wait3A_248, %dma_wait3A_249] : memref<400x16xf32, #tpu.memory_space<vmem>> -> memref<80x16xf32, #tpu.memory_space<vmem>>
      %dma_wait3A_251 = arith.constant 0 : i32
      %dma_wait3A_252 = tpu.memref_slice %arg10[%dma_wait3A_247, %dma_wait3A_251] : memref<5x80xi32, #tpu.memory_space<vmem>> -> memref<1x80xi32, #tpu.memory_space<vmem>>
      %dma_wait3A_253 = tpu.memref_squeeze %dma_wait3A_252 : memref<1x80xi32, #tpu.memory_space<vmem>> -> memref<80xi32, #tpu.memory_space<vmem>>
      %dma_wait3A_254 = arith.constant 0 : i32
      %dma_wait3A_255 = arith.constant 0 : i32
      %dma_wait3A_256 = tpu.memref_slice %arg5[%dma_wait3A_254, %dma_wait3A_255] : memref<10000x16xf32, #tpu.memory_space<hbm>> -> memref<10000x16xf32, #tpu.memory_space<hbm>>
      tpu.wait_indirect_dma semaphore(%arg16 : memref<!tpu.dma_semaphore, #tpu.memory_space<semaphore_mem>>) src(%dma_wait3A_256 : memref<10000x16xf32, #tpu.memory_space<hbm>>) dst(%dma_wait3A_250 : memref<80x16xf32, #tpu.memory_space<vmem>>)
      %scan3A_257 = arith.constant 0 : i32
      %scan3A_258 = arith.constant 400 : i32
      %scan3A_259 = arith.addi %scan3A_257, %scan3A_258 : i32
      %scan3A_260 = arith.constant 1 : i32
      scf.for %scan3A_266 = %scan3A_257 to %scan3A_259 step %scan3A_260  : i32 {
        %mul3A_267 = arith.constant 1 : i32
        %mul3A_268 = arith.muli %scan3A_266, %mul3A_267 : i32
        %add3A_269 = arith.constant 0 : i32
        %add3A_270 = arith.addi %add3A_269, %mul3A_268 : i32
        %get3A = arith.index_cast %add3A_270 : i32 to index
        %get3A_271 = arith.constant 0 : index
        %get3A_272 = tpu.vector_load %arg13[%get3A, %get3A_271] {strides = array<i32>} : memref<400x16xf32, #tpu.memory_space<vmem>>, vector<16xf32>,
        %get3A_273 = arith.index_cast %add3A_270 : i32 to index
        %get3A_274 = arith.constant 0 : index
        %get3A_275 = tpu.vector_load %arg12[%get3A_273, %get3A_274] {strides = array<i32>} : memref<400x16xf32, #tpu.memory_space<vmem>>, vector<16xf32>,
        %mul3A_276 = arith.mulf %get3A_272, %get3A_275 : vector<16xf32>
        %add3A_277 = arith.constant 0 : i32
        %add3A_278 = vector.broadcast %add3A_277 : i32 to vector<16xi32>
        %add3A_279 = arith.addi %add3A_278, %select_n3A : vector<16xi32>
        %broadcast_in_dim3A = vector.shape_cast %add3A_279 : vector<16xi32> to vector<16x1xi32>
        %gather3A = vector.shape_cast %broadcast_in_dim3A : vector<16x1xi32> to vector<16xi32>
        %gather3A_280 = tpu.dynamic_gather %mul3A_276[%gather3A] in [0] : vector<16xf32>, vector<16xi32> -> vector<16xf32>
        %get3A_281 = arith.index_cast %add3A_270 : i32 to index
        %get3A_282 = arith.constant 0 : index
        %get3A_283 = tpu.vector_load %arg11[%get3A_281, %get3A_282] {strides = array<i32>} : memref<400x64xf32, #tpu.memory_space<vmem>>, vector<16xf32>,
        %mul3A_284 = arith.mulf %get3A_283, %gather3A_280 : vector<16xf32>
        %swap3A = arith.index_cast %add3A_270 : i32 to index
        %swap3A_285 = arith.constant 0 : index
        %swap3A_286 = tpu.vector_load %arg14[%swap3A, %swap3A_285] {strides = array<i32>} : memref<400x64xf32, #tpu.memory_space<vmem>>, vector<16xf32>,
        tpu.vector_store %arg14[%swap3A, %swap3A_285], %mul3A_284 {strides = array<i32>} : memref<400x64xf32, #tpu.memory_space<vmem>>, vector<16xf32>,
        %add3A_287 = arith.constant 2 : i32
        %add3A_288 = vector.broadcast %add3A_287 : i32 to vector<16xi32>
        %add3A_289 = arith.addi %add3A_288, %select_n3A : vector<16xi32>
        %broadcast_in_dim3A_290 = vector.shape_cast %add3A_289 : vector<16xi32> to vector<16x1xi32>
        %gather3A_291 = vector.shape_cast %broadcast_in_dim3A_290 : vector<16x1xi32> to vector<16xi32>
        %gather3A_292 = tpu.dynamic_gather %mul3A_276[%gather3A_291] in [0] : vector<16xf32>, vector<16xi32> -> vector<16xf32>
        %get3A_293 = arith.index_cast %add3A_270 : i32 to index
        %get3A_294 = arith.constant 16 : index
        %get3A_295 = tpu.vector_load %arg11[%get3A_293, %get3A_294] {strides = array<i32>} : memref<400x64xf32, #tpu.memory_space<vmem>>, vector<16xf32>,
        %mul3A_296 = arith.mulf %get3A_295, %gather3A_292 : vector<16xf32>
        %swap3A_297 = arith.index_cast %add3A_270 : i32 to index
        %swap3A_298 = arith.constant 16 : index
        %swap3A_299 = tpu.vector_load %arg14[%swap3A_297, %swap3A_298] {strides = array<i32>} : memref<400x64xf32, #tpu.memory_space<vmem>>, vector<16xf32>,
        tpu.vector_store %arg14[%swap3A_297, %swap3A_298], %mul3A_296 {strides = array<i32>} : memref<400x64xf32, #tpu.memory_space<vmem>>, vector<16xf32>,
        %add3A_300 = arith.constant 4 : i32
        %add3A_301 = vector.broadcast %add3A_300 : i32 to vector<16xi32>
        %add3A_302 = arith.addi %add3A_301, %select_n3A : vector<16xi32>
        %broadcast_in_dim3A_303 = vector.shape_cast %add3A_302 : vector<16xi32> to vector<16x1xi32>
        %gather3A_304 = vector.shape_cast %broadcast_in_dim3A_303 : vector<16x1xi32> to vector<16xi32>
        %gather3A_305 = tpu.dynamic_gather %mul3A_276[%gather3A_304] in [0] : vector<16xf32>, vector<16xi32> -> vector<16xf32>
        %get3A_306 = arith.index_cast %add3A_270 : i32 to index
        %get3A_307 = arith.constant 32 : index
        %get3A_308 = tpu.vector_load %arg11[%get3A_306, %get3A_307] {strides = array<i32>} : memref<400x64xf32, #tpu.memory_space<vmem>>, vector<16xf32>,
        %mul3A_309 = arith.mulf %get3A_308, %gather3A_305 : vector<16xf32>
        %swap3A_310 = arith.index_cast %add3A_270 : i32 to index
        %swap3A_311 = arith.constant 32 : index
        %swap3A_312 = tpu.vector_load %arg14[%swap3A_310, %swap3A_311] {strides = array<i32>} : memref<400x64xf32, #tpu.memory_space<vmem>>, vector<16xf32>,
        tpu.vector_store %arg14[%swap3A_310, %swap3A_311], %mul3A_309 {strides = array<i32>} : memref<400x64xf32, #tpu.memory_space<vmem>>, vector<16xf32>,
        %add3A_313 = arith.constant 6 : i32
        %add3A_314 = vector.broadcast %add3A_313 : i32 to vector<16xi32>
        %add3A_315 = arith.addi %add3A_314, %select_n3A : vector<16xi32>
        %broadcast_in_dim3A_316 = vector.shape_cast %add3A_315 : vector<16xi32> to vector<16x1xi32>
        %gather3A_317 = vector.shape_cast %broadcast_in_dim3A_316 : vector<16x1xi32> to vector<16xi32>
        %gather3A_318 = tpu.dynamic_gather %mul3A_276[%gather3A_317] in [0] : vector<16xf32>, vector<16xi32> -> vector<16xf32>
        %get3A_319 = arith.index_cast %add3A_270 : i32 to index
        %get3A_320 = arith.constant 48 : index
        %get3A_321 = tpu.vector_load %arg11[%get3A_319, %get3A_320] {strides = array<i32>} : memref<400x64xf32, #tpu.memory_space<vmem>>, vector<16xf32>,
        %mul3A_322 = arith.mulf %get3A_321, %gather3A_318 : vector<16xf32>
        %swap3A_323 = arith.index_cast %add3A_270 : i32 to index
        %swap3A_324 = arith.constant 48 : index
        %swap3A_325 = tpu.vector_load %arg14[%swap3A_323, %swap3A_324] {strides = array<i32>} : memref<400x64xf32, #tpu.memory_space<vmem>>, vector<16xf32>,
        tpu.vector_store %arg14[%swap3A_323, %swap3A_324], %mul3A_322 {strides = array<i32>} : memref<400x64xf32, #tpu.memory_space<vmem>>, vector<16xf32>,
      }
      %scan3A_261 = arith.constant 400 : i32
      %run_scoped3A = arith.constant 0 : i32
      "tpu.region"() ({
        %run_scoped3A_266 = tpu.sem_alloc : memref<!tpu.dma_semaphore, #tpu.memory_space<semaphore_mem>>
        %dma_start3A_267 = arith.constant 0 : i32
        %dma_start3A_268 = arith.constant 0 : i32
        %dma_start3A_269 = tpu.memref_slice %arg14[%dma_start3A_267, %dma_start3A_268] : memref<400x64xf32, #tpu.memory_space<vmem>> -> memref<80x64xf32, #tpu.memory_space<vmem>>
        %dma_start3A_270 = arith.constant 0 : i32
        %dma_start3A_271 = tpu.memref_slice %arg10[%run_scoped3A, %dma_start3A_270] : memref<5x80xi32, #tpu.memory_space<vmem>> -> memref<1x80xi32, #tpu.memory_space<vmem>>
        %dma_start3A_272 = tpu.memref_squeeze %dma_start3A_271 : memref<1x80xi32, #tpu.memory_space<vmem>> -> memref<80xi32, #tpu.memory_space<vmem>>
        %dma_start3A_273 = arith.constant 0 : i32
        %dma_start3A_274 = arith.constant 0 : i32
        %dma_start3A_275 = tpu.memref_slice %arg15[%dma_start3A_273, %dma_start3A_274] : memref<10000x64xf32, #tpu.memory_space<vmem_shared>> -> memref<10000x64xf32, #tpu.memory_space<vmem_shared>>
        tpu.enqueue_indirect_dma source(%dma_start3A_269 : memref<80x64xf32, #tpu.memory_space<vmem>>) target(%dma_start3A_275 : memref<10000x64xf32, #tpu.memory_space<vmem_shared>>) offsets(%dma_start3A_272 : memref<80xi32, #tpu.memory_space<vmem>>) semaphore(%run_scoped3A_266 : memref<!tpu.dma_semaphore, #tpu.memory_space<semaphore_mem>>) {add = true}
        %dma_wait3A_276 = arith.constant 0 : i32
        %dma_wait3A_277 = arith.constant 0 : i32
        %dma_wait3A_278 = tpu.memref_slice %arg14[%dma_wait3A_276, %dma_wait3A_277] : memref<400x64xf32, #tpu.memory_space<vmem>> -> memref<80x64xf32, #tpu.memory_space<vmem>>
        %dma_wait3A_279 = arith.constant 0 : i32
        %dma_wait3A_280 = tpu.memref_slice %arg10[%run_scoped3A, %dma_wait3A_279] : memref<5x80xi32, #tpu.memory_space<vmem>> -> memref<1x80xi32, #tpu.memory_space<vmem>>
        %dma_wait3A_281 = tpu.memref_squeeze %dma_wait3A_280 : memref<1x80xi32, #tpu.memory_space<vmem>> -> memref<80xi32, #tpu.memory_space<vmem>>
        %dma_wait3A_282 = arith.constant 0 : i32
        %dma_wait3A_283 = arith.constant 0 : i32
        %dma_wait3A_284 = tpu.memref_slice %arg15[%dma_wait3A_282, %dma_wait3A_283] : memref<10000x64xf32, #tpu.memory_space<vmem_shared>> -> memref<10000x64xf32, #tpu.memory_space<vmem_shared>>
        tpu.wait_indirect_dma semaphore(%run_scoped3A_266 : memref<!tpu.dma_semaphore, #tpu.memory_space<semaphore_mem>>) src(%dma_wait3A_278 : memref<80x64xf32, #tpu.memory_space<vmem>>) dst(%dma_wait3A_284 : memref<10000x64xf32, #tpu.memory_space<vmem_shared>>)
        tpu.yield
      }) : () -> ()
      %run_scoped3A_262 = arith.constant 1 : i32
      "tpu.region"() ({
        %run_scoped3A_266 = tpu.sem_alloc : memref<!tpu.dma_semaphore, #tpu.memory_space<semaphore_mem>>
        %dma_start3A_267 = arith.constant 80 : i32
        %dma_start3A_268 = arith.constant 0 : i32
        %dma_start3A_269 = tpu.memref_slice %arg14[%dma_start3A_267, %dma_start3A_268] : memref<400x64xf32, #tpu.memory_space<vmem>> -> memref<80x64xf32, #tpu.memory_space<vmem>>
        %dma_start3A_270 = arith.constant 0 : i32
        %dma_start3A_271 = tpu.memref_slice %arg10[%run_scoped3A_262, %dma_start3A_270] : memref<5x80xi32, #tpu.memory_space<vmem>> -> memref<1x80xi32, #tpu.memory_space<vmem>>
        %dma_start3A_272 = tpu.memref_squeeze %dma_start3A_271 : memref<1x80xi32, #tpu.memory_space<vmem>> -> memref<80xi32, #tpu.memory_space<vmem>>
        %dma_start3A_273 = arith.constant 0 : i32
        %dma_start3A_274 = arith.constant 0 : i32
        %dma_start3A_275 = tpu.memref_slice %arg15[%dma_start3A_273, %dma_start3A_274] : memref<10000x64xf32, #tpu.memory_space<vmem_shared>> -> memref<10000x64xf32, #tpu.memory_space<vmem_shared>>
        tpu.enqueue_indirect_dma source(%dma_start3A_269 : memref<80x64xf32, #tpu.memory_space<vmem>>) target(%dma_start3A_275 : memref<10000x64xf32, #tpu.memory_space<vmem_shared>>) offsets(%dma_start3A_272 : memref<80xi32, #tpu.memory_space<vmem>>) semaphore(%run_scoped3A_266 : memref<!tpu.dma_semaphore, #tpu.memory_space<semaphore_mem>>) {add = true}
        %dma_wait3A_276 = arith.constant 80 : i32
        %dma_wait3A_277 = arith.constant 0 : i32
        %dma_wait3A_278 = tpu.memref_slice %arg14[%dma_wait3A_276, %dma_wait3A_277] : memref<400x64xf32, #tpu.memory_space<vmem>> -> memref<80x64xf32, #tpu.memory_space<vmem>>
        %dma_wait3A_279 = arith.constant 0 : i32
        %dma_wait3A_280 = tpu.memref_slice %arg10[%run_scoped3A_262, %dma_wait3A_279] : memref<5x80xi32, #tpu.memory_space<vmem>> -> memref<1x80xi32, #tpu.memory_space<vmem>>
        %dma_wait3A_281 = tpu.memref_squeeze %dma_wait3A_280 : memref<1x80xi32, #tpu.memory_space<vmem>> -> memref<80xi32, #tpu.memory_space<vmem>>
        %dma_wait3A_282 = arith.constant 0 : i32
        %dma_wait3A_283 = arith.constant 0 : i32
        %dma_wait3A_284 = tpu.memref_slice %arg15[%dma_wait3A_282, %dma_wait3A_283] : memref<10000x64xf32, #tpu.memory_space<vmem_shared>> -> memref<10000x64xf32, #tpu.memory_space<vmem_shared>>
        tpu.wait_indirect_dma semaphore(%run_scoped3A_266 : memref<!tpu.dma_semaphore, #tpu.memory_space<semaphore_mem>>) src(%dma_wait3A_278 : memref<80x64xf32, #tpu.memory_space<vmem>>) dst(%dma_wait3A_284 : memref<10000x64xf32, #tpu.memory_space<vmem_shared>>)
        tpu.yield
      }) : () -> ()
      %run_scoped3A_263 = arith.constant 2 : i32
      "tpu.region"() ({
        %run_scoped3A_266 = tpu.sem_alloc : memref<!tpu.dma_semaphore, #tpu.memory_space<semaphore_mem>>
        %dma_start3A_267 = arith.constant 160 : i32
        %dma_start3A_268 = arith.constant 0 : i32
        %dma_start3A_269 = tpu.memref_slice %arg14[%dma_start3A_267, %dma_start3A_268] : memref<400x64xf32, #tpu.memory_space<vmem>> -> memref<80x64xf32, #tpu.memory_space<vmem>>
        %dma_start3A_270 = arith.constant 0 : i32
        %dma_start3A_271 = tpu.memref_slice %arg10[%run_scoped3A_263, %dma_start3A_270] : memref<5x80xi32, #tpu.memory_space<vmem>> -> memref<1x80xi32, #tpu.memory_space<vmem>>
        %dma_start3A_272 = tpu.memref_squeeze %dma_start3A_271 : memref<1x80xi32, #tpu.memory_space<vmem>> -> memref<80xi32, #tpu.memory_space<vmem>>
        %dma_start3A_273 = arith.constant 0 : i32
        %dma_start3A_274 = arith.constant 0 : i32
        %dma_start3A_275 = tpu.memref_slice %arg15[%dma_start3A_273, %dma_start3A_274] : memref<10000x64xf32, #tpu.memory_space<vmem_shared>> -> memref<10000x64xf32, #tpu.memory_space<vmem_shared>>
        tpu.enqueue_indirect_dma source(%dma_start3A_269 : memref<80x64xf32, #tpu.memory_space<vmem>>) target(%dma_start3A_275 : memref<10000x64xf32, #tpu.memory_space<vmem_shared>>) offsets(%dma_start3A_272 : memref<80xi32, #tpu.memory_space<vmem>>) semaphore(%run_scoped3A_266 : memref<!tpu.dma_semaphore, #tpu.memory_space<semaphore_mem>>) {add = true}
        %dma_wait3A_276 = arith.constant 160 : i32
        %dma_wait3A_277 = arith.constant 0 : i32
        %dma_wait3A_278 = tpu.memref_slice %arg14[%dma_wait3A_276, %dma_wait3A_277] : memref<400x64xf32, #tpu.memory_space<vmem>> -> memref<80x64xf32, #tpu.memory_space<vmem>>
        %dma_wait3A_279 = arith.constant 0 : i32
        %dma_wait3A_280 = tpu.memref_slice %arg10[%run_scoped3A_263, %dma_wait3A_279] : memref<5x80xi32, #tpu.memory_space<vmem>> -> memref<1x80xi32, #tpu.memory_space<vmem>>
        %dma_wait3A_281 = tpu.memref_squeeze %dma_wait3A_280 : memref<1x80xi32, #tpu.memory_space<vmem>> -> memref<80xi32, #tpu.memory_space<vmem>>
        %dma_wait3A_282 = arith.constant 0 : i32
        %dma_wait3A_283 = arith.constant 0 : i32
        %dma_wait3A_284 = tpu.memref_slice %arg15[%dma_wait3A_282, %dma_wait3A_283] : memref<10000x64xf32, #tpu.memory_space<vmem_shared>> -> memref<10000x64xf32, #tpu.memory_space<vmem_shared>>
        tpu.wait_indirect_dma semaphore(%run_scoped3A_266 : memref<!tpu.dma_semaphore, #tpu.memory_space<semaphore_mem>>) src(%dma_wait3A_278 : memref<80x64xf32, #tpu.memory_space<vmem>>) dst(%dma_wait3A_284 : memref<10000x64xf32, #tpu.memory_space<vmem_shared>>)
        tpu.yield
      }) : () -> ()
      %run_scoped3A_264 = arith.constant 3 : i32
      "tpu.region"() ({
        %run_scoped3A_266 = tpu.sem_alloc : memref<!tpu.dma_semaphore, #tpu.memory_space<semaphore_mem>>
        %dma_start3A_267 = arith.constant 240 : i32
        %dma_start3A_268 = arith.constant 0 : i32
        %dma_start3A_269 = tpu.memref_slice %arg14[%dma_start3A_267, %dma_start3A_268] : memref<400x64xf32, #tpu.memory_space<vmem>> -> memref<80x64xf32, #tpu.memory_space<vmem>>
        %dma_start3A_270 = arith.constant 0 : i32
        %dma_start3A_271 = tpu.memref_slice %arg10[%run_scoped3A_264, %dma_start3A_270] : memref<5x80xi32, #tpu.memory_space<vmem>> -> memref<1x80xi32, #tpu.memory_space<vmem>>
        %dma_start3A_272 = tpu.memref_squeeze %dma_start3A_271 : memref<1x80xi32, #tpu.memory_space<vmem>> -> memref<80xi32, #tpu.memory_space<vmem>>
        %dma_start3A_273 = arith.constant 0 : i32
        %dma_start3A_274 = arith.constant 0 : i32
        %dma_start3A_275 = tpu.memref_slice %arg15[%dma_start3A_273, %dma_start3A_274] : memref<10000x64xf32, #tpu.memory_space<vmem_shared>> -> memref<10000x64xf32, #tpu.memory_space<vmem_shared>>
        tpu.enqueue_indirect_dma source(%dma_start3A_269 : memref<80x64xf32, #tpu.memory_space<vmem>>) target(%dma_start3A_275 : memref<10000x64xf32, #tpu.memory_space<vmem_shared>>) offsets(%dma_start3A_272 : memref<80xi32, #tpu.memory_space<vmem>>) semaphore(%run_scoped3A_266 : memref<!tpu.dma_semaphore, #tpu.memory_space<semaphore_mem>>) {add = true}
        %dma_wait3A_276 = arith.constant 240 : i32
        %dma_wait3A_277 = arith.constant 0 : i32
        %dma_wait3A_278 = tpu.memref_slice %arg14[%dma_wait3A_276, %dma_wait3A_277] : memref<400x64xf32, #tpu.memory_space<vmem>> -> memref<80x64xf32, #tpu.memory_space<vmem>>
        %dma_wait3A_279 = arith.constant 0 : i32
        %dma_wait3A_280 = tpu.memref_slice %arg10[%run_scoped3A_264, %dma_wait3A_279] : memref<5x80xi32, #tpu.memory_space<vmem>> -> memref<1x80xi32, #tpu.memory_space<vmem>>
        %dma_wait3A_281 = tpu.memref_squeeze %dma_wait3A_280 : memref<1x80xi32, #tpu.memory_space<vmem>> -> memref<80xi32, #tpu.memory_space<vmem>>
        %dma_wait3A_282 = arith.constant 0 : i32
        %dma_wait3A_283 = arith.constant 0 : i32
        %dma_wait3A_284 = tpu.memref_slice %arg15[%dma_wait3A_282, %dma_wait3A_283] : memref<10000x64xf32, #tpu.memory_space<vmem_shared>> -> memref<10000x64xf32, #tpu.memory_space<vmem_shared>>
        tpu.wait_indirect_dma semaphore(%run_scoped3A_266 : memref<!tpu.dma_semaphore, #tpu.memory_space<semaphore_mem>>) src(%dma_wait3A_278 : memref<80x64xf32, #tpu.memory_space<vmem>>) dst(%dma_wait3A_284 : memref<10000x64xf32, #tpu.memory_space<vmem_shared>>)
        tpu.yield
      }) : () -> ()
      %run_scoped3A_265 = arith.constant 4 : i32
      "tpu.region"() ({
        %run_scoped3A_266 = tpu.sem_alloc : memref<!tpu.dma_semaphore, #tpu.memory_space<semaphore_mem>>
        %dma_start3A_267 = arith.constant 320 : i32
        %dma_start3A_268 = arith.constant 0 : i32
        %dma_start3A_269 = tpu.memref_slice %arg14[%dma_start3A_267, %dma_start3A_268] : memref<400x64xf32, #tpu.memory_space<vmem>> -> memref<80x64xf32, #tpu.memory_space<vmem>>
        %dma_start3A_270 = arith.constant 0 : i32
        %dma_start3A_271 = tpu.memref_slice %arg10[%run_scoped3A_265, %dma_start3A_270] : memref<5x80xi32, #tpu.memory_space<vmem>> -> memref<1x80xi32, #tpu.memory_space<vmem>>
        %dma_start3A_272 = tpu.memref_squeeze %dma_start3A_271 : memref<1x80xi32, #tpu.memory_space<vmem>> -> memref<80xi32, #tpu.memory_space<vmem>>
        %dma_start3A_273 = arith.constant 0 : i32
        %dma_start3A_274 = arith.constant 0 : i32
        %dma_start3A_275 = tpu.memref_slice %arg15[%dma_start3A_273, %dma_start3A_274] : memref<10000x64xf32, #tpu.memory_space<vmem_shared>> -> memref<10000x64xf32, #tpu.memory_space<vmem_shared>>
        tpu.enqueue_indirect_dma source(%dma_start3A_269 : memref<80x64xf32, #tpu.memory_space<vmem>>) target(%dma_start3A_275 : memref<10000x64xf32, #tpu.memory_space<vmem_shared>>) offsets(%dma_start3A_272 : memref<80xi32, #tpu.memory_space<vmem>>) semaphore(%run_scoped3A_266 : memref<!tpu.dma_semaphore, #tpu.memory_space<semaphore_mem>>) {add = true}
        %dma_wait3A_276 = arith.constant 320 : i32
        %dma_wait3A_277 = arith.constant 0 : i32
        %dma_wait3A_278 = tpu.memref_slice %arg14[%dma_wait3A_276, %dma_wait3A_277] : memref<400x64xf32, #tpu.memory_space<vmem>> -> memref<80x64xf32, #tpu.memory_space<vmem>>
        %dma_wait3A_279 = arith.constant 0 : i32
        %dma_wait3A_280 = tpu.memref_slice %arg10[%run_scoped3A_265, %dma_wait3A_279] : memref<5x80xi32, #tpu.memory_space<vmem>> -> memref<1x80xi32, #tpu.memory_space<vmem>>
        %dma_wait3A_281 = tpu.memref_squeeze %dma_wait3A_280 : memref<1x80xi32, #tpu.memory_space<vmem>> -> memref<80xi32, #tpu.memory_space<vmem>>
        %dma_wait3A_282 = arith.constant 0 : i32
        %dma_wait3A_283 = arith.constant 0 : i32
        %dma_wait3A_284 = tpu.memref_slice %arg15[%dma_wait3A_282, %dma_wait3A_283] : memref<10000x64xf32, #tpu.memory_space<vmem_shared>> -> memref<10000x64xf32, #tpu.memory_space<vmem_shared>>
        tpu.wait_indirect_dma semaphore(%run_scoped3A_266 : memref<!tpu.dma_semaphore, #tpu.memory_space<semaphore_mem>>) src(%dma_wait3A_278 : memref<80x64xf32, #tpu.memory_space<vmem>>) dst(%dma_wait3A_284 : memref<10000x64xf32, #tpu.memory_space<vmem_shared>>)
        tpu.yield
      }) : () -> ()
    }
    %scan3A_29 = arith.constant 25 : i32
    %barrier3A_30 = arith.constant 0 : index
    tpu.barrier barrier_id(%barrier3A_30)
    %eq3A_31 = arith.constant 0 : i32
    %eq3A_32 = arith.cmpi eq, %arg1, %eq3A_31 : i32
    %convert_element_type3A_33 = arith.extui %eq3A_32 : i1 to i32
    %cond3A_34 = arith.constant 0 : i32
    %cond3A_35 = arith.cmpi ne, %convert_element_type3A_33, %cond3A_34 : i32
    scf.if %cond3A_35 {
      "tpu.region"() ({
        %run_scoped3A = tpu.sem_alloc : memref<!tpu.dma_semaphore, #tpu.memory_space<semaphore_mem>>
        %dma_start3A = arith.constant 0 : i32
        %dma_start3A_36 = arith.constant 0 : i32
        %dma_start3A_37 = tpu.memref_slice %arg8[%arg0, %dma_start3A, %dma_start3A_36] : memref<2x10000x64xf32, #tpu.memory_space<hbm>> -> memref<1x10000x64xf32, #tpu.memory_space<hbm>>
        %dma_start3A_38 = tpu.memref_squeeze %dma_start3A_37 : memref<1x10000x64xf32, #tpu.memory_space<hbm>> -> memref<10000x64xf32, #tpu.memory_space<hbm>>
        tpu.enqueue_dma source(%arg15 : memref<10000x64xf32, #tpu.memory_space<vmem_shared>>) target(%dma_start3A_38 : memref<10000x64xf32, #tpu.memory_space<hbm>>) target_semaphore(%run_scoped3A : memref<!tpu.dma_semaphore, #tpu.memory_space<semaphore_mem>>)
        %dma_wait3A = arith.constant 0 : i32
        %dma_wait3A_39 = arith.constant 0 : i32
        %dma_wait3A_40 = tpu.memref_slice %arg8[%arg0, %dma_wait3A, %dma_wait3A_39] : memref<2x10000x64xf32, #tpu.memory_space<hbm>> -> memref<1x10000x64xf32, #tpu.memory_space<hbm>>
        %dma_wait3A_41 = tpu.memref_squeeze %dma_wait3A_40 : memref<1x10000x64xf32, #tpu.memory_space<hbm>> -> memref<10000x64xf32, #tpu.memory_space<hbm>>
        tpu.wait_dma2 semaphore(%run_scoped3A : memref<!tpu.dma_semaphore, #tpu.memory_space<semaphore_mem>>) src(%arg15 : memref<10000x64xf32, #tpu.memory_space<vmem_shared>>) dst(%dma_wait3A_41 : memref<10000x64xf32, #tpu.memory_space<hbm>>)
        tpu.yield
      }) : () -> ()
    } else {
    }
    return
  }
}

#map = affine_map<(d0, d1) -> (0, 0)>
#map1 = affine_map<(d0, d1) -> (0)>
module attributes {stable_mosaic.version = 14 : i64} {
  func.func @k(%arg0: i32, %arg1: i32, %arg2: memref<4000x80xi32, #tpu.memory_space<hbm>>, %arg3: memref<4000x80xi32, #tpu.memory_space<hbm>>, %arg4: memref<10000x2xf32, #tpu.memory_space<hbm>>, %arg5: memref<10000xf32, #tpu.memory_space<hbm>>, %arg6: memref<320000xf32, #tpu.memory_space<hbm>>, %arg7: memref<2x10000xf32, #tpu.memory_space<hbm>>, %arg8: memref<10000x2xf32, #tpu.memory_space<vmem>>, %arg9: memref<5x80xi32, #tpu.memory_space<vmem>>, %arg10: memref<5x80xi32, #tpu.memory_space<vmem>>, %arg11: memref<400xf32, #tpu.memory_space<vmem>>, %arg12: memref<10000xf32, #tpu.memory_space<vmem_shared>>) attributes {dimension_semantics = [#tpu.dimension_semantics<core_parallel>, #tpu.dimension_semantics<subcore_parallel>], iteration_bounds = array<i64: 2, 16>, scalar_prefetch = 0 : i64, scratch_operands = 5 : i64, tpu.core_type = #tpu.core_type<sc_vector_subcore>, window_params = [{transform_indices = #map}, {transform_indices = #map}, {transform_indices = #map}, {transform_indices = #map1}, {transform_indices = #map1}, {transform_indices = #map}]} {
    %mul3A = arith.constant 16 : i32
    %mul3A_0 = arith.muli %arg0, %mul3A : i32
    %add3A = arith.addi %mul3A_0, %arg1 : i32
    "tpu.region"() ({
      %run_scoped3A = tpu.sem_alloc : memref<!tpu.dma_semaphore, #tpu.memory_space<semaphore_mem>>
      tpu.enqueue_dma source(%arg4 : memref<10000x2xf32, #tpu.memory_space<hbm>>) target(%arg8 : memref<10000x2xf32, #tpu.memory_space<vmem>>) target_semaphore(%run_scoped3A : memref<!tpu.dma_semaphore, #tpu.memory_space<semaphore_mem>>)
      tpu.wait_dma2 semaphore(%run_scoped3A : memref<!tpu.dma_semaphore, #tpu.memory_space<semaphore_mem>>) src(%arg4 : memref<10000x2xf32, #tpu.memory_space<hbm>>) dst(%arg8 : memref<10000x2xf32, #tpu.memory_space<vmem>>)
      tpu.yield
    }) : () -> ()
    %eq3A = arith.constant 0 : i32
    %eq3A_1 = arith.cmpi eq, %arg1, %eq3A : i32
    %convert_element_type3A = arith.extui %eq3A_1 : i1 to i32
    %cond3A = arith.constant 0 : i32
    %cond3A_2 = arith.cmpi ne, %convert_element_type3A, %cond3A : i32
    scf.if %cond3A_2 {
      "tpu.region"() ({
        %run_scoped3A = tpu.sem_alloc : memref<!tpu.dma_semaphore, #tpu.memory_space<semaphore_mem>>
        tpu.enqueue_dma source(%arg5 : memref<10000xf32, #tpu.memory_space<hbm>>) target(%arg12 : memref<10000xf32, #tpu.memory_space<vmem_shared>>) target_semaphore(%run_scoped3A : memref<!tpu.dma_semaphore, #tpu.memory_space<semaphore_mem>>)
        tpu.wait_dma2 semaphore(%run_scoped3A : memref<!tpu.dma_semaphore, #tpu.memory_space<semaphore_mem>>) src(%arg5 : memref<10000xf32, #tpu.memory_space<hbm>>) dst(%arg12 : memref<10000xf32, #tpu.memory_space<vmem_shared>>)
        tpu.yield
      }) : () -> ()
    } else {
    }
    %barrier3A = arith.constant 0 : index
    tpu.barrier barrier_id(%barrier3A)
    %iota3A = tpu.iota {dimensions = array<i32: 0>} : vector<16xi32>
    %mul3A_3 = arith.constant 0 : i32
    %mul3A_4 = vector.broadcast %mul3A_3 : i32 to vector<16xi32>
    %mul3A_5 = arith.muli %iota3A, %mul3A_4 : vector<16xi32>
    %add3A_6 = arith.constant 1 : i32
    %add3A_7 = vector.broadcast %add3A_6 : i32 to vector<16xi32>
    %add3A_8 = arith.addi %mul3A_5, %add3A_7 : vector<16xi32>
    %scan3A = arith.constant 0 : i32
    %scan3A_9 = arith.constant 25 : i32
    %scan3A_10 = arith.addi %scan3A, %scan3A_9 : i32
    %scan3A_11 = arith.constant 1 : i32
    scf.for %scan3A_19 = %scan3A to %scan3A_10 step %scan3A_11  : i32 {
      %mul3A_20 = arith.constant 1 : i32
      %mul3A_21 = arith.muli %scan3A_19, %mul3A_20 : i32
      %add3A_22 = arith.constant 0 : i32
      %add3A_23 = arith.addi %add3A_22, %mul3A_21 : i32
      %mul3A_24 = arith.constant 10000 : i32
      %mul3A_25 = arith.muli %add3A, %mul3A_24 : i32
      %mul3A_26 = arith.constant 400 : i32
      %mul3A_27 = arith.muli %add3A_23, %mul3A_26 : i32
      %add3A_28 = arith.addi %mul3A_25, %mul3A_27 : i32
      %mul3A_29 = arith.constant 125 : i32
      %mul3A_30 = arith.muli %add3A, %mul3A_29 : i32
      %mul3A_31 = arith.constant 5 : i32
      %mul3A_32 = arith.muli %add3A_23, %mul3A_31 : i32
      %add3A_33 = arith.addi %mul3A_30, %mul3A_32 : i32
      "tpu.region"() ({
        %run_scoped3A_43 = tpu.sem_alloc : memref<!tpu.dma_semaphore, #tpu.memory_space<semaphore_mem>>
        %dma_start3A = arith.constant 0 : i32
        %dma_start3A_44 = tpu.memref_slice %arg2[%add3A_33, %dma_start3A] : memref<4000x80xi32, #tpu.memory_space<hbm>> -> memref<5x80xi32, #tpu.memory_space<hbm>>
        %dma_start3A_45 = arith.constant 0 : i32
        %dma_start3A_46 = tpu.memref_slice %arg2[%add3A_33, %dma_start3A_45] : memref<4000x80xi32, #tpu.memory_space<hbm>> -> memref<5x80xi32, #tpu.memory_space<hbm>>
        tpu.enqueue_dma source(%dma_start3A_46 : memref<5x80xi32, #tpu.memory_space<hbm>>) target(%arg9 : memref<5x80xi32, #tpu.memory_space<vmem>>) target_semaphore(%run_scoped3A_43 : memref<!tpu.dma_semaphore, #tpu.memory_space<semaphore_mem>>)
        %dma_wait3A = arith.constant 0 : i32
        %dma_wait3A_47 = tpu.memref_slice %arg2[%add3A_33, %dma_wait3A] : memref<4000x80xi32, #tpu.memory_space<hbm>> -> memref<5x80xi32, #tpu.memory_space<hbm>>
        %dma_wait3A_48 = arith.constant 0 : i32
        %dma_wait3A_49 = tpu.memref_slice %arg2[%add3A_33, %dma_wait3A_48] : memref<4000x80xi32, #tpu.memory_space<hbm>> -> memref<5x80xi32, #tpu.memory_space<hbm>>
        tpu.wait_dma2 semaphore(%run_scoped3A_43 : memref<!tpu.dma_semaphore, #tpu.memory_space<semaphore_mem>>) src(%dma_wait3A_49 : memref<5x80xi32, #tpu.memory_space<hbm>>) dst(%arg9 : memref<5x80xi32, #tpu.memory_space<vmem>>)
        tpu.yield
      }) : () -> ()
      "tpu.region"() ({
        %run_scoped3A_43 = tpu.sem_alloc : memref<!tpu.dma_semaphore, #tpu.memory_space<semaphore_mem>>
        %dma_start3A = arith.constant 0 : i32
        %dma_start3A_44 = tpu.memref_slice %arg3[%add3A_33, %dma_start3A] : memref<4000x80xi32, #tpu.memory_space<hbm>> -> memref<5x80xi32, #tpu.memory_space<hbm>>
        %dma_start3A_45 = arith.constant 0 : i32
        %dma_start3A_46 = tpu.memref_slice %arg3[%add3A_33, %dma_start3A_45] : memref<4000x80xi32, #tpu.memory_space<hbm>> -> memref<5x80xi32, #tpu.memory_space<hbm>>
        tpu.enqueue_dma source(%dma_start3A_46 : memref<5x80xi32, #tpu.memory_space<hbm>>) target(%arg10 : memref<5x80xi32, #tpu.memory_space<vmem>>) target_semaphore(%run_scoped3A_43 : memref<!tpu.dma_semaphore, #tpu.memory_space<semaphore_mem>>)
        %dma_wait3A = arith.constant 0 : i32
        %dma_wait3A_47 = tpu.memref_slice %arg3[%add3A_33, %dma_wait3A] : memref<4000x80xi32, #tpu.memory_space<hbm>> -> memref<5x80xi32, #tpu.memory_space<hbm>>
        %dma_wait3A_48 = arith.constant 0 : i32
        %dma_wait3A_49 = tpu.memref_slice %arg3[%add3A_33, %dma_wait3A_48] : memref<4000x80xi32, #tpu.memory_space<hbm>> -> memref<5x80xi32, #tpu.memory_space<hbm>>
        tpu.wait_dma2 semaphore(%run_scoped3A_43 : memref<!tpu.dma_semaphore, #tpu.memory_space<semaphore_mem>>) src(%dma_wait3A_49 : memref<5x80xi32, #tpu.memory_space<hbm>>) dst(%arg10 : memref<5x80xi32, #tpu.memory_space<vmem>>)
        tpu.yield
      }) : () -> ()
      %scan3A_34 = arith.constant 0 : i32
      %scan3A_35 = arith.constant 5 : i32
      %scan3A_36 = arith.addi %scan3A_34, %scan3A_35 : i32
      %scan3A_37 = arith.constant 1 : i32
      scf.for %scan3A_43 = %scan3A_34 to %scan3A_36 step %scan3A_37  : i32 {
        %mul3A_44 = arith.constant 1 : i32
        %mul3A_45 = arith.muli %scan3A_43, %mul3A_44 : i32
        %add3A_46 = arith.constant 0 : i32
        %add3A_47 = arith.addi %add3A_46, %mul3A_45 : i32
        %scan3A_48 = arith.constant 0 : i32
        %scan3A_49 = arith.constant 5 : i32
        %scan3A_50 = arith.addi %scan3A_48, %scan3A_49 : i32
        %scan3A_51 = arith.constant 1 : i32
        scf.for %scan3A_53 = %scan3A_48 to %scan3A_50 step %scan3A_51  : i32 {
          %mul3A_54 = arith.constant 1 : i32
          %mul3A_55 = arith.muli %scan3A_53, %mul3A_54 : i32
          %add3A_56 = arith.constant 0 : i32
          %add3A_57 = arith.addi %add3A_56, %mul3A_55 : i32
          %mul3A_58 = arith.constant 16 : i32
          %mul3A_59 = arith.muli %add3A_57, %mul3A_58 : i32
          %get3A = arith.index_cast %add3A_47 : i32 to index
          %get3A_60 = arith.index_cast %mul3A_59 : i32 to index
          %get3A_61 = tpu.vector_load %arg9[%get3A, %get3A_60] {strides = array<i32>} : memref<5x80xi32, #tpu.memory_space<vmem>>, vector<16xi32>,
          %mul3A_62 = arith.constant 16 : i32
          %mul3A_63 = arith.muli %add3A_57, %mul3A_62 : i32
          %get3A_64 = arith.index_cast %add3A_47 : i32 to index
          %get3A_65 = arith.index_cast %mul3A_63 : i32 to index
          %get3A_66 = tpu.vector_load %arg10[%get3A_64, %get3A_65] {strides = array<i32>} : memref<5x80xi32, #tpu.memory_space<vmem>>, vector<16xi32>,
          %gather3A = tpu.vector_load_idx %arg8[%get3A_61, %mul3A_5] : memref<10000x2xf32, #tpu.memory_space<vmem>>[vector<16xi32>, vector<16xi32>], vector<16xf32>,
          %gather3A_67 = tpu.vector_load_idx %arg8[%get3A_66, %add3A_8] : memref<10000x2xf32, #tpu.memory_space<vmem>>[vector<16xi32>, vector<16xi32>], vector<16xf32>,
          %add3A_68 = arith.addf %gather3A, %gather3A_67 : vector<16xf32>
          %ge3A = arith.constant 0.000000e+00 : f32
          %ge3A_69 = vector.broadcast %ge3A : f32 to vector<16xf32>
          %ge3A_70 = arith.cmpf oge, %add3A_68, %ge3A_69 : vector<16xf32>
          %mul3A_71 = arith.constant 2.000000e-01 : f32
          %mul3A_72 = vector.broadcast %mul3A_71 : f32 to vector<16xf32>
          %mul3A_73 = arith.mulf %add3A_68, %mul3A_72 : vector<16xf32>
          %select_n3A = arith.select %ge3A_70, %add3A_68, %mul3A_73 : vector<16xi1>, vector<16xf32>
          %exp3A = math.exp %select_n3A : vector<16xf32>
          %mul3A_74 = arith.constant 80 : i32
          %mul3A_75 = arith.muli %add3A_47, %mul3A_74 : i32
          %mul3A_76 = arith.constant 16 : i32
          %mul3A_77 = arith.muli %add3A_57, %mul3A_76 : i32
          %add3A_78 = arith.addi %mul3A_75, %mul3A_77 : i32
          %swap3A = arith.index_cast %add3A_78 : i32 to index
          %swap3A_79 = tpu.vector_load %arg11[%swap3A] {strides = array<i32>} : memref<400xf32, #tpu.memory_space<vmem>>, vector<16xf32>,
          tpu.vector_store %arg11[%swap3A], %exp3A {strides = array<i32>} : memref<400xf32, #tpu.memory_space<vmem>>, vector<16xf32>,
        }
        %scan3A_52 = arith.constant 5 : i32
      }
      %scan3A_38 = arith.constant 5 : i32
      "tpu.region"() ({
        %run_scoped3A_43 = tpu.sem_alloc : memref<!tpu.dma_semaphore, #tpu.memory_space<semaphore_mem>>
        %dma_start3A = tpu.memref_slice %arg6[%add3A_28] : memref<320000xf32, #tpu.memory_space<hbm>> -> memref<400xf32, #tpu.memory_space<hbm>>
        %dma_start3A_44 = tpu.memref_slice %arg6[%add3A_28] : memref<320000xf32, #tpu.memory_space<hbm>> -> memref<400xf32, #tpu.memory_space<hbm>>
        tpu.enqueue_dma source(%arg11 : memref<400xf32, #tpu.memory_space<vmem>>) target(%dma_start3A_44 : memref<400xf32, #tpu.memory_space<hbm>>) target_semaphore(%run_scoped3A_43 : memref<!tpu.dma_semaphore, #tpu.memory_space<semaphore_mem>>)
        %dma_wait3A = tpu.memref_slice %arg6[%add3A_28] : memref<320000xf32, #tpu.memory_space<hbm>> -> memref<400xf32, #tpu.memory_space<hbm>>
        %dma_wait3A_45 = tpu.memref_slice %arg6[%add3A_28] : memref<320000xf32, #tpu.memory_space<hbm>> -> memref<400xf32, #tpu.memory_space<hbm>>
        tpu.wait_dma2 semaphore(%run_scoped3A_43 : memref<!tpu.dma_semaphore, #tpu.memory_space<semaphore_mem>>) src(%arg11 : memref<400xf32, #tpu.memory_space<vmem>>) dst(%dma_wait3A_45 : memref<400xf32, #tpu.memory_space<hbm>>)
        tpu.yield
      }) : () -> ()
      %run_scoped3A = arith.constant 0 : i32
      "tpu.region"() ({
        %run_scoped3A_43 = tpu.sem_alloc : memref<!tpu.dma_semaphore, #tpu.memory_space<semaphore_mem>>
        %dma_start3A = arith.constant 0 : i32
        %dma_start3A_44 = tpu.memref_slice %arg11[%dma_start3A] : memref<400xf32, #tpu.memory_space<vmem>> -> memref<80xf32, #tpu.memory_space<vmem>>
        %dma_start3A_45 = arith.constant 0 : i32
        %dma_start3A_46 = tpu.memref_slice %arg10[%run_scoped3A, %dma_start3A_45] : memref<5x80xi32, #tpu.memory_space<vmem>> -> memref<1x80xi32, #tpu.memory_space<vmem>>
        %dma_start3A_47 = tpu.memref_squeeze %dma_start3A_46 : memref<1x80xi32, #tpu.memory_space<vmem>> -> memref<80xi32, #tpu.memory_space<vmem>>
        %dma_start3A_48 = arith.constant 0 : i32
        %dma_start3A_49 = tpu.memref_slice %arg12[%dma_start3A_48] : memref<10000xf32, #tpu.memory_space<vmem_shared>> -> memref<10000xf32, #tpu.memory_space<vmem_shared>>
        tpu.enqueue_indirect_dma source(%dma_start3A_44 : memref<80xf32, #tpu.memory_space<vmem>>) target(%dma_start3A_49 : memref<10000xf32, #tpu.memory_space<vmem_shared>>) offsets(%dma_start3A_47 : memref<80xi32, #tpu.memory_space<vmem>>) semaphore(%run_scoped3A_43 : memref<!tpu.dma_semaphore, #tpu.memory_space<semaphore_mem>>) {add = true}
        %dma_wait3A = arith.constant 0 : i32
        %dma_wait3A_50 = tpu.memref_slice %arg11[%dma_wait3A] : memref<400xf32, #tpu.memory_space<vmem>> -> memref<80xf32, #tpu.memory_space<vmem>>
        %dma_wait3A_51 = arith.constant 0 : i32
        %dma_wait3A_52 = tpu.memref_slice %arg10[%run_scoped3A, %dma_wait3A_51] : memref<5x80xi32, #tpu.memory_space<vmem>> -> memref<1x80xi32, #tpu.memory_space<vmem>>
        %dma_wait3A_53 = tpu.memref_squeeze %dma_wait3A_52 : memref<1x80xi32, #tpu.memory_space<vmem>> -> memref<80xi32, #tpu.memory_space<vmem>>
        %dma_wait3A_54 = arith.constant 0 : i32
        %dma_wait3A_55 = tpu.memref_slice %arg12[%dma_wait3A_54] : memref<10000xf32, #tpu.memory_space<vmem_shared>> -> memref<10000xf32, #tpu.memory_space<vmem_shared>>
        tpu.wait_indirect_dma semaphore(%run_scoped3A_43 : memref<!tpu.dma_semaphore, #tpu.memory_space<semaphore_mem>>) src(%dma_wait3A_50 : memref<80xf32, #tpu.memory_space<vmem>>) dst(%dma_wait3A_55 : memref<10000xf32, #tpu.memory_space<vmem_shared>>)
        tpu.yield
      }) : () -> ()
      %run_scoped3A_39 = arith.constant 1 : i32
      "tpu.region"() ({
        %run_scoped3A_43 = tpu.sem_alloc : memref<!tpu.dma_semaphore, #tpu.memory_space<semaphore_mem>>
        %dma_start3A = arith.constant 80 : i32
        %dma_start3A_44 = tpu.memref_slice %arg11[%dma_start3A] : memref<400xf32, #tpu.memory_space<vmem>> -> memref<80xf32, #tpu.memory_space<vmem>>
        %dma_start3A_45 = arith.constant 0 : i32
        %dma_start3A_46 = tpu.memref_slice %arg10[%run_scoped3A_39, %dma_start3A_45] : memref<5x80xi32, #tpu.memory_space<vmem>> -> memref<1x80xi32, #tpu.memory_space<vmem>>
        %dma_start3A_47 = tpu.memref_squeeze %dma_start3A_46 : memref<1x80xi32, #tpu.memory_space<vmem>> -> memref<80xi32, #tpu.memory_space<vmem>>
        %dma_start3A_48 = arith.constant 0 : i32
        %dma_start3A_49 = tpu.memref_slice %arg12[%dma_start3A_48] : memref<10000xf32, #tpu.memory_space<vmem_shared>> -> memref<10000xf32, #tpu.memory_space<vmem_shared>>
        tpu.enqueue_indirect_dma source(%dma_start3A_44 : memref<80xf32, #tpu.memory_space<vmem>>) target(%dma_start3A_49 : memref<10000xf32, #tpu.memory_space<vmem_shared>>) offsets(%dma_start3A_47 : memref<80xi32, #tpu.memory_space<vmem>>) semaphore(%run_scoped3A_43 : memref<!tpu.dma_semaphore, #tpu.memory_space<semaphore_mem>>) {add = true}
        %dma_wait3A = arith.constant 80 : i32
        %dma_wait3A_50 = tpu.memref_slice %arg11[%dma_wait3A] : memref<400xf32, #tpu.memory_space<vmem>> -> memref<80xf32, #tpu.memory_space<vmem>>
        %dma_wait3A_51 = arith.constant 0 : i32
        %dma_wait3A_52 = tpu.memref_slice %arg10[%run_scoped3A_39, %dma_wait3A_51] : memref<5x80xi32, #tpu.memory_space<vmem>> -> memref<1x80xi32, #tpu.memory_space<vmem>>
        %dma_wait3A_53 = tpu.memref_squeeze %dma_wait3A_52 : memref<1x80xi32, #tpu.memory_space<vmem>> -> memref<80xi32, #tpu.memory_space<vmem>>
        %dma_wait3A_54 = arith.constant 0 : i32
        %dma_wait3A_55 = tpu.memref_slice %arg12[%dma_wait3A_54] : memref<10000xf32, #tpu.memory_space<vmem_shared>> -> memref<10000xf32, #tpu.memory_space<vmem_shared>>
        tpu.wait_indirect_dma semaphore(%run_scoped3A_43 : memref<!tpu.dma_semaphore, #tpu.memory_space<semaphore_mem>>) src(%dma_wait3A_50 : memref<80xf32, #tpu.memory_space<vmem>>) dst(%dma_wait3A_55 : memref<10000xf32, #tpu.memory_space<vmem_shared>>)
        tpu.yield
      }) : () -> ()
      %run_scoped3A_40 = arith.constant 2 : i32
      "tpu.region"() ({
        %run_scoped3A_43 = tpu.sem_alloc : memref<!tpu.dma_semaphore, #tpu.memory_space<semaphore_mem>>
        %dma_start3A = arith.constant 160 : i32
        %dma_start3A_44 = tpu.memref_slice %arg11[%dma_start3A] : memref<400xf32, #tpu.memory_space<vmem>> -> memref<80xf32, #tpu.memory_space<vmem>>
        %dma_start3A_45 = arith.constant 0 : i32
        %dma_start3A_46 = tpu.memref_slice %arg10[%run_scoped3A_40, %dma_start3A_45] : memref<5x80xi32, #tpu.memory_space<vmem>> -> memref<1x80xi32, #tpu.memory_space<vmem>>
        %dma_start3A_47 = tpu.memref_squeeze %dma_start3A_46 : memref<1x80xi32, #tpu.memory_space<vmem>> -> memref<80xi32, #tpu.memory_space<vmem>>
        %dma_start3A_48 = arith.constant 0 : i32
        %dma_start3A_49 = tpu.memref_slice %arg12[%dma_start3A_48] : memref<10000xf32, #tpu.memory_space<vmem_shared>> -> memref<10000xf32, #tpu.memory_space<vmem_shared>>
        tpu.enqueue_indirect_dma source(%dma_start3A_44 : memref<80xf32, #tpu.memory_space<vmem>>) target(%dma_start3A_49 : memref<10000xf32, #tpu.memory_space<vmem_shared>>) offsets(%dma_start3A_47 : memref<80xi32, #tpu.memory_space<vmem>>) semaphore(%run_scoped3A_43 : memref<!tpu.dma_semaphore, #tpu.memory_space<semaphore_mem>>) {add = true}
        %dma_wait3A = arith.constant 160 : i32
        %dma_wait3A_50 = tpu.memref_slice %arg11[%dma_wait3A] : memref<400xf32, #tpu.memory_space<vmem>> -> memref<80xf32, #tpu.memory_space<vmem>>
        %dma_wait3A_51 = arith.constant 0 : i32
        %dma_wait3A_52 = tpu.memref_slice %arg10[%run_scoped3A_40, %dma_wait3A_51] : memref<5x80xi32, #tpu.memory_space<vmem>> -> memref<1x80xi32, #tpu.memory_space<vmem>>
        %dma_wait3A_53 = tpu.memref_squeeze %dma_wait3A_52 : memref<1x80xi32, #tpu.memory_space<vmem>> -> memref<80xi32, #tpu.memory_space<vmem>>
        %dma_wait3A_54 = arith.constant 0 : i32
        %dma_wait3A_55 = tpu.memref_slice %arg12[%dma_wait3A_54] : memref<10000xf32, #tpu.memory_space<vmem_shared>> -> memref<10000xf32, #tpu.memory_space<vmem_shared>>
        tpu.wait_indirect_dma semaphore(%run_scoped3A_43 : memref<!tpu.dma_semaphore, #tpu.memory_space<semaphore_mem>>) src(%dma_wait3A_50 : memref<80xf32, #tpu.memory_space<vmem>>) dst(%dma_wait3A_55 : memref<10000xf32, #tpu.memory_space<vmem_shared>>)
        tpu.yield
      }) : () -> ()
      %run_scoped3A_41 = arith.constant 3 : i32
      "tpu.region"() ({
        %run_scoped3A_43 = tpu.sem_alloc : memref<!tpu.dma_semaphore, #tpu.memory_space<semaphore_mem>>
        %dma_start3A = arith.constant 240 : i32
        %dma_start3A_44 = tpu.memref_slice %arg11[%dma_start3A] : memref<400xf32, #tpu.memory_space<vmem>> -> memref<80xf32, #tpu.memory_space<vmem>>
        %dma_start3A_45 = arith.constant 0 : i32
        %dma_start3A_46 = tpu.memref_slice %arg10[%run_scoped3A_41, %dma_start3A_45] : memref<5x80xi32, #tpu.memory_space<vmem>> -> memref<1x80xi32, #tpu.memory_space<vmem>>
        %dma_start3A_47 = tpu.memref_squeeze %dma_start3A_46 : memref<1x80xi32, #tpu.memory_space<vmem>> -> memref<80xi32, #tpu.memory_space<vmem>>
        %dma_start3A_48 = arith.constant 0 : i32
        %dma_start3A_49 = tpu.memref_slice %arg12[%dma_start3A_48] : memref<10000xf32, #tpu.memory_space<vmem_shared>> -> memref<10000xf32, #tpu.memory_space<vmem_shared>>
        tpu.enqueue_indirect_dma source(%dma_start3A_44 : memref<80xf32, #tpu.memory_space<vmem>>) target(%dma_start3A_49 : memref<10000xf32, #tpu.memory_space<vmem_shared>>) offsets(%dma_start3A_47 : memref<80xi32, #tpu.memory_space<vmem>>) semaphore(%run_scoped3A_43 : memref<!tpu.dma_semaphore, #tpu.memory_space<semaphore_mem>>) {add = true}
        %dma_wait3A = arith.constant 240 : i32
        %dma_wait3A_50 = tpu.memref_slice %arg11[%dma_wait3A] : memref<400xf32, #tpu.memory_space<vmem>> -> memref<80xf32, #tpu.memory_space<vmem>>
        %dma_wait3A_51 = arith.constant 0 : i32
        %dma_wait3A_52 = tpu.memref_slice %arg10[%run_scoped3A_41, %dma_wait3A_51] : memref<5x80xi32, #tpu.memory_space<vmem>> -> memref<1x80xi32, #tpu.memory_space<vmem>>
        %dma_wait3A_53 = tpu.memref_squeeze %dma_wait3A_52 : memref<1x80xi32, #tpu.memory_space<vmem>> -> memref<80xi32, #tpu.memory_space<vmem>>
        %dma_wait3A_54 = arith.constant 0 : i32
        %dma_wait3A_55 = tpu.memref_slice %arg12[%dma_wait3A_54] : memref<10000xf32, #tpu.memory_space<vmem_shared>> -> memref<10000xf32, #tpu.memory_space<vmem_shared>>
        tpu.wait_indirect_dma semaphore(%run_scoped3A_43 : memref<!tpu.dma_semaphore, #tpu.memory_space<semaphore_mem>>) src(%dma_wait3A_50 : memref<80xf32, #tpu.memory_space<vmem>>) dst(%dma_wait3A_55 : memref<10000xf32, #tpu.memory_space<vmem_shared>>)
        tpu.yield
      }) : () -> ()
      %run_scoped3A_42 = arith.constant 4 : i32
      "tpu.region"() ({
        %run_scoped3A_43 = tpu.sem_alloc : memref<!tpu.dma_semaphore, #tpu.memory_space<semaphore_mem>>
        %dma_start3A = arith.constant 320 : i32
        %dma_start3A_44 = tpu.memref_slice %arg11[%dma_start3A] : memref<400xf32, #tpu.memory_space<vmem>> -> memref<80xf32, #tpu.memory_space<vmem>>
        %dma_start3A_45 = arith.constant 0 : i32
        %dma_start3A_46 = tpu.memref_slice %arg10[%run_scoped3A_42, %dma_start3A_45] : memref<5x80xi32, #tpu.memory_space<vmem>> -> memref<1x80xi32, #tpu.memory_space<vmem>>
        %dma_start3A_47 = tpu.memref_squeeze %dma_start3A_46 : memref<1x80xi32, #tpu.memory_space<vmem>> -> memref<80xi32, #tpu.memory_space<vmem>>
        %dma_start3A_48 = arith.constant 0 : i32
        %dma_start3A_49 = tpu.memref_slice %arg12[%dma_start3A_48] : memref<10000xf32, #tpu.memory_space<vmem_shared>> -> memref<10000xf32, #tpu.memory_space<vmem_shared>>
        tpu.enqueue_indirect_dma source(%dma_start3A_44 : memref<80xf32, #tpu.memory_space<vmem>>) target(%dma_start3A_49 : memref<10000xf32, #tpu.memory_space<vmem_shared>>) offsets(%dma_start3A_47 : memref<80xi32, #tpu.memory_space<vmem>>) semaphore(%run_scoped3A_43 : memref<!tpu.dma_semaphore, #tpu.memory_space<semaphore_mem>>) {add = true}
        %dma_wait3A = arith.constant 320 : i32
        %dma_wait3A_50 = tpu.memref_slice %arg11[%dma_wait3A] : memref<400xf32, #tpu.memory_space<vmem>> -> memref<80xf32, #tpu.memory_space<vmem>>
        %dma_wait3A_51 = arith.constant 0 : i32
        %dma_wait3A_52 = tpu.memref_slice %arg10[%run_scoped3A_42, %dma_wait3A_51] : memref<5x80xi32, #tpu.memory_space<vmem>> -> memref<1x80xi32, #tpu.memory_space<vmem>>
        %dma_wait3A_53 = tpu.memref_squeeze %dma_wait3A_52 : memref<1x80xi32, #tpu.memory_space<vmem>> -> memref<80xi32, #tpu.memory_space<vmem>>
        %dma_wait3A_54 = arith.constant 0 : i32
        %dma_wait3A_55 = tpu.memref_slice %arg12[%dma_wait3A_54] : memref<10000xf32, #tpu.memory_space<vmem_shared>> -> memref<10000xf32, #tpu.memory_space<vmem_shared>>
        tpu.wait_indirect_dma semaphore(%run_scoped3A_43 : memref<!tpu.dma_semaphore, #tpu.memory_space<semaphore_mem>>) src(%dma_wait3A_50 : memref<80xf32, #tpu.memory_space<vmem>>) dst(%dma_wait3A_55 : memref<10000xf32, #tpu.memory_space<vmem_shared>>)
        tpu.yield
      }) : () -> ()
    }
    %scan3A_12 = arith.constant 25 : i32
    %barrier3A_13 = arith.constant 0 : index
    tpu.barrier barrier_id(%barrier3A_13)
    %eq3A_14 = arith.constant 0 : i32
    %eq3A_15 = arith.cmpi eq, %arg1, %eq3A_14 : i32
    %convert_element_type3A_16 = arith.extui %eq3A_15 : i1 to i32
    %cond3A_17 = arith.constant 0 : i32
    %cond3A_18 = arith.cmpi ne, %convert_element_type3A_16, %cond3A_17 : i32
    scf.if %cond3A_18 {
      "tpu.region"() ({
        %run_scoped3A = tpu.sem_alloc : memref<!tpu.dma_semaphore, #tpu.memory_space<semaphore_mem>>
        %dma_start3A = arith.constant 0 : i32
        %dma_start3A_19 = tpu.memref_slice %arg7[%arg0, %dma_start3A] : memref<2x10000xf32, #tpu.memory_space<hbm>> -> memref<1x10000xf32, #tpu.memory_space<hbm>>
        %dma_start3A_20 = tpu.memref_squeeze %dma_start3A_19 : memref<1x10000xf32, #tpu.memory_space<hbm>> -> memref<10000xf32, #tpu.memory_space<hbm>>
        tpu.enqueue_dma source(%arg12 : memref<10000xf32, #tpu.memory_space<vmem_shared>>) target(%dma_start3A_20 : memref<10000xf32, #tpu.memory_space<hbm>>) target_semaphore(%run_scoped3A : memref<!tpu.dma_semaphore, #tpu.memory_space<semaphore_mem>>)
        %dma_wait3A = arith.constant 0 : i32
        %dma_wait3A_21 = tpu.memref_slice %arg7[%arg0, %dma_wait3A] : memref<2x10000xf32, #tpu.memory_space<hbm>> -> memref<1x10000xf32, #tpu.memory_space<hbm>>
        %dma_wait3A_22 = tpu.memref_squeeze %dma_wait3A_21 : memref<1x10000xf32, #tpu.memory_space<hbm>> -> memref<10000xf32, #tpu.memory_space<hbm>>
        tpu.wait_dma2 semaphore(%run_scoped3A : memref<!tpu.dma_semaphore, #tpu.memory_space<semaphore_mem>>) src(%arg12 : memref<10000xf32, #tpu.memory_space<vmem_shared>>) dst(%dma_wait3A_22 : memref<10000xf32, #tpu.memory_space<hbm>>)
        tpu.yield
      }) : () -> ()
    } else {
    }
    return
  }
}

#map = affine_map<(d0, d1) -> (0, 0)>
#map1 = affine_map<(d0, d1) -> (0, 0, 0)>
module attributes {stable_mosaic.version = 14 : i64} {
  func.func @k(%arg0: i32, %arg1: i32, %arg2: memref<4000x80xi32, #tpu.memory_space<hbm>>, %arg3: memref<4000x80xi32, #tpu.memory_space<hbm>>, %arg4: memref<10000x16xf32, #tpu.memory_space<hbm>>, %arg5: memref<10000x16xf32, #tpu.memory_space<hbm>>, %arg6: memref<320000x16xf32, #tpu.memory_space<hbm>>, %arg7: memref<2x10000x16xf32, #tpu.memory_space<hbm>>, %arg8: memref<5x80xi32, #tpu.memory_space<vmem>>, %arg9: memref<5x80xi32, #tpu.memory_space<vmem>>, %arg10: memref<400x16xf32, #tpu.memory_space<vmem>>, %arg11: memref<400x16xf32, #tpu.memory_space<vmem>>, %arg12: memref<400x16xf32, #tpu.memory_space<vmem>>, %arg13: memref<10000x16xf32, #tpu.memory_space<vmem_shared>>, %arg14: memref<!tpu.dma_semaphore, #tpu.memory_space<semaphore_mem>>) attributes {dimension_semantics = [#tpu.dimension_semantics<core_parallel>, #tpu.dimension_semantics<subcore_parallel>], iteration_bounds = array<i64: 2, 16>, scalar_prefetch = 0 : i64, scratch_operands = 7 : i64, tpu.core_type = #tpu.core_type<sc_vector_subcore>, window_params = [{transform_indices = #map}, {transform_indices = #map}, {transform_indices = #map}, {transform_indices = #map}, {transform_indices = #map}, {transform_indices = #map1}]} {
    %mul3A = arith.constant 16 : i32
    %mul3A_0 = arith.muli %arg0, %mul3A : i32
    %add3A = arith.addi %mul3A_0, %arg1 : i32
    %iota3A = tpu.iota {dimensions = array<i32: 0>} : vector<16xi32>
    %jit3A = arith.constant 8 : i32
    %eq3A = arith.constant 0 : i32
    %eq3A_1 = arith.cmpi eq, %jit3A, %eq3A : i32
    %jit3A_2 = arith.constant 1 : i32
    %select_n3A = arith.select %eq3A_1, %jit3A_2, %jit3A : i32
    %rem3A = vector.broadcast %select_n3A : i32 to vector<16xi32>
    %rem3A_3 = arith.remsi %iota3A, %rem3A : vector<16xi32>
    %ne3A = arith.constant 0 : i32
    %ne3A_4 = vector.broadcast %ne3A : i32 to vector<16xi32>
    %ne3A_5 = arith.cmpi ne, %rem3A_3, %ne3A_4 : vector<16xi32>
    %lt3A = arith.constant 0 : i32
    %lt3A_6 = vector.broadcast %lt3A : i32 to vector<16xi32>
    %lt3A_7 = arith.cmpi slt, %rem3A_3, %lt3A_6 : vector<16xi32>
    %lt3A_8 = arith.constant 0 : i32
    %lt3A_9 = arith.cmpi slt, %select_n3A, %lt3A_8 : i32
    %ne3A_10 = vector.broadcast %lt3A_9 : i1 to vector<16xi1>
    %ne3A_11 = vector.broadcast %ne3A_10 : vector<16xi1> to vector<16xi1>
    %ne3A_12 = arith.xori %lt3A_7, %ne3A_11 : vector<16xi1>
    %and3A = arith.andi %ne3A_12, %ne3A_5 : vector<16xi1>
    %add3A_13 = vector.broadcast %select_n3A : i32 to vector<16xi32>
    %add3A_14 = arith.addi %rem3A_3, %add3A_13 : vector<16xi32>
    %select_n3A_15 = arith.select %and3A, %add3A_14, %rem3A_3 : vector<16xi1>, vector<16xi32>
    %add3A_16 = arith.constant 8 : i32
    %add3A_17 = vector.broadcast %add3A_16 : i32 to vector<16xi32>
    %add3A_18 = arith.addi %select_n3A_15, %add3A_17 : vector<16xi32>
    %eq3A_19 = arith.constant 0 : i32
    %eq3A_20 = arith.cmpi eq, %arg1, %eq3A_19 : i32
    %convert_element_type3A = arith.extui %eq3A_20 : i1 to i32
    %cond3A = arith.constant 0 : i32
    %cond3A_21 = arith.cmpi ne, %convert_element_type3A, %cond3A : i32
    scf.if %cond3A_21 {
      "tpu.region"() ({
        %run_scoped3A = tpu.sem_alloc : memref<!tpu.dma_semaphore, #tpu.memory_space<semaphore_mem>>
        tpu.enqueue_dma source(%arg5 : memref<10000x16xf32, #tpu.memory_space<hbm>>) target(%arg13 : memref<10000x16xf32, #tpu.memory_space<vmem_shared>>) target_semaphore(%run_scoped3A : memref<!tpu.dma_semaphore, #tpu.memory_space<semaphore_mem>>)
        tpu.wait_dma2 semaphore(%run_scoped3A : memref<!tpu.dma_semaphore, #tpu.memory_space<semaphore_mem>>) src(%arg5 : memref<10000x16xf32, #tpu.memory_space<hbm>>) dst(%arg13 : memref<10000x16xf32, #tpu.memory_space<vmem_shared>>)
        tpu.yield
      }) : () -> ()
    } else {
    }
    %barrier3A = arith.constant 0 : index
    tpu.barrier barrier_id(%barrier3A)
    %scan3A = arith.constant 0 : i32
    %scan3A_22 = arith.constant 25 : i32
    %scan3A_23 = arith.addi %scan3A, %scan3A_22 : i32
    %scan3A_24 = arith.constant 1 : i32
    scf.for %scan3A_32 = %scan3A to %scan3A_23 step %scan3A_24  : i32 {
      %mul3A_33 = arith.constant 1 : i32
      %mul3A_34 = arith.muli %scan3A_32, %mul3A_33 : i32
      %add3A_35 = arith.constant 0 : i32
      %add3A_36 = arith.addi %add3A_35, %mul3A_34 : i32
      %mul3A_37 = arith.constant 10000 : i32
      %mul3A_38 = arith.muli %add3A, %mul3A_37 : i32
      %mul3A_39 = arith.constant 400 : i32
      %mul3A_40 = arith.muli %add3A_36, %mul3A_39 : i32
      %add3A_41 = arith.addi %mul3A_38, %mul3A_40 : i32
      %mul3A_42 = arith.constant 125 : i32
      %mul3A_43 = arith.muli %add3A, %mul3A_42 : i32
      %mul3A_44 = arith.constant 5 : i32
      %mul3A_45 = arith.muli %add3A_36, %mul3A_44 : i32
      %add3A_46 = arith.addi %mul3A_43, %mul3A_45 : i32
      "tpu.region"() ({
        %run_scoped3A_254 = tpu.sem_alloc : memref<!tpu.dma_semaphore, #tpu.memory_space<semaphore_mem>>
        %dma_start3A_255 = arith.constant 0 : i32
        %dma_start3A_256 = tpu.memref_slice %arg2[%add3A_46, %dma_start3A_255] : memref<4000x80xi32, #tpu.memory_space<hbm>> -> memref<5x80xi32, #tpu.memory_space<hbm>>
        %dma_start3A_257 = arith.constant 0 : i32
        %dma_start3A_258 = tpu.memref_slice %arg2[%add3A_46, %dma_start3A_257] : memref<4000x80xi32, #tpu.memory_space<hbm>> -> memref<5x80xi32, #tpu.memory_space<hbm>>
        tpu.enqueue_dma source(%dma_start3A_258 : memref<5x80xi32, #tpu.memory_space<hbm>>) target(%arg8 : memref<5x80xi32, #tpu.memory_space<vmem>>) target_semaphore(%run_scoped3A_254 : memref<!tpu.dma_semaphore, #tpu.memory_space<semaphore_mem>>)
        %dma_wait3A_259 = arith.constant 0 : i32
        %dma_wait3A_260 = tpu.memref_slice %arg2[%add3A_46, %dma_wait3A_259] : memref<4000x80xi32, #tpu.memory_space<hbm>> -> memref<5x80xi32, #tpu.memory_space<hbm>>
        %dma_wait3A_261 = arith.constant 0 : i32
        %dma_wait3A_262 = tpu.memref_slice %arg2[%add3A_46, %dma_wait3A_261] : memref<4000x80xi32, #tpu.memory_space<hbm>> -> memref<5x80xi32, #tpu.memory_space<hbm>>
        tpu.wait_dma2 semaphore(%run_scoped3A_254 : memref<!tpu.dma_semaphore, #tpu.memory_space<semaphore_mem>>) src(%dma_wait3A_262 : memref<5x80xi32, #tpu.memory_space<hbm>>) dst(%arg8 : memref<5x80xi32, #tpu.memory_space<vmem>>)
        tpu.yield
      }) : () -> ()
      "tpu.region"() ({
        %run_scoped3A_254 = tpu.sem_alloc : memref<!tpu.dma_semaphore, #tpu.memory_space<semaphore_mem>>
        %dma_start3A_255 = arith.constant 0 : i32
        %dma_start3A_256 = tpu.memref_slice %arg3[%add3A_46, %dma_start3A_255] : memref<4000x80xi32, #tpu.memory_space<hbm>> -> memref<5x80xi32, #tpu.memory_space<hbm>>
        %dma_start3A_257 = arith.constant 0 : i32
        %dma_start3A_258 = tpu.memref_slice %arg3[%add3A_46, %dma_start3A_257] : memref<4000x80xi32, #tpu.memory_space<hbm>> -> memref<5x80xi32, #tpu.memory_space<hbm>>
        tpu.enqueue_dma source(%dma_start3A_258 : memref<5x80xi32, #tpu.memory_space<hbm>>) target(%arg9 : memref<5x80xi32, #tpu.memory_space<vmem>>) target_semaphore(%run_scoped3A_254 : memref<!tpu.dma_semaphore, #tpu.memory_space<semaphore_mem>>)
        %dma_wait3A_259 = arith.constant 0 : i32
        %dma_wait3A_260 = tpu.memref_slice %arg3[%add3A_46, %dma_wait3A_259] : memref<4000x80xi32, #tpu.memory_space<hbm>> -> memref<5x80xi32, #tpu.memory_space<hbm>>
        %dma_wait3A_261 = arith.constant 0 : i32
        %dma_wait3A_262 = tpu.memref_slice %arg3[%add3A_46, %dma_wait3A_261] : memref<4000x80xi32, #tpu.memory_space<hbm>> -> memref<5x80xi32, #tpu.memory_space<hbm>>
        tpu.wait_dma2 semaphore(%run_scoped3A_254 : memref<!tpu.dma_semaphore, #tpu.memory_space<semaphore_mem>>) src(%dma_wait3A_262 : memref<5x80xi32, #tpu.memory_space<hbm>>) dst(%arg9 : memref<5x80xi32, #tpu.memory_space<vmem>>)
        tpu.yield
      }) : () -> ()
      %dma_start3A = arith.constant 0 : i32
      %dma_start3A_47 = arith.constant 0 : i32
      %dma_start3A_48 = arith.constant 0 : i32
      %dma_start3A_49 = tpu.memref_slice %arg10[%dma_start3A_47, %dma_start3A_48] : memref<400x16xf32, #tpu.memory_space<vmem>> -> memref<80x16xf32, #tpu.memory_space<vmem>>
      %dma_start3A_50 = arith.constant 0 : i32
      %dma_start3A_51 = tpu.memref_slice %arg8[%dma_start3A, %dma_start3A_50] : memref<5x80xi32, #tpu.memory_space<vmem>> -> memref<1x80xi32, #tpu.memory_space<vmem>>
      %dma_start3A_52 = tpu.memref_squeeze %dma_start3A_51 : memref<1x80xi32, #tpu.memory_space<vmem>> -> memref<80xi32, #tpu.memory_space<vmem>>
      %dma_start3A_53 = arith.constant 0 : i32
      %dma_start3A_54 = arith.constant 0 : i32
      %dma_start3A_55 = tpu.memref_slice %arg4[%dma_start3A_53, %dma_start3A_54] : memref<10000x16xf32, #tpu.memory_space<hbm>> -> memref<10000x16xf32, #tpu.memory_space<hbm>>
      tpu.enqueue_indirect_dma source(%dma_start3A_55 : memref<10000x16xf32, #tpu.memory_space<hbm>>) target(%dma_start3A_49 : memref<80x16xf32, #tpu.memory_space<vmem>>) offsets(%dma_start3A_52 : memref<80xi32, #tpu.memory_space<vmem>>) semaphore(%arg14 : memref<!tpu.dma_semaphore, #tpu.memory_space<semaphore_mem>>)
      %dma_start3A_56 = arith.constant 0 : i32
      %dma_start3A_57 = arith.constant 0 : i32
      %dma_start3A_58 = arith.constant 0 : i32
      %dma_start3A_59 = tpu.memref_slice %arg11[%dma_start3A_57, %dma_start3A_58] : memref<400x16xf32, #tpu.memory_space<vmem>> -> memref<80x16xf32, #tpu.memory_space<vmem>>
      %dma_start3A_60 = arith.constant 0 : i32
      %dma_start3A_61 = tpu.memref_slice %arg9[%dma_start3A_56, %dma_start3A_60] : memref<5x80xi32, #tpu.memory_space<vmem>> -> memref<1x80xi32, #tpu.memory_space<vmem>>
      %dma_start3A_62 = tpu.memref_squeeze %dma_start3A_61 : memref<1x80xi32, #tpu.memory_space<vmem>> -> memref<80xi32, #tpu.memory_space<vmem>>
      %dma_start3A_63 = arith.constant 0 : i32
      %dma_start3A_64 = arith.constant 0 : i32
      %dma_start3A_65 = tpu.memref_slice %arg4[%dma_start3A_63, %dma_start3A_64] : memref<10000x16xf32, #tpu.memory_space<hbm>> -> memref<10000x16xf32, #tpu.memory_space<hbm>>
      tpu.enqueue_indirect_dma source(%dma_start3A_65 : memref<10000x16xf32, #tpu.memory_space<hbm>>) target(%dma_start3A_59 : memref<80x16xf32, #tpu.memory_space<vmem>>) offsets(%dma_start3A_62 : memref<80xi32, #tpu.memory_space<vmem>>) semaphore(%arg14 : memref<!tpu.dma_semaphore, #tpu.memory_space<semaphore_mem>>)
      %dma_start3A_66 = arith.constant 1 : i32
      %dma_start3A_67 = arith.constant 80 : i32
      %dma_start3A_68 = arith.constant 0 : i32
      %dma_start3A_69 = tpu.memref_slice %arg10[%dma_start3A_67, %dma_start3A_68] : memref<400x16xf32, #tpu.memory_space<vmem>> -> memref<80x16xf32, #tpu.memory_space<vmem>>
      %dma_start3A_70 = arith.constant 0 : i32
      %dma_start3A_71 = tpu.memref_slice %arg8[%dma_start3A_66, %dma_start3A_70] : memref<5x80xi32, #tpu.memory_space<vmem>> -> memref<1x80xi32, #tpu.memory_space<vmem>>
      %dma_start3A_72 = tpu.memref_squeeze %dma_start3A_71 : memref<1x80xi32, #tpu.memory_space<vmem>> -> memref<80xi32, #tpu.memory_space<vmem>>
      %dma_start3A_73 = arith.constant 0 : i32
      %dma_start3A_74 = arith.constant 0 : i32
      %dma_start3A_75 = tpu.memref_slice %arg4[%dma_start3A_73, %dma_start3A_74] : memref<10000x16xf32, #tpu.memory_space<hbm>> -> memref<10000x16xf32, #tpu.memory_space<hbm>>
      tpu.enqueue_indirect_dma source(%dma_start3A_75 : memref<10000x16xf32, #tpu.memory_space<hbm>>) target(%dma_start3A_69 : memref<80x16xf32, #tpu.memory_space<vmem>>) offsets(%dma_start3A_72 : memref<80xi32, #tpu.memory_space<vmem>>) semaphore(%arg14 : memref<!tpu.dma_semaphore, #tpu.memory_space<semaphore_mem>>)
      %dma_start3A_76 = arith.constant 1 : i32
      %dma_start3A_77 = arith.constant 80 : i32
      %dma_start3A_78 = arith.constant 0 : i32
      %dma_start3A_79 = tpu.memref_slice %arg11[%dma_start3A_77, %dma_start3A_78] : memref<400x16xf32, #tpu.memory_space<vmem>> -> memref<80x16xf32, #tpu.memory_space<vmem>>
      %dma_start3A_80 = arith.constant 0 : i32
      %dma_start3A_81 = tpu.memref_slice %arg9[%dma_start3A_76, %dma_start3A_80] : memref<5x80xi32, #tpu.memory_space<vmem>> -> memref<1x80xi32, #tpu.memory_space<vmem>>
      %dma_start3A_82 = tpu.memref_squeeze %dma_start3A_81 : memref<1x80xi32, #tpu.memory_space<vmem>> -> memref<80xi32, #tpu.memory_space<vmem>>
      %dma_start3A_83 = arith.constant 0 : i32
      %dma_start3A_84 = arith.constant 0 : i32
      %dma_start3A_85 = tpu.memref_slice %arg4[%dma_start3A_83, %dma_start3A_84] : memref<10000x16xf32, #tpu.memory_space<hbm>> -> memref<10000x16xf32, #tpu.memory_space<hbm>>
      tpu.enqueue_indirect_dma source(%dma_start3A_85 : memref<10000x16xf32, #tpu.memory_space<hbm>>) target(%dma_start3A_79 : memref<80x16xf32, #tpu.memory_space<vmem>>) offsets(%dma_start3A_82 : memref<80xi32, #tpu.memory_space<vmem>>) semaphore(%arg14 : memref<!tpu.dma_semaphore, #tpu.memory_space<semaphore_mem>>)
      %dma_start3A_86 = arith.constant 2 : i32
      %dma_start3A_87 = arith.constant 160 : i32
      %dma_start3A_88 = arith.constant 0 : i32
      %dma_start3A_89 = tpu.memref_slice %arg10[%dma_start3A_87, %dma_start3A_88] : memref<400x16xf32, #tpu.memory_space<vmem>> -> memref<80x16xf32, #tpu.memory_space<vmem>>
      %dma_start3A_90 = arith.constant 0 : i32
      %dma_start3A_91 = tpu.memref_slice %arg8[%dma_start3A_86, %dma_start3A_90] : memref<5x80xi32, #tpu.memory_space<vmem>> -> memref<1x80xi32, #tpu.memory_space<vmem>>
      %dma_start3A_92 = tpu.memref_squeeze %dma_start3A_91 : memref<1x80xi32, #tpu.memory_space<vmem>> -> memref<80xi32, #tpu.memory_space<vmem>>
      %dma_start3A_93 = arith.constant 0 : i32
      %dma_start3A_94 = arith.constant 0 : i32
      %dma_start3A_95 = tpu.memref_slice %arg4[%dma_start3A_93, %dma_start3A_94] : memref<10000x16xf32, #tpu.memory_space<hbm>> -> memref<10000x16xf32, #tpu.memory_space<hbm>>
      tpu.enqueue_indirect_dma source(%dma_start3A_95 : memref<10000x16xf32, #tpu.memory_space<hbm>>) target(%dma_start3A_89 : memref<80x16xf32, #tpu.memory_space<vmem>>) offsets(%dma_start3A_92 : memref<80xi32, #tpu.memory_space<vmem>>) semaphore(%arg14 : memref<!tpu.dma_semaphore, #tpu.memory_space<semaphore_mem>>)
      %dma_start3A_96 = arith.constant 2 : i32
      %dma_start3A_97 = arith.constant 160 : i32
      %dma_start3A_98 = arith.constant 0 : i32
      %dma_start3A_99 = tpu.memref_slice %arg11[%dma_start3A_97, %dma_start3A_98] : memref<400x16xf32, #tpu.memory_space<vmem>> -> memref<80x16xf32, #tpu.memory_space<vmem>>
      %dma_start3A_100 = arith.constant 0 : i32
      %dma_start3A_101 = tpu.memref_slice %arg9[%dma_start3A_96, %dma_start3A_100] : memref<5x80xi32, #tpu.memory_space<vmem>> -> memref<1x80xi32, #tpu.memory_space<vmem>>
      %dma_start3A_102 = tpu.memref_squeeze %dma_start3A_101 : memref<1x80xi32, #tpu.memory_space<vmem>> -> memref<80xi32, #tpu.memory_space<vmem>>
      %dma_start3A_103 = arith.constant 0 : i32
      %dma_start3A_104 = arith.constant 0 : i32
      %dma_start3A_105 = tpu.memref_slice %arg4[%dma_start3A_103, %dma_start3A_104] : memref<10000x16xf32, #tpu.memory_space<hbm>> -> memref<10000x16xf32, #tpu.memory_space<hbm>>
      tpu.enqueue_indirect_dma source(%dma_start3A_105 : memref<10000x16xf32, #tpu.memory_space<hbm>>) target(%dma_start3A_99 : memref<80x16xf32, #tpu.memory_space<vmem>>) offsets(%dma_start3A_102 : memref<80xi32, #tpu.memory_space<vmem>>) semaphore(%arg14 : memref<!tpu.dma_semaphore, #tpu.memory_space<semaphore_mem>>)
      %dma_start3A_106 = arith.constant 3 : i32
      %dma_start3A_107 = arith.constant 240 : i32
      %dma_start3A_108 = arith.constant 0 : i32
      %dma_start3A_109 = tpu.memref_slice %arg10[%dma_start3A_107, %dma_start3A_108] : memref<400x16xf32, #tpu.memory_space<vmem>> -> memref<80x16xf32, #tpu.memory_space<vmem>>
      %dma_start3A_110 = arith.constant 0 : i32
      %dma_start3A_111 = tpu.memref_slice %arg8[%dma_start3A_106, %dma_start3A_110] : memref<5x80xi32, #tpu.memory_space<vmem>> -> memref<1x80xi32, #tpu.memory_space<vmem>>
      %dma_start3A_112 = tpu.memref_squeeze %dma_start3A_111 : memref<1x80xi32, #tpu.memory_space<vmem>> -> memref<80xi32, #tpu.memory_space<vmem>>
      %dma_start3A_113 = arith.constant 0 : i32
      %dma_start3A_114 = arith.constant 0 : i32
      %dma_start3A_115 = tpu.memref_slice %arg4[%dma_start3A_113, %dma_start3A_114] : memref<10000x16xf32, #tpu.memory_space<hbm>> -> memref<10000x16xf32, #tpu.memory_space<hbm>>
      tpu.enqueue_indirect_dma source(%dma_start3A_115 : memref<10000x16xf32, #tpu.memory_space<hbm>>) target(%dma_start3A_109 : memref<80x16xf32, #tpu.memory_space<vmem>>) offsets(%dma_start3A_112 : memref<80xi32, #tpu.memory_space<vmem>>) semaphore(%arg14 : memref<!tpu.dma_semaphore, #tpu.memory_space<semaphore_mem>>)
      %dma_start3A_116 = arith.constant 3 : i32
      %dma_start3A_117 = arith.constant 240 : i32
      %dma_start3A_118 = arith.constant 0 : i32
      %dma_start3A_119 = tpu.memref_slice %arg11[%dma_start3A_117, %dma_start3A_118] : memref<400x16xf32, #tpu.memory_space<vmem>> -> memref<80x16xf32, #tpu.memory_space<vmem>>
      %dma_start3A_120 = arith.constant 0 : i32
      %dma_start3A_121 = tpu.memref_slice %arg9[%dma_start3A_116, %dma_start3A_120] : memref<5x80xi32, #tpu.memory_space<vmem>> -> memref<1x80xi32, #tpu.memory_space<vmem>>
      %dma_start3A_122 = tpu.memref_squeeze %dma_start3A_121 : memref<1x80xi32, #tpu.memory_space<vmem>> -> memref<80xi32, #tpu.memory_space<vmem>>
      %dma_start3A_123 = arith.constant 0 : i32
      %dma_start3A_124 = arith.constant 0 : i32
      %dma_start3A_125 = tpu.memref_slice %arg4[%dma_start3A_123, %dma_start3A_124] : memref<10000x16xf32, #tpu.memory_space<hbm>> -> memref<10000x16xf32, #tpu.memory_space<hbm>>
      tpu.enqueue_indirect_dma source(%dma_start3A_125 : memref<10000x16xf32, #tpu.memory_space<hbm>>) target(%dma_start3A_119 : memref<80x16xf32, #tpu.memory_space<vmem>>) offsets(%dma_start3A_122 : memref<80xi32, #tpu.memory_space<vmem>>) semaphore(%arg14 : memref<!tpu.dma_semaphore, #tpu.memory_space<semaphore_mem>>)
      %dma_start3A_126 = arith.constant 4 : i32
      %dma_start3A_127 = arith.constant 320 : i32
      %dma_start3A_128 = arith.constant 0 : i32
      %dma_start3A_129 = tpu.memref_slice %arg10[%dma_start3A_127, %dma_start3A_128] : memref<400x16xf32, #tpu.memory_space<vmem>> -> memref<80x16xf32, #tpu.memory_space<vmem>>
      %dma_start3A_130 = arith.constant 0 : i32
      %dma_start3A_131 = tpu.memref_slice %arg8[%dma_start3A_126, %dma_start3A_130] : memref<5x80xi32, #tpu.memory_space<vmem>> -> memref<1x80xi32, #tpu.memory_space<vmem>>
      %dma_start3A_132 = tpu.memref_squeeze %dma_start3A_131 : memref<1x80xi32, #tpu.memory_space<vmem>> -> memref<80xi32, #tpu.memory_space<vmem>>
      %dma_start3A_133 = arith.constant 0 : i32
      %dma_start3A_134 = arith.constant 0 : i32
      %dma_start3A_135 = tpu.memref_slice %arg4[%dma_start3A_133, %dma_start3A_134] : memref<10000x16xf32, #tpu.memory_space<hbm>> -> memref<10000x16xf32, #tpu.memory_space<hbm>>
      tpu.enqueue_indirect_dma source(%dma_start3A_135 : memref<10000x16xf32, #tpu.memory_space<hbm>>) target(%dma_start3A_129 : memref<80x16xf32, #tpu.memory_space<vmem>>) offsets(%dma_start3A_132 : memref<80xi32, #tpu.memory_space<vmem>>) semaphore(%arg14 : memref<!tpu.dma_semaphore, #tpu.memory_space<semaphore_mem>>)
      %dma_start3A_136 = arith.constant 4 : i32
      %dma_start3A_137 = arith.constant 320 : i32
      %dma_start3A_138 = arith.constant 0 : i32
      %dma_start3A_139 = tpu.memref_slice %arg11[%dma_start3A_137, %dma_start3A_138] : memref<400x16xf32, #tpu.memory_space<vmem>> -> memref<80x16xf32, #tpu.memory_space<vmem>>
      %dma_start3A_140 = arith.constant 0 : i32
      %dma_start3A_141 = tpu.memref_slice %arg9[%dma_start3A_136, %dma_start3A_140] : memref<5x80xi32, #tpu.memory_space<vmem>> -> memref<1x80xi32, #tpu.memory_space<vmem>>
      %dma_start3A_142 = tpu.memref_squeeze %dma_start3A_141 : memref<1x80xi32, #tpu.memory_space<vmem>> -> memref<80xi32, #tpu.memory_space<vmem>>
      %dma_start3A_143 = arith.constant 0 : i32
      %dma_start3A_144 = arith.constant 0 : i32
      %dma_start3A_145 = tpu.memref_slice %arg4[%dma_start3A_143, %dma_start3A_144] : memref<10000x16xf32, #tpu.memory_space<hbm>> -> memref<10000x16xf32, #tpu.memory_space<hbm>>
      tpu.enqueue_indirect_dma source(%dma_start3A_145 : memref<10000x16xf32, #tpu.memory_space<hbm>>) target(%dma_start3A_139 : memref<80x16xf32, #tpu.memory_space<vmem>>) offsets(%dma_start3A_142 : memref<80xi32, #tpu.memory_space<vmem>>) semaphore(%arg14 : memref<!tpu.dma_semaphore, #tpu.memory_space<semaphore_mem>>)
      %dma_wait3A = arith.constant 0 : i32
      %dma_wait3A_146 = arith.constant 0 : i32
      %dma_wait3A_147 = arith.constant 0 : i32
      %dma_wait3A_148 = tpu.memref_slice %arg10[%dma_wait3A_146, %dma_wait3A_147] : memref<400x16xf32, #tpu.memory_space<vmem>> -> memref<80x16xf32, #tpu.memory_space<vmem>>
      %dma_wait3A_149 = arith.constant 0 : i32
      %dma_wait3A_150 = tpu.memref_slice %arg8[%dma_wait3A, %dma_wait3A_149] : memref<5x80xi32, #tpu.memory_space<vmem>> -> memref<1x80xi32, #tpu.memory_space<vmem>>
      %dma_wait3A_151 = tpu.memref_squeeze %dma_wait3A_150 : memref<1x80xi32, #tpu.memory_space<vmem>> -> memref<80xi32, #tpu.memory_space<vmem>>
      %dma_wait3A_152 = arith.constant 0 : i32
      %dma_wait3A_153 = arith.constant 0 : i32
      %dma_wait3A_154 = tpu.memref_slice %arg4[%dma_wait3A_152, %dma_wait3A_153] : memref<10000x16xf32, #tpu.memory_space<hbm>> -> memref<10000x16xf32, #tpu.memory_space<hbm>>
      tpu.wait_indirect_dma semaphore(%arg14 : memref<!tpu.dma_semaphore, #tpu.memory_space<semaphore_mem>>) src(%dma_wait3A_154 : memref<10000x16xf32, #tpu.memory_space<hbm>>) dst(%dma_wait3A_148 : memref<80x16xf32, #tpu.memory_space<vmem>>)
      %dma_wait3A_155 = arith.constant 0 : i32
      %dma_wait3A_156 = arith.constant 0 : i32
      %dma_wait3A_157 = arith.constant 0 : i32
      %dma_wait3A_158 = tpu.memref_slice %arg11[%dma_wait3A_156, %dma_wait3A_157] : memref<400x16xf32, #tpu.memory_space<vmem>> -> memref<80x16xf32, #tpu.memory_space<vmem>>
      %dma_wait3A_159 = arith.constant 0 : i32
      %dma_wait3A_160 = tpu.memref_slice %arg9[%dma_wait3A_155, %dma_wait3A_159] : memref<5x80xi32, #tpu.memory_space<vmem>> -> memref<1x80xi32, #tpu.memory_space<vmem>>
      %dma_wait3A_161 = tpu.memref_squeeze %dma_wait3A_160 : memref<1x80xi32, #tpu.memory_space<vmem>> -> memref<80xi32, #tpu.memory_space<vmem>>
      %dma_wait3A_162 = arith.constant 0 : i32
      %dma_wait3A_163 = arith.constant 0 : i32
      %dma_wait3A_164 = tpu.memref_slice %arg4[%dma_wait3A_162, %dma_wait3A_163] : memref<10000x16xf32, #tpu.memory_space<hbm>> -> memref<10000x16xf32, #tpu.memory_space<hbm>>
      tpu.wait_indirect_dma semaphore(%arg14 : memref<!tpu.dma_semaphore, #tpu.memory_space<semaphore_mem>>) src(%dma_wait3A_164 : memref<10000x16xf32, #tpu.memory_space<hbm>>) dst(%dma_wait3A_158 : memref<80x16xf32, #tpu.memory_space<vmem>>)
      %dma_wait3A_165 = arith.constant 1 : i32
      %dma_wait3A_166 = arith.constant 80 : i32
      %dma_wait3A_167 = arith.constant 0 : i32
      %dma_wait3A_168 = tpu.memref_slice %arg10[%dma_wait3A_166, %dma_wait3A_167] : memref<400x16xf32, #tpu.memory_space<vmem>> -> memref<80x16xf32, #tpu.memory_space<vmem>>
      %dma_wait3A_169 = arith.constant 0 : i32
      %dma_wait3A_170 = tpu.memref_slice %arg8[%dma_wait3A_165, %dma_wait3A_169] : memref<5x80xi32, #tpu.memory_space<vmem>> -> memref<1x80xi32, #tpu.memory_space<vmem>>
      %dma_wait3A_171 = tpu.memref_squeeze %dma_wait3A_170 : memref<1x80xi32, #tpu.memory_space<vmem>> -> memref<80xi32, #tpu.memory_space<vmem>>
      %dma_wait3A_172 = arith.constant 0 : i32
      %dma_wait3A_173 = arith.constant 0 : i32
      %dma_wait3A_174 = tpu.memref_slice %arg4[%dma_wait3A_172, %dma_wait3A_173] : memref<10000x16xf32, #tpu.memory_space<hbm>> -> memref<10000x16xf32, #tpu.memory_space<hbm>>
      tpu.wait_indirect_dma semaphore(%arg14 : memref<!tpu.dma_semaphore, #tpu.memory_space<semaphore_mem>>) src(%dma_wait3A_174 : memref<10000x16xf32, #tpu.memory_space<hbm>>) dst(%dma_wait3A_168 : memref<80x16xf32, #tpu.memory_space<vmem>>)
      %dma_wait3A_175 = arith.constant 1 : i32
      %dma_wait3A_176 = arith.constant 80 : i32
      %dma_wait3A_177 = arith.constant 0 : i32
      %dma_wait3A_178 = tpu.memref_slice %arg11[%dma_wait3A_176, %dma_wait3A_177] : memref<400x16xf32, #tpu.memory_space<vmem>> -> memref<80x16xf32, #tpu.memory_space<vmem>>
      %dma_wait3A_179 = arith.constant 0 : i32
      %dma_wait3A_180 = tpu.memref_slice %arg9[%dma_wait3A_175, %dma_wait3A_179] : memref<5x80xi32, #tpu.memory_space<vmem>> -> memref<1x80xi32, #tpu.memory_space<vmem>>
      %dma_wait3A_181 = tpu.memref_squeeze %dma_wait3A_180 : memref<1x80xi32, #tpu.memory_space<vmem>> -> memref<80xi32, #tpu.memory_space<vmem>>
      %dma_wait3A_182 = arith.constant 0 : i32
      %dma_wait3A_183 = arith.constant 0 : i32
      %dma_wait3A_184 = tpu.memref_slice %arg4[%dma_wait3A_182, %dma_wait3A_183] : memref<10000x16xf32, #tpu.memory_space<hbm>> -> memref<10000x16xf32, #tpu.memory_space<hbm>>
      tpu.wait_indirect_dma semaphore(%arg14 : memref<!tpu.dma_semaphore, #tpu.memory_space<semaphore_mem>>) src(%dma_wait3A_184 : memref<10000x16xf32, #tpu.memory_space<hbm>>) dst(%dma_wait3A_178 : memref<80x16xf32, #tpu.memory_space<vmem>>)
      %dma_wait3A_185 = arith.constant 2 : i32
      %dma_wait3A_186 = arith.constant 160 : i32
      %dma_wait3A_187 = arith.constant 0 : i32
      %dma_wait3A_188 = tpu.memref_slice %arg10[%dma_wait3A_186, %dma_wait3A_187] : memref<400x16xf32, #tpu.memory_space<vmem>> -> memref<80x16xf32, #tpu.memory_space<vmem>>
      %dma_wait3A_189 = arith.constant 0 : i32
      %dma_wait3A_190 = tpu.memref_slice %arg8[%dma_wait3A_185, %dma_wait3A_189] : memref<5x80xi32, #tpu.memory_space<vmem>> -> memref<1x80xi32, #tpu.memory_space<vmem>>
      %dma_wait3A_191 = tpu.memref_squeeze %dma_wait3A_190 : memref<1x80xi32, #tpu.memory_space<vmem>> -> memref<80xi32, #tpu.memory_space<vmem>>
      %dma_wait3A_192 = arith.constant 0 : i32
      %dma_wait3A_193 = arith.constant 0 : i32
      %dma_wait3A_194 = tpu.memref_slice %arg4[%dma_wait3A_192, %dma_wait3A_193] : memref<10000x16xf32, #tpu.memory_space<hbm>> -> memref<10000x16xf32, #tpu.memory_space<hbm>>
      tpu.wait_indirect_dma semaphore(%arg14 : memref<!tpu.dma_semaphore, #tpu.memory_space<semaphore_mem>>) src(%dma_wait3A_194 : memref<10000x16xf32, #tpu.memory_space<hbm>>) dst(%dma_wait3A_188 : memref<80x16xf32, #tpu.memory_space<vmem>>)
      %dma_wait3A_195 = arith.constant 2 : i32
      %dma_wait3A_196 = arith.constant 160 : i32
      %dma_wait3A_197 = arith.constant 0 : i32
      %dma_wait3A_198 = tpu.memref_slice %arg11[%dma_wait3A_196, %dma_wait3A_197] : memref<400x16xf32, #tpu.memory_space<vmem>> -> memref<80x16xf32, #tpu.memory_space<vmem>>
      %dma_wait3A_199 = arith.constant 0 : i32
      %dma_wait3A_200 = tpu.memref_slice %arg9[%dma_wait3A_195, %dma_wait3A_199] : memref<5x80xi32, #tpu.memory_space<vmem>> -> memref<1x80xi32, #tpu.memory_space<vmem>>
      %dma_wait3A_201 = tpu.memref_squeeze %dma_wait3A_200 : memref<1x80xi32, #tpu.memory_space<vmem>> -> memref<80xi32, #tpu.memory_space<vmem>>
      %dma_wait3A_202 = arith.constant 0 : i32
      %dma_wait3A_203 = arith.constant 0 : i32
      %dma_wait3A_204 = tpu.memref_slice %arg4[%dma_wait3A_202, %dma_wait3A_203] : memref<10000x16xf32, #tpu.memory_space<hbm>> -> memref<10000x16xf32, #tpu.memory_space<hbm>>
      tpu.wait_indirect_dma semaphore(%arg14 : memref<!tpu.dma_semaphore, #tpu.memory_space<semaphore_mem>>) src(%dma_wait3A_204 : memref<10000x16xf32, #tpu.memory_space<hbm>>) dst(%dma_wait3A_198 : memref<80x16xf32, #tpu.memory_space<vmem>>)
      %dma_wait3A_205 = arith.constant 3 : i32
      %dma_wait3A_206 = arith.constant 240 : i32
      %dma_wait3A_207 = arith.constant 0 : i32
      %dma_wait3A_208 = tpu.memref_slice %arg10[%dma_wait3A_206, %dma_wait3A_207] : memref<400x16xf32, #tpu.memory_space<vmem>> -> memref<80x16xf32, #tpu.memory_space<vmem>>
      %dma_wait3A_209 = arith.constant 0 : i32
      %dma_wait3A_210 = tpu.memref_slice %arg8[%dma_wait3A_205, %dma_wait3A_209] : memref<5x80xi32, #tpu.memory_space<vmem>> -> memref<1x80xi32, #tpu.memory_space<vmem>>
      %dma_wait3A_211 = tpu.memref_squeeze %dma_wait3A_210 : memref<1x80xi32, #tpu.memory_space<vmem>> -> memref<80xi32, #tpu.memory_space<vmem>>
      %dma_wait3A_212 = arith.constant 0 : i32
      %dma_wait3A_213 = arith.constant 0 : i32
      %dma_wait3A_214 = tpu.memref_slice %arg4[%dma_wait3A_212, %dma_wait3A_213] : memref<10000x16xf32, #tpu.memory_space<hbm>> -> memref<10000x16xf32, #tpu.memory_space<hbm>>
      tpu.wait_indirect_dma semaphore(%arg14 : memref<!tpu.dma_semaphore, #tpu.memory_space<semaphore_mem>>) src(%dma_wait3A_214 : memref<10000x16xf32, #tpu.memory_space<hbm>>) dst(%dma_wait3A_208 : memref<80x16xf32, #tpu.memory_space<vmem>>)
      %dma_wait3A_215 = arith.constant 3 : i32
      %dma_wait3A_216 = arith.constant 240 : i32
      %dma_wait3A_217 = arith.constant 0 : i32
      %dma_wait3A_218 = tpu.memref_slice %arg11[%dma_wait3A_216, %dma_wait3A_217] : memref<400x16xf32, #tpu.memory_space<vmem>> -> memref<80x16xf32, #tpu.memory_space<vmem>>
      %dma_wait3A_219 = arith.constant 0 : i32
      %dma_wait3A_220 = tpu.memref_slice %arg9[%dma_wait3A_215, %dma_wait3A_219] : memref<5x80xi32, #tpu.memory_space<vmem>> -> memref<1x80xi32, #tpu.memory_space<vmem>>
      %dma_wait3A_221 = tpu.memref_squeeze %dma_wait3A_220 : memref<1x80xi32, #tpu.memory_space<vmem>> -> memref<80xi32, #tpu.memory_space<vmem>>
      %dma_wait3A_222 = arith.constant 0 : i32
      %dma_wait3A_223 = arith.constant 0 : i32
      %dma_wait3A_224 = tpu.memref_slice %arg4[%dma_wait3A_222, %dma_wait3A_223] : memref<10000x16xf32, #tpu.memory_space<hbm>> -> memref<10000x16xf32, #tpu.memory_space<hbm>>
      tpu.wait_indirect_dma semaphore(%arg14 : memref<!tpu.dma_semaphore, #tpu.memory_space<semaphore_mem>>) src(%dma_wait3A_224 : memref<10000x16xf32, #tpu.memory_space<hbm>>) dst(%dma_wait3A_218 : memref<80x16xf32, #tpu.memory_space<vmem>>)
      %dma_wait3A_225 = arith.constant 4 : i32
      %dma_wait3A_226 = arith.constant 320 : i32
      %dma_wait3A_227 = arith.constant 0 : i32
      %dma_wait3A_228 = tpu.memref_slice %arg10[%dma_wait3A_226, %dma_wait3A_227] : memref<400x16xf32, #tpu.memory_space<vmem>> -> memref<80x16xf32, #tpu.memory_space<vmem>>
      %dma_wait3A_229 = arith.constant 0 : i32
      %dma_wait3A_230 = tpu.memref_slice %arg8[%dma_wait3A_225, %dma_wait3A_229] : memref<5x80xi32, #tpu.memory_space<vmem>> -> memref<1x80xi32, #tpu.memory_space<vmem>>
      %dma_wait3A_231 = tpu.memref_squeeze %dma_wait3A_230 : memref<1x80xi32, #tpu.memory_space<vmem>> -> memref<80xi32, #tpu.memory_space<vmem>>
      %dma_wait3A_232 = arith.constant 0 : i32
      %dma_wait3A_233 = arith.constant 0 : i32
      %dma_wait3A_234 = tpu.memref_slice %arg4[%dma_wait3A_232, %dma_wait3A_233] : memref<10000x16xf32, #tpu.memory_space<hbm>> -> memref<10000x16xf32, #tpu.memory_space<hbm>>
      tpu.wait_indirect_dma semaphore(%arg14 : memref<!tpu.dma_semaphore, #tpu.memory_space<semaphore_mem>>) src(%dma_wait3A_234 : memref<10000x16xf32, #tpu.memory_space<hbm>>) dst(%dma_wait3A_228 : memref<80x16xf32, #tpu.memory_space<vmem>>)
      %dma_wait3A_235 = arith.constant 4 : i32
      %dma_wait3A_236 = arith.constant 320 : i32
      %dma_wait3A_237 = arith.constant 0 : i32
      %dma_wait3A_238 = tpu.memref_slice %arg11[%dma_wait3A_236, %dma_wait3A_237] : memref<400x16xf32, #tpu.memory_space<vmem>> -> memref<80x16xf32, #tpu.memory_space<vmem>>
      %dma_wait3A_239 = arith.constant 0 : i32
      %dma_wait3A_240 = tpu.memref_slice %arg9[%dma_wait3A_235, %dma_wait3A_239] : memref<5x80xi32, #tpu.memory_space<vmem>> -> memref<1x80xi32, #tpu.memory_space<vmem>>
      %dma_wait3A_241 = tpu.memref_squeeze %dma_wait3A_240 : memref<1x80xi32, #tpu.memory_space<vmem>> -> memref<80xi32, #tpu.memory_space<vmem>>
      %dma_wait3A_242 = arith.constant 0 : i32
      %dma_wait3A_243 = arith.constant 0 : i32
      %dma_wait3A_244 = tpu.memref_slice %arg4[%dma_wait3A_242, %dma_wait3A_243] : memref<10000x16xf32, #tpu.memory_space<hbm>> -> memref<10000x16xf32, #tpu.memory_space<hbm>>
      tpu.wait_indirect_dma semaphore(%arg14 : memref<!tpu.dma_semaphore, #tpu.memory_space<semaphore_mem>>) src(%dma_wait3A_244 : memref<10000x16xf32, #tpu.memory_space<hbm>>) dst(%dma_wait3A_238 : memref<80x16xf32, #tpu.memory_space<vmem>>)
      %scan3A_245 = arith.constant 0 : i32
      %scan3A_246 = arith.constant 400 : i32
      %scan3A_247 = arith.addi %scan3A_245, %scan3A_246 : i32
      %scan3A_248 = arith.constant 1 : i32
      scf.for %scan3A_254 = %scan3A_245 to %scan3A_247 step %scan3A_248  : i32 {
        %mul3A_255 = arith.constant 1 : i32
        %mul3A_256 = arith.muli %scan3A_254, %mul3A_255 : i32
        %add3A_257 = arith.constant 0 : i32
        %add3A_258 = arith.addi %add3A_257, %mul3A_256 : i32
        %get3A = arith.index_cast %add3A_258 : i32 to index
        %get3A_259 = arith.constant 0 : index
        %get3A_260 = tpu.vector_load %arg10[%get3A, %get3A_259] {strides = array<i32>} : memref<400x16xf32, #tpu.memory_space<vmem>>, vector<16xf32>,
        %get3A_261 = arith.index_cast %add3A_258 : i32 to index
        %get3A_262 = arith.constant 0 : index
        %get3A_263 = tpu.vector_load %arg11[%get3A_261, %get3A_262] {strides = array<i32>} : memref<400x16xf32, #tpu.memory_space<vmem>>, vector<16xf32>,
        %broadcast_in_dim3A = vector.shape_cast %add3A_18 : vector<16xi32> to vector<16x1xi32>
        %gather3A = vector.shape_cast %broadcast_in_dim3A : vector<16x1xi32> to vector<16xi32>
        %gather3A_264 = tpu.dynamic_gather %get3A_263[%gather3A] in [0] : vector<16xf32>, vector<16xi32> -> vector<16xf32>
        %add3A_265 = arith.addf %get3A_260, %gather3A_264 : vector<16xf32>
        %ge3A = arith.constant 0.000000e+00 : f32
        %ge3A_266 = vector.broadcast %ge3A : f32 to vector<16xf32>
        %ge3A_267 = arith.cmpf oge, %add3A_265, %ge3A_266 : vector<16xf32>
        %mul3A_268 = arith.constant 2.000000e-01 : f32
        %mul3A_269 = vector.broadcast %mul3A_268 : f32 to vector<16xf32>
        %mul3A_270 = arith.mulf %add3A_265, %mul3A_269 : vector<16xf32>
        %select_n3A_271 = arith.select %ge3A_267, %add3A_265, %mul3A_270 : vector<16xi1>, vector<16xf32>
        %exp3A = math.exp %select_n3A_271 : vector<16xf32>
        %swap3A = arith.index_cast %add3A_258 : i32 to index
        %swap3A_272 = arith.constant 0 : index
        %swap3A_273 = tpu.vector_load %arg12[%swap3A, %swap3A_272] {strides = array<i32>} : memref<400x16xf32, #tpu.memory_space<vmem>>, vector<16xf32>,
        tpu.vector_store %arg12[%swap3A, %swap3A_272], %exp3A {strides = array<i32>} : memref<400x16xf32, #tpu.memory_space<vmem>>, vector<16xf32>,
      }
      %scan3A_249 = arith.constant 400 : i32
      "tpu.region"() ({
        %run_scoped3A_254 = tpu.sem_alloc : memref<!tpu.dma_semaphore, #tpu.memory_space<semaphore_mem>>
        %dma_start3A_255 = arith.constant 0 : i32
        %dma_start3A_256 = tpu.memref_slice %arg6[%add3A_41, %dma_start3A_255] : memref<320000x16xf32, #tpu.memory_space<hbm>> -> memref<400x16xf32, #tpu.memory_space<hbm>>
        %dma_start3A_257 = arith.constant 0 : i32
        %dma_start3A_258 = tpu.memref_slice %arg6[%add3A_41, %dma_start3A_257] : memref<320000x16xf32, #tpu.memory_space<hbm>> -> memref<400x16xf32, #tpu.memory_space<hbm>>
        tpu.enqueue_dma source(%arg12 : memref<400x16xf32, #tpu.memory_space<vmem>>) target(%dma_start3A_258 : memref<400x16xf32, #tpu.memory_space<hbm>>) target_semaphore(%run_scoped3A_254 : memref<!tpu.dma_semaphore, #tpu.memory_space<semaphore_mem>>)
        %dma_wait3A_259 = arith.constant 0 : i32
        %dma_wait3A_260 = tpu.memref_slice %arg6[%add3A_41, %dma_wait3A_259] : memref<320000x16xf32, #tpu.memory_space<hbm>> -> memref<400x16xf32, #tpu.memory_space<hbm>>
        %dma_wait3A_261 = arith.constant 0 : i32
        %dma_wait3A_262 = tpu.memref_slice %arg6[%add3A_41, %dma_wait3A_261] : memref<320000x16xf32, #tpu.memory_space<hbm>> -> memref<400x16xf32, #tpu.memory_space<hbm>>
        tpu.wait_dma2 semaphore(%run_scoped3A_254 : memref<!tpu.dma_semaphore, #tpu.memory_space<semaphore_mem>>) src(%arg12 : memref<400x16xf32, #tpu.memory_space<vmem>>) dst(%dma_wait3A_262 : memref<400x16xf32, #tpu.memory_space<hbm>>)
        tpu.yield
      }) : () -> ()
      %run_scoped3A = arith.constant 0 : i32
      "tpu.region"() ({
        %run_scoped3A_254 = tpu.sem_alloc : memref<!tpu.dma_semaphore, #tpu.memory_space<semaphore_mem>>
        %dma_start3A_255 = arith.constant 0 : i32
        %dma_start3A_256 = arith.constant 0 : i32
        %dma_start3A_257 = tpu.memref_slice %arg12[%dma_start3A_255, %dma_start3A_256] : memref<400x16xf32, #tpu.memory_space<vmem>> -> memref<80x16xf32, #tpu.memory_space<vmem>>
        %dma_start3A_258 = arith.constant 0 : i32
        %dma_start3A_259 = tpu.memref_slice %arg9[%run_scoped3A, %dma_start3A_258] : memref<5x80xi32, #tpu.memory_space<vmem>> -> memref<1x80xi32, #tpu.memory_space<vmem>>
        %dma_start3A_260 = tpu.memref_squeeze %dma_start3A_259 : memref<1x80xi32, #tpu.memory_space<vmem>> -> memref<80xi32, #tpu.memory_space<vmem>>
        %dma_start3A_261 = arith.constant 0 : i32
        %dma_start3A_262 = arith.constant 0 : i32
        %dma_start3A_263 = tpu.memref_slice %arg13[%dma_start3A_261, %dma_start3A_262] : memref<10000x16xf32, #tpu.memory_space<vmem_shared>> -> memref<10000x16xf32, #tpu.memory_space<vmem_shared>>
        tpu.enqueue_indirect_dma source(%dma_start3A_257 : memref<80x16xf32, #tpu.memory_space<vmem>>) target(%dma_start3A_263 : memref<10000x16xf32, #tpu.memory_space<vmem_shared>>) offsets(%dma_start3A_260 : memref<80xi32, #tpu.memory_space<vmem>>) semaphore(%run_scoped3A_254 : memref<!tpu.dma_semaphore, #tpu.memory_space<semaphore_mem>>) {add = true}
        %dma_wait3A_264 = arith.constant 0 : i32
        %dma_wait3A_265 = arith.constant 0 : i32
        %dma_wait3A_266 = tpu.memref_slice %arg12[%dma_wait3A_264, %dma_wait3A_265] : memref<400x16xf32, #tpu.memory_space<vmem>> -> memref<80x16xf32, #tpu.memory_space<vmem>>
        %dma_wait3A_267 = arith.constant 0 : i32
        %dma_wait3A_268 = tpu.memref_slice %arg9[%run_scoped3A, %dma_wait3A_267] : memref<5x80xi32, #tpu.memory_space<vmem>> -> memref<1x80xi32, #tpu.memory_space<vmem>>
        %dma_wait3A_269 = tpu.memref_squeeze %dma_wait3A_268 : memref<1x80xi32, #tpu.memory_space<vmem>> -> memref<80xi32, #tpu.memory_space<vmem>>
        %dma_wait3A_270 = arith.constant 0 : i32
        %dma_wait3A_271 = arith.constant 0 : i32
        %dma_wait3A_272 = tpu.memref_slice %arg13[%dma_wait3A_270, %dma_wait3A_271] : memref<10000x16xf32, #tpu.memory_space<vmem_shared>> -> memref<10000x16xf32, #tpu.memory_space<vmem_shared>>
        tpu.wait_indirect_dma semaphore(%run_scoped3A_254 : memref<!tpu.dma_semaphore, #tpu.memory_space<semaphore_mem>>) src(%dma_wait3A_266 : memref<80x16xf32, #tpu.memory_space<vmem>>) dst(%dma_wait3A_272 : memref<10000x16xf32, #tpu.memory_space<vmem_shared>>)
        tpu.yield
      }) : () -> ()
      %run_scoped3A_250 = arith.constant 1 : i32
      "tpu.region"() ({
        %run_scoped3A_254 = tpu.sem_alloc : memref<!tpu.dma_semaphore, #tpu.memory_space<semaphore_mem>>
        %dma_start3A_255 = arith.constant 80 : i32
        %dma_start3A_256 = arith.constant 0 : i32
        %dma_start3A_257 = tpu.memref_slice %arg12[%dma_start3A_255, %dma_start3A_256] : memref<400x16xf32, #tpu.memory_space<vmem>> -> memref<80x16xf32, #tpu.memory_space<vmem>>
        %dma_start3A_258 = arith.constant 0 : i32
        %dma_start3A_259 = tpu.memref_slice %arg9[%run_scoped3A_250, %dma_start3A_258] : memref<5x80xi32, #tpu.memory_space<vmem>> -> memref<1x80xi32, #tpu.memory_space<vmem>>
        %dma_start3A_260 = tpu.memref_squeeze %dma_start3A_259 : memref<1x80xi32, #tpu.memory_space<vmem>> -> memref<80xi32, #tpu.memory_space<vmem>>
        %dma_start3A_261 = arith.constant 0 : i32
        %dma_start3A_262 = arith.constant 0 : i32
        %dma_start3A_263 = tpu.memref_slice %arg13[%dma_start3A_261, %dma_start3A_262] : memref<10000x16xf32, #tpu.memory_space<vmem_shared>> -> memref<10000x16xf32, #tpu.memory_space<vmem_shared>>
        tpu.enqueue_indirect_dma source(%dma_start3A_257 : memref<80x16xf32, #tpu.memory_space<vmem>>) target(%dma_start3A_263 : memref<10000x16xf32, #tpu.memory_space<vmem_shared>>) offsets(%dma_start3A_260 : memref<80xi32, #tpu.memory_space<vmem>>) semaphore(%run_scoped3A_254 : memref<!tpu.dma_semaphore, #tpu.memory_space<semaphore_mem>>) {add = true}
        %dma_wait3A_264 = arith.constant 80 : i32
        %dma_wait3A_265 = arith.constant 0 : i32
        %dma_wait3A_266 = tpu.memref_slice %arg12[%dma_wait3A_264, %dma_wait3A_265] : memref<400x16xf32, #tpu.memory_space<vmem>> -> memref<80x16xf32, #tpu.memory_space<vmem>>
        %dma_wait3A_267 = arith.constant 0 : i32
        %dma_wait3A_268 = tpu.memref_slice %arg9[%run_scoped3A_250, %dma_wait3A_267] : memref<5x80xi32, #tpu.memory_space<vmem>> -> memref<1x80xi32, #tpu.memory_space<vmem>>
        %dma_wait3A_269 = tpu.memref_squeeze %dma_wait3A_268 : memref<1x80xi32, #tpu.memory_space<vmem>> -> memref<80xi32, #tpu.memory_space<vmem>>
        %dma_wait3A_270 = arith.constant 0 : i32
        %dma_wait3A_271 = arith.constant 0 : i32
        %dma_wait3A_272 = tpu.memref_slice %arg13[%dma_wait3A_270, %dma_wait3A_271] : memref<10000x16xf32, #tpu.memory_space<vmem_shared>> -> memref<10000x16xf32, #tpu.memory_space<vmem_shared>>
        tpu.wait_indirect_dma semaphore(%run_scoped3A_254 : memref<!tpu.dma_semaphore, #tpu.memory_space<semaphore_mem>>) src(%dma_wait3A_266 : memref<80x16xf32, #tpu.memory_space<vmem>>) dst(%dma_wait3A_272 : memref<10000x16xf32, #tpu.memory_space<vmem_shared>>)
        tpu.yield
      }) : () -> ()
      %run_scoped3A_251 = arith.constant 2 : i32
      "tpu.region"() ({
        %run_scoped3A_254 = tpu.sem_alloc : memref<!tpu.dma_semaphore, #tpu.memory_space<semaphore_mem>>
        %dma_start3A_255 = arith.constant 160 : i32
        %dma_start3A_256 = arith.constant 0 : i32
        %dma_start3A_257 = tpu.memref_slice %arg12[%dma_start3A_255, %dma_start3A_256] : memref<400x16xf32, #tpu.memory_space<vmem>> -> memref<80x16xf32, #tpu.memory_space<vmem>>
        %dma_start3A_258 = arith.constant 0 : i32
        %dma_start3A_259 = tpu.memref_slice %arg9[%run_scoped3A_251, %dma_start3A_258] : memref<5x80xi32, #tpu.memory_space<vmem>> -> memref<1x80xi32, #tpu.memory_space<vmem>>
        %dma_start3A_260 = tpu.memref_squeeze %dma_start3A_259 : memref<1x80xi32, #tpu.memory_space<vmem>> -> memref<80xi32, #tpu.memory_space<vmem>>
        %dma_start3A_261 = arith.constant 0 : i32
        %dma_start3A_262 = arith.constant 0 : i32
        %dma_start3A_263 = tpu.memref_slice %arg13[%dma_start3A_261, %dma_start3A_262] : memref<10000x16xf32, #tpu.memory_space<vmem_shared>> -> memref<10000x16xf32, #tpu.memory_space<vmem_shared>>
        tpu.enqueue_indirect_dma source(%dma_start3A_257 : memref<80x16xf32, #tpu.memory_space<vmem>>) target(%dma_start3A_263 : memref<10000x16xf32, #tpu.memory_space<vmem_shared>>) offsets(%dma_start3A_260 : memref<80xi32, #tpu.memory_space<vmem>>) semaphore(%run_scoped3A_254 : memref<!tpu.dma_semaphore, #tpu.memory_space<semaphore_mem>>) {add = true}
        %dma_wait3A_264 = arith.constant 160 : i32
        %dma_wait3A_265 = arith.constant 0 : i32
        %dma_wait3A_266 = tpu.memref_slice %arg12[%dma_wait3A_264, %dma_wait3A_265] : memref<400x16xf32, #tpu.memory_space<vmem>> -> memref<80x16xf32, #tpu.memory_space<vmem>>
        %dma_wait3A_267 = arith.constant 0 : i32
        %dma_wait3A_268 = tpu.memref_slice %arg9[%run_scoped3A_251, %dma_wait3A_267] : memref<5x80xi32, #tpu.memory_space<vmem>> -> memref<1x80xi32, #tpu.memory_space<vmem>>
        %dma_wait3A_269 = tpu.memref_squeeze %dma_wait3A_268 : memref<1x80xi32, #tpu.memory_space<vmem>> -> memref<80xi32, #tpu.memory_space<vmem>>
        %dma_wait3A_270 = arith.constant 0 : i32
        %dma_wait3A_271 = arith.constant 0 : i32
        %dma_wait3A_272 = tpu.memref_slice %arg13[%dma_wait3A_270, %dma_wait3A_271] : memref<10000x16xf32, #tpu.memory_space<vmem_shared>> -> memref<10000x16xf32, #tpu.memory_space<vmem_shared>>
        tpu.wait_indirect_dma semaphore(%run_scoped3A_254 : memref<!tpu.dma_semaphore, #tpu.memory_space<semaphore_mem>>) src(%dma_wait3A_266 : memref<80x16xf32, #tpu.memory_space<vmem>>) dst(%dma_wait3A_272 : memref<10000x16xf32, #tpu.memory_space<vmem_shared>>)
        tpu.yield
      }) : () -> ()
      %run_scoped3A_252 = arith.constant 3 : i32
      "tpu.region"() ({
        %run_scoped3A_254 = tpu.sem_alloc : memref<!tpu.dma_semaphore, #tpu.memory_space<semaphore_mem>>
        %dma_start3A_255 = arith.constant 240 : i32
        %dma_start3A_256 = arith.constant 0 : i32
        %dma_start3A_257 = tpu.memref_slice %arg12[%dma_start3A_255, %dma_start3A_256] : memref<400x16xf32, #tpu.memory_space<vmem>> -> memref<80x16xf32, #tpu.memory_space<vmem>>
        %dma_start3A_258 = arith.constant 0 : i32
        %dma_start3A_259 = tpu.memref_slice %arg9[%run_scoped3A_252, %dma_start3A_258] : memref<5x80xi32, #tpu.memory_space<vmem>> -> memref<1x80xi32, #tpu.memory_space<vmem>>
        %dma_start3A_260 = tpu.memref_squeeze %dma_start3A_259 : memref<1x80xi32, #tpu.memory_space<vmem>> -> memref<80xi32, #tpu.memory_space<vmem>>
        %dma_start3A_261 = arith.constant 0 : i32
        %dma_start3A_262 = arith.constant 0 : i32
        %dma_start3A_263 = tpu.memref_slice %arg13[%dma_start3A_261, %dma_start3A_262] : memref<10000x16xf32, #tpu.memory_space<vmem_shared>> -> memref<10000x16xf32, #tpu.memory_space<vmem_shared>>
        tpu.enqueue_indirect_dma source(%dma_start3A_257 : memref<80x16xf32, #tpu.memory_space<vmem>>) target(%dma_start3A_263 : memref<10000x16xf32, #tpu.memory_space<vmem_shared>>) offsets(%dma_start3A_260 : memref<80xi32, #tpu.memory_space<vmem>>) semaphore(%run_scoped3A_254 : memref<!tpu.dma_semaphore, #tpu.memory_space<semaphore_mem>>) {add = true}
        %dma_wait3A_264 = arith.constant 240 : i32
        %dma_wait3A_265 = arith.constant 0 : i32
        %dma_wait3A_266 = tpu.memref_slice %arg12[%dma_wait3A_264, %dma_wait3A_265] : memref<400x16xf32, #tpu.memory_space<vmem>> -> memref<80x16xf32, #tpu.memory_space<vmem>>
        %dma_wait3A_267 = arith.constant 0 : i32
        %dma_wait3A_268 = tpu.memref_slice %arg9[%run_scoped3A_252, %dma_wait3A_267] : memref<5x80xi32, #tpu.memory_space<vmem>> -> memref<1x80xi32, #tpu.memory_space<vmem>>
        %dma_wait3A_269 = tpu.memref_squeeze %dma_wait3A_268 : memref<1x80xi32, #tpu.memory_space<vmem>> -> memref<80xi32, #tpu.memory_space<vmem>>
        %dma_wait3A_270 = arith.constant 0 : i32
        %dma_wait3A_271 = arith.constant 0 : i32
        %dma_wait3A_272 = tpu.memref_slice %arg13[%dma_wait3A_270, %dma_wait3A_271] : memref<10000x16xf32, #tpu.memory_space<vmem_shared>> -> memref<10000x16xf32, #tpu.memory_space<vmem_shared>>
        tpu.wait_indirect_dma semaphore(%run_scoped3A_254 : memref<!tpu.dma_semaphore, #tpu.memory_space<semaphore_mem>>) src(%dma_wait3A_266 : memref<80x16xf32, #tpu.memory_space<vmem>>) dst(%dma_wait3A_272 : memref<10000x16xf32, #tpu.memory_space<vmem_shared>>)
        tpu.yield
      }) : () -> ()
      %run_scoped3A_253 = arith.constant 4 : i32
      "tpu.region"() ({
        %run_scoped3A_254 = tpu.sem_alloc : memref<!tpu.dma_semaphore, #tpu.memory_space<semaphore_mem>>
        %dma_start3A_255 = arith.constant 320 : i32
        %dma_start3A_256 = arith.constant 0 : i32
        %dma_start3A_257 = tpu.memref_slice %arg12[%dma_start3A_255, %dma_start3A_256] : memref<400x16xf32, #tpu.memory_space<vmem>> -> memref<80x16xf32, #tpu.memory_space<vmem>>
        %dma_start3A_258 = arith.constant 0 : i32
        %dma_start3A_259 = tpu.memref_slice %arg9[%run_scoped3A_253, %dma_start3A_258] : memref<5x80xi32, #tpu.memory_space<vmem>> -> memref<1x80xi32, #tpu.memory_space<vmem>>
        %dma_start3A_260 = tpu.memref_squeeze %dma_start3A_259 : memref<1x80xi32, #tpu.memory_space<vmem>> -> memref<80xi32, #tpu.memory_space<vmem>>
        %dma_start3A_261 = arith.constant 0 : i32
        %dma_start3A_262 = arith.constant 0 : i32
        %dma_start3A_263 = tpu.memref_slice %arg13[%dma_start3A_261, %dma_start3A_262] : memref<10000x16xf32, #tpu.memory_space<vmem_shared>> -> memref<10000x16xf32, #tpu.memory_space<vmem_shared>>
        tpu.enqueue_indirect_dma source(%dma_start3A_257 : memref<80x16xf32, #tpu.memory_space<vmem>>) target(%dma_start3A_263 : memref<10000x16xf32, #tpu.memory_space<vmem_shared>>) offsets(%dma_start3A_260 : memref<80xi32, #tpu.memory_space<vmem>>) semaphore(%run_scoped3A_254 : memref<!tpu.dma_semaphore, #tpu.memory_space<semaphore_mem>>) {add = true}
        %dma_wait3A_264 = arith.constant 320 : i32
        %dma_wait3A_265 = arith.constant 0 : i32
        %dma_wait3A_266 = tpu.memref_slice %arg12[%dma_wait3A_264, %dma_wait3A_265] : memref<400x16xf32, #tpu.memory_space<vmem>> -> memref<80x16xf32, #tpu.memory_space<vmem>>
        %dma_wait3A_267 = arith.constant 0 : i32
        %dma_wait3A_268 = tpu.memref_slice %arg9[%run_scoped3A_253, %dma_wait3A_267] : memref<5x80xi32, #tpu.memory_space<vmem>> -> memref<1x80xi32, #tpu.memory_space<vmem>>
        %dma_wait3A_269 = tpu.memref_squeeze %dma_wait3A_268 : memref<1x80xi32, #tpu.memory_space<vmem>> -> memref<80xi32, #tpu.memory_space<vmem>>
        %dma_wait3A_270 = arith.constant 0 : i32
        %dma_wait3A_271 = arith.constant 0 : i32
        %dma_wait3A_272 = tpu.memref_slice %arg13[%dma_wait3A_270, %dma_wait3A_271] : memref<10000x16xf32, #tpu.memory_space<vmem_shared>> -> memref<10000x16xf32, #tpu.memory_space<vmem_shared>>
        tpu.wait_indirect_dma semaphore(%run_scoped3A_254 : memref<!tpu.dma_semaphore, #tpu.memory_space<semaphore_mem>>) src(%dma_wait3A_266 : memref<80x16xf32, #tpu.memory_space<vmem>>) dst(%dma_wait3A_272 : memref<10000x16xf32, #tpu.memory_space<vmem_shared>>)
        tpu.yield
      }) : () -> ()
    }
    %scan3A_25 = arith.constant 25 : i32
    %barrier3A_26 = arith.constant 0 : index
    tpu.barrier barrier_id(%barrier3A_26)
    %eq3A_27 = arith.constant 0 : i32
    %eq3A_28 = arith.cmpi eq, %arg1, %eq3A_27 : i32
    %convert_element_type3A_29 = arith.extui %eq3A_28 : i1 to i32
    %cond3A_30 = arith.constant 0 : i32
    %cond3A_31 = arith.cmpi ne, %convert_element_type3A_29, %cond3A_30 : i32
    scf.if %cond3A_31 {
      "tpu.region"() ({
        %run_scoped3A = tpu.sem_alloc : memref<!tpu.dma_semaphore, #tpu.memory_space<semaphore_mem>>
        %dma_start3A = arith.constant 0 : i32
        %dma_start3A_32 = arith.constant 0 : i32
        %dma_start3A_33 = tpu.memref_slice %arg7[%arg0, %dma_start3A, %dma_start3A_32] : memref<2x10000x16xf32, #tpu.memory_space<hbm>> -> memref<1x10000x16xf32, #tpu.memory_space<hbm>>
        %dma_start3A_34 = tpu.memref_squeeze %dma_start3A_33 : memref<1x10000x16xf32, #tpu.memory_space<hbm>> -> memref<10000x16xf32, #tpu.memory_space<hbm>>
        tpu.enqueue_dma source(%arg13 : memref<10000x16xf32, #tpu.memory_space<vmem_shared>>) target(%dma_start3A_34 : memref<10000x16xf32, #tpu.memory_space<hbm>>) target_semaphore(%run_scoped3A : memref<!tpu.dma_semaphore, #tpu.memory_space<semaphore_mem>>)
        %dma_wait3A = arith.constant 0 : i32
        %dma_wait3A_35 = arith.constant 0 : i32
        %dma_wait3A_36 = tpu.memref_slice %arg7[%arg0, %dma_wait3A, %dma_wait3A_35] : memref<2x10000x16xf32, #tpu.memory_space<hbm>> -> memref<1x10000x16xf32, #tpu.memory_space<hbm>>
        %dma_wait3A_37 = tpu.memref_squeeze %dma_wait3A_36 : memref<1x10000x16xf32, #tpu.memory_space<hbm>> -> memref<10000x16xf32, #tpu.memory_space<hbm>>
        tpu.wait_dma2 semaphore(%run_scoped3A : memref<!tpu.dma_semaphore, #tpu.memory_space<semaphore_mem>>) src(%arg13 : memref<10000x16xf32, #tpu.memory_space<vmem_shared>>) dst(%dma_wait3A_37 : memref<10000x16xf32, #tpu.memory_space<hbm>>)
        tpu.yield
      }) : () -> ()
    } else {
    }
    return
  }
}

#map = affine_map<(d0, d1) -> (0, 0)>
#map1 = affine_map<(d0, d1) -> (0)>
#map2 = affine_map<(d0, d1) -> (0, 0, 0)>
module attributes {stable_mosaic.version = 14 : i64} {
  func.func @k(%arg0: i32, %arg1: i32, %arg2: memref<4000x80xi32, #tpu.memory_space<hbm>>, %arg3: memref<4000x80xi32, #tpu.memory_space<hbm>>, %arg4: memref<10000x4xf32, #tpu.memory_space<hbm>>, %arg5: memref<10000xf32, #tpu.memory_space<hbm>>, %arg6: memref<320000xf32, #tpu.memory_space<hbm>>, %arg7: memref<10000x16xf32, #tpu.memory_space<hbm>>, %arg8: memref<2x10000x16xf32, #tpu.memory_space<hbm>>, %arg9: memref<10000x4xf32, #tpu.memory_space<vmem>>, %arg10: memref<10000xf32, #tpu.memory_space<vmem>>, %arg11: memref<5x80xi32, #tpu.memory_space<vmem>>, %arg12: memref<5x80xi32, #tpu.memory_space<vmem>>, %arg13: memref<400xf32, #tpu.memory_space<vmem>>, %arg14: memref<400x16xf32, #tpu.memory_space<vmem>>, %arg15: memref<10000x16xf32, #tpu.memory_space<vmem_shared>>, %arg16: memref<!tpu.dma_semaphore, #tpu.memory_space<semaphore_mem>>) attributes {dimension_semantics = [#tpu.dimension_semantics<core_parallel>, #tpu.dimension_semantics<subcore_parallel>], iteration_bounds = array<i64: 2, 16>, scalar_prefetch = 0 : i64, scratch_operands = 8 : i64, tpu.core_type = #tpu.core_type<sc_vector_subcore>, window_params = [{transform_indices = #map}, {transform_indices = #map}, {transform_indices = #map}, {transform_indices = #map1}, {transform_indices = #map1}, {transform_indices = #map}, {transform_indices = #map2}]} {
    %mul3A = arith.constant 16 : i32
    %mul3A_0 = arith.muli %arg0, %mul3A : i32
    %add3A = arith.addi %mul3A_0, %arg1 : i32
    %iota3A = tpu.iota {dimensions = array<i32: 0>} : vector<16xi32>
    %jit3A = arith.constant 4 : i32
    %eq3A = arith.constant 0 : i32
    %eq3A_1 = arith.cmpi eq, %jit3A, %eq3A : i32
    %jit3A_2 = arith.constant 1 : i32
    %select_n3A = arith.select %eq3A_1, %jit3A_2, %jit3A : i32
    %rem3A = vector.broadcast %select_n3A : i32 to vector<16xi32>
    %rem3A_3 = arith.remsi %iota3A, %rem3A : vector<16xi32>
    %ne3A = arith.constant 0 : i32
    %ne3A_4 = vector.broadcast %ne3A : i32 to vector<16xi32>
    %ne3A_5 = arith.cmpi ne, %rem3A_3, %ne3A_4 : vector<16xi32>
    %lt3A = arith.constant 0 : i32
    %lt3A_6 = vector.broadcast %lt3A : i32 to vector<16xi32>
    %lt3A_7 = arith.cmpi slt, %rem3A_3, %lt3A_6 : vector<16xi32>
    %lt3A_8 = arith.constant 0 : i32
    %lt3A_9 = arith.cmpi slt, %select_n3A, %lt3A_8 : i32
    %ne3A_10 = vector.broadcast %lt3A_9 : i1 to vector<16xi1>
    %ne3A_11 = vector.broadcast %ne3A_10 : vector<16xi1> to vector<16xi1>
    %ne3A_12 = arith.xori %lt3A_7, %ne3A_11 : vector<16xi1>
    %and3A = arith.andi %ne3A_12, %ne3A_5 : vector<16xi1>
    %add3A_13 = vector.broadcast %select_n3A : i32 to vector<16xi32>
    %add3A_14 = arith.addi %rem3A_3, %add3A_13 : vector<16xi32>
    %select_n3A_15 = arith.select %and3A, %add3A_14, %rem3A_3 : vector<16xi1>, vector<16xi32>
    %iota3A_16 = tpu.iota {dimensions = array<i32: 0>} : vector<16xi32>
    %mul3A_17 = arith.constant 0 : i32
    %mul3A_18 = vector.broadcast %mul3A_17 : i32 to vector<16xi32>
    %mul3A_19 = arith.muli %iota3A_16, %mul3A_18 : vector<16xi32>
    "tpu.region"() ({
      %run_scoped3A = tpu.sem_alloc : memref<!tpu.dma_semaphore, #tpu.memory_space<semaphore_mem>>
      tpu.enqueue_dma source(%arg4 : memref<10000x4xf32, #tpu.memory_space<hbm>>) target(%arg9 : memref<10000x4xf32, #tpu.memory_space<vmem>>) target_semaphore(%run_scoped3A : memref<!tpu.dma_semaphore, #tpu.memory_space<semaphore_mem>>)
      tpu.wait_dma2 semaphore(%run_scoped3A : memref<!tpu.dma_semaphore, #tpu.memory_space<semaphore_mem>>) src(%arg4 : memref<10000x4xf32, #tpu.memory_space<hbm>>) dst(%arg9 : memref<10000x4xf32, #tpu.memory_space<vmem>>)
      tpu.yield
    }) : () -> ()
    "tpu.region"() ({
      %run_scoped3A = tpu.sem_alloc : memref<!tpu.dma_semaphore, #tpu.memory_space<semaphore_mem>>
      tpu.enqueue_dma source(%arg5 : memref<10000xf32, #tpu.memory_space<hbm>>) target(%arg10 : memref<10000xf32, #tpu.memory_space<vmem>>) target_semaphore(%run_scoped3A : memref<!tpu.dma_semaphore, #tpu.memory_space<semaphore_mem>>)
      tpu.wait_dma2 semaphore(%run_scoped3A : memref<!tpu.dma_semaphore, #tpu.memory_space<semaphore_mem>>) src(%arg5 : memref<10000xf32, #tpu.memory_space<hbm>>) dst(%arg10 : memref<10000xf32, #tpu.memory_space<vmem>>)
      tpu.yield
    }) : () -> ()
    %eq3A_20 = arith.constant 0 : i32
    %eq3A_21 = arith.cmpi eq, %arg1, %eq3A_20 : i32
    %convert_element_type3A = arith.extui %eq3A_21 : i1 to i32
    %cond3A = arith.constant 0 : i32
    %cond3A_22 = arith.cmpi ne, %convert_element_type3A, %cond3A : i32
    scf.if %cond3A_22 {
      "tpu.region"() ({
        %run_scoped3A = tpu.sem_alloc : memref<!tpu.dma_semaphore, #tpu.memory_space<semaphore_mem>>
        tpu.enqueue_dma source(%arg7 : memref<10000x16xf32, #tpu.memory_space<hbm>>) target(%arg15 : memref<10000x16xf32, #tpu.memory_space<vmem_shared>>) target_semaphore(%run_scoped3A : memref<!tpu.dma_semaphore, #tpu.memory_space<semaphore_mem>>)
        tpu.wait_dma2 semaphore(%run_scoped3A : memref<!tpu.dma_semaphore, #tpu.memory_space<semaphore_mem>>) src(%arg7 : memref<10000x16xf32, #tpu.memory_space<hbm>>) dst(%arg15 : memref<10000x16xf32, #tpu.memory_space<vmem_shared>>)
        tpu.yield
      }) : () -> ()
    } else {
    }
    %barrier3A = arith.constant 0 : index
    tpu.barrier barrier_id(%barrier3A)
    %scan3A = arith.constant 0 : i32
    %scan3A_23 = arith.constant 25 : i32
    %scan3A_24 = arith.addi %scan3A, %scan3A_23 : i32
    %scan3A_25 = arith.constant 1 : i32
    scf.for %scan3A_33 = %scan3A to %scan3A_24 step %scan3A_25  : i32 {
      %mul3A_34 = arith.constant 1 : i32
      %mul3A_35 = arith.muli %scan3A_33, %mul3A_34 : i32
      %add3A_36 = arith.constant 0 : i32
      %add3A_37 = arith.addi %add3A_36, %mul3A_35 : i32
      %mul3A_38 = arith.constant 10000 : i32
      %mul3A_39 = arith.muli %add3A, %mul3A_38 : i32
      %mul3A_40 = arith.constant 400 : i32
      %mul3A_41 = arith.muli %add3A_37, %mul3A_40 : i32
      %add3A_42 = arith.addi %mul3A_39, %mul3A_41 : i32
      %mul3A_43 = arith.constant 125 : i32
      %mul3A_44 = arith.muli %add3A, %mul3A_43 : i32
      %mul3A_45 = arith.constant 5 : i32
      %mul3A_46 = arith.muli %add3A_37, %mul3A_45 : i32
      %add3A_47 = arith.addi %mul3A_44, %mul3A_46 : i32
      "tpu.region"() ({
        %run_scoped3A_59 = tpu.sem_alloc : memref<!tpu.dma_semaphore, #tpu.memory_space<semaphore_mem>>
        %dma_start3A_60 = arith.constant 0 : i32
        %dma_start3A_61 = tpu.memref_slice %arg2[%add3A_47, %dma_start3A_60] : memref<4000x80xi32, #tpu.memory_space<hbm>> -> memref<5x80xi32, #tpu.memory_space<hbm>>
        %dma_start3A_62 = arith.constant 0 : i32
        %dma_start3A_63 = tpu.memref_slice %arg2[%add3A_47, %dma_start3A_62] : memref<4000x80xi32, #tpu.memory_space<hbm>> -> memref<5x80xi32, #tpu.memory_space<hbm>>
        tpu.enqueue_dma source(%dma_start3A_63 : memref<5x80xi32, #tpu.memory_space<hbm>>) target(%arg11 : memref<5x80xi32, #tpu.memory_space<vmem>>) target_semaphore(%run_scoped3A_59 : memref<!tpu.dma_semaphore, #tpu.memory_space<semaphore_mem>>)
        %dma_wait3A_64 = arith.constant 0 : i32
        %dma_wait3A_65 = tpu.memref_slice %arg2[%add3A_47, %dma_wait3A_64] : memref<4000x80xi32, #tpu.memory_space<hbm>> -> memref<5x80xi32, #tpu.memory_space<hbm>>
        %dma_wait3A_66 = arith.constant 0 : i32
        %dma_wait3A_67 = tpu.memref_slice %arg2[%add3A_47, %dma_wait3A_66] : memref<4000x80xi32, #tpu.memory_space<hbm>> -> memref<5x80xi32, #tpu.memory_space<hbm>>
        tpu.wait_dma2 semaphore(%run_scoped3A_59 : memref<!tpu.dma_semaphore, #tpu.memory_space<semaphore_mem>>) src(%dma_wait3A_67 : memref<5x80xi32, #tpu.memory_space<hbm>>) dst(%arg11 : memref<5x80xi32, #tpu.memory_space<vmem>>)
        tpu.yield
      }) : () -> ()
      "tpu.region"() ({
        %run_scoped3A_59 = tpu.sem_alloc : memref<!tpu.dma_semaphore, #tpu.memory_space<semaphore_mem>>
        %dma_start3A_60 = arith.constant 0 : i32
        %dma_start3A_61 = tpu.memref_slice %arg3[%add3A_47, %dma_start3A_60] : memref<4000x80xi32, #tpu.memory_space<hbm>> -> memref<5x80xi32, #tpu.memory_space<hbm>>
        %dma_start3A_62 = arith.constant 0 : i32
        %dma_start3A_63 = tpu.memref_slice %arg3[%add3A_47, %dma_start3A_62] : memref<4000x80xi32, #tpu.memory_space<hbm>> -> memref<5x80xi32, #tpu.memory_space<hbm>>
        tpu.enqueue_dma source(%dma_start3A_63 : memref<5x80xi32, #tpu.memory_space<hbm>>) target(%arg12 : memref<5x80xi32, #tpu.memory_space<vmem>>) target_semaphore(%run_scoped3A_59 : memref<!tpu.dma_semaphore, #tpu.memory_space<semaphore_mem>>)
        %dma_wait3A_64 = arith.constant 0 : i32
        %dma_wait3A_65 = tpu.memref_slice %arg3[%add3A_47, %dma_wait3A_64] : memref<4000x80xi32, #tpu.memory_space<hbm>> -> memref<5x80xi32, #tpu.memory_space<hbm>>
        %dma_wait3A_66 = arith.constant 0 : i32
        %dma_wait3A_67 = tpu.memref_slice %arg3[%add3A_47, %dma_wait3A_66] : memref<4000x80xi32, #tpu.memory_space<hbm>> -> memref<5x80xi32, #tpu.memory_space<hbm>>
        tpu.wait_dma2 semaphore(%run_scoped3A_59 : memref<!tpu.dma_semaphore, #tpu.memory_space<semaphore_mem>>) src(%dma_wait3A_67 : memref<5x80xi32, #tpu.memory_space<hbm>>) dst(%arg12 : memref<5x80xi32, #tpu.memory_space<vmem>>)
        tpu.yield
      }) : () -> ()
      %dma_start3A = tpu.memref_slice %arg6[%add3A_42] : memref<320000xf32, #tpu.memory_space<hbm>> -> memref<400xf32, #tpu.memory_space<hbm>>
      %dma_start3A_48 = tpu.memref_slice %arg6[%add3A_42] : memref<320000xf32, #tpu.memory_space<hbm>> -> memref<400xf32, #tpu.memory_space<hbm>>
      tpu.enqueue_dma source(%dma_start3A_48 : memref<400xf32, #tpu.memory_space<hbm>>) target(%arg13 : memref<400xf32, #tpu.memory_space<vmem>>) target_semaphore(%arg16 : memref<!tpu.dma_semaphore, #tpu.memory_space<semaphore_mem>>)
      %dma_wait3A = tpu.memref_slice %arg6[%add3A_42] : memref<320000xf32, #tpu.memory_space<hbm>> -> memref<400xf32, #tpu.memory_space<hbm>>
      %dma_wait3A_49 = tpu.memref_slice %arg6[%add3A_42] : memref<320000xf32, #tpu.memory_space<hbm>> -> memref<400xf32, #tpu.memory_space<hbm>>
      tpu.wait_dma2 semaphore(%arg16 : memref<!tpu.dma_semaphore, #tpu.memory_space<semaphore_mem>>) src(%dma_wait3A_49 : memref<400xf32, #tpu.memory_space<hbm>>) dst(%arg13 : memref<400xf32, #tpu.memory_space<vmem>>)
      %scan3A_50 = arith.constant 0 : i32
      %scan3A_51 = arith.constant 5 : i32
      %scan3A_52 = arith.addi %scan3A_50, %scan3A_51 : i32
      %scan3A_53 = arith.constant 1 : i32
      scf.for %scan3A_59 = %scan3A_50 to %scan3A_52 step %scan3A_53  : i32 {
        %mul3A_60 = arith.constant 1 : i32
        %mul3A_61 = arith.muli %scan3A_59, %mul3A_60 : i32
        %add3A_62 = arith.constant 0 : i32
        %add3A_63 = arith.addi %add3A_62, %mul3A_61 : i32
        %scan3A_64 = arith.constant 0 : i32
        %scan3A_65 = arith.constant 5 : i32
        %scan3A_66 = arith.addi %scan3A_64, %scan3A_65 : i32
        %scan3A_67 = arith.constant 1 : i32
        scf.for %scan3A_69 = %scan3A_64 to %scan3A_66 step %scan3A_67  : i32 {
          %mul3A_70 = arith.constant 1 : i32
          %mul3A_71 = arith.muli %scan3A_69, %mul3A_70 : i32
          %add3A_72 = arith.constant 0 : i32
          %add3A_73 = arith.addi %add3A_72, %mul3A_71 : i32
          %mul3A_74 = arith.constant 16 : i32
          %mul3A_75 = arith.muli %add3A_73, %mul3A_74 : i32
          %get3A = arith.index_cast %add3A_63 : i32 to index
          %get3A_76 = arith.index_cast %mul3A_75 : i32 to index
          %get3A_77 = tpu.vector_load %arg11[%get3A, %get3A_76] {strides = array<i32>} : memref<5x80xi32, #tpu.memory_space<vmem>>, vector<16xi32>,
          %mul3A_78 = arith.constant 16 : i32
          %mul3A_79 = arith.muli %add3A_73, %mul3A_78 : i32
          %get3A_80 = arith.index_cast %add3A_63 : i32 to index
          %get3A_81 = arith.index_cast %mul3A_79 : i32 to index
          %get3A_82 = tpu.vector_load %arg12[%get3A_80, %get3A_81] {strides = array<i32>} : memref<5x80xi32, #tpu.memory_space<vmem>>, vector<16xi32>,
          %gather3A = tpu.vector_load_idx %arg10[%get3A_82] : memref<10000xf32, #tpu.memory_space<vmem>>[vector<16xi32>], vector<16xf32>,
          %mul3A_83 = arith.constant 80 : i32
          %mul3A_84 = arith.muli %add3A_63, %mul3A_83 : i32
          %mul3A_85 = arith.constant 16 : i32
          %mul3A_86 = arith.muli %add3A_73, %mul3A_85 : i32
          %add3A_87 = arith.addi %mul3A_84, %mul3A_86 : i32
          %get3A_88 = arith.index_cast %add3A_87 : i32 to index
          %get3A_89 = tpu.vector_load %arg13[%get3A_88] {strides = array<i32>} : memref<400xf32, #tpu.memory_space<vmem>>, vector<16xf32>,
          %mul3A_90 = arith.mulf %get3A_89, %gather3A : vector<16xf32>
          %add3A_91 = arith.constant 0 : i32
          %add3A_92 = vector.broadcast %add3A_91 : i32 to vector<16xi32>
          %add3A_93 = arith.addi %mul3A_19, %add3A_92 : vector<16xi32>
          %broadcast_in_dim3A = vector.shape_cast %add3A_93 : vector<16xi32> to vector<16x1xi32>
          %gather3A_94 = vector.shape_cast %broadcast_in_dim3A : vector<16x1xi32> to vector<16xi32>
          %gather3A_95 = tpu.dynamic_gather %get3A_77[%gather3A_94] in [0] : vector<16xi32>, vector<16xi32> -> vector<16xi32>
          %add3A_96 = arith.constant 0 : i32
          %add3A_97 = vector.broadcast %add3A_96 : i32 to vector<16xi32>
          %add3A_98 = arith.addi %mul3A_19, %add3A_97 : vector<16xi32>
          %broadcast_in_dim3A_99 = vector.shape_cast %add3A_98 : vector<16xi32> to vector<16x1xi32>
          %gather3A_100 = vector.shape_cast %broadcast_in_dim3A_99 : vector<16x1xi32> to vector<16xi32>
          %gather3A_101 = tpu.dynamic_gather %mul3A_90[%gather3A_100] in [0] : vector<16xf32>, vector<16xi32> -> vector<16xf32>
          %gather3A_102 = tpu.vector_load_idx %arg9[%gather3A_95, %select_n3A_15] : memref<10000x4xf32, #tpu.memory_space<vmem>>[vector<16xi32>, vector<16xi32>], vector<16xf32>,
          %mul3A_103 = arith.mulf %gather3A_102, %gather3A_101 : vector<16xf32>
          %mul3A_104 = arith.constant 80 : i32
          %mul3A_105 = arith.muli %add3A_63, %mul3A_104 : i32
          %mul3A_106 = arith.constant 16 : i32
          %mul3A_107 = arith.muli %add3A_73, %mul3A_106 : i32
          %add3A_108 = arith.addi %mul3A_105, %mul3A_107 : i32
          %add3A_109 = arith.constant 0 : i32
          %add3A_110 = arith.addi %add3A_108, %add3A_109 : i32
          %swap3A = arith.index_cast %add3A_110 : i32 to index
          %swap3A_111 = arith.constant 0 : index
          %swap3A_112 = tpu.vector_load %arg14[%swap3A, %swap3A_111] {strides = array<i32>} : memref<400x16xf32, #tpu.memory_space<vmem>>, vector<16xf32>,
          tpu.vector_store %arg14[%swap3A, %swap3A_111], %mul3A_103 {strides = array<i32>} : memref<400x16xf32, #tpu.memory_space<vmem>>, vector<16xf32>,
          %add3A_113 = arith.constant 1 : i32
          %add3A_114 = vector.broadcast %add3A_113 : i32 to vector<16xi32>
          %add3A_115 = arith.addi %mul3A_19, %add3A_114 : vector<16xi32>
          %broadcast_in_dim3A_116 = vector.shape_cast %add3A_115 : vector<16xi32> to vector<16x1xi32>
          %gather3A_117 = vector.shape_cast %broadcast_in_dim3A_116 : vector<16x1xi32> to vector<16xi32>
          %gather3A_118 = tpu.dynamic_gather %get3A_77[%gather3A_117] in [0] : vector<16xi32>, vector<16xi32> -> vector<16xi32>
          %add3A_119 = arith.constant 1 : i32
          %add3A_120 = vector.broadcast %add3A_119 : i32 to vector<16xi32>
          %add3A_121 = arith.addi %mul3A_19, %add3A_120 : vector<16xi32>
          %broadcast_in_dim3A_122 = vector.shape_cast %add3A_121 : vector<16xi32> to vector<16x1xi32>
          %gather3A_123 = vector.shape_cast %broadcast_in_dim3A_122 : vector<16x1xi32> to vector<16xi32>
          %gather3A_124 = tpu.dynamic_gather %mul3A_90[%gather3A_123] in [0] : vector<16xf32>, vector<16xi32> -> vector<16xf32>
          %gather3A_125 = tpu.vector_load_idx %arg9[%gather3A_118, %select_n3A_15] : memref<10000x4xf32, #tpu.memory_space<vmem>>[vector<16xi32>, vector<16xi32>], vector<16xf32>,
          %mul3A_126 = arith.mulf %gather3A_125, %gather3A_124 : vector<16xf32>
          %mul3A_127 = arith.constant 80 : i32
          %mul3A_128 = arith.muli %add3A_63, %mul3A_127 : i32
          %mul3A_129 = arith.constant 16 : i32
          %mul3A_130 = arith.muli %add3A_73, %mul3A_129 : i32
          %add3A_131 = arith.addi %mul3A_128, %mul3A_130 : i32
          %add3A_132 = arith.constant 1 : i32
          %add3A_133 = arith.addi %add3A_131, %add3A_132 : i32
          %swap3A_134 = arith.index_cast %add3A_133 : i32 to index
          %swap3A_135 = arith.constant 0 : index
          %swap3A_136 = tpu.vector_load %arg14[%swap3A_134, %swap3A_135] {strides = array<i32>} : memref<400x16xf32, #tpu.memory_space<vmem>>, vector<16xf32>,
          tpu.vector_store %arg14[%swap3A_134, %swap3A_135], %mul3A_126 {strides = array<i32>} : memref<400x16xf32, #tpu.memory_space<vmem>>, vector<16xf32>,
          %add3A_137 = arith.constant 2 : i32
          %add3A_138 = vector.broadcast %add3A_137 : i32 to vector<16xi32>
          %add3A_139 = arith.addi %mul3A_19, %add3A_138 : vector<16xi32>
          %broadcast_in_dim3A_140 = vector.shape_cast %add3A_139 : vector<16xi32> to vector<16x1xi32>
          %gather3A_141 = vector.shape_cast %broadcast_in_dim3A_140 : vector<16x1xi32> to vector<16xi32>
          %gather3A_142 = tpu.dynamic_gather %get3A_77[%gather3A_141] in [0] : vector<16xi32>, vector<16xi32> -> vector<16xi32>
          %add3A_143 = arith.constant 2 : i32
          %add3A_144 = vector.broadcast %add3A_143 : i32 to vector<16xi32>
          %add3A_145 = arith.addi %mul3A_19, %add3A_144 : vector<16xi32>
          %broadcast_in_dim3A_146 = vector.shape_cast %add3A_145 : vector<16xi32> to vector<16x1xi32>
          %gather3A_147 = vector.shape_cast %broadcast_in_dim3A_146 : vector<16x1xi32> to vector<16xi32>
          %gather3A_148 = tpu.dynamic_gather %mul3A_90[%gather3A_147] in [0] : vector<16xf32>, vector<16xi32> -> vector<16xf32>
          %gather3A_149 = tpu.vector_load_idx %arg9[%gather3A_142, %select_n3A_15] : memref<10000x4xf32, #tpu.memory_space<vmem>>[vector<16xi32>, vector<16xi32>], vector<16xf32>,
          %mul3A_150 = arith.mulf %gather3A_149, %gather3A_148 : vector<16xf32>
          %mul3A_151 = arith.constant 80 : i32
          %mul3A_152 = arith.muli %add3A_63, %mul3A_151 : i32
          %mul3A_153 = arith.constant 16 : i32
          %mul3A_154 = arith.muli %add3A_73, %mul3A_153 : i32
          %add3A_155 = arith.addi %mul3A_152, %mul3A_154 : i32
          %add3A_156 = arith.constant 2 : i32
          %add3A_157 = arith.addi %add3A_155, %add3A_156 : i32
          %swap3A_158 = arith.index_cast %add3A_157 : i32 to index
          %swap3A_159 = arith.constant 0 : index
          %swap3A_160 = tpu.vector_load %arg14[%swap3A_158, %swap3A_159] {strides = array<i32>} : memref<400x16xf32, #tpu.memory_space<vmem>>, vector<16xf32>,
          tpu.vector_store %arg14[%swap3A_158, %swap3A_159], %mul3A_150 {strides = array<i32>} : memref<400x16xf32, #tpu.memory_space<vmem>>, vector<16xf32>,
          %add3A_161 = arith.constant 3 : i32
          %add3A_162 = vector.broadcast %add3A_161 : i32 to vector<16xi32>
          %add3A_163 = arith.addi %mul3A_19, %add3A_162 : vector<16xi32>
          %broadcast_in_dim3A_164 = vector.shape_cast %add3A_163 : vector<16xi32> to vector<16x1xi32>
          %gather3A_165 = vector.shape_cast %broadcast_in_dim3A_164 : vector<16x1xi32> to vector<16xi32>
          %gather3A_166 = tpu.dynamic_gather %get3A_77[%gather3A_165] in [0] : vector<16xi32>, vector<16xi32> -> vector<16xi32>
          %add3A_167 = arith.constant 3 : i32
          %add3A_168 = vector.broadcast %add3A_167 : i32 to vector<16xi32>
          %add3A_169 = arith.addi %mul3A_19, %add3A_168 : vector<16xi32>
          %broadcast_in_dim3A_170 = vector.shape_cast %add3A_169 : vector<16xi32> to vector<16x1xi32>
          %gather3A_171 = vector.shape_cast %broadcast_in_dim3A_170 : vector<16x1xi32> to vector<16xi32>
          %gather3A_172 = tpu.dynamic_gather %mul3A_90[%gather3A_171] in [0] : vector<16xf32>, vector<16xi32> -> vector<16xf32>
          %gather3A_173 = tpu.vector_load_idx %arg9[%gather3A_166, %select_n3A_15] : memref<10000x4xf32, #tpu.memory_space<vmem>>[vector<16xi32>, vector<16xi32>], vector<16xf32>,
          %mul3A_174 = arith.mulf %gather3A_173, %gather3A_172 : vector<16xf32>
          %mul3A_175 = arith.constant 80 : i32
          %mul3A_176 = arith.muli %add3A_63, %mul3A_175 : i32
          %mul3A_177 = arith.constant 16 : i32
          %mul3A_178 = arith.muli %add3A_73, %mul3A_177 : i32
          %add3A_179 = arith.addi %mul3A_176, %mul3A_178 : i32
          %add3A_180 = arith.constant 3 : i32
          %add3A_181 = arith.addi %add3A_179, %add3A_180 : i32
          %swap3A_182 = arith.index_cast %add3A_181 : i32 to index
          %swap3A_183 = arith.constant 0 : index
          %swap3A_184 = tpu.vector_load %arg14[%swap3A_182, %swap3A_183] {strides = array<i32>} : memref<400x16xf32, #tpu.memory_space<vmem>>, vector<16xf32>,
          tpu.vector_store %arg14[%swap3A_182, %swap3A_183], %mul3A_174 {strides = array<i32>} : memref<400x16xf32, #tpu.memory_space<vmem>>, vector<16xf32>,
          %add3A_185 = arith.constant 4 : i32
          %add3A_186 = vector.broadcast %add3A_185 : i32 to vector<16xi32>
          %add3A_187 = arith.addi %mul3A_19, %add3A_186 : vector<16xi32>
          %broadcast_in_dim3A_188 = vector.shape_cast %add3A_187 : vector<16xi32> to vector<16x1xi32>
          %gather3A_189 = vector.shape_cast %broadcast_in_dim3A_188 : vector<16x1xi32> to vector<16xi32>
          %gather3A_190 = tpu.dynamic_gather %get3A_77[%gather3A_189] in [0] : vector<16xi32>, vector<16xi32> -> vector<16xi32>
          %add3A_191 = arith.constant 4 : i32
          %add3A_192 = vector.broadcast %add3A_191 : i32 to vector<16xi32>
          %add3A_193 = arith.addi %mul3A_19, %add3A_192 : vector<16xi32>
          %broadcast_in_dim3A_194 = vector.shape_cast %add3A_193 : vector<16xi32> to vector<16x1xi32>
          %gather3A_195 = vector.shape_cast %broadcast_in_dim3A_194 : vector<16x1xi32> to vector<16xi32>
          %gather3A_196 = tpu.dynamic_gather %mul3A_90[%gather3A_195] in [0] : vector<16xf32>, vector<16xi32> -> vector<16xf32>
          %gather3A_197 = tpu.vector_load_idx %arg9[%gather3A_190, %select_n3A_15] : memref<10000x4xf32, #tpu.memory_space<vmem>>[vector<16xi32>, vector<16xi32>], vector<16xf32>,
          %mul3A_198 = arith.mulf %gather3A_197, %gather3A_196 : vector<16xf32>
          %mul3A_199 = arith.constant 80 : i32
          %mul3A_200 = arith.muli %add3A_63, %mul3A_199 : i32
          %mul3A_201 = arith.constant 16 : i32
          %mul3A_202 = arith.muli %add3A_73, %mul3A_201 : i32
          %add3A_203 = arith.addi %mul3A_200, %mul3A_202 : i32
          %add3A_204 = arith.constant 4 : i32
          %add3A_205 = arith.addi %add3A_203, %add3A_204 : i32
          %swap3A_206 = arith.index_cast %add3A_205 : i32 to index
          %swap3A_207 = arith.constant 0 : index
          %swap3A_208 = tpu.vector_load %arg14[%swap3A_206, %swap3A_207] {strides = array<i32>} : memref<400x16xf32, #tpu.memory_space<vmem>>, vector<16xf32>,
          tpu.vector_store %arg14[%swap3A_206, %swap3A_207], %mul3A_198 {strides = array<i32>} : memref<400x16xf32, #tpu.memory_space<vmem>>, vector<16xf32>,
          %add3A_209 = arith.constant 5 : i32
          %add3A_210 = vector.broadcast %add3A_209 : i32 to vector<16xi32>
          %add3A_211 = arith.addi %mul3A_19, %add3A_210 : vector<16xi32>
          %broadcast_in_dim3A_212 = vector.shape_cast %add3A_211 : vector<16xi32> to vector<16x1xi32>
          %gather3A_213 = vector.shape_cast %broadcast_in_dim3A_212 : vector<16x1xi32> to vector<16xi32>
          %gather3A_214 = tpu.dynamic_gather %get3A_77[%gather3A_213] in [0] : vector<16xi32>, vector<16xi32> -> vector<16xi32>
          %add3A_215 = arith.constant 5 : i32
          %add3A_216 = vector.broadcast %add3A_215 : i32 to vector<16xi32>
          %add3A_217 = arith.addi %mul3A_19, %add3A_216 : vector<16xi32>
          %broadcast_in_dim3A_218 = vector.shape_cast %add3A_217 : vector<16xi32> to vector<16x1xi32>
          %gather3A_219 = vector.shape_cast %broadcast_in_dim3A_218 : vector<16x1xi32> to vector<16xi32>
          %gather3A_220 = tpu.dynamic_gather %mul3A_90[%gather3A_219] in [0] : vector<16xf32>, vector<16xi32> -> vector<16xf32>
          %gather3A_221 = tpu.vector_load_idx %arg9[%gather3A_214, %select_n3A_15] : memref<10000x4xf32, #tpu.memory_space<vmem>>[vector<16xi32>, vector<16xi32>], vector<16xf32>,
          %mul3A_222 = arith.mulf %gather3A_221, %gather3A_220 : vector<16xf32>
          %mul3A_223 = arith.constant 80 : i32
          %mul3A_224 = arith.muli %add3A_63, %mul3A_223 : i32
          %mul3A_225 = arith.constant 16 : i32
          %mul3A_226 = arith.muli %add3A_73, %mul3A_225 : i32
          %add3A_227 = arith.addi %mul3A_224, %mul3A_226 : i32
          %add3A_228 = arith.constant 5 : i32
          %add3A_229 = arith.addi %add3A_227, %add3A_228 : i32
          %swap3A_230 = arith.index_cast %add3A_229 : i32 to index
          %swap3A_231 = arith.constant 0 : index
          %swap3A_232 = tpu.vector_load %arg14[%swap3A_230, %swap3A_231] {strides = array<i32>} : memref<400x16xf32, #tpu.memory_space<vmem>>, vector<16xf32>,
          tpu.vector_store %arg14[%swap3A_230, %swap3A_231], %mul3A_222 {strides = array<i32>} : memref<400x16xf32, #tpu.memory_space<vmem>>, vector<16xf32>,
          %add3A_233 = arith.constant 6 : i32
          %add3A_234 = vector.broadcast %add3A_233 : i32 to vector<16xi32>
          %add3A_235 = arith.addi %mul3A_19, %add3A_234 : vector<16xi32>
          %broadcast_in_dim3A_236 = vector.shape_cast %add3A_235 : vector<16xi32> to vector<16x1xi32>
          %gather3A_237 = vector.shape_cast %broadcast_in_dim3A_236 : vector<16x1xi32> to vector<16xi32>
          %gather3A_238 = tpu.dynamic_gather %get3A_77[%gather3A_237] in [0] : vector<16xi32>, vector<16xi32> -> vector<16xi32>
          %add3A_239 = arith.constant 6 : i32
          %add3A_240 = vector.broadcast %add3A_239 : i32 to vector<16xi32>
          %add3A_241 = arith.addi %mul3A_19, %add3A_240 : vector<16xi32>
          %broadcast_in_dim3A_242 = vector.shape_cast %add3A_241 : vector<16xi32> to vector<16x1xi32>
          %gather3A_243 = vector.shape_cast %broadcast_in_dim3A_242 : vector<16x1xi32> to vector<16xi32>
          %gather3A_244 = tpu.dynamic_gather %mul3A_90[%gather3A_243] in [0] : vector<16xf32>, vector<16xi32> -> vector<16xf32>
          %gather3A_245 = tpu.vector_load_idx %arg9[%gather3A_238, %select_n3A_15] : memref<10000x4xf32, #tpu.memory_space<vmem>>[vector<16xi32>, vector<16xi32>], vector<16xf32>,
          %mul3A_246 = arith.mulf %gather3A_245, %gather3A_244 : vector<16xf32>
          %mul3A_247 = arith.constant 80 : i32
          %mul3A_248 = arith.muli %add3A_63, %mul3A_247 : i32
          %mul3A_249 = arith.constant 16 : i32
          %mul3A_250 = arith.muli %add3A_73, %mul3A_249 : i32
          %add3A_251 = arith.addi %mul3A_248, %mul3A_250 : i32
          %add3A_252 = arith.constant 6 : i32
          %add3A_253 = arith.addi %add3A_251, %add3A_252 : i32
          %swap3A_254 = arith.index_cast %add3A_253 : i32 to index
          %swap3A_255 = arith.constant 0 : index
          %swap3A_256 = tpu.vector_load %arg14[%swap3A_254, %swap3A_255] {strides = array<i32>} : memref<400x16xf32, #tpu.memory_space<vmem>>, vector<16xf32>,
          tpu.vector_store %arg14[%swap3A_254, %swap3A_255], %mul3A_246 {strides = array<i32>} : memref<400x16xf32, #tpu.memory_space<vmem>>, vector<16xf32>,
          %add3A_257 = arith.constant 7 : i32
          %add3A_258 = vector.broadcast %add3A_257 : i32 to vector<16xi32>
          %add3A_259 = arith.addi %mul3A_19, %add3A_258 : vector<16xi32>
          %broadcast_in_dim3A_260 = vector.shape_cast %add3A_259 : vector<16xi32> to vector<16x1xi32>
          %gather3A_261 = vector.shape_cast %broadcast_in_dim3A_260 : vector<16x1xi32> to vector<16xi32>
          %gather3A_262 = tpu.dynamic_gather %get3A_77[%gather3A_261] in [0] : vector<16xi32>, vector<16xi32> -> vector<16xi32>
          %add3A_263 = arith.constant 7 : i32
          %add3A_264 = vector.broadcast %add3A_263 : i32 to vector<16xi32>
          %add3A_265 = arith.addi %mul3A_19, %add3A_264 : vector<16xi32>
          %broadcast_in_dim3A_266 = vector.shape_cast %add3A_265 : vector<16xi32> to vector<16x1xi32>
          %gather3A_267 = vector.shape_cast %broadcast_in_dim3A_266 : vector<16x1xi32> to vector<16xi32>
          %gather3A_268 = tpu.dynamic_gather %mul3A_90[%gather3A_267] in [0] : vector<16xf32>, vector<16xi32> -> vector<16xf32>
          %gather3A_269 = tpu.vector_load_idx %arg9[%gather3A_262, %select_n3A_15] : memref<10000x4xf32, #tpu.memory_space<vmem>>[vector<16xi32>, vector<16xi32>], vector<16xf32>,
          %mul3A_270 = arith.mulf %gather3A_269, %gather3A_268 : vector<16xf32>
          %mul3A_271 = arith.constant 80 : i32
          %mul3A_272 = arith.muli %add3A_63, %mul3A_271 : i32
          %mul3A_273 = arith.constant 16 : i32
          %mul3A_274 = arith.muli %add3A_73, %mul3A_273 : i32
          %add3A_275 = arith.addi %mul3A_272, %mul3A_274 : i32
          %add3A_276 = arith.constant 7 : i32
          %add3A_277 = arith.addi %add3A_275, %add3A_276 : i32
          %swap3A_278 = arith.index_cast %add3A_277 : i32 to index
          %swap3A_279 = arith.constant 0 : index
          %swap3A_280 = tpu.vector_load %arg14[%swap3A_278, %swap3A_279] {strides = array<i32>} : memref<400x16xf32, #tpu.memory_space<vmem>>, vector<16xf32>,
          tpu.vector_store %arg14[%swap3A_278, %swap3A_279], %mul3A_270 {strides = array<i32>} : memref<400x16xf32, #tpu.memory_space<vmem>>, vector<16xf32>,
          %add3A_281 = arith.constant 8 : i32
          %add3A_282 = vector.broadcast %add3A_281 : i32 to vector<16xi32>
          %add3A_283 = arith.addi %mul3A_19, %add3A_282 : vector<16xi32>
          %broadcast_in_dim3A_284 = vector.shape_cast %add3A_283 : vector<16xi32> to vector<16x1xi32>
          %gather3A_285 = vector.shape_cast %broadcast_in_dim3A_284 : vector<16x1xi32> to vector<16xi32>
          %gather3A_286 = tpu.dynamic_gather %get3A_77[%gather3A_285] in [0] : vector<16xi32>, vector<16xi32> -> vector<16xi32>
          %add3A_287 = arith.constant 8 : i32
          %add3A_288 = vector.broadcast %add3A_287 : i32 to vector<16xi32>
          %add3A_289 = arith.addi %mul3A_19, %add3A_288 : vector<16xi32>
          %broadcast_in_dim3A_290 = vector.shape_cast %add3A_289 : vector<16xi32> to vector<16x1xi32>
          %gather3A_291 = vector.shape_cast %broadcast_in_dim3A_290 : vector<16x1xi32> to vector<16xi32>
          %gather3A_292 = tpu.dynamic_gather %mul3A_90[%gather3A_291] in [0] : vector<16xf32>, vector<16xi32> -> vector<16xf32>
          %gather3A_293 = tpu.vector_load_idx %arg9[%gather3A_286, %select_n3A_15] : memref<10000x4xf32, #tpu.memory_space<vmem>>[vector<16xi32>, vector<16xi32>], vector<16xf32>,
          %mul3A_294 = arith.mulf %gather3A_293, %gather3A_292 : vector<16xf32>
          %mul3A_295 = arith.constant 80 : i32
          %mul3A_296 = arith.muli %add3A_63, %mul3A_295 : i32
          %mul3A_297 = arith.constant 16 : i32
          %mul3A_298 = arith.muli %add3A_73, %mul3A_297 : i32
          %add3A_299 = arith.addi %mul3A_296, %mul3A_298 : i32
          %add3A_300 = arith.constant 8 : i32
          %add3A_301 = arith.addi %add3A_299, %add3A_300 : i32
          %swap3A_302 = arith.index_cast %add3A_301 : i32 to index
          %swap3A_303 = arith.constant 0 : index
          %swap3A_304 = tpu.vector_load %arg14[%swap3A_302, %swap3A_303] {strides = array<i32>} : memref<400x16xf32, #tpu.memory_space<vmem>>, vector<16xf32>,
          tpu.vector_store %arg14[%swap3A_302, %swap3A_303], %mul3A_294 {strides = array<i32>} : memref<400x16xf32, #tpu.memory_space<vmem>>, vector<16xf32>,
          %add3A_305 = arith.constant 9 : i32
          %add3A_306 = vector.broadcast %add3A_305 : i32 to vector<16xi32>
          %add3A_307 = arith.addi %mul3A_19, %add3A_306 : vector<16xi32>
          %broadcast_in_dim3A_308 = vector.shape_cast %add3A_307 : vector<16xi32> to vector<16x1xi32>
          %gather3A_309 = vector.shape_cast %broadcast_in_dim3A_308 : vector<16x1xi32> to vector<16xi32>
          %gather3A_310 = tpu.dynamic_gather %get3A_77[%gather3A_309] in [0] : vector<16xi32>, vector<16xi32> -> vector<16xi32>
          %add3A_311 = arith.constant 9 : i32
          %add3A_312 = vector.broadcast %add3A_311 : i32 to vector<16xi32>
          %add3A_313 = arith.addi %mul3A_19, %add3A_312 : vector<16xi32>
          %broadcast_in_dim3A_314 = vector.shape_cast %add3A_313 : vector<16xi32> to vector<16x1xi32>
          %gather3A_315 = vector.shape_cast %broadcast_in_dim3A_314 : vector<16x1xi32> to vector<16xi32>
          %gather3A_316 = tpu.dynamic_gather %mul3A_90[%gather3A_315] in [0] : vector<16xf32>, vector<16xi32> -> vector<16xf32>
          %gather3A_317 = tpu.vector_load_idx %arg9[%gather3A_310, %select_n3A_15] : memref<10000x4xf32, #tpu.memory_space<vmem>>[vector<16xi32>, vector<16xi32>], vector<16xf32>,
          %mul3A_318 = arith.mulf %gather3A_317, %gather3A_316 : vector<16xf32>
          %mul3A_319 = arith.constant 80 : i32
          %mul3A_320 = arith.muli %add3A_63, %mul3A_319 : i32
          %mul3A_321 = arith.constant 16 : i32
          %mul3A_322 = arith.muli %add3A_73, %mul3A_321 : i32
          %add3A_323 = arith.addi %mul3A_320, %mul3A_322 : i32
          %add3A_324 = arith.constant 9 : i32
          %add3A_325 = arith.addi %add3A_323, %add3A_324 : i32
          %swap3A_326 = arith.index_cast %add3A_325 : i32 to index
          %swap3A_327 = arith.constant 0 : index
          %swap3A_328 = tpu.vector_load %arg14[%swap3A_326, %swap3A_327] {strides = array<i32>} : memref<400x16xf32, #tpu.memory_space<vmem>>, vector<16xf32>,
          tpu.vector_store %arg14[%swap3A_326, %swap3A_327], %mul3A_318 {strides = array<i32>} : memref<400x16xf32, #tpu.memory_space<vmem>>, vector<16xf32>,
          %add3A_329 = arith.constant 10 : i32
          %add3A_330 = vector.broadcast %add3A_329 : i32 to vector<16xi32>
          %add3A_331 = arith.addi %mul3A_19, %add3A_330 : vector<16xi32>
          %broadcast_in_dim3A_332 = vector.shape_cast %add3A_331 : vector<16xi32> to vector<16x1xi32>
          %gather3A_333 = vector.shape_cast %broadcast_in_dim3A_332 : vector<16x1xi32> to vector<16xi32>
          %gather3A_334 = tpu.dynamic_gather %get3A_77[%gather3A_333] in [0] : vector<16xi32>, vector<16xi32> -> vector<16xi32>
          %add3A_335 = arith.constant 10 : i32
          %add3A_336 = vector.broadcast %add3A_335 : i32 to vector<16xi32>
          %add3A_337 = arith.addi %mul3A_19, %add3A_336 : vector<16xi32>
          %broadcast_in_dim3A_338 = vector.shape_cast %add3A_337 : vector<16xi32> to vector<16x1xi32>
          %gather3A_339 = vector.shape_cast %broadcast_in_dim3A_338 : vector<16x1xi32> to vector<16xi32>
          %gather3A_340 = tpu.dynamic_gather %mul3A_90[%gather3A_339] in [0] : vector<16xf32>, vector<16xi32> -> vector<16xf32>
          %gather3A_341 = tpu.vector_load_idx %arg9[%gather3A_334, %select_n3A_15] : memref<10000x4xf32, #tpu.memory_space<vmem>>[vector<16xi32>, vector<16xi32>], vector<16xf32>,
          %mul3A_342 = arith.mulf %gather3A_341, %gather3A_340 : vector<16xf32>
          %mul3A_343 = arith.constant 80 : i32
          %mul3A_344 = arith.muli %add3A_63, %mul3A_343 : i32
          %mul3A_345 = arith.constant 16 : i32
          %mul3A_346 = arith.muli %add3A_73, %mul3A_345 : i32
          %add3A_347 = arith.addi %mul3A_344, %mul3A_346 : i32
          %add3A_348 = arith.constant 10 : i32
          %add3A_349 = arith.addi %add3A_347, %add3A_348 : i32
          %swap3A_350 = arith.index_cast %add3A_349 : i32 to index
          %swap3A_351 = arith.constant 0 : index
          %swap3A_352 = tpu.vector_load %arg14[%swap3A_350, %swap3A_351] {strides = array<i32>} : memref<400x16xf32, #tpu.memory_space<vmem>>, vector<16xf32>,
          tpu.vector_store %arg14[%swap3A_350, %swap3A_351], %mul3A_342 {strides = array<i32>} : memref<400x16xf32, #tpu.memory_space<vmem>>, vector<16xf32>,
          %add3A_353 = arith.constant 11 : i32
          %add3A_354 = vector.broadcast %add3A_353 : i32 to vector<16xi32>
          %add3A_355 = arith.addi %mul3A_19, %add3A_354 : vector<16xi32>
          %broadcast_in_dim3A_356 = vector.shape_cast %add3A_355 : vector<16xi32> to vector<16x1xi32>
          %gather3A_357 = vector.shape_cast %broadcast_in_dim3A_356 : vector<16x1xi32> to vector<16xi32>
          %gather3A_358 = tpu.dynamic_gather %get3A_77[%gather3A_357] in [0] : vector<16xi32>, vector<16xi32> -> vector<16xi32>
          %add3A_359 = arith.constant 11 : i32
          %add3A_360 = vector.broadcast %add3A_359 : i32 to vector<16xi32>
          %add3A_361 = arith.addi %mul3A_19, %add3A_360 : vector<16xi32>
          %broadcast_in_dim3A_362 = vector.shape_cast %add3A_361 : vector<16xi32> to vector<16x1xi32>
          %gather3A_363 = vector.shape_cast %broadcast_in_dim3A_362 : vector<16x1xi32> to vector<16xi32>
          %gather3A_364 = tpu.dynamic_gather %mul3A_90[%gather3A_363] in [0] : vector<16xf32>, vector<16xi32> -> vector<16xf32>
          %gather3A_365 = tpu.vector_load_idx %arg9[%gather3A_358, %select_n3A_15] : memref<10000x4xf32, #tpu.memory_space<vmem>>[vector<16xi32>, vector<16xi32>], vector<16xf32>,
          %mul3A_366 = arith.mulf %gather3A_365, %gather3A_364 : vector<16xf32>
          %mul3A_367 = arith.constant 80 : i32
          %mul3A_368 = arith.muli %add3A_63, %mul3A_367 : i32
          %mul3A_369 = arith.constant 16 : i32
          %mul3A_370 = arith.muli %add3A_73, %mul3A_369 : i32
          %add3A_371 = arith.addi %mul3A_368, %mul3A_370 : i32
          %add3A_372 = arith.constant 11 : i32
          %add3A_373 = arith.addi %add3A_371, %add3A_372 : i32
          %swap3A_374 = arith.index_cast %add3A_373 : i32 to index
          %swap3A_375 = arith.constant 0 : index
          %swap3A_376 = tpu.vector_load %arg14[%swap3A_374, %swap3A_375] {strides = array<i32>} : memref<400x16xf32, #tpu.memory_space<vmem>>, vector<16xf32>,
          tpu.vector_store %arg14[%swap3A_374, %swap3A_375], %mul3A_366 {strides = array<i32>} : memref<400x16xf32, #tpu.memory_space<vmem>>, vector<16xf32>,
          %add3A_377 = arith.constant 12 : i32
          %add3A_378 = vector.broadcast %add3A_377 : i32 to vector<16xi32>
          %add3A_379 = arith.addi %mul3A_19, %add3A_378 : vector<16xi32>
          %broadcast_in_dim3A_380 = vector.shape_cast %add3A_379 : vector<16xi32> to vector<16x1xi32>
          %gather3A_381 = vector.shape_cast %broadcast_in_dim3A_380 : vector<16x1xi32> to vector<16xi32>
          %gather3A_382 = tpu.dynamic_gather %get3A_77[%gather3A_381] in [0] : vector<16xi32>, vector<16xi32> -> vector<16xi32>
          %add3A_383 = arith.constant 12 : i32
          %add3A_384 = vector.broadcast %add3A_383 : i32 to vector<16xi32>
          %add3A_385 = arith.addi %mul3A_19, %add3A_384 : vector<16xi32>
          %broadcast_in_dim3A_386 = vector.shape_cast %add3A_385 : vector<16xi32> to vector<16x1xi32>
          %gather3A_387 = vector.shape_cast %broadcast_in_dim3A_386 : vector<16x1xi32> to vector<16xi32>
          %gather3A_388 = tpu.dynamic_gather %mul3A_90[%gather3A_387] in [0] : vector<16xf32>, vector<16xi32> -> vector<16xf32>
          %gather3A_389 = tpu.vector_load_idx %arg9[%gather3A_382, %select_n3A_15] : memref<10000x4xf32, #tpu.memory_space<vmem>>[vector<16xi32>, vector<16xi32>], vector<16xf32>,
          %mul3A_390 = arith.mulf %gather3A_389, %gather3A_388 : vector<16xf32>
          %mul3A_391 = arith.constant 80 : i32
          %mul3A_392 = arith.muli %add3A_63, %mul3A_391 : i32
          %mul3A_393 = arith.constant 16 : i32
          %mul3A_394 = arith.muli %add3A_73, %mul3A_393 : i32
          %add3A_395 = arith.addi %mul3A_392, %mul3A_394 : i32
          %add3A_396 = arith.constant 12 : i32
          %add3A_397 = arith.addi %add3A_395, %add3A_396 : i32
          %swap3A_398 = arith.index_cast %add3A_397 : i32 to index
          %swap3A_399 = arith.constant 0 : index
          %swap3A_400 = tpu.vector_load %arg14[%swap3A_398, %swap3A_399] {strides = array<i32>} : memref<400x16xf32, #tpu.memory_space<vmem>>, vector<16xf32>,
          tpu.vector_store %arg14[%swap3A_398, %swap3A_399], %mul3A_390 {strides = array<i32>} : memref<400x16xf32, #tpu.memory_space<vmem>>, vector<16xf32>,
          %add3A_401 = arith.constant 13 : i32
          %add3A_402 = vector.broadcast %add3A_401 : i32 to vector<16xi32>
          %add3A_403 = arith.addi %mul3A_19, %add3A_402 : vector<16xi32>
          %broadcast_in_dim3A_404 = vector.shape_cast %add3A_403 : vector<16xi32> to vector<16x1xi32>
          %gather3A_405 = vector.shape_cast %broadcast_in_dim3A_404 : vector<16x1xi32> to vector<16xi32>
          %gather3A_406 = tpu.dynamic_gather %get3A_77[%gather3A_405] in [0] : vector<16xi32>, vector<16xi32> -> vector<16xi32>
          %add3A_407 = arith.constant 13 : i32
          %add3A_408 = vector.broadcast %add3A_407 : i32 to vector<16xi32>
          %add3A_409 = arith.addi %mul3A_19, %add3A_408 : vector<16xi32>
          %broadcast_in_dim3A_410 = vector.shape_cast %add3A_409 : vector<16xi32> to vector<16x1xi32>
          %gather3A_411 = vector.shape_cast %broadcast_in_dim3A_410 : vector<16x1xi32> to vector<16xi32>
          %gather3A_412 = tpu.dynamic_gather %mul3A_90[%gather3A_411] in [0] : vector<16xf32>, vector<16xi32> -> vector<16xf32>
          %gather3A_413 = tpu.vector_load_idx %arg9[%gather3A_406, %select_n3A_15] : memref<10000x4xf32, #tpu.memory_space<vmem>>[vector<16xi32>, vector<16xi32>], vector<16xf32>,
          %mul3A_414 = arith.mulf %gather3A_413, %gather3A_412 : vector<16xf32>
          %mul3A_415 = arith.constant 80 : i32
          %mul3A_416 = arith.muli %add3A_63, %mul3A_415 : i32
          %mul3A_417 = arith.constant 16 : i32
          %mul3A_418 = arith.muli %add3A_73, %mul3A_417 : i32
          %add3A_419 = arith.addi %mul3A_416, %mul3A_418 : i32
          %add3A_420 = arith.constant 13 : i32
          %add3A_421 = arith.addi %add3A_419, %add3A_420 : i32
          %swap3A_422 = arith.index_cast %add3A_421 : i32 to index
          %swap3A_423 = arith.constant 0 : index
          %swap3A_424 = tpu.vector_load %arg14[%swap3A_422, %swap3A_423] {strides = array<i32>} : memref<400x16xf32, #tpu.memory_space<vmem>>, vector<16xf32>,
          tpu.vector_store %arg14[%swap3A_422, %swap3A_423], %mul3A_414 {strides = array<i32>} : memref<400x16xf32, #tpu.memory_space<vmem>>, vector<16xf32>,
          %add3A_425 = arith.constant 14 : i32
          %add3A_426 = vector.broadcast %add3A_425 : i32 to vector<16xi32>
          %add3A_427 = arith.addi %mul3A_19, %add3A_426 : vector<16xi32>
          %broadcast_in_dim3A_428 = vector.shape_cast %add3A_427 : vector<16xi32> to vector<16x1xi32>
          %gather3A_429 = vector.shape_cast %broadcast_in_dim3A_428 : vector<16x1xi32> to vector<16xi32>
          %gather3A_430 = tpu.dynamic_gather %get3A_77[%gather3A_429] in [0] : vector<16xi32>, vector<16xi32> -> vector<16xi32>
          %add3A_431 = arith.constant 14 : i32
          %add3A_432 = vector.broadcast %add3A_431 : i32 to vector<16xi32>
          %add3A_433 = arith.addi %mul3A_19, %add3A_432 : vector<16xi32>
          %broadcast_in_dim3A_434 = vector.shape_cast %add3A_433 : vector<16xi32> to vector<16x1xi32>
          %gather3A_435 = vector.shape_cast %broadcast_in_dim3A_434 : vector<16x1xi32> to vector<16xi32>
          %gather3A_436 = tpu.dynamic_gather %mul3A_90[%gather3A_435] in [0] : vector<16xf32>, vector<16xi32> -> vector<16xf32>
          %gather3A_437 = tpu.vector_load_idx %arg9[%gather3A_430, %select_n3A_15] : memref<10000x4xf32, #tpu.memory_space<vmem>>[vector<16xi32>, vector<16xi32>], vector<16xf32>,
          %mul3A_438 = arith.mulf %gather3A_437, %gather3A_436 : vector<16xf32>
          %mul3A_439 = arith.constant 80 : i32
          %mul3A_440 = arith.muli %add3A_63, %mul3A_439 : i32
          %mul3A_441 = arith.constant 16 : i32
          %mul3A_442 = arith.muli %add3A_73, %mul3A_441 : i32
          %add3A_443 = arith.addi %mul3A_440, %mul3A_442 : i32
          %add3A_444 = arith.constant 14 : i32
          %add3A_445 = arith.addi %add3A_443, %add3A_444 : i32
          %swap3A_446 = arith.index_cast %add3A_445 : i32 to index
          %swap3A_447 = arith.constant 0 : index
          %swap3A_448 = tpu.vector_load %arg14[%swap3A_446, %swap3A_447] {strides = array<i32>} : memref<400x16xf32, #tpu.memory_space<vmem>>, vector<16xf32>,
          tpu.vector_store %arg14[%swap3A_446, %swap3A_447], %mul3A_438 {strides = array<i32>} : memref<400x16xf32, #tpu.memory_space<vmem>>, vector<16xf32>,
          %add3A_449 = arith.constant 15 : i32
          %add3A_450 = vector.broadcast %add3A_449 : i32 to vector<16xi32>
          %add3A_451 = arith.addi %mul3A_19, %add3A_450 : vector<16xi32>
          %broadcast_in_dim3A_452 = vector.shape_cast %add3A_451 : vector<16xi32> to vector<16x1xi32>
          %gather3A_453 = vector.shape_cast %broadcast_in_dim3A_452 : vector<16x1xi32> to vector<16xi32>
          %gather3A_454 = tpu.dynamic_gather %get3A_77[%gather3A_453] in [0] : vector<16xi32>, vector<16xi32> -> vector<16xi32>
          %add3A_455 = arith.constant 15 : i32
          %add3A_456 = vector.broadcast %add3A_455 : i32 to vector<16xi32>
          %add3A_457 = arith.addi %mul3A_19, %add3A_456 : vector<16xi32>
          %broadcast_in_dim3A_458 = vector.shape_cast %add3A_457 : vector<16xi32> to vector<16x1xi32>
          %gather3A_459 = vector.shape_cast %broadcast_in_dim3A_458 : vector<16x1xi32> to vector<16xi32>
          %gather3A_460 = tpu.dynamic_gather %mul3A_90[%gather3A_459] in [0] : vector<16xf32>, vector<16xi32> -> vector<16xf32>
          %gather3A_461 = tpu.vector_load_idx %arg9[%gather3A_454, %select_n3A_15] : memref<10000x4xf32, #tpu.memory_space<vmem>>[vector<16xi32>, vector<16xi32>], vector<16xf32>,
          %mul3A_462 = arith.mulf %gather3A_461, %gather3A_460 : vector<16xf32>
          %mul3A_463 = arith.constant 80 : i32
          %mul3A_464 = arith.muli %add3A_63, %mul3A_463 : i32
          %mul3A_465 = arith.constant 16 : i32
          %mul3A_466 = arith.muli %add3A_73, %mul3A_465 : i32
          %add3A_467 = arith.addi %mul3A_464, %mul3A_466 : i32
          %add3A_468 = arith.constant 15 : i32
          %add3A_469 = arith.addi %add3A_467, %add3A_468 : i32
          %swap3A_470 = arith.index_cast %add3A_469 : i32 to index
          %swap3A_471 = arith.constant 0 : index
          %swap3A_472 = tpu.vector_load %arg14[%swap3A_470, %swap3A_471] {strides = array<i32>} : memref<400x16xf32, #tpu.memory_space<vmem>>, vector<16xf32>,
          tpu.vector_store %arg14[%swap3A_470, %swap3A_471], %mul3A_462 {strides = array<i32>} : memref<400x16xf32, #tpu.memory_space<vmem>>, vector<16xf32>,
        }
        %scan3A_68 = arith.constant 5 : i32
      }
      %scan3A_54 = arith.constant 5 : i32
      %run_scoped3A = arith.constant 0 : i32
      "tpu.region"() ({
        %run_scoped3A_59 = tpu.sem_alloc : memref<!tpu.dma_semaphore, #tpu.memory_space<semaphore_mem>>
        %dma_start3A_60 = arith.constant 0 : i32
        %dma_start3A_61 = arith.constant 0 : i32
        %dma_start3A_62 = tpu.memref_slice %arg14[%dma_start3A_60, %dma_start3A_61] : memref<400x16xf32, #tpu.memory_space<vmem>> -> memref<80x16xf32, #tpu.memory_space<vmem>>
        %dma_start3A_63 = arith.constant 0 : i32
        %dma_start3A_64 = tpu.memref_slice %arg12[%run_scoped3A, %dma_start3A_63] : memref<5x80xi32, #tpu.memory_space<vmem>> -> memref<1x80xi32, #tpu.memory_space<vmem>>
        %dma_start3A_65 = tpu.memref_squeeze %dma_start3A_64 : memref<1x80xi32, #tpu.memory_space<vmem>> -> memref<80xi32, #tpu.memory_space<vmem>>
        %dma_start3A_66 = arith.constant 0 : i32
        %dma_start3A_67 = arith.constant 0 : i32
        %dma_start3A_68 = tpu.memref_slice %arg15[%dma_start3A_66, %dma_start3A_67] : memref<10000x16xf32, #tpu.memory_space<vmem_shared>> -> memref<10000x16xf32, #tpu.memory_space<vmem_shared>>
        tpu.enqueue_indirect_dma source(%dma_start3A_62 : memref<80x16xf32, #tpu.memory_space<vmem>>) target(%dma_start3A_68 : memref<10000x16xf32, #tpu.memory_space<vmem_shared>>) offsets(%dma_start3A_65 : memref<80xi32, #tpu.memory_space<vmem>>) semaphore(%run_scoped3A_59 : memref<!tpu.dma_semaphore, #tpu.memory_space<semaphore_mem>>) {add = true}
        %dma_wait3A_69 = arith.constant 0 : i32
        %dma_wait3A_70 = arith.constant 0 : i32
        %dma_wait3A_71 = tpu.memref_slice %arg14[%dma_wait3A_69, %dma_wait3A_70] : memref<400x16xf32, #tpu.memory_space<vmem>> -> memref<80x16xf32, #tpu.memory_space<vmem>>
        %dma_wait3A_72 = arith.constant 0 : i32
        %dma_wait3A_73 = tpu.memref_slice %arg12[%run_scoped3A, %dma_wait3A_72] : memref<5x80xi32, #tpu.memory_space<vmem>> -> memref<1x80xi32, #tpu.memory_space<vmem>>
        %dma_wait3A_74 = tpu.memref_squeeze %dma_wait3A_73 : memref<1x80xi32, #tpu.memory_space<vmem>> -> memref<80xi32, #tpu.memory_space<vmem>>
        %dma_wait3A_75 = arith.constant 0 : i32
        %dma_wait3A_76 = arith.constant 0 : i32
        %dma_wait3A_77 = tpu.memref_slice %arg15[%dma_wait3A_75, %dma_wait3A_76] : memref<10000x16xf32, #tpu.memory_space<vmem_shared>> -> memref<10000x16xf32, #tpu.memory_space<vmem_shared>>
        tpu.wait_indirect_dma semaphore(%run_scoped3A_59 : memref<!tpu.dma_semaphore, #tpu.memory_space<semaphore_mem>>) src(%dma_wait3A_71 : memref<80x16xf32, #tpu.memory_space<vmem>>) dst(%dma_wait3A_77 : memref<10000x16xf32, #tpu.memory_space<vmem_shared>>)
        tpu.yield
      }) : () -> ()
      %run_scoped3A_55 = arith.constant 1 : i32
      "tpu.region"() ({
        %run_scoped3A_59 = tpu.sem_alloc : memref<!tpu.dma_semaphore, #tpu.memory_space<semaphore_mem>>
        %dma_start3A_60 = arith.constant 80 : i32
        %dma_start3A_61 = arith.constant 0 : i32
        %dma_start3A_62 = tpu.memref_slice %arg14[%dma_start3A_60, %dma_start3A_61] : memref<400x16xf32, #tpu.memory_space<vmem>> -> memref<80x16xf32, #tpu.memory_space<vmem>>
        %dma_start3A_63 = arith.constant 0 : i32
        %dma_start3A_64 = tpu.memref_slice %arg12[%run_scoped3A_55, %dma_start3A_63] : memref<5x80xi32, #tpu.memory_space<vmem>> -> memref<1x80xi32, #tpu.memory_space<vmem>>
        %dma_start3A_65 = tpu.memref_squeeze %dma_start3A_64 : memref<1x80xi32, #tpu.memory_space<vmem>> -> memref<80xi32, #tpu.memory_space<vmem>>
        %dma_start3A_66 = arith.constant 0 : i32
        %dma_start3A_67 = arith.constant 0 : i32
        %dma_start3A_68 = tpu.memref_slice %arg15[%dma_start3A_66, %dma_start3A_67] : memref<10000x16xf32, #tpu.memory_space<vmem_shared>> -> memref<10000x16xf32, #tpu.memory_space<vmem_shared>>
        tpu.enqueue_indirect_dma source(%dma_start3A_62 : memref<80x16xf32, #tpu.memory_space<vmem>>) target(%dma_start3A_68 : memref<10000x16xf32, #tpu.memory_space<vmem_shared>>) offsets(%dma_start3A_65 : memref<80xi32, #tpu.memory_space<vmem>>) semaphore(%run_scoped3A_59 : memref<!tpu.dma_semaphore, #tpu.memory_space<semaphore_mem>>) {add = true}
        %dma_wait3A_69 = arith.constant 80 : i32
        %dma_wait3A_70 = arith.constant 0 : i32
        %dma_wait3A_71 = tpu.memref_slice %arg14[%dma_wait3A_69, %dma_wait3A_70] : memref<400x16xf32, #tpu.memory_space<vmem>> -> memref<80x16xf32, #tpu.memory_space<vmem>>
        %dma_wait3A_72 = arith.constant 0 : i32
        %dma_wait3A_73 = tpu.memref_slice %arg12[%run_scoped3A_55, %dma_wait3A_72] : memref<5x80xi32, #tpu.memory_space<vmem>> -> memref<1x80xi32, #tpu.memory_space<vmem>>
        %dma_wait3A_74 = tpu.memref_squeeze %dma_wait3A_73 : memref<1x80xi32, #tpu.memory_space<vmem>> -> memref<80xi32, #tpu.memory_space<vmem>>
        %dma_wait3A_75 = arith.constant 0 : i32
        %dma_wait3A_76 = arith.constant 0 : i32
        %dma_wait3A_77 = tpu.memref_slice %arg15[%dma_wait3A_75, %dma_wait3A_76] : memref<10000x16xf32, #tpu.memory_space<vmem_shared>> -> memref<10000x16xf32, #tpu.memory_space<vmem_shared>>
        tpu.wait_indirect_dma semaphore(%run_scoped3A_59 : memref<!tpu.dma_semaphore, #tpu.memory_space<semaphore_mem>>) src(%dma_wait3A_71 : memref<80x16xf32, #tpu.memory_space<vmem>>) dst(%dma_wait3A_77 : memref<10000x16xf32, #tpu.memory_space<vmem_shared>>)
        tpu.yield
      }) : () -> ()
      %run_scoped3A_56 = arith.constant 2 : i32
      "tpu.region"() ({
        %run_scoped3A_59 = tpu.sem_alloc : memref<!tpu.dma_semaphore, #tpu.memory_space<semaphore_mem>>
        %dma_start3A_60 = arith.constant 160 : i32
        %dma_start3A_61 = arith.constant 0 : i32
        %dma_start3A_62 = tpu.memref_slice %arg14[%dma_start3A_60, %dma_start3A_61] : memref<400x16xf32, #tpu.memory_space<vmem>> -> memref<80x16xf32, #tpu.memory_space<vmem>>
        %dma_start3A_63 = arith.constant 0 : i32
        %dma_start3A_64 = tpu.memref_slice %arg12[%run_scoped3A_56, %dma_start3A_63] : memref<5x80xi32, #tpu.memory_space<vmem>> -> memref<1x80xi32, #tpu.memory_space<vmem>>
        %dma_start3A_65 = tpu.memref_squeeze %dma_start3A_64 : memref<1x80xi32, #tpu.memory_space<vmem>> -> memref<80xi32, #tpu.memory_space<vmem>>
        %dma_start3A_66 = arith.constant 0 : i32
        %dma_start3A_67 = arith.constant 0 : i32
        %dma_start3A_68 = tpu.memref_slice %arg15[%dma_start3A_66, %dma_start3A_67] : memref<10000x16xf32, #tpu.memory_space<vmem_shared>> -> memref<10000x16xf32, #tpu.memory_space<vmem_shared>>
        tpu.enqueue_indirect_dma source(%dma_start3A_62 : memref<80x16xf32, #tpu.memory_space<vmem>>) target(%dma_start3A_68 : memref<10000x16xf32, #tpu.memory_space<vmem_shared>>) offsets(%dma_start3A_65 : memref<80xi32, #tpu.memory_space<vmem>>) semaphore(%run_scoped3A_59 : memref<!tpu.dma_semaphore, #tpu.memory_space<semaphore_mem>>) {add = true}
        %dma_wait3A_69 = arith.constant 160 : i32
        %dma_wait3A_70 = arith.constant 0 : i32
        %dma_wait3A_71 = tpu.memref_slice %arg14[%dma_wait3A_69, %dma_wait3A_70] : memref<400x16xf32, #tpu.memory_space<vmem>> -> memref<80x16xf32, #tpu.memory_space<vmem>>
        %dma_wait3A_72 = arith.constant 0 : i32
        %dma_wait3A_73 = tpu.memref_slice %arg12[%run_scoped3A_56, %dma_wait3A_72] : memref<5x80xi32, #tpu.memory_space<vmem>> -> memref<1x80xi32, #tpu.memory_space<vmem>>
        %dma_wait3A_74 = tpu.memref_squeeze %dma_wait3A_73 : memref<1x80xi32, #tpu.memory_space<vmem>> -> memref<80xi32, #tpu.memory_space<vmem>>
        %dma_wait3A_75 = arith.constant 0 : i32
        %dma_wait3A_76 = arith.constant 0 : i32
        %dma_wait3A_77 = tpu.memref_slice %arg15[%dma_wait3A_75, %dma_wait3A_76] : memref<10000x16xf32, #tpu.memory_space<vmem_shared>> -> memref<10000x16xf32, #tpu.memory_space<vmem_shared>>
        tpu.wait_indirect_dma semaphore(%run_scoped3A_59 : memref<!tpu.dma_semaphore, #tpu.memory_space<semaphore_mem>>) src(%dma_wait3A_71 : memref<80x16xf32, #tpu.memory_space<vmem>>) dst(%dma_wait3A_77 : memref<10000x16xf32, #tpu.memory_space<vmem_shared>>)
        tpu.yield
      }) : () -> ()
      %run_scoped3A_57 = arith.constant 3 : i32
      "tpu.region"() ({
        %run_scoped3A_59 = tpu.sem_alloc : memref<!tpu.dma_semaphore, #tpu.memory_space<semaphore_mem>>
        %dma_start3A_60 = arith.constant 240 : i32
        %dma_start3A_61 = arith.constant 0 : i32
        %dma_start3A_62 = tpu.memref_slice %arg14[%dma_start3A_60, %dma_start3A_61] : memref<400x16xf32, #tpu.memory_space<vmem>> -> memref<80x16xf32, #tpu.memory_space<vmem>>
        %dma_start3A_63 = arith.constant 0 : i32
        %dma_start3A_64 = tpu.memref_slice %arg12[%run_scoped3A_57, %dma_start3A_63] : memref<5x80xi32, #tpu.memory_space<vmem>> -> memref<1x80xi32, #tpu.memory_space<vmem>>
        %dma_start3A_65 = tpu.memref_squeeze %dma_start3A_64 : memref<1x80xi32, #tpu.memory_space<vmem>> -> memref<80xi32, #tpu.memory_space<vmem>>
        %dma_start3A_66 = arith.constant 0 : i32
        %dma_start3A_67 = arith.constant 0 : i32
        %dma_start3A_68 = tpu.memref_slice %arg15[%dma_start3A_66, %dma_start3A_67] : memref<10000x16xf32, #tpu.memory_space<vmem_shared>> -> memref<10000x16xf32, #tpu.memory_space<vmem_shared>>
        tpu.enqueue_indirect_dma source(%dma_start3A_62 : memref<80x16xf32, #tpu.memory_space<vmem>>) target(%dma_start3A_68 : memref<10000x16xf32, #tpu.memory_space<vmem_shared>>) offsets(%dma_start3A_65 : memref<80xi32, #tpu.memory_space<vmem>>) semaphore(%run_scoped3A_59 : memref<!tpu.dma_semaphore, #tpu.memory_space<semaphore_mem>>) {add = true}
        %dma_wait3A_69 = arith.constant 240 : i32
        %dma_wait3A_70 = arith.constant 0 : i32
        %dma_wait3A_71 = tpu.memref_slice %arg14[%dma_wait3A_69, %dma_wait3A_70] : memref<400x16xf32, #tpu.memory_space<vmem>> -> memref<80x16xf32, #tpu.memory_space<vmem>>
        %dma_wait3A_72 = arith.constant 0 : i32
        %dma_wait3A_73 = tpu.memref_slice %arg12[%run_scoped3A_57, %dma_wait3A_72] : memref<5x80xi32, #tpu.memory_space<vmem>> -> memref<1x80xi32, #tpu.memory_space<vmem>>
        %dma_wait3A_74 = tpu.memref_squeeze %dma_wait3A_73 : memref<1x80xi32, #tpu.memory_space<vmem>> -> memref<80xi32, #tpu.memory_space<vmem>>
        %dma_wait3A_75 = arith.constant 0 : i32
        %dma_wait3A_76 = arith.constant 0 : i32
        %dma_wait3A_77 = tpu.memref_slice %arg15[%dma_wait3A_75, %dma_wait3A_76] : memref<10000x16xf32, #tpu.memory_space<vmem_shared>> -> memref<10000x16xf32, #tpu.memory_space<vmem_shared>>
        tpu.wait_indirect_dma semaphore(%run_scoped3A_59 : memref<!tpu.dma_semaphore, #tpu.memory_space<semaphore_mem>>) src(%dma_wait3A_71 : memref<80x16xf32, #tpu.memory_space<vmem>>) dst(%dma_wait3A_77 : memref<10000x16xf32, #tpu.memory_space<vmem_shared>>)
        tpu.yield
      }) : () -> ()
      %run_scoped3A_58 = arith.constant 4 : i32
      "tpu.region"() ({
        %run_scoped3A_59 = tpu.sem_alloc : memref<!tpu.dma_semaphore, #tpu.memory_space<semaphore_mem>>
        %dma_start3A_60 = arith.constant 320 : i32
        %dma_start3A_61 = arith.constant 0 : i32
        %dma_start3A_62 = tpu.memref_slice %arg14[%dma_start3A_60, %dma_start3A_61] : memref<400x16xf32, #tpu.memory_space<vmem>> -> memref<80x16xf32, #tpu.memory_space<vmem>>
        %dma_start3A_63 = arith.constant 0 : i32
        %dma_start3A_64 = tpu.memref_slice %arg12[%run_scoped3A_58, %dma_start3A_63] : memref<5x80xi32, #tpu.memory_space<vmem>> -> memref<1x80xi32, #tpu.memory_space<vmem>>
        %dma_start3A_65 = tpu.memref_squeeze %dma_start3A_64 : memref<1x80xi32, #tpu.memory_space<vmem>> -> memref<80xi32, #tpu.memory_space<vmem>>
        %dma_start3A_66 = arith.constant 0 : i32
        %dma_start3A_67 = arith.constant 0 : i32
        %dma_start3A_68 = tpu.memref_slice %arg15[%dma_start3A_66, %dma_start3A_67] : memref<10000x16xf32, #tpu.memory_space<vmem_shared>> -> memref<10000x16xf32, #tpu.memory_space<vmem_shared>>
        tpu.enqueue_indirect_dma source(%dma_start3A_62 : memref<80x16xf32, #tpu.memory_space<vmem>>) target(%dma_start3A_68 : memref<10000x16xf32, #tpu.memory_space<vmem_shared>>) offsets(%dma_start3A_65 : memref<80xi32, #tpu.memory_space<vmem>>) semaphore(%run_scoped3A_59 : memref<!tpu.dma_semaphore, #tpu.memory_space<semaphore_mem>>) {add = true}
        %dma_wait3A_69 = arith.constant 320 : i32
        %dma_wait3A_70 = arith.constant 0 : i32
        %dma_wait3A_71 = tpu.memref_slice %arg14[%dma_wait3A_69, %dma_wait3A_70] : memref<400x16xf32, #tpu.memory_space<vmem>> -> memref<80x16xf32, #tpu.memory_space<vmem>>
        %dma_wait3A_72 = arith.constant 0 : i32
        %dma_wait3A_73 = tpu.memref_slice %arg12[%run_scoped3A_58, %dma_wait3A_72] : memref<5x80xi32, #tpu.memory_space<vmem>> -> memref<1x80xi32, #tpu.memory_space<vmem>>
        %dma_wait3A_74 = tpu.memref_squeeze %dma_wait3A_73 : memref<1x80xi32, #tpu.memory_space<vmem>> -> memref<80xi32, #tpu.memory_space<vmem>>
        %dma_wait3A_75 = arith.constant 0 : i32
        %dma_wait3A_76 = arith.constant 0 : i32
        %dma_wait3A_77 = tpu.memref_slice %arg15[%dma_wait3A_75, %dma_wait3A_76] : memref<10000x16xf32, #tpu.memory_space<vmem_shared>> -> memref<10000x16xf32, #tpu.memory_space<vmem_shared>>
        tpu.wait_indirect_dma semaphore(%run_scoped3A_59 : memref<!tpu.dma_semaphore, #tpu.memory_space<semaphore_mem>>) src(%dma_wait3A_71 : memref<80x16xf32, #tpu.memory_space<vmem>>) dst(%dma_wait3A_77 : memref<10000x16xf32, #tpu.memory_space<vmem_shared>>)
        tpu.yield
      }) : () -> ()
    }
    %scan3A_26 = arith.constant 25 : i32
    %barrier3A_27 = arith.constant 0 : index
    tpu.barrier barrier_id(%barrier3A_27)
    %eq3A_28 = arith.constant 0 : i32
    %eq3A_29 = arith.cmpi eq, %arg1, %eq3A_28 : i32
    %convert_element_type3A_30 = arith.extui %eq3A_29 : i1 to i32
    %cond3A_31 = arith.constant 0 : i32
    %cond3A_32 = arith.cmpi ne, %convert_element_type3A_30, %cond3A_31 : i32
    scf.if %cond3A_32 {
      "tpu.region"() ({
        %run_scoped3A = tpu.sem_alloc : memref<!tpu.dma_semaphore, #tpu.memory_space<semaphore_mem>>
        %dma_start3A = arith.constant 0 : i32
        %dma_start3A_33 = arith.constant 0 : i32
        %dma_start3A_34 = tpu.memref_slice %arg8[%arg0, %dma_start3A, %dma_start3A_33] : memref<2x10000x16xf32, #tpu.memory_space<hbm>> -> memref<1x10000x16xf32, #tpu.memory_space<hbm>>
        %dma_start3A_35 = tpu.memref_squeeze %dma_start3A_34 : memref<1x10000x16xf32, #tpu.memory_space<hbm>> -> memref<10000x16xf32, #tpu.memory_space<hbm>>
        tpu.enqueue_dma source(%arg15 : memref<10000x16xf32, #tpu.memory_space<vmem_shared>>) target(%dma_start3A_35 : memref<10000x16xf32, #tpu.memory_space<hbm>>) target_semaphore(%run_scoped3A : memref<!tpu.dma_semaphore, #tpu.memory_space<semaphore_mem>>)
        %dma_wait3A = arith.constant 0 : i32
        %dma_wait3A_36 = arith.constant 0 : i32
        %dma_wait3A_37 = tpu.memref_slice %arg8[%arg0, %dma_wait3A, %dma_wait3A_36] : memref<2x10000x16xf32, #tpu.memory_space<hbm>> -> memref<1x10000x16xf32, #tpu.memory_space<hbm>>
        %dma_wait3A_38 = tpu.memref_squeeze %dma_wait3A_37 : memref<1x10000x16xf32, #tpu.memory_space<hbm>> -> memref<10000x16xf32, #tpu.memory_space<hbm>>
        tpu.wait_dma2 semaphore(%run_scoped3A : memref<!tpu.dma_semaphore, #tpu.memory_space<semaphore_mem>>) src(%arg15 : memref<10000x16xf32, #tpu.memory_space<vmem_shared>>) dst(%dma_wait3A_38 : memref<10000x16xf32, #tpu.memory_space<hbm>>)
        tpu.yield
      }) : () -> ()
    } else {
    }
    return
  }
}

module attributes {stable_mosaic.version = 14 : i64} {
  func.func @_tc_proj_body(%arg0: i32, %arg1: memref<1000x128xf32, #tpu.memory_space<vmem>>, %arg2: memref<128x64xf32, #tpu.memory_space<vmem>>, %arg3: memref<64x8xf32, #tpu.memory_space<vmem>>, %arg4: memref<64x8xf32, #tpu.memory_space<vmem>>, %arg5: memref<1000x64xf32, #tpu.memory_space<vmem>>, %arg6: memref<1000x16xf32, #tpu.memory_space<vmem>>) attributes {dimension_semantics = [#tpu.dimension_semantics<arbitrary>], iteration_bounds = array<i64: 10>, scalar_prefetch = 0 : i64, scratch_operands = 0 : i64, tpu.core_type = #tpu.core_type<tc>, window_params = [{transform_indices = @transform_0, window_bounds = array<i64: 1000, 128>}, {pipeline_mode = #tpu.pipeline_mode<synchronous>, transform_indices = @transform_1, window_bounds = array<i64: 128, 64>}, {pipeline_mode = #tpu.pipeline_mode<synchronous>, transform_indices = @transform_2, window_bounds = array<i64: 64, 8>}, {pipeline_mode = #tpu.pipeline_mode<synchronous>, transform_indices = @transform_3, window_bounds = array<i64: 64, 8>}, {transform_indices = @transform_4, window_bounds = array<i64: 1000, 64>}, {transform_indices = @transform_5, window_bounds = array<i64: 1000, 16>}]} {
    %get3A = arith.constant 0 : index
    %get3A_0 = arith.constant 0 : index
    %get3A_1 = vector.load %arg1[%get3A, %get3A_0] : memref<1000x128xf32, #tpu.memory_space<vmem>>, vector<1000x128xf32>
    %get3A_2 = arith.constant 0 : index
    %get3A_3 = arith.constant 0 : index
    %get3A_4 = vector.load %arg2[%get3A_2, %get3A_3] : memref<128x64xf32, #tpu.memory_space<vmem>>, vector<128x64xf32>
    %dot_general3A = arith.constant dense<0.000000e+00> : vector<1000x64xf32>
    %dot_general3A_5 = tpu.matmul %get3A_1, %get3A_4, %dot_general3A {dimension_numbers = #tpu.dot_dimension_numbers<[1], [0], [0], [1], [0, 0, 1, 1], [], []>, transpose_lhs_hint = false} : vector<1000x128xf32>, vector<128x64xf32>, vector<1000x64xf32> -> vector<1000x64xf32>
    %swap3A = arith.constant 0 : index
    %swap3A_6 = arith.constant 0 : index
    %swap3A_7 = vector.load %arg5[%swap3A, %swap3A_6] : memref<1000x64xf32, #tpu.memory_space<vmem>>, vector<1000x64xf32>
    tpu.vector_store %arg5[%swap3A, %swap3A_6], %dot_general3A_5 {strides = array<i32>} : memref<1000x64xf32, #tpu.memory_space<vmem>>, vector<1000x64xf32>,
    %get3A_8 = arith.constant 0 : index
    %get3A_9 = arith.constant 0 : index
    %get3A_10 = vector.load %arg3[%get3A_8, %get3A_9] : memref<64x8xf32, #tpu.memory_space<vmem>>, vector<64x8xf32>
    %dot_general3A_11 = arith.constant dense<0.000000e+00> : vector<1000x8xf32>
    %dot_general3A_12 = tpu.matmul %dot_general3A_5, %get3A_10, %dot_general3A_11 {dimension_numbers = #tpu.dot_dimension_numbers<[1], [0], [0], [1], [0, 0, 1, 1], [], []>, transpose_lhs_hint = false} : vector<1000x64xf32>, vector<64x8xf32>, vector<1000x8xf32> -> vector<1000x8xf32>
    %get3A_13 = arith.constant 0 : index
    %get3A_14 = arith.constant 0 : index
    %get3A_15 = vector.load %arg4[%get3A_13, %get3A_14] : memref<64x8xf32, #tpu.memory_space<vmem>>, vector<64x8xf32>
    %dot_general3A_16 = arith.constant dense<0.000000e+00> : vector<1000x8xf32>
    %dot_general3A_17 = tpu.matmul %dot_general3A_5, %get3A_15, %dot_general3A_16 {dimension_numbers = #tpu.dot_dimension_numbers<[1], [0], [0], [1], [0, 0, 1, 1], [], []>, transpose_lhs_hint = false} : vector<1000x64xf32>, vector<64x8xf32>, vector<1000x8xf32> -> vector<1000x8xf32>
    %concatenate3A = tpu.concatenate %dot_general3A_12, %dot_general3A_17 in 1 : vector<1000x8xf32>, vector<1000x8xf32> -> vector<1000x16xf32>
    %swap3A_18 = arith.constant 0 : index
    %swap3A_19 = arith.constant 0 : index
    %swap3A_20 = vector.load %arg6[%swap3A_18, %swap3A_19] : memref<1000x16xf32, #tpu.memory_space<vmem>>, vector<1000x16xf32>
    tpu.vector_store %arg6[%swap3A_18, %swap3A_19], %concatenate3A {strides = array<i32>} : memref<1000x16xf32, #tpu.memory_space<vmem>>, vector<1000x16xf32>,
    return
  }
  func.func @transform_0(%arg0: i32) -> (i32, i32) {
    %c0_i32 = arith.constant 0 : i32
    %c0_i32_0 = arith.constant 0 : i32
    return %arg0, %c0_i32 : i32, i32
  }
  func.func @transform_1(%arg0: i32) -> (i32, i32) {
    %c0_i32 = arith.constant 0 : i32
    %c0_i32_0 = arith.constant 0 : i32
    %c0_i32_1 = arith.constant 0 : i32
    return %c0_i32, %c0_i32_0 : i32, i32
  }
  func.func @transform_2(%arg0: i32) -> (i32, i32) {
    %c0_i32 = arith.constant 0 : i32
    %c0_i32_0 = arith.constant 0 : i32
    %c0_i32_1 = arith.constant 0 : i32
    return %c0_i32, %c0_i32_0 : i32, i32
  }
  func.func @transform_3(%arg0: i32) -> (i32, i32) {
    %c0_i32 = arith.constant 0 : i32
    %c0_i32_0 = arith.constant 0 : i32
    %c0_i32_1 = arith.constant 0 : i32
    return %c0_i32, %c0_i32_0 : i32, i32
  }
  func.func @transform_4(%arg0: i32) -> (i32, i32) {
    %c0_i32 = arith.constant 0 : i32
    %c0_i32_0 = arith.constant 0 : i32
    return %arg0, %c0_i32 : i32, i32
  }
  func.func @transform_5(%arg0: i32) -> (i32, i32) {
    %c0_i32 = arith.constant 0 : i32
    %c0_i32_0 = arith.constant 0 : i32
    return %arg0, %c0_i32 : i32, i32
  }
}

module attributes {stable_mosaic.version = 14 : i64} {
  func.func @_tc_rdenom_body(%arg0: memref<2x10000x16xf32, #tpu.memory_space<vmem>>, %arg1: memref<10000x16xf32, #tpu.memory_space<vmem>>) attributes {dimension_semantics = [], scalar_prefetch = 0 : i64, scratch_operands = 0 : i64, tpu.core_type = #tpu.core_type<tc>} {
    %get3A = arith.constant 0 : index
    %get3A_0 = arith.constant 0 : index
    %get3A_1 = arith.constant 0 : index
    %get3A_2 = vector.load %arg0[%get3A, %get3A_0, %get3A_1] : memref<2x10000x16xf32, #tpu.memory_space<vmem>>, vector<1x10000x16xf32>
    %get3A_3 = vector.shape_cast %get3A_2 : vector<1x10000x16xf32> to vector<10000x16xf32>
    %get3A_4 = arith.constant 1 : index
    %get3A_5 = arith.constant 0 : index
    %get3A_6 = arith.constant 0 : index
    %get3A_7 = vector.load %arg0[%get3A_4, %get3A_5, %get3A_6] : memref<2x10000x16xf32, #tpu.memory_space<vmem>>, vector<1x10000x16xf32>
    %get3A_8 = vector.shape_cast %get3A_7 : vector<1x10000x16xf32> to vector<10000x16xf32>
    %add3A = arith.addf %get3A_3, %get3A_8 : vector<10000x16xf32>
    %add3A_9 = arith.constant 1.000000e-16 : f32
    %add3A_10 = vector.broadcast %add3A_9 : f32 to vector<10000x16xf32>
    %add3A_11 = arith.addf %add3A, %add3A_10 : vector<10000x16xf32>
    %div3A = arith.constant 1.000000e+00 : f32
    %div3A_12 = vector.broadcast %div3A : f32 to vector<10000x16xf32>
    %div3A_13 = arith.divf %div3A_12, %add3A_11 : vector<10000x16xf32>
    %swap3A = arith.constant 0 : index
    %swap3A_14 = arith.constant 0 : index
    %swap3A_15 = vector.load %arg1[%swap3A, %swap3A_14] : memref<10000x16xf32, #tpu.memory_space<vmem>>, vector<10000x16xf32>
    tpu.vector_store %arg1[%swap3A, %swap3A_14], %div3A_13 {strides = array<i32>} : memref<10000x16xf32, #tpu.memory_space<vmem>>, vector<10000x16xf32>,
    return
  }
}

module attributes {stable_mosaic.version = 14 : i64} {
  func.func @_tc_layer2_body(%arg0: i32, %arg1: memref<2x1000x64xf32, #tpu.memory_space<vmem>>, %arg2: memref<1x64xf32, #tpu.memory_space<vmem>>, %arg3: memref<64x4xf32, #tpu.memory_space<vmem>>, %arg4: memref<4x1xf32, #tpu.memory_space<vmem>>, %arg5: memref<4x1xf32, #tpu.memory_space<vmem>>, %arg6: memref<1000x64xf32, #tpu.memory_space<vmem>>, %arg7: memref<1000x4xf32, #tpu.memory_space<vmem>>, %arg8: memref<1000x2xf32, #tpu.memory_space<vmem>>) attributes {dimension_semantics = [#tpu.dimension_semantics<arbitrary>], iteration_bounds = array<i64: 10>, scalar_prefetch = 0 : i64, scratch_operands = 0 : i64, tpu.core_type = #tpu.core_type<tc>, window_params = [{transform_indices = @transform_0, window_bounds = array<i64: 2, 1000, 64>}, {pipeline_mode = #tpu.pipeline_mode<synchronous>, transform_indices = @transform_1, window_bounds = array<i64: 1, 64>}, {pipeline_mode = #tpu.pipeline_mode<synchronous>, transform_indices = @transform_2, window_bounds = array<i64: 64, 4>}, {pipeline_mode = #tpu.pipeline_mode<synchronous>, transform_indices = @transform_3, window_bounds = array<i64: 4, 1>}, {pipeline_mode = #tpu.pipeline_mode<synchronous>, transform_indices = @transform_4, window_bounds = array<i64: 4, 1>}, {transform_indices = @transform_5, window_bounds = array<i64: 1000, 64>}, {transform_indices = @transform_6, window_bounds = array<i64: 1000, 4>}, {transform_indices = @transform_7, window_bounds = array<i64: 1000, 2>}]} {
    %get3A = arith.constant 0 : index
    %get3A_0 = arith.constant 0 : index
    %get3A_1 = arith.constant 0 : index
    %get3A_2 = vector.load %arg1[%get3A, %get3A_0, %get3A_1] : memref<2x1000x64xf32, #tpu.memory_space<vmem>>, vector<1x1000x64xf32>
    %get3A_3 = vector.shape_cast %get3A_2 : vector<1x1000x64xf32> to vector<1000x64xf32>
    %get3A_4 = arith.constant 1 : index
    %get3A_5 = arith.constant 0 : index
    %get3A_6 = arith.constant 0 : index
    %get3A_7 = vector.load %arg1[%get3A_4, %get3A_5, %get3A_6] : memref<2x1000x64xf32, #tpu.memory_space<vmem>>, vector<1x1000x64xf32>
    %get3A_8 = vector.shape_cast %get3A_7 : vector<1x1000x64xf32> to vector<1000x64xf32>
    %add3A = arith.addf %get3A_3, %get3A_8 : vector<1000x64xf32>
    %get3A_9 = arith.constant 0 : index
    %get3A_10 = arith.constant 0 : index
    %get3A_11 = vector.load %arg2[%get3A_9, %get3A_10] : memref<1x64xf32, #tpu.memory_space<vmem>>, vector<1x64xf32>
    %add3A_12 = vector.broadcast %get3A_11 : vector<1x64xf32> to vector<1000x64xf32>
    %add3A_13 = arith.addf %add3A, %add3A_12 : vector<1000x64xf32>
    %max3A = arith.constant 0.000000e+00 : f32
    %max3A_14 = vector.broadcast %max3A : f32 to vector<1000x64xf32>
    %max3A_15 = arith.maximumf %add3A_13, %max3A_14 : vector<1000x64xf32>
    %swap3A = arith.constant 0 : index
    %swap3A_16 = arith.constant 0 : index
    %swap3A_17 = vector.load %arg6[%swap3A, %swap3A_16] : memref<1000x64xf32, #tpu.memory_space<vmem>>, vector<1000x64xf32>
    tpu.vector_store %arg6[%swap3A, %swap3A_16], %max3A_15 {strides = array<i32>} : memref<1000x64xf32, #tpu.memory_space<vmem>>, vector<1000x64xf32>,
    %get3A_18 = arith.constant 0 : index
    %get3A_19 = arith.constant 0 : index
    %get3A_20 = vector.load %arg3[%get3A_18, %get3A_19] : memref<64x4xf32, #tpu.memory_space<vmem>>, vector<64x4xf32>
    %dot_general3A = arith.constant dense<0.000000e+00> : vector<1000x4xf32>
    %dot_general3A_21 = tpu.matmul %max3A_15, %get3A_20, %dot_general3A {dimension_numbers = #tpu.dot_dimension_numbers<[1], [0], [0], [1], [0, 0, 1, 1], [], []>, transpose_lhs_hint = false} : vector<1000x64xf32>, vector<64x4xf32>, vector<1000x4xf32> -> vector<1000x4xf32>
    %swap3A_22 = arith.constant 0 : index
    %swap3A_23 = arith.constant 0 : index
    %swap3A_24 = vector.load %arg7[%swap3A_22, %swap3A_23] : memref<1000x4xf32, #tpu.memory_space<vmem>>, vector<1000x4xf32>
    tpu.vector_store %arg7[%swap3A_22, %swap3A_23], %dot_general3A_21 {strides = array<i32>} : memref<1000x4xf32, #tpu.memory_space<vmem>>, vector<1000x4xf32>,
    %get3A_25 = arith.constant 0 : index
    %get3A_26 = arith.constant 0 : index
    %get3A_27 = vector.load %arg4[%get3A_25, %get3A_26] : memref<4x1xf32, #tpu.memory_space<vmem>>, vector<4x1xf32>
    %dot_general3A_28 = arith.constant dense<0.000000e+00> : vector<1000x1xf32>
    %dot_general3A_29 = tpu.matmul %dot_general3A_21, %get3A_27, %dot_general3A_28 {dimension_numbers = #tpu.dot_dimension_numbers<[1], [0], [0], [1], [0, 0, 1, 1], [], []>, transpose_lhs_hint = false} : vector<1000x4xf32>, vector<4x1xf32>, vector<1000x1xf32> -> vector<1000x1xf32>
    %get3A_30 = arith.constant 0 : index
    %get3A_31 = arith.constant 0 : index
    %get3A_32 = vector.load %arg5[%get3A_30, %get3A_31] : memref<4x1xf32, #tpu.memory_space<vmem>>, vector<4x1xf32>
    %dot_general3A_33 = arith.constant dense<0.000000e+00> : vector<1000x1xf32>
    %dot_general3A_34 = tpu.matmul %dot_general3A_21, %get3A_32, %dot_general3A_33 {dimension_numbers = #tpu.dot_dimension_numbers<[1], [0], [0], [1], [0, 0, 1, 1], [], []>, transpose_lhs_hint = false} : vector<1000x4xf32>, vector<4x1xf32>, vector<1000x1xf32> -> vector<1000x1xf32>
    %concatenate3A = tpu.concatenate %dot_general3A_29, %dot_general3A_34 in 1 : vector<1000x1xf32>, vector<1000x1xf32> -> vector<1000x2xf32>
    %swap3A_35 = arith.constant 0 : index
    %swap3A_36 = arith.constant 0 : index
    %swap3A_37 = vector.load %arg8[%swap3A_35, %swap3A_36] : memref<1000x2xf32, #tpu.memory_space<vmem>>, vector<1000x2xf32>
    tpu.vector_store %arg8[%swap3A_35, %swap3A_36], %concatenate3A {strides = array<i32>} : memref<1000x2xf32, #tpu.memory_space<vmem>>, vector<1000x2xf32>,
    return
  }
  func.func @transform_0(%arg0: i32) -> (i32, i32, i32) {
    %c0_i32 = arith.constant 0 : i32
    %c0_i32_0 = arith.constant 0 : i32
    %c0_i32_1 = arith.constant 0 : i32
    return %c0_i32, %arg0, %c0_i32_0 : i32, i32, i32
  }
  func.func @transform_1(%arg0: i32) -> (i32, i32) {
    %c0_i32 = arith.constant 0 : i32
    %c0_i32_0 = arith.constant 0 : i32
    %c0_i32_1 = arith.constant 0 : i32
    return %c0_i32, %c0_i32_0 : i32, i32
  }
  func.func @transform_2(%arg0: i32) -> (i32, i32) {
    %c0_i32 = arith.constant 0 : i32
    %c0_i32_0 = arith.constant 0 : i32
    %c0_i32_1 = arith.constant 0 : i32
    return %c0_i32, %c0_i32_0 : i32, i32
  }
  func.func @transform_3(%arg0: i32) -> (i32, i32) {
    %c0_i32 = arith.constant 0 : i32
    %c0_i32_0 = arith.constant 0 : i32
    %c0_i32_1 = arith.constant 0 : i32
    return %c0_i32, %c0_i32_0 : i32, i32
  }
  func.func @transform_4(%arg0: i32) -> (i32, i32) {
    %c0_i32 = arith.constant 0 : i32
    %c0_i32_0 = arith.constant 0 : i32
    %c0_i32_1 = arith.constant 0 : i32
    return %c0_i32, %c0_i32_0 : i32, i32
  }
  func.func @transform_5(%arg0: i32) -> (i32, i32) {
    %c0_i32 = arith.constant 0 : i32
    %c0_i32_0 = arith.constant 0 : i32
    return %arg0, %c0_i32 : i32, i32
  }
  func.func @transform_6(%arg0: i32) -> (i32, i32) {
    %c0_i32 = arith.constant 0 : i32
    %c0_i32_0 = arith.constant 0 : i32
    return %arg0, %c0_i32 : i32, i32
  }
  func.func @transform_7(%arg0: i32) -> (i32, i32) {
    %c0_i32 = arith.constant 0 : i32
    %c0_i32_0 = arith.constant 0 : i32
    return %arg0, %c0_i32 : i32, i32
  }
}

module attributes {stable_mosaic.version = 14 : i64} {
  func.func @_tc_rdenom_body(%arg0: memref<2x10000xf32, #tpu.memory_space<vmem>>, %arg1: memref<10000xf32, #tpu.memory_space<vmem>>) attributes {dimension_semantics = [], scalar_prefetch = 0 : i64, scratch_operands = 0 : i64, tpu.core_type = #tpu.core_type<tc>} {
    %get3A = arith.constant 0 : index
    %get3A_0 = arith.constant 0 : index
    %get3A_1 = vector.load %arg0[%get3A, %get3A_0] : memref<2x10000xf32, #tpu.memory_space<vmem>>, vector<1x10000xf32>
    %get3A_2 = vector.shape_cast %get3A_1 : vector<1x10000xf32> to vector<10000xf32>
    %get3A_3 = arith.constant 1 : index
    %get3A_4 = arith.constant 0 : index
    %get3A_5 = vector.load %arg0[%get3A_3, %get3A_4] : memref<2x10000xf32, #tpu.memory_space<vmem>>, vector<1x10000xf32>
    %get3A_6 = vector.shape_cast %get3A_5 : vector<1x10000xf32> to vector<10000xf32>
    %add3A = arith.addf %get3A_2, %get3A_6 : vector<10000xf32>
    %add3A_7 = arith.constant 1.000000e-16 : f32
    %add3A_8 = vector.broadcast %add3A_7 : f32 to vector<10000xf32>
    %add3A_9 = arith.addf %add3A, %add3A_8 : vector<10000xf32>
    %div3A = arith.constant 1.000000e+00 : f32
    %div3A_10 = vector.broadcast %div3A : f32 to vector<10000xf32>
    %div3A_11 = arith.divf %div3A_10, %add3A_9 : vector<10000xf32>
    %swap3A = arith.constant 0 : index
    %swap3A_12 = vector.load %arg1[%swap3A] : memref<10000xf32, #tpu.memory_space<vmem>>, vector<10000xf32>
    tpu.vector_store %arg1[%swap3A], %div3A_11 {strides = array<i32>} : memref<10000xf32, #tpu.memory_space<vmem>>, vector<10000xf32>,
    return
  }
}

module attributes {stable_mosaic.version = 14 : i64} {
  func.func @_tc_final_body(%arg0: memref<2x10000x16xf32, #tpu.memory_space<vmem>>, %arg1: memref<1x4xf32, #tpu.memory_space<vmem>>, %arg2: memref<10000x4xf32, #tpu.memory_space<vmem>>) attributes {dimension_semantics = [], scalar_prefetch = 0 : i64, scratch_operands = 0 : i64, tpu.core_type = #tpu.core_type<tc>} {
    %get3A = arith.constant 0 : index
    %get3A_0 = arith.constant 0 : index
    %get3A_1 = arith.constant 0 : index
    %get3A_2 = vector.load %arg0[%get3A, %get3A_0, %get3A_1] : memref<2x10000x16xf32, #tpu.memory_space<vmem>>, vector<1x10000x4xf32>
    %get3A_3 = vector.shape_cast %get3A_2 : vector<1x10000x4xf32> to vector<10000x4xf32>
    %get3A_4 = arith.constant 1 : index
    %get3A_5 = arith.constant 0 : index
    %get3A_6 = arith.constant 0 : index
    %get3A_7 = vector.load %arg0[%get3A_4, %get3A_5, %get3A_6] : memref<2x10000x16xf32, #tpu.memory_space<vmem>>, vector<1x10000x4xf32>
    %get3A_8 = vector.shape_cast %get3A_7 : vector<1x10000x4xf32> to vector<10000x4xf32>
    %add3A = arith.addf %get3A_3, %get3A_8 : vector<10000x4xf32>
    %get3A_9 = arith.constant 0 : index
    %get3A_10 = arith.constant 0 : index
    %get3A_11 = vector.load %arg1[%get3A_9, %get3A_10] : memref<1x4xf32, #tpu.memory_space<vmem>>, vector<1x4xf32>
    %add3A_12 = vector.broadcast %get3A_11 : vector<1x4xf32> to vector<10000x4xf32>
    %add3A_13 = arith.addf %add3A, %add3A_12 : vector<10000x4xf32>
    %swap3A = arith.constant 0 : index
    %swap3A_14 = arith.constant 0 : index
    %swap3A_15 = vector.load %arg2[%swap3A, %swap3A_14] : memref<10000x4xf32, #tpu.memory_space<vmem>>, vector<10000x4xf32>
    tpu.vector_store %arg2[%swap3A, %swap3A_14], %add3A_13 {strides = array<i32>} : memref<10000x4xf32, #tpu.memory_space<vmem>>, vector<10000x4xf32>,
    return
  }
}

</mosaic_0001>

<sc_bundles>
// kernel: kernel.11.cloned.1.call-start
scs
__scs_entry_jumppad:
0x0: {  	(pc) =	sbr.rel $0x88, $3  }
0x1: {  	(tag) =	ssettag $0x0;
	lr =	simm.s32 $0x1  }
0x2: {  	[smem:$0x3F97] =	sst lr;
	_ =	strace $0xD0000000  }
0x3: {  	_ = 	snop  }
0x4: {  	_ = 	snop  }
0x5: {  	_ = 	snop  }
0x6: {  	_ = 	snop  }
0x7: {  	_ = 	snop  }
__scs_overlays_trampoline_lowered:
0x8: {  	[smem:$0x3FA6] =	sst s0  }
0x9: {  	[smem:$0x3FA7] =	sst s1  }
0xa: {  	[smem:$0x3FA8] =	sst s2  }
0xb: {  	[smem:$0x3FA9] =	sst s3  }
0xc: {  	[smem:$0x3FAA] =	sst s4  }
0xd: {  	[smem:$0x3FAB] =	sst s5  }
0xe: {  	[smem:$0x3FAC] =	sst s6  }
0xf: {  	[smem:$0x3FAD] =	sst s7  }
0x10: {  	[smem:$0x3FAE] =	sst s8  }
0x11: {  	[smem:$0x3FAF] =	sst s9;
	s0 =	simm.s32 @!p0 $0x0  }
0x12: {  	s1 =	sld [smem:$0x3F95];
	s0 =	simm.s32 @p0 $0x1  }
0x13: {  	[smem:$0x3FB0] =	sst s0;
	s0 =	simm.s32 @!p1 $0x0  }
0x14: {  	s2 =	sld [smem:$0x3F94];
	s0 =	simm.s32 @p1 $0x1  }
0x15: {  	[smem:$0x3FB1] =	sst s0;
	s0 =	simm.s32 @!p2 $0x0  }
0x16: {  	s3 =	sld [smem:$0x3FDB];
	s0 =	simm.s32 @p2 $0x1  }
0x17: {  	s4 =	simm.s32 $0x1BF5;
	[smem:$0x3FB3] =	sst s0  }
0x18: {  	s0 =	sld [smem:$0x3F96];
	_ =	swait.ge [sflag:s4], $0x0  }
0x19: {  	s7 =	sld [smem:$0x3F97]  }
0x1a: {  	s8 =	sadd.s32 $0xFFFFE003, lr  }
0x1b: {  	s9 =	sadd.s32 $0xFFFFFEF7, lr;
	s5 =	simm.s32 $0xFFFFFFFF;
	p2 =	slt.u32 s8, $0xFFFFF086  }
0x1c: {  	p1 =	slt.u32 s9, $0xF7A;
	s5 =	simm.s32 @!p2 $0x0  }
0x1d: {  	s5 =	simm.s32 @p1 $0x1;
	p0 =	seq.s32 s7, s2  }
0x1e: {  	s7 =	smul.u32 @!p0 $0xF7A, s2;
	p2 =	seq.s32 @!p0 s5, $0x0  }
0x1f: {  	s9 =	smul.u32 $0xF7A, s1;
	s8 =	simm.s32 @!p0 $0x1BF5;
	p2 =	por !p2, p0  }
0x20: {  	[sflag:s8] =	ssyncset.s32 @!p0 $0xFFFFF086;
	s6 =	sadd.s32 @!p0 s3, s7;
	s7 =	simm.s32 @!p0 $0x108  }
0x21: {  	s3 =	sadd.s32 s3, s9;
	s6 =	sadd.s32 @!p0 $0x88, s6;
	s7 =	simm.s32 @p2 $0x1082  }
0x22: {  	[simem:s7], [sflag:s8] =	dma.local @!p0 [hbm:s6], $0xF7A  }
0x23: {  	s9 =	sor.u32 $0xD0000000, s2;
	s6 =	simm.s32 $0x108;
	_ =	swait.ge @!p0 [sflag:s8], $0x0  }
0x24: {  	s3 =	sadd.s32 $0x88, s3;
	s6 =	simm.s32 @!p1 $0x1082;
	[sflag:s4] =	ssyncset.s32 $0xFFFFF086  }
0x25: {  	[simem:s6], [sflag:s4] =	dma.local [hbm:s3], $0xF7A  }
0x26: {  	[smem:$0x3F97] =	sst s1;
	(tag) =	ssettag s2;
	_ =	strace s9  }
0x27: {  	s1 =	sld [smem:$0x3FA7]  }
0x28: {  	s2 =	sld [smem:$0x3FA8]  }
0x29: {  	s4 =	sld [smem:$0x3FAA]  }
0x2a: {  	p0 =	seq.s32 s5, $0x0;
	s5 =	sld [smem:$0x3FAB]  }
0x2b: {  	s6 =	sld [smem:$0x3FAC]  }
0x2c: {  	s7 =	sld [smem:$0x3FAD]  }
0x2d: {  	s3 =	simm.s32 $0x108;
	s8 =	sld [smem:$0x3FAE]  }
0x2e: {  	s3 =	simm.s32 @!p0 $0x1082;
	s9 =	sld [smem:$0x3FAF]  }
0x2f: {  	lr =	sadd.s32 s0, s3;
	s0 =	sld [smem:$0x3FA6]  }
0x30: {  	s3 =	sld [smem:$0x3FA9]  }
0x31: {  	[smem:$0x3FB2] =	sst s10  }
0x32: {  	s10 =	sld [smem:$0x3FB0];
	_ =	sdelay $0x3  }
0x33: {  	p0 =	seq.s32 s10, $0x1;
	s10 =	sld [smem:$0x3FB2];
	_ =	sdelay $0x3  }
0x34: {  	[smem:$0x3FB2] =	sst s10  }
0x35: {  	s10 =	sld [smem:$0x3FB1];
	_ =	sdelay $0x3  }
0x36: {  	p1 =	seq.s32 s10, $0x1;
	s10 =	sld [smem:$0x3FB2];
	_ =	sdelay $0x3  }
0x37: {  	[smem:$0x3FB2] =	sst s10  }
0x38: {  	s10 =	sld [smem:$0x3FB3]  }
0x39: {  	_ = 	snop;
	(pc) =	sbr.ind lr, $3  }
0x3a: {  	_ = 	snop  }
0x3b: {  	_ = 	snop  }
0x3c: {  	p2 =	seq.s32 s10, $0x1;
	s10 =	sld [smem:$0x3FB2]  }
0x3d: {  	_ =	shalt  }
0x3e: {  	_ =	shalt  }
0x3f: {  	_ =	shalt  }
0x40: {  	_ =	shalt  }
0x41: {  	_ =	shalt  }
0x42: {  	_ =	shalt  }
0x43: {  	_ =	shalt  }
0x44: {  	_ =	shalt  }
0x45: {  	_ =	shalt  }
0x46: {  	_ =	shalt  }
0x47: {  	_ =	shalt  }
0x48: {  	_ =	shalt  }
0x49: {  	_ =	shalt  }
0x4a: {  	_ =	shalt  }
0x4b: {  	_ =	shalt  }
0x4c: {  	_ =	shalt  }
0x4d: {  	_ =	shalt  }
0x4e: {  	_ =	shalt  }
0x4f: {  	_ =	shalt  }
0x50: {  	_ =	shalt  }
0x51: {  	_ =	shalt  }
0x52: {  	_ =	shalt  }
0x53: {  	_ =	shalt  }
0x54: {  	_ =	shalt  }
0x55: {  	_ =	shalt  }
0x56: {  	_ =	shalt  }
0x57: {  	_ =	shalt  }
0x58: {  	_ =	shalt  }
0x59: {  	_ =	shalt  }
0x5a: {  	_ =	shalt  }
0x5b: {  	_ =	shalt  }
0x5c: {  	_ =	shalt  }
0x5d: {  	_ =	shalt  }
0x5e: {  	_ =	shalt  }
0x5f: {  	_ =	shalt  }
0x60: {  	_ =	shalt  }
0x61: {  	_ =	shalt  }
0x62: {  	_ =	shalt  }
0x63: {  	_ =	shalt  }
0x64: {  	_ =	shalt  }
0x65: {  	_ =	shalt  }
0x66: {  	_ =	shalt  }
0x67: {  	_ =	shalt  }
0x68: {  	_ =	shalt  }
0x69: {  	_ =	shalt  }
0x6a: {  	_ =	shalt  }
0x6b: {  	_ =	shalt  }
0x6c: {  	_ =	shalt  }
0x6d: {  	_ =	shalt  }
0x6e: {  	_ =	shalt  }
0x6f: {  	_ =	shalt  }
0x70: {  	_ =	shalt  }
0x71: {  	_ =	shalt  }
0x72: {  	_ =	shalt  }
0x73: {  	_ =	shalt  }
0x74: {  	_ =	shalt  }
0x75: {  	_ =	shalt  }
0x76: {  	_ =	shalt  }
0x77: {  	_ =	shalt  }
0x78: {  	_ =	shalt  }
0x79: {  	_ =	shalt  }
0x7a: {  	_ =	shalt  }
0x7b: {  	_ =	shalt  }
0x7c: {  	_ =	shalt  }
0x7d: {  	_ =	shalt  }
0x7e: {  	_ =	shalt  }
0x7f: {  	_ =	shalt  }
0x80: {  	_ =	shalt  }
0x81: {  	_ =	shalt  }
0x82: {  	_ =	shalt  }
0x83: {  	_ =	shalt  }
0x84: {  	_ =	shalt  }
0x85: {  	_ =	shalt  }
0x86: {  	_ =	shalt  }
0x87: {  	_ =	shalt  }
.Lfunc_end0:
.L_simem_size_0:
called_computation_lowered:
.L_overlay_start_0:
0x88: {  	s2 =	sld [smem:$0x3FD9]  }
0x89: {  	s3 =	sld [smem:$0x3FFE];
	_ =	sdelay $0x1  }
0x8a: {  	s1 =	srdreg.scid  }
0x8b: {  	s0 =	sand.u32 $0x1, s1  }
0x8c: {  	s16 =	sshll.u32 s0, $0xA;
	s2 =	sadd.s32 s3, s2  }
0x8d: {  	s2 =	sadd.s32 s2, s16  }
0x8e: {  	[smem:$0x3FBE] =	sst s2  }
0x8f: {  	_ = 	snop  }
0x90: {  	(tm) =	ssettm $0x1  }
0x91: {  	s17 =	sld [smem:$0x3FFB];
	_ =	sdelay $0x3  }
0x92: {  	_ =	strace s17  }
0x93: {  	s2 =	sld [smem:$0x3FFC];
	_ =	sdelay $0x3  }
0x94: {  	_ =	strace s2  }
0x95: {  	s2 =	sld [smem:$0x3FFD];
	_ =	sdelay $0x3  }
0x96: {  	_ =	strace s2  }
0x97: {  	_ =	strace $0x8FFFFFFF  }
0x98: {  	s18 =	sld [smem:$0x3FDB];
	_ =	sdelay $0x1  }
0x99: {  	s19 =	simm.s32 $_scs_section_size  }
0x9a: {  	s4 =	simm.s32 $_size__tile_overlayer_lowered;
	s5 =	simm.s32 $_tile_overlayer_lowered  }
0x9b: {  	s22 =	simm.s32 $0x1BFF;
	s21 =	sshll.u32 s5, $0x1;
	s2 =	sadd.s32 s19, s18  }
0x9c: {  	s6 =	simm.s32 $0x0;
	s20 =	sshll.u32 s4, $0x1;
	s4 =	sadd.s32 s21, s2  }
0x9d: {  	[timem:s6], [sflag:s22] =	dma.local [hbm:s4], s20  }
0x9e: {  	_ =	swait.ge [sflag:s22], s20  }
0x9f: {  	s3 =	ssub.s32 $0x0, s20;
	[sflag:s22] =	ssyncset.done $0x0  }
0xa0: {  	[sflag:s22] =	ssyncadd.s32 s3;
	_ =	sdelay $0x1  }
0xa1: {  	s23 =	simm.s32 $0x1B8B  }
0xa2: {  	_ =	swait.ge [sflag:s23], $0x1  }
0xa3: {  	[sflag:s23] =	ssyncset.done $0x0  }
0xa4: {  	s25 =	simm.s32 $0x1B8E;
	s24 =	sld [smem:$0x3FFE];
	[sflag:s23] =	ssyncadd.s32 $0xFFFFFFFF  }
0xa5: {  	s26 =	simm.s32 $execute0_lowered;
	[smem:$0x3FD2] =	sst s25  }
0xa6: {  	s4 =	sshll.u32 s26, $0x1;
	_ =	strace $0x80000046;
	[dreg:$0x1] =	wrdreg $0xFFFFFFFF  }
0xa7: {  	s28 =	simm.s32 $_size_execute0_lowered;
	s2 =	sadd.s32 s2, s4;
	[dreg:$0x0] =	wrdreg $0x0  }
0xa8: {  	s4 =	sshll.u32 s28, $0x1;
	[dreg:$0x2] =	wrdreg s2  }
0xa9: {  	[dreg:$0x3] =	wrdreg s4  }
0xaa: {  	[dreg:$0x4] =	wrdreg $0xC0  }
0xab: {  	_ =	task [dreg:s6], $0x5FFFF  }
0xac: {  	[dreg:$0x1] =	wrdreg $0xFFFFFFFF  }
0xad: {  	[dreg:$0x0] =	wrdreg $0x60  }
0xae: {  	[dreg:$0x2] =	wrdreg s24  }
0xaf: {  	[dreg:$0x3] =	wrdreg $0x4E200  }
0xb0: {  	[dreg:$0x4] =	wrdreg $0x9  }
0xb1: {  	_ =	task.clear_ibuf [dreg:s6], $0x5FFFF;
	_ =	strace $0x90000046  }
0xb2: {  	s29 =	simm.s32 $0x9;
	_ =	strace $0x80000048  }
0xb3: {  	_ =	swait.ge [sflag:s29], $0x1  }
0xb4: {  	[sflag:s29] =	ssyncadd.s32 $0xFFFFFFFF  }
0xb5: {  	_ =	strace $0x90000048  }
0xb6: {  	_ =	sfence  }
0xb7: {  	s30 =	sld [smem:$0x0];
	_ =	sdelay $0x2  }
0xb8: {  	s31 =	sshll.u32 s1, $0xD;
	s1 =	sshrl.u32 s1, $0x2  }
0xb9: {  	s3 =	sand.u32 $0x4000, s31;
	s1 =	sadd.s32 s1, s30  }
0xba: {  	s0 =	sor.u32 s3, s0;
	s1 =	sshll.u32 s1, $0x11  }
0xbb: {  	s0 =	sor.u32 s1, s0  }
0xbc: {  	s0 =	sadd.s32 $0x8F2B, s0  }
0xbd: {  	[sflag:s0] =	ssyncadd.remote.s32 $0x1  }
0xbe: {  	_ =	sfence.sel $0xFFFF  }
0xbf: {  	[dreg:$0x0] =	wrdreg $0xFFFFFFFF;
	(pc) =	sbr.abs _section_cstart, $3  }
0xc0: {  	[dreg:$0x1] =	wrdreg $0xFFFFFFFF  }
0xc1: {  	_ =	task.clear_ibuf [dreg:s6], $0x2FFFF;
	_ =	strace $0x9FFFFFFF  }
0xc2: {  	(tm) =	ssettm $0x7FFFFFFF  }
0xc3: {  	_ =	shalt  }
tec
execute0_lowered:
.L_overlay_start_1:
0x0: {  	(tag) =	ssettag $0x1  }
0x1: {  	s0 =	rddreg [dreg:$0x0]  }
0x2: {  	s1 =	rddreg [dreg:$0x1];
	s2 =	simm.s32 $0x0  }
0x3: {  	s23 =	srdreg.scid;
	s10 =	stileid.u32;
	s13 =	simm.s32 $0x2  }
0x4: {  	s14 =	simm.s32 $0x190;
	s15 =	simm.s32 $0x50;
	s19 =	simm.s32 $0x1E0  }
0x5: {  	s28 =	simm.s32 $0x280;
	s29 =	simm.s32 $0x2B20;
	s30 =	simm.s32 $0x140  }
0x6: {  	s31 =	simm.s32 $0x1720;
	s11 =	simm.s32 $0x3520;
	s12 =	simm.s32 $0x3A20  }
0x7: {  	s16 =	simm.s32 $0x4420;
	s17 =	simm.s32 $0x4920;
	s22 =	simm.s32 $0x0  }
0x8: {  	[smem:$0x7FF] =	sst s2;
	s3 =	sadd.s32 $0xC800, s0;
	s4 =	sadd.s32 $0x2A00, s0  }
0x9: {  	s5 =	sadd.s32 $0x16600, s0;
	s6 =	sadd.s32 $0x1B600, s0;
	s2 =	sand.u32 $0x1, s23  }
0xa: {  	s7 =	sadd.s32 $0x2A400, s0;
	p0 =	sne.s32 s10, $0x0;
	s23 =	simm.s32 $0x230  }
0xb: {  	_ =	strace $0x80000047;
	[dreg:$0x3] =	wrdreg s6;
	s24 =	smul.u32 $0x4E20, s2  }
0xc: {  	s8 =	sshll.u32 s2, $0x4;
	s2 =	ssub.s32 $0x2, s2;
	s21 =	sshrl.u32 @!p0 s1, $0x3  }
0xd: {  	s6 =	simm.s32 $0x3020;
	s9 =	sor.u32 s10, s8;
	s25 =	sshrl.u32 s2, $0x1  }
0xe: {  	s10 =	simm.s32 $0x1;
	[dreg:$0x6] =	wrdreg s21;
	s0 =	sadd.s32 s24, s0  }
0xf: {  	s8 =	smul.u32 $0x2710, s9;
	s2 =	ssub.s32 s2, s25;
	s0 =	sadd.s32 $0x20600, s0  }
0x10: {  	v0 =	vlaneseq.u32;
	s9 =	smul.u32 $0x7D, s9;
	s26 =	smax.u32 s2, $0x1;
	[dreg:$0x4] =	wrdreg s0  }
0x11: {  	v0 =	vor.u32 $0x8, v0;
	s2 =	simm.s32 $0x3F20;
	[dreg:$0x5] =	wrdreg s26;
	s0 =	simm.s32 $0x2D0  }
.LBB2_1:
0x12: {  	[dreg:$0x7] =	wrdreg s22  }
0x13: {  	s18 =	simm.s32 @!p0 $0x1C02;
	s20 =	rddreg [dreg:$0x3]  }
0x14: {  	[spmem:s21], [sflag:s18] =	dma.local @!p0 [hbm:s20], $0x4E20  }
0x15: {  	s18 =	simm.s32 @!p0 $0x2  }
0x16: {  	_ =	swait.ge @!p0 [sflag:s18], $0x4E20  }
0x17: {  	[sflag:s18] =	ssyncset.done @!p0 $0x0  }
0x18: {  	[sflag:s18] =	ssyncadd.s32 @!p0 $0xFFFFB1E0  }
0x19: {  	s18 =	simm.s32 $0x0;
	[bflag:$0x0] =	sbarrier.arrive $0xFFFF  }
.LBB2_2:
0x1a: {  	s20 =	smul.u32 $0x5, s18;
	_ =	sdelay $0x1  }
0x1b: {  	s20 =	sadd.s32 s9, s20  }
0x1c: {  	s20 =	smul.u32 $0xA, s20;
	_ =	sdelay $0x1  }
0x1d: {  	s22 =	simm.s32 $0x0;
	s21 =	sadd.s32 s3, s20  }
0x1e: {  	[tilespmem:s22], [sflag:$0x2] =	stream.linear.gather [hbm4b:s21+s22], $0x190, $0x38;
	[tilespmem:$0x7530] =	vst v63  }
0x1f: {  	_ =	swait.ge [sflag:s13], $0x190  }
0x20: {  	[sflag:s13] =	ssyncset.done $0x0  }
0x21: {  	s20 =	sadd.s32 s4, s20;
	[sflag:s13] =	ssyncadd.s32 $0xFFFFFE70  }
0x22: {  	[tilespmem:s14], [sflag:$0x2] =	stream.linear.gather [hbm4b:s20+s22], $0x190, $0x38;
	[tilespmem:$0x7530] =	vst v63  }
0x23: {  	_ =	swait.ge [sflag:s13], $0x190  }
0x24: {  	[sflag:s13] =	ssyncset.done $0x0  }
0x25: {  	s21 =	simm.s32 $0x320;
	[sflag:s13] =	ssyncadd.s32 $0xFFFFFE70  }
0x26: {  	[tilespmem:s21], [sflag:$0x1] =	stream.indirect.gather [hbm4b:s5+s15], $0x10, s22, s15, $0xb8;
	[tilespmem:$0x7530] =	vst v63  }
0x27: {  	s24 =	simm.s32 $0x1C20  }
0x28: {  	[tilespmem:s24], [sflag:$0x1] =	stream.indirect.gather [hbm4b:s5+s15], $0x10, s14, s15, $0xb8;
	[tilespmem:$0x7530] =	vst v63  }
0x29: {  	s25 =	simm.s32 $0x820  }
0x2a: {  	[tilespmem:s25], [sflag:$0x1] =	stream.indirect.gather [hbm4b:s5+s15], $0x10, s15, s15, $0xb8;
	[tilespmem:$0x7530] =	vst v63  }
0x2b: {  	s26 =	simm.s32 $0x2120  }
0x2c: {  	[tilespmem:s26], [sflag:$0x1] =	stream.indirect.gather [hbm4b:s5+s15], $0x10, s19, s15, $0xb8;
	[tilespmem:$0x7530] =	vst v63  }
0x2d: {  	s21 =	simm.s32 $0xA0;
	s22 =	simm.s32 $0xD20  }
0x2e: {  	[tilespmem:s22], [sflag:$0x1] =	stream.indirect.gather [hbm4b:s5+s15], $0x10, s21, s15, $0xb8;
	[tilespmem:$0x7530] =	vst v63  }
0x2f: {  	s24 =	simm.s32 $0x2620  }
0x30: {  	[tilespmem:s24], [sflag:$0x1] =	stream.indirect.gather [hbm4b:s5+s15], $0x10, s23, s15, $0xb8;
	[tilespmem:$0x7530] =	vst v63  }
0x31: {  	s25 =	simm.s32 $0xF0;
	s26 =	simm.s32 $0x1220  }
0x32: {  	[tilespmem:s26], [sflag:$0x1] =	stream.indirect.gather [hbm4b:s5+s15], $0x10, s25, s15, $0xb8;
	[tilespmem:$0x7530] =	vst v63  }
0x33: {  	_ = 	snop  }
0x34: {  	[tilespmem:s29], [sflag:$0x1] =	stream.indirect.gather [hbm4b:s5+s15], $0x10, s28, s15, $0xb8;
	[tilespmem:$0x7530] =	vst v63  }
0x35: {  	_ = 	snop  }
0x36: {  	[tilespmem:s31], [sflag:$0x1] =	stream.indirect.gather [hbm4b:s5+s15], $0x10, s30, s15, $0xb8;
	[tilespmem:$0x7530] =	vst v63  }
0x37: {  	_ = 	snop  }
0x38: {  	[tilespmem:s6], [sflag:$0x1] =	stream.indirect.gather [hbm4b:s5+s15], $0x10, s0, s15, $0xb8;
	[tilespmem:$0x7530] =	vst v63  }
0x39: {  	_ =	swait.ge [sflag:s10], $0x500  }
0x3a: {  	[sflag:s10] =	ssyncset.done $0x0  }
0x3b: {  	[sflag:s10] =	ssyncadd.s32 $0xFFFFFB00  }
0x3c: {  	_ =	swait.ge [sflag:s10], $0x500  }
0x3d: {  	[sflag:s10] =	ssyncset.done $0x0  }
0x3e: {  	[sflag:s10] =	ssyncadd.s32 $0xFFFFFB00  }
0x3f: {  	_ =	swait.ge [sflag:s10], $0x500  }
0x40: {  	[sflag:s10] =	ssyncset.done $0x0  }
0x41: {  	[sflag:s10] =	ssyncadd.s32 $0xFFFFFB00  }
0x42: {  	_ =	swait.ge [sflag:s10], $0x500  }
0x43: {  	[sflag:s10] =	ssyncset.done $0x0  }
0x44: {  	[sflag:s10] =	ssyncadd.s32 $0xFFFFFB00  }
0x45: {  	_ =	swait.ge [sflag:s10], $0x500  }
0x46: {  	[sflag:s10] =	ssyncset.done $0x0  }
0x47: {  	[sflag:s10] =	ssyncadd.s32 $0xFFFFFB00  }
0x48: {  	_ =	swait.ge [sflag:s10], $0x500  }
0x49: {  	[sflag:s10] =	ssyncset.done $0x0  }
0x4a: {  	[sflag:s10] =	ssyncadd.s32 $0xFFFFFB00  }
0x4b: {  	_ =	swait.ge [sflag:s10], $0x500  }
0x4c: {  	[sflag:s10] =	ssyncset.done $0x0  }
0x4d: {  	[sflag:s10] =	ssyncadd.s32 $0xFFFFFB00  }
0x4e: {  	_ =	swait.ge [sflag:s10], $0x500  }
0x4f: {  	[sflag:s10] =	ssyncset.done $0x0  }
0x50: {  	[sflag:s10] =	ssyncadd.s32 $0xFFFFFB00  }
0x51: {  	_ =	swait.ge [sflag:s10], $0x500  }
0x52: {  	[sflag:s10] =	ssyncset.done $0x0  }
0x53: {  	[sflag:s10] =	ssyncadd.s32 $0xFFFFFB00  }
0x54: {  	_ =	swait.ge [sflag:s10], $0x500  }
0x55: {  	[sflag:s10] =	ssyncset.done $0x0  }
0x56: {  	s20 =	simm.s32 $0x0;
	[sflag:s10] =	ssyncadd.s32 $0xFFFFFB00  }
0x57: {  	s21 =	simm.s32 $0x10;
	v1 =	vld [tilespmem:s20+$0x1C20]  }
0x58: {  	v2 =	vld [tilespmem:s21+$0x1C20]  }
0x59: {  	v3 =	vld [tilespmem:s20+$0x320];
	_ =	sdelay $0x1  }
0x5a: {  	v4 =	vld [tilespmem:s21+$0x320]  }
0x5b: {  	v1 =	vperm.xlane v1, v0;
	_ =	sdelay $0x1  }
0x5c: {  	v2 =	vperm.xlane v2, v0;
	v1 =	vadd.f32 v1, v3;
	_ =	sdelay $0x1  }
0x5d: {  	v2 =	vadd.f32 v2, v4;
	v4 =	vmul.f32 $2.000000030e-01, v1  }
0x5e: {  	vm0 =	vge.f32 v1, $0.0e+00  }
0x5f: {  	s22 =	simm.s32 $0x20;
	v1 =	vsel vm0, v1, v4  }
0x60: {  	v5 =	vld [tilespmem:s22+$0x1C20];
	v1 =	vmul.f32 $1.442695020e+00, v1;
	_ =	sdelay $0x1  }
0x61: {  	v3 =	vld [tilespmem:s22+$0x320];
	v6 =	vmul.f32 $2.000000030e-01, v2;
	(erf) = vpow2.f32 v1  }
0x62: {  	vm0 =	vge.f32 v2, $0.0e+00  }
0x63: {  	v2 =	vsel vm0, v2, v6  }
0x64: {  	s24 =	simm.s32 $0x30;
	v4 =	vperm.xlane v5, v0;
	v5 =	vmul.f32 $1.442695020e+00, v2  }
0x65: {  	v1 =	vld [tilespmem:s24+$0x1C20]  }
0x66: {  	v2 =	vadd.f32 v4, v3;
	(erf) = vpow2.f32 v5  }
0x67: {  	v3 =	vld [tilespmem:s24+$0x320]  }
0x68: {  	v4 =	vmul.f32 $2.000000030e-01, v2  }
0x69: {  	s25 =	simm.s32 $0x100;
	vm0 =	vge.f32 v2, $0.0e+00  }
.LBB2_3:
0x6a: {  	s26 =	sshra.s32 s25, $0x2;
	p1 =	sne.s32 s25, $0x63C0;
	s25 =	sadd.s32 $0x40, s25;
	v5 =	vperm.xlane v1, v0;
	v2 =	vsel vm0, v2, v4;
	v4 =	vpop (erf)  }
.Ltmp0:
0x6b: {  	v1 =	vld [tilespmem:s26+$0x1C20];
	v6 =	vmul.f32 $1.442695020e+00, v2;
	[tilespmem:s20+$0x3520] =	vst v4;
	s20 =	smov.u32 s21;
	s21 =	smov.u32 s22;
	(pc) =	sbr.rel @p1 .LBB2_3-.Ltmp0, $4  }
0x6c: {  	s22 =	smov.u32 s24;
	s24 =	smov.u32 s26;
	v2 =	vadd.f32 v5, v3  }
0x6d: {  	v3 =	vld [tilespmem:s24+$0x320];
	(erf) = vpow2.f32 v6  }
0x6e: {  	v4 =	vmul.f32 $2.000000030e-01, v2  }
0x6f: {  	vm0 =	vge.f32 v2, $0.0e+00  }
0x70: {  	v1 =	vperm.xlane v1, v0;
	_ =	sdelay $0x1  }
0x71: {  	v1 =	vadd.f32 v1, v3;
	_ =	sdelay $0x1  }
0x72: {  	v3 =	vmul.f32 $2.000000030e-01, v1  }
0x73: {  	v2 =	vsel vm0, v2, v4;
	vm15 =	vge.f32 v1, $0.0e+00  }
0x74: {  	v2 =	vmul.f32 $1.442695020e+00, v2;
	v1 =	vsel vm15, v1, v3  }
0x75: {  	v1 =	vmul.f32 $1.442695020e+00, v1  }
0x76: {  	(erf) = vpow2.f32 v2  }
0x77: {  	(erf) = vpow2.f32 v1;
	_ =	sdelay $0x5  }
0x78: {  	s25 =	smul.u32 $0x190, s18;
	v1 =	vpop (erf)  }
0x79: {  	[tilespmem:s20+$0x3520] =	vst v1;
	v1 =	vpop (erf)  }
0x7a: {  	s25 =	sadd.s32 s8, s25;
	[tilespmem:s21+$0x3520] =	vst v1;
	v1 =	vpop (erf)  }
0x7b: {  	s20 =	sshll.u32 s25, $0x1;
	[tilespmem:s22+$0x3520] =	vst v1;
	v1 =	vpop (erf)  }
0x7c: {  	s26 =	simm.s32 $0x0;
	s20 =	sadd.s32 s7, s20;
	[tilespmem:s24+$0x3520] =	vst v1  }
0x7d: {  	[hbm4b:s20+s26] =	stream.linear.scatter [tilespmem:s11], [sflag:$0x2], $0x1900, $0x38;
	[tilespmem:$0x7530] =	vst v63  }
0x7e: {  	_ =	swait.ge [sflag:s13], $0x1900  }
0x7f: {  	[sflag:s13] =	ssyncset.done $0x0  }
0x80: {  	[sflag:s13] =	ssyncadd.s32 $0xFFFFE700  }
0x81: {  	[spmem:s1] =	stream.indirect.scatter.add.f32 [tilespmem:s11], [sflag:$0x2], $0x10, s14, s15, $0xb8;
	[tilespmem:$0x7530] =	vst v63  }
0x82: {  	_ =	swait.ge [sflag:s13], $0x500  }
0x83: {  	[sflag:s13] =	ssyncset.done $0x0  }
0x84: {  	[sflag:s13] =	ssyncadd.s32 $0xFFFFFB00  }
0x85: {  	[spmem:s1] =	stream.indirect.scatter.add.f32 [tilespmem:s12], [sflag:$0x2], $0x10, s19, s15, $0xb8;
	[tilespmem:$0x7530] =	vst v63  }
0x86: {  	_ =	swait.ge [sflag:s13], $0x500  }
0x87: {  	[sflag:s13] =	ssyncset.done $0x0  }
0x88: {  	[sflag:s13] =	ssyncadd.s32 $0xFFFFFB00  }
0x89: {  	[spmem:s1] =	stream.indirect.scatter.add.f32 [tilespmem:s2], [sflag:$0x2], $0x10, s23, s15, $0xb8;
	[tilespmem:$0x7530] =	vst v63  }
0x8a: {  	_ =	swait.ge [sflag:s13], $0x500  }
0x8b: {  	[sflag:s13] =	ssyncset.done $0x0  }
0x8c: {  	[sflag:s13] =	ssyncadd.s32 $0xFFFFFB00  }
0x8d: {  	[spmem:s1] =	stream.indirect.scatter.add.f32 [tilespmem:s16], [sflag:$0x2], $0x10, s28, s15, $0xb8;
	[tilespmem:$0x7530] =	vst v63  }
0x8e: {  	s18 =	sadd.s32 $0x1, s18;
	_ =	swait.ge [sflag:s13], $0x500  }
0x8f: {  	p1 =	sne.s32 s18, $0x19;
	[sflag:s13] =	ssyncset.done $0x0  }
.Ltmp1:
0x90: {  	[sflag:s13] =	ssyncadd.s32 $0xFFFFFB00;
	(pc) =	sbr.rel @p1 .LBB2_2-.Ltmp1, $4  }
0x91: {  	[spmem:s1] =	stream.indirect.scatter.add.f32 [tilespmem:s17], [sflag:$0x2], $0x10, s0, s15, $0xb8;
	[tilespmem:$0x7530] =	vst v63  }
0x92: {  	_ =	swait.ge [sflag:s13], $0x500  }
0x93: {  	[sflag:s13] =	ssyncset.done $0x0  }
0x94: {  	[sflag:s13] =	ssyncadd.s32 $0xFFFFFB00  }
0x95: {  	[bflag:$0x0] =	sbarrier.arrive $0xFFFF  }
0x96: {  	s20 =	rddreg [dreg:$0x4]  }
0x97: {  	s18 =	simm.s32 @!p0 $0x1C02;
	s21 =	rddreg [dreg:$0x6]  }
0x98: {  	[hbm:s20], [sflag:s18] =	dma.local @!p0 [spmem:s21], $0x4E20  }
0x99: {  	s18 =	simm.s32 @!p0 $0x2  }
0x9a: {  	_ =	swait.ge @!p0 [sflag:s18], $0x4E20  }
0x9b: {  	s22 =	rddreg [dreg:$0x7]  }
0x9c: {  	s26 =	rddreg [dreg:$0x5];
	s22 =	sadd.s32 $0x1, s22  }
0x9d: {  	p1 =	sne.s32 s22, s26  }
.Ltmp2:
0x9e: {  	_ = 	snop;
	(pc) =	sbr.rel @p1 .LBB2_1-.Ltmp2, $3  }
0x9f: {  	_ =	sdelay $0x1  }
0xa0: {  	[sflag:s18] =	ssyncset.done @!p0 $0x0  }
0xa1: {  	[sflag:s18] =	ssyncadd.s32 @!p0 $0xFFFFB1E0  }
0xa2: {  	_ =	sfence.sel $0x180000  }
0xa3: {  	[bflag:$0x0] =	sbarrier.arrive $0xFFFF  }
0xa4: {  	_ =	strace $0x90000047  }
0xa5: {  	[bflag:$0x2] =	sbarrier.arrive $0xFFFF  }
0xa6: {  	s0 =	rddreg [dreg:$0x2]  }
0xa7: {  	s0 =	sadd.s32 @!p0 $0x100000, s0  }
0xa8: {  	[sflag:s0] =	ssyncadd.tile.s32 @!p0 $0x1;
	_ =	shalt  }
.Lfunc_end2:
_tile_overlayer_lowered:
.L_overlay_start_2:
0xa9: {  	(tag) =	ssettag $0x2  }
0xaa: {  	s0 =	rddreg [dreg:$0x0];
	s2 =	stileid.u32  }
0xab: {  	s1 =	rddreg [dreg:$0x1];
	p0 =	sne.s32 s2, $0x0  }
0xac: {  	s3 =	rddreg [dreg:$0x2];
	[bflag:$0x3] =	sbarrier.arrive $0xFFFF;
	s2 =	simm.s32 @!p0 $0x1C02  }
0xad: {  	[timem:s3], [sflag:s2] =	dma.local @!p0 [hbm:s0], s1  }
0xae: {  	s0 =	simm.s32 @!p0 $0x2  }
0xaf: {  	_ =	swait.ge @!p0 [sflag:s0], s1  }
0xb0: {  	s1 =	ssub.s32 @!p0 $0x0, s1;
	[sflag:s0] =	ssyncset.done @!p0 $0x0  }
0xb1: {  	[sflag:s0] =	ssyncadd.s32 @!p0 s1  }
0xb2: {  	[bflag:$0x3] =	sbarrier.arrive $0xFFFF  }
0xb3: {  	_ =	shalt  }

// kernel: kernel.14.cloned.1.call-start
scs
__scs_entry_jumppad:
0x0: {  	(pc) =	sbr.rel $0x88, $3  }
0x1: {  	(tag) =	ssettag $0x0;
	lr =	simm.s32 $0x1  }
0x2: {  	[smem:$0x3F97] =	sst lr;
	_ =	strace $0xD0000000  }
0x3: {  	_ = 	snop  }
0x4: {  	_ = 	snop  }
0x5: {  	_ = 	snop  }
0x6: {  	_ = 	snop  }
0x7: {  	_ = 	snop  }
__scs_overlays_trampoline_lowered:
0x8: {  	[smem:$0x3FA6] =	sst s0  }
0x9: {  	[smem:$0x3FA7] =	sst s1  }
0xa: {  	[smem:$0x3FA8] =	sst s2  }
0xb: {  	[smem:$0x3FA9] =	sst s3  }
0xc: {  	[smem:$0x3FAA] =	sst s4  }
0xd: {  	[smem:$0x3FAB] =	sst s5  }
0xe: {  	[smem:$0x3FAC] =	sst s6  }
0xf: {  	[smem:$0x3FAD] =	sst s7  }
0x10: {  	[smem:$0x3FAE] =	sst s8  }
0x11: {  	[smem:$0x3FAF] =	sst s9;
	s0 =	simm.s32 @!p0 $0x0  }
0x12: {  	s1 =	sld [smem:$0x3F95];
	s0 =	simm.s32 @p0 $0x1  }
0x13: {  	[smem:$0x3FB0] =	sst s0;
	s0 =	simm.s32 @!p1 $0x0  }
0x14: {  	s2 =	sld [smem:$0x3F94];
	s0 =	simm.s32 @p1 $0x1  }
0x15: {  	[smem:$0x3FB1] =	sst s0;
	s0 =	simm.s32 @!p2 $0x0  }
0x16: {  	s3 =	sld [smem:$0x3FDB];
	s0 =	simm.s32 @p2 $0x1  }
0x17: {  	s4 =	simm.s32 $0x1BF5;
	[smem:$0x3FB3] =	sst s0  }
0x18: {  	s0 =	sld [smem:$0x3F96];
	_ =	swait.ge [sflag:s4], $0x0  }
0x19: {  	s7 =	sld [smem:$0x3F97]  }
0x1a: {  	s8 =	sadd.s32 $0xFFFFE003, lr  }
0x1b: {  	s9 =	sadd.s32 $0xFFFFFEF7, lr;
	s5 =	simm.s32 $0xFFFFFFFF;
	p2 =	slt.u32 s8, $0xFFFFF086  }
0x1c: {  	p1 =	slt.u32 s9, $0xF7A;
	s5 =	simm.s32 @!p2 $0x0  }
0x1d: {  	s5 =	simm.s32 @p1 $0x1;
	p0 =	seq.s32 s7, s2  }
0x1e: {  	s7 =	smul.u32 @!p0 $0xF7A, s2;
	p2 =	seq.s32 @!p0 s5, $0x0  }
0x1f: {  	s9 =	smul.u32 $0xF7A, s1;
	s8 =	simm.s32 @!p0 $0x1BF5;
	p2 =	por !p2, p0  }
0x20: {  	[sflag:s8] =	ssyncset.s32 @!p0 $0xFFFFF086;
	s6 =	sadd.s32 @!p0 s3, s7;
	s7 =	simm.s32 @!p0 $0x108  }
0x21: {  	s3 =	sadd.s32 s3, s9;
	s6 =	sadd.s32 @!p0 $0x88, s6;
	s7 =	simm.s32 @p2 $0x1082  }
0x22: {  	[simem:s7], [sflag:s8] =	dma.local @!p0 [hbm:s6], $0xF7A  }
0x23: {  	s9 =	sor.u32 $0xD0000000, s2;
	s6 =	simm.s32 $0x108;
	_ =	swait.ge @!p0 [sflag:s8], $0x0  }
0x24: {  	s3 =	sadd.s32 $0x88, s3;
	s6 =	simm.s32 @!p1 $0x1082;
	[sflag:s4] =	ssyncset.s32 $0xFFFFF086  }
0x25: {  	[simem:s6], [sflag:s4] =	dma.local [hbm:s3], $0xF7A  }
0x26: {  	[smem:$0x3F97] =	sst s1;
	(tag) =	ssettag s2;
	_ =	strace s9  }
0x27: {  	s1 =	sld [smem:$0x3FA7]  }
0x28: {  	s2 =	sld [smem:$0x3FA8]  }
0x29: {  	s4 =	sld [smem:$0x3FAA]  }
0x2a: {  	p0 =	seq.s32 s5, $0x0;
	s5 =	sld [smem:$0x3FAB]  }
0x2b: {  	s6 =	sld [smem:$0x3FAC]  }
0x2c: {  	s7 =	sld [smem:$0x3FAD]  }
0x2d: {  	s3 =	simm.s32 $0x108;
	s8 =	sld [smem:$0x3FAE]  }
0x2e: {  	s3 =	simm.s32 @!p0 $0x1082;
	s9 =	sld [smem:$0x3FAF]  }
0x2f: {  	lr =	sadd.s32 s0, s3;
	s0 =	sld [smem:$0x3FA6]  }
0x30: {  	s3 =	sld [smem:$0x3FA9]  }
0x31: {  	[smem:$0x3FB2] =	sst s10  }
0x32: {  	s10 =	sld [smem:$0x3FB0];
	_ =	sdelay $0x3  }
0x33: {  	p0 =	seq.s32 s10, $0x1;
	s10 =	sld [smem:$0x3FB2];
	_ =	sdelay $0x3  }
0x34: {  	[smem:$0x3FB2] =	sst s10  }
0x35: {  	s10 =	sld [smem:$0x3FB1];
	_ =	sdelay $0x3  }
0x36: {  	p1 =	seq.s32 s10, $0x1;
	s10 =	sld [smem:$0x3FB2];
	_ =	sdelay $0x3  }
0x37: {  	[smem:$0x3FB2] =	sst s10  }
0x38: {  	s10 =	sld [smem:$0x3FB3]  }
0x39: {  	_ = 	snop;
	(pc) =	sbr.ind lr, $3  }
0x3a: {  	_ = 	snop  }
0x3b: {  	_ = 	snop  }
0x3c: {  	p2 =	seq.s32 s10, $0x1;
	s10 =	sld [smem:$0x3FB2]  }
0x3d: {  	_ =	shalt  }
0x3e: {  	_ =	shalt  }
0x3f: {  	_ =	shalt  }
0x40: {  	_ =	shalt  }
0x41: {  	_ =	shalt  }
0x42: {  	_ =	shalt  }
0x43: {  	_ =	shalt  }
0x44: {  	_ =	shalt  }
0x45: {  	_ =	shalt  }
0x46: {  	_ =	shalt  }
0x47: {  	_ =	shalt  }
0x48: {  	_ =	shalt  }
0x49: {  	_ =	shalt  }
0x4a: {  	_ =	shalt  }
0x4b: {  	_ =	shalt  }
0x4c: {  	_ =	shalt  }
0x4d: {  	_ =	shalt  }
0x4e: {  	_ =	shalt  }
0x4f: {  	_ =	shalt  }
0x50: {  	_ =	shalt  }
0x51: {  	_ =	shalt  }
0x52: {  	_ =	shalt  }
0x53: {  	_ =	shalt  }
0x54: {  	_ =	shalt  }
0x55: {  	_ =	shalt  }
0x56: {  	_ =	shalt  }
0x57: {  	_ =	shalt  }
0x58: {  	_ =	shalt  }
0x59: {  	_ =	shalt  }
0x5a: {  	_ =	shalt  }
0x5b: {  	_ =	shalt  }
0x5c: {  	_ =	shalt  }
0x5d: {  	_ =	shalt  }
0x5e: {  	_ =	shalt  }
0x5f: {  	_ =	shalt  }
0x60: {  	_ =	shalt  }
0x61: {  	_ =	shalt  }
0x62: {  	_ =	shalt  }
0x63: {  	_ =	shalt  }
0x64: {  	_ =	shalt  }
0x65: {  	_ =	shalt  }
0x66: {  	_ =	shalt  }
0x67: {  	_ =	shalt  }
0x68: {  	_ =	shalt  }
0x69: {  	_ =	shalt  }
0x6a: {  	_ =	shalt  }
0x6b: {  	_ =	shalt  }
0x6c: {  	_ =	shalt  }
0x6d: {  	_ =	shalt  }
0x6e: {  	_ =	shalt  }
0x6f: {  	_ =	shalt  }
0x70: {  	_ =	shalt  }
0x71: {  	_ =	shalt  }
0x72: {  	_ =	shalt  }
0x73: {  	_ =	shalt  }
0x74: {  	_ =	shalt  }
0x75: {  	_ =	shalt  }
0x76: {  	_ =	shalt  }
0x77: {  	_ =	shalt  }
0x78: {  	_ =	shalt  }
0x79: {  	_ =	shalt  }
0x7a: {  	_ =	shalt  }
0x7b: {  	_ =	shalt  }
0x7c: {  	_ =	shalt  }
0x7d: {  	_ =	shalt  }
0x7e: {  	_ =	shalt  }
0x7f: {  	_ =	shalt  }
0x80: {  	_ =	shalt  }
0x81: {  	_ =	shalt  }
0x82: {  	_ =	shalt  }
0x83: {  	_ =	shalt  }
0x84: {  	_ =	shalt  }
0x85: {  	_ =	shalt  }
0x86: {  	_ =	shalt  }
0x87: {  	_ =	shalt  }
.Lfunc_end0:
.L_simem_size_0:
called_computation.1_lowered:
.L_overlay_start_0:
0x88: {  	s2 =	sld [smem:$0x3FD9]  }
0x89: {  	s3 =	sld [smem:$0x3FFE];
	_ =	sdelay $0x1  }
0x8a: {  	s1 =	srdreg.scid  }
0x8b: {  	s0 =	sand.u32 $0x1, s1  }
0x8c: {  	s14 =	sshll.u32 s0, $0xA;
	s2 =	sadd.s32 s3, s2  }
0x8d: {  	s2 =	sadd.s32 s2, s14  }
0x8e: {  	[smem:$0x3FBE] =	sst s2  }
0x8f: {  	_ = 	snop  }
0x90: {  	s2 =	sld [smem:$0x3FD0];
	_ =	sdelay $0x2  }
0x91: {  	s15 =	simm.s32 $0xA;
	s4 =	simm.s32 $0x10  }
0x92: {  	[smem:s4], [sflag:s15] =	dma.local [hbm:s2], $0x1  }
0x93: {  	_ =	swait.eq [sflag:s15], $0x1  }
0x94: {  	[sflag:s15] =	ssyncset.done $0x0  }
0x95: {  	[sflag:s15] =	ssyncadd.s32 $0xFFFFFFFF  }
0x96: {  	s16 =	sld [smem:$0x10];
	(tm) =	ssettm $0x1  }
0x97: {  	s17 =	sld [smem:$0x3FFB];
	_ =	sdelay $0x3  }
0x98: {  	_ =	strace s17  }
0x99: {  	s3 =	sld [smem:$0x3FFC];
	_ =	sdelay $0x3  }
0x9a: {  	_ =	strace s3  }
0x9b: {  	s3 =	sld [smem:$0x3FFD];
	_ =	sdelay $0x3  }
0x9c: {  	_ =	strace s3  }
0x9d: {  	_ =	strace $0x8FFFFFFF  }
0x9e: {  	s18 =	sld [smem:$0x3FDB];
	_ =	sdelay $0x1  }
0x9f: {  	s19 =	simm.s32 $_scs_section_size  }
0xa0: {  	s5 =	simm.s32 $_size__tile_overlayer_lowered;
	s6 =	simm.s32 $_tile_overlayer_lowered  }
0xa1: {  	s22 =	simm.s32 $0x1BFF;
	s21 =	sshll.u32 s6, $0x1;
	s3 =	sadd.s32 s19, s18  }
0xa2: {  	s7 =	simm.s32 $0x0;
	s20 =	sshll.u32 s5, $0x1;
	s5 =	sadd.s32 s21, s3  }
0xa3: {  	[timem:s7], [sflag:s22] =	dma.local [hbm:s5], s20  }
0xa4: {  	_ =	swait.ge [sflag:s22], s20  }
0xa5: {  	s4 =	ssub.s32 $0x0, s20;
	[sflag:s22] =	ssyncset.done $0x0  }
0xa6: {  	[sflag:s22] =	ssyncadd.s32 s4;
	_ =	sdelay $0x1  }
0xa7: {  	s23 =	simm.s32 $0x1B8B  }
0xa8: {  	_ =	swait.ge [sflag:s23], $0x1  }
0xa9: {  	[sflag:s23] =	ssyncset.done $0x0  }
0xaa: {  	s25 =	simm.s32 $0x1B8E;
	s24 =	sld [smem:$0x3FFE];
	[sflag:s23] =	ssyncadd.s32 $0xFFFFFFFF  }
0xab: {  	s26 =	simm.s32 $execute0_lowered;
	[smem:$0x3FD2] =	sst s25  }
0xac: {  	s5 =	sshll.u32 s26, $0x1;
	_ =	strace $0x80000049;
	[dreg:$0x1] =	wrdreg $0xFFFFFFFF  }
0xad: {  	s28 =	simm.s32 $_size_execute0_lowered;
	s3 =	sadd.s32 s3, s5;
	[dreg:$0x0] =	wrdreg $0x0  }
0xae: {  	s5 =	sshll.u32 s28, $0x1;
	[dreg:$0x2] =	wrdreg s3  }
0xaf: {  	[dreg:$0x3] =	wrdreg s5  }
0xb0: {  	[dreg:$0x4] =	wrdreg $0xC0  }
0xb1: {  	_ =	task [dreg:s7], $0x5FFFF  }
0xb2: {  	[dreg:$0x1] =	wrdreg $0xFFFFFFFF  }
0xb3: {  	[dreg:$0x0] =	wrdreg $0x60  }
0xb4: {  	[dreg:$0x2] =	wrdreg s24  }
0xb5: {  	[dreg:$0x3] =	wrdreg s16  }
0xb6: {  	[dreg:$0x4] =	wrdreg $0xFD200  }
0xb7: {  	[dreg:$0x5] =	wrdreg $0x9  }
0xb8: {  	_ =	task.clear_ibuf [dreg:s7], $0x6FFFF;
	_ =	strace $0x90000049  }
0xb9: {  	s29 =	simm.s32 $0x9;
	_ =	strace $0x8000004B  }
0xba: {  	_ =	swait.ge [sflag:s29], $0x1  }
0xbb: {  	[sflag:s29] =	ssyncadd.s32 $0xFFFFFFFF  }
0xbc: {  	_ =	strace $0x9000004B  }
0xbd: {  	_ =	sfence  }
0xbe: {  	s30 =	sld [smem:$0x0];
	_ =	sdelay $0x2  }
0xbf: {  	s31 =	sshll.u32 s1, $0xD;
	s1 =	sshrl.u32 s1, $0x2  }
0xc0: {  	s3 =	sand.u32 $0x4000, s31;
	s1 =	sadd.s32 s1, s30  }
0xc1: {  	s0 =	sor.u32 s3, s0;
	s1 =	sshll.u32 s1, $0x11  }
0xc2: {  	s0 =	sor.u32 s1, s0  }
0xc3: {  	s0 =	sadd.s32 $0x8F2B, s0  }
0xc4: {  	[sflag:s0] =	ssyncadd.remote.s32 $0x1  }
0xc5: {  	_ =	sfence.sel $0xFFFF  }
0xc6: {  	[dreg:$0x0] =	wrdreg $0xFFFFFFFF;
	(pc) =	sbr.abs _section_cstart, $3  }
0xc7: {  	[dreg:$0x1] =	wrdreg $0xFFFFFFFF  }
0xc8: {  	_ =	task.clear_ibuf [dreg:s7], $0x2FFFF;
	_ =	strace $0x9FFFFFFF  }
0xc9: {  	(tm) =	ssettm $0x7FFFFFFF  }
tec
execute0_lowered:
.L_overlay_start_1:
0x0: {  	(tag) =	ssettag $0x1  }
0x1: {  	s0 =	rddreg [dreg:$0x0]  }
0x2: {  	s1 =	rddreg [dreg:$0x1]  }
0x3: {  	s2 =	rddreg [dreg:$0x2]  }
0x4: {  	s23 =	simm.s32 $0x0;
	s3 =	srdreg.scid;
	s11 =	stileid.u32  }
0x5: {  	s14 =	simm.s32 $0x2;
	s15 =	simm.s32 $0x190;
	s17 =	simm.s32 $0x50  }
0x6: {  	s21 =	simm.s32 $0x1E0;
	s25 =	simm.s32 $0x230;
	s30 =	simm.s32 $0x280  }
0x7: {  	s31 =	simm.s32 $0x7620;
	s12 =	simm.s32 $0x7B20;
	s13 =	simm.s32 $0x1  }
0x8: {  	s16 =	simm.s32 $0xAD20;
	s18 =	simm.s32 $0xC120;
	s19 =	simm.s32 $0xD520  }
0x9: {  	s20 =	simm.s32 $0xE920;
	[smem:$0x7FF] =	sst s23;
	s4 =	sadd.s32 $0xC800, s0  }
0xa: {  	s5 =	sadd.s32 $0x2A00, s0;
	s6 =	sadd.s32 $0x16600, s0;
	s7 =	sadd.s32 $0x2A400, s0  }
0xb: {  	s3 =	sand.u32 $0x1, s3;
	s10 =	sadd.s32 $0xC6800, s0;
	p0 =	sne.s32 s11, $0x0  }
0xc: {  	_ =	strace $0x8000004A;
	s8 =	smul.u32 $0x13880, s3;
	s9 =	sshll.u32 s3, $0x4  }
0xd: {  	[dreg:$0x5] =	wrdreg s10;
	s3 =	ssub.s32 $0x2, s3;
	s26 =	sor.u32 s11, s9  }
0xe: {  	s28 =	sshrl.u32 s3, $0x1;
	s11 =	simm.s32 $0x2D0;
	s9 =	smul.u32 $0x2710, s26  }
0xf: {  	s0 =	sadd.s32 s8, s0;
	s10 =	smul.u32 $0x7D, s26;
	s26 =	sshrl.u32 @!p0 s2, $0x3  }
0x10: {  	v0 =	vlaneseq.u32;
	s3 =	ssub.s32 s3, s28;
	s0 =	sadd.s32 $0xDA200, s0;
	[dreg:$0x8] =	wrdreg s26  }
0x11: {  	v0 =	vshrl.u32 v0, $0x3;
	s8 =	simm.s32 $0x5320;
	s29 =	smax.u32 s3, $0x1;
	[dreg:$0x6] =	wrdreg s0  }
0x12: {  	v1 =	vor.u32 $0x2, v0;
	v2 =	vor.u32 $0x4, v0;
	v3 =	vor.u32 $0x6, v0;
	s3 =	simm.s32 $0x9920;
	[dreg:$0x7] =	wrdreg s29;
	s0 =	simm.s32 $0x140  }
.LBB2_1:
0x13: {  	[dreg:$0x4] =	wrdreg s23  }
0x14: {  	s22 =	simm.s32 @!p0 $0x1C02;
	s23 =	rddreg [dreg:$0x5]  }
0x15: {  	[spmem:s26], [sflag:s22] =	dma.local @!p0 [hbm:s23], $0x13880  }
0x16: {  	s22 =	simm.s32 @!p0 $0x2  }
0x17: {  	_ =	swait.ge @!p0 [sflag:s22], $0x13880  }
0x18: {  	[sflag:s22] =	ssyncset.done @!p0 $0x0  }
0x19: {  	[sflag:s22] =	ssyncadd.s32 @!p0 $0xFFFEC780  }
0x1a: {  	s22 =	simm.s32 $0x0;
	[bflag:$0x0] =	sbarrier.arrive $0xFFFF  }
.LBB2_2:
0x1b: {  	s23 =	smul.u32 $0x5, s22;
	_ =	sdelay $0x1  }
0x1c: {  	s23 =	sadd.s32 s10, s23  }
0x1d: {  	s23 =	smul.u32 $0xA, s23;
	_ =	sdelay $0x1  }
0x1e: {  	s26 =	simm.s32 $0x0;
	s24 =	sadd.s32 s4, s23  }
0x1f: {  	[tilespmem:s26], [sflag:$0x2] =	stream.linear.gather [hbm4b:s24+s26], $0x190, $0x38;
	[tilespmem:$0x19960] =	vst v63  }
0x20: {  	_ =	swait.ge [sflag:s14], $0x190  }
0x21: {  	[sflag:s14] =	ssyncset.done $0x0  }
0x22: {  	s29 =	smul.u32 $0x190, s22;
	s23 =	sadd.s32 s5, s23;
	[sflag:s14] =	ssyncadd.s32 $0xFFFFFE70  }
0x23: {  	[tilespmem:s15], [sflag:$0x2] =	stream.linear.gather [hbm4b:s23+s26], $0x190, $0x38;
	[tilespmem:$0x19960] =	vst v63  }
0x24: {  	s24 =	sadd.s32 s9, s29;
	_ =	swait.ge [sflag:s14], $0x190  }
0x25: {  	s23 =	sshll.u32 s24, $0x1;
	[sflag:s14] =	ssyncset.done $0x0  }
0x26: {  	s29 =	simm.s32 $0x8020;
	s23 =	sadd.s32 s7, s23;
	[sflag:s14] =	ssyncadd.s32 $0xFFFFFE70  }
0x27: {  	[tilespmem:s29], [sflag:$0x1] =	stream.linear.gather [hbm4b:s23+s26], $0x1900, $0x38;
	[tilespmem:$0x19960] =	vst v63  }
0x28: {  	s29 =	simm.s32 $0x320  }
0x29: {  	[tilespmem:s29], [sflag:$0x1] =	stream.indirect.gather [hbm4b:s1+s17], $0x40, s26, s17, $0xb8;
	[tilespmem:$0x19960] =	vst v63  }
0x2a: {  	s24 =	simm.s32 $0x6720  }
0x2b: {  	[tilespmem:s24], [sflag:$0x1] =	stream.indirect.gather [hbm4b:s6+s17], $0x10, s15, s17, $0xb8;
	[tilespmem:$0x19960] =	vst v63  }
0x2c: {  	s26 =	simm.s32 $0x1720  }
0x2d: {  	[tilespmem:s26], [sflag:$0x1] =	stream.indirect.gather [hbm4b:s1+s17], $0x40, s17, s17, $0xb8;
	[tilespmem:$0x19960] =	vst v63  }
0x2e: {  	s29 =	simm.s32 $0x6C20  }
0x2f: {  	[tilespmem:s29], [sflag:$0x1] =	stream.indirect.gather [hbm4b:s6+s17], $0x10, s21, s17, $0xb8;
	[tilespmem:$0x19960] =	vst v63  }
0x30: {  	s24 =	simm.s32 $0xA0;
	s26 =	simm.s32 $0x2B20  }
0x31: {  	[tilespmem:s26], [sflag:$0x1] =	stream.indirect.gather [hbm4b:s1+s17], $0x40, s24, s17, $0xb8;
	[tilespmem:$0x19960] =	vst v63  }
0x32: {  	s29 =	simm.s32 $0x7120  }
0x33: {  	[tilespmem:s29], [sflag:$0x1] =	stream.indirect.gather [hbm4b:s6+s17], $0x10, s25, s17, $0xb8;
	[tilespmem:$0x19960] =	vst v63  }
0x34: {  	s24 =	simm.s32 $0xF0;
	s26 =	simm.s32 $0x3F20  }
0x35: {  	[tilespmem:s26], [sflag:$0x1] =	stream.indirect.gather [hbm4b:s1+s17], $0x40, s24, s17, $0xb8;
	[tilespmem:$0x19960] =	vst v63  }
0x36: {  	_ = 	snop  }
0x37: {  	[tilespmem:s31], [sflag:$0x1] =	stream.indirect.gather [hbm4b:s6+s17], $0x10, s30, s17, $0xb8;
	[tilespmem:$0x19960] =	vst v63  }
0x38: {  	_ = 	snop  }
0x39: {  	[tilespmem:s8], [sflag:$0x1] =	stream.indirect.gather [hbm4b:s1+s17], $0x40, s0, s17, $0xb8;
	[tilespmem:$0x19960] =	vst v63  }
0x3a: {  	_ = 	snop  }
0x3b: {  	[tilespmem:s12], [sflag:$0x1] =	stream.indirect.gather [hbm4b:s6+s17], $0x10, s11, s17, $0xb8;
	[tilespmem:$0x19960] =	vst v63  }
0x3c: {  	_ =	swait.ge [sflag:s13], $0x1900  }
0x3d: {  	[sflag:s13] =	ssyncset.done $0x0  }
0x3e: {  	[sflag:s13] =	ssyncadd.s32 $0xFFFFE700  }
0x3f: {  	_ =	swait.ge [sflag:s13], $0x1400  }
0x40: {  	[sflag:s13] =	ssyncset.done $0x0  }
0x41: {  	[sflag:s13] =	ssyncadd.s32 $0xFFFFEC00  }
0x42: {  	_ =	swait.ge [sflag:s13], $0x500  }
0x43: {  	[sflag:s13] =	ssyncset.done $0x0  }
0x44: {  	[sflag:s13] =	ssyncadd.s32 $0xFFFFFB00  }
0x45: {  	_ =	swait.ge [sflag:s13], $0x1400  }
0x46: {  	[sflag:s13] =	ssyncset.done $0x0  }
0x47: {  	[sflag:s13] =	ssyncadd.s32 $0xFFFFEC00  }
0x48: {  	_ =	swait.ge [sflag:s13], $0x500  }
0x49: {  	[sflag:s13] =	ssyncset.done $0x0  }
0x4a: {  	[sflag:s13] =	ssyncadd.s32 $0xFFFFFB00  }
0x4b: {  	_ =	swait.ge [sflag:s13], $0x1400  }
0x4c: {  	[sflag:s13] =	ssyncset.done $0x0  }
0x4d: {  	[sflag:s13] =	ssyncadd.s32 $0xFFFFEC00  }
0x4e: {  	_ =	swait.ge [sflag:s13], $0x500  }
0x4f: {  	[sflag:s13] =	ssyncset.done $0x0  }
0x50: {  	[sflag:s13] =	ssyncadd.s32 $0xFFFFFB00  }
0x51: {  	_ =	swait.ge [sflag:s13], $0x1400  }
0x52: {  	[sflag:s13] =	ssyncset.done $0x0  }
0x53: {  	[sflag:s13] =	ssyncadd.s32 $0xFFFFEC00  }
0x54: {  	_ =	swait.ge [sflag:s13], $0x500  }
0x55: {  	[sflag:s13] =	ssyncset.done $0x0  }
0x56: {  	[sflag:s13] =	ssyncadd.s32 $0xFFFFFB00  }
0x57: {  	_ =	swait.ge [sflag:s13], $0x1400  }
0x58: {  	[sflag:s13] =	ssyncset.done $0x0  }
0x59: {  	[sflag:s13] =	ssyncadd.s32 $0xFFFFEC00  }
0x5a: {  	_ =	swait.ge [sflag:s13], $0x500  }
0x5b: {  	[sflag:s13] =	ssyncset.done $0x0  }
0x5c: {  	s29 =	simm.s32 $0x0;
	[sflag:s13] =	ssyncadd.s32 $0xFFFFFB00  }
0x5d: {  	v4 =	vld [tilespmem:s29+$0x8020]  }
0x5e: {  	v5 =	vld [tilespmem:s29+$0x6720];
	_ =	sdelay $0x2  }
0x5f: {  	s23 =	simm.s32 $0x340  }
0x60: {  	v6 =	vld [tilespmem:s23+$0xFFFFFFE0]  }
0x61: {  	v4 =	vmul.f32 v5, v4;
	_ =	sdelay $0x1  }
0x62: {  	v5 =	vperm.xlane v4, v0;
	_ =	sdelay $0x1  }
0x63: {  	v5 =	vmul.f32 v6, v5  }
0x64: {  	s24 =	simm.s32 $0x9940  }
0x65: {  	[tilespmem:s24+$0xFFFFFFE0] =	vst v5  }
0x66: {  	v5 =	vld [tilespmem:s23+$0xFFFFFFF0];
	_ =	sdelay $0x2  }
0x67: {  	v6 =	vperm.xlane v4, v1;
	_ =	sdelay $0x1  }
0x68: {  	v5 =	vmul.f32 v5, v6;
	_ =	sdelay $0x1  }
0x69: {  	[tilespmem:s24+$0xFFFFFFF0] =	vst v5  }
0x6a: {  	v5 =	vld [tilespmem:s23+$0x0];
	_ =	sdelay $0x2  }
0x6b: {  	v6 =	vperm.xlane v4, v2;
	_ =	sdelay $0x1  }
0x6c: {  	v5 =	vmul.f32 v5, v6;
	_ =	sdelay $0x1  }
0x6d: {  	[tilespmem:s24+$0x0] =	vst v5  }
0x6e: {  	v5 =	vld [tilespmem:s23+$0x10];
	_ =	sdelay $0x2  }
0x6f: {  	v4 =	vperm.xlane v4, v3;
	_ =	sdelay $0x1  }
0x70: {  	s28 =	simm.s32 $0x9940;
	s26 =	simm.s32 $0x40;
	v4 =	vmul.f32 v5, v4  }
.LBB2_3:
0x71: {  	p1 =	sne.s32 s26, $0x63C0;
	s23 =	sadd.s32 $0x40, s23;
	s24 =	sadd.s32 $0x40, s24  }
0x72: {  	s29 =	sshra.s32 s26, $0x2;
	s26 =	sadd.s32 $0x40, s26;
	[tilespmem:s28+$0x10] =	vst v4;
	s28 =	smov.u32 s24  }
0x73: {  	v4 =	vld [tilespmem:s29+$0x8020]  }
0x74: {  	v5 =	vld [tilespmem:s29+$0x6720];
	_ =	sdelay $0x2  }
0x75: {  	v6 =	vld [tilespmem:s23+$0xFFFFFFE0];
	_ =	sdelay $0x1  }
0x76: {  	v4 =	vmul.f32 v5, v4;
	_ =	sdelay $0x1  }
0x77: {  	v5 =	vperm.xlane v4, v0;
	_ =	sdelay $0x1  }
0x78: {  	v5 =	vmul.f32 v6, v5;
	_ =	sdelay $0x1  }
0x79: {  	[tilespmem:s24+$0xFFFFFFE0] =	vst v5  }
0x7a: {  	v5 =	vld [tilespmem:s23+$0xFFFFFFF0];
	_ =	sdelay $0x1  }
0x7b: {  	v6 =	vperm.xlane v4, v1;
	_ =	sdelay $0x2  }
0x7c: {  	v5 =	vmul.f32 v5, v6;
	_ =	sdelay $0x1  }
0x7d: {  	[tilespmem:s24+$0xFFFFFFF0] =	vst v5  }
0x7e: {  	v5 =	vld [tilespmem:s23+$0x0];
	_ =	sdelay $0x1  }
0x7f: {  	v6 =	vperm.xlane v4, v2;
	_ =	sdelay $0x2  }
0x80: {  	v5 =	vmul.f32 v5, v6;
	_ =	sdelay $0x1  }
0x81: {  	[tilespmem:s24+$0x0] =	vst v5  }
0x82: {  	v5 =	vld [tilespmem:s23+$0x10]  }
.Ltmp0:
0x83: {  	(pc) =	sbr.rel @p1 .LBB2_3-.Ltmp0, $2  }
0x84: {  	v4 =	vperm.xlane v4, v3;
	_ =	sdelay $0x2  }
0x85: {  	v4 =	vmul.f32 v5, v4  }
0x86: {  	_ = 	snop  }
0x87: {  	[tilespmem:s28+$0x10] =	vst v4  }
0x88: {  	[spmem:s2] =	stream.indirect.scatter.add.f32 [tilespmem:s3], [sflag:$0x2], $0x40, s15, s17, $0xb8;
	[tilespmem:$0x19960] =	vst v63  }
0x89: {  	_ =	swait.ge [sflag:s14], $0x1400  }
0x8a: {  	[sflag:s14] =	ssyncset.done $0x0  }
0x8b: {  	[sflag:s14] =	ssyncadd.s32 $0xFFFFEC00  }
0x8c: {  	[spmem:s2] =	stream.indirect.scatter.add.f32 [tilespmem:s16], [sflag:$0x2], $0x40, s21, s17, $0xb8;
	[tilespmem:$0x19960] =	vst v63  }
0x8d: {  	_ =	swait.ge [sflag:s14], $0x1400  }
0x8e: {  	[sflag:s14] =	ssyncset.done $0x0  }
0x8f: {  	[sflag:s14] =	ssyncadd.s32 $0xFFFFEC00  }
0x90: {  	[spmem:s2] =	stream.indirect.scatter.add.f32 [tilespmem:s18], [sflag:$0x2], $0x40, s25, s17, $0xb8;
	[tilespmem:$0x19960] =	vst v63  }
0x91: {  	_ =	swait.ge [sflag:s14], $0x1400  }
0x92: {  	[sflag:s14] =	ssyncset.done $0x0  }
0x93: {  	[sflag:s14] =	ssyncadd.s32 $0xFFFFEC00  }
0x94: {  	[spmem:s2] =	stream.indirect.scatter.add.f32 [tilespmem:s19], [sflag:$0x2], $0x40, s30, s17, $0xb8;
	[tilespmem:$0x19960] =	vst v63  }
0x95: {  	s22 =	sadd.s32 $0x1, s22;
	_ =	swait.ge [sflag:s14], $0x1400  }
0x96: {  	p1 =	sne.s32 s22, $0x19;
	[sflag:s14] =	ssyncset.done $0x0  }
.Ltmp1:
0x97: {  	[sflag:s14] =	ssyncadd.s32 $0xFFFFEC00;
	(pc) =	sbr.rel @p1 .LBB2_2-.Ltmp1, $4  }
0x98: {  	[spmem:s2] =	stream.indirect.scatter.add.f32 [tilespmem:s20], [sflag:$0x2], $0x40, s11, s17, $0xb8;
	[tilespmem:$0x19960] =	vst v63  }
0x99: {  	_ =	swait.ge [sflag:s14], $0x1400  }
0x9a: {  	[sflag:s14] =	ssyncset.done $0x0  }
0x9b: {  	[sflag:s14] =	ssyncadd.s32 $0xFFFFEC00  }
0x9c: {  	[bflag:$0x0] =	sbarrier.arrive $0xFFFF  }
0x9d: {  	s23 =	rddreg [dreg:$0x6]  }
0x9e: {  	s22 =	simm.s32 @!p0 $0x1C02;
	s26 =	rddreg [dreg:$0x8]  }
0x9f: {  	[hbm:s23], [sflag:s22] =	dma.local @!p0 [spmem:s26], $0x13880  }
0xa0: {  	s22 =	simm.s32 @!p0 $0x2  }
0xa1: {  	_ =	swait.ge @!p0 [sflag:s22], $0x13880  }
0xa2: {  	s29 =	rddreg [dreg:$0x4]  }
0xa3: {  	s24 =	rddreg [dreg:$0x7];
	s23 =	sadd.s32 $0x1, s29  }
0xa4: {  	p1 =	sne.s32 s23, s24  }
.Ltmp2:
0xa5: {  	_ = 	snop;
	(pc) =	sbr.rel @p1 .LBB2_1-.Ltmp2, $3  }
0xa6: {  	_ =	sdelay $0x1  }
0xa7: {  	[sflag:s22] =	ssyncset.done @!p0 $0x0  }
0xa8: {  	[sflag:s22] =	ssyncadd.s32 @!p0 $0xFFFEC780  }
0xa9: {  	_ =	sfence.sel $0x180000  }
0xaa: {  	[bflag:$0x0] =	sbarrier.arrive $0xFFFF  }
0xab: {  	_ =	strace $0x9000004A  }
0xac: {  	[bflag:$0x2] =	sbarrier.arrive $0xFFFF  }
0xad: {  	s0 =	rddreg [dreg:$0x3]  }
0xae: {  	s0 =	sadd.s32 @!p0 $0x100000, s0  }
0xaf: {  	[sflag:s0] =	ssyncadd.tile.s32 @!p0 $0x1;
	_ =	shalt  }
.Lfunc_end2:
_tile_overlayer_lowered:
.L_overlay_start_2:
0xb0: {  	(tag) =	ssettag $0x2  }
0xb1: {  	s0 =	rddreg [dreg:$0x0];
	s2 =	stileid.u32  }
0xb2: {  	s1 =	rddreg [dreg:$0x1];
	p0 =	sne.s32 s2, $0x0  }
0xb3: {  	s3 =	rddreg [dreg:$0x2];
	[bflag:$0x3] =	sbarrier.arrive $0xFFFF;
	s2 =	simm.s32 @!p0 $0x1C02  }
0xb4: {  	[timem:s3], [sflag:s2] =	dma.local @!p0 [hbm:s0], s1  }
0xb5: {  	s0 =	simm.s32 @!p0 $0x2  }
0xb6: {  	_ =	swait.ge @!p0 [sflag:s0], s1  }
0xb7: {  	s1 =	ssub.s32 @!p0 $0x0, s1;
	[sflag:s0] =	ssyncset.done @!p0 $0x0  }
0xb8: {  	[sflag:s0] =	ssyncadd.s32 @!p0 s1  }
0xb9: {  	[bflag:$0x3] =	sbarrier.arrive $0xFFFF  }
0xba: {  	_ =	shalt  }

// kernel: kernel.17.cloned.1.call-start
scs
__scs_entry_jumppad:
0x0: {  	(pc) =	sbr.rel $0x88, $3  }
0x1: {  	(tag) =	ssettag $0x0;
	lr =	simm.s32 $0x1  }
0x2: {  	[smem:$0x3F97] =	sst lr;
	_ =	strace $0xD0000000  }
0x3: {  	_ = 	snop  }
0x4: {  	_ = 	snop  }
0x5: {  	_ = 	snop  }
0x6: {  	_ = 	snop  }
0x7: {  	_ = 	snop  }
__scs_overlays_trampoline_lowered:
0x8: {  	[smem:$0x3FA6] =	sst s0  }
0x9: {  	[smem:$0x3FA7] =	sst s1  }
0xa: {  	[smem:$0x3FA8] =	sst s2  }
0xb: {  	[smem:$0x3FA9] =	sst s3  }
0xc: {  	[smem:$0x3FAA] =	sst s4  }
0xd: {  	[smem:$0x3FAB] =	sst s5  }
0xe: {  	[smem:$0x3FAC] =	sst s6  }
0xf: {  	[smem:$0x3FAD] =	sst s7  }
0x10: {  	[smem:$0x3FAE] =	sst s8  }
0x11: {  	[smem:$0x3FAF] =	sst s9;
	s0 =	simm.s32 @!p0 $0x0  }
0x12: {  	s1 =	sld [smem:$0x3F95];
	s0 =	simm.s32 @p0 $0x1  }
0x13: {  	[smem:$0x3FB0] =	sst s0;
	s0 =	simm.s32 @!p1 $0x0  }
0x14: {  	s2 =	sld [smem:$0x3F94];
	s0 =	simm.s32 @p1 $0x1  }
0x15: {  	[smem:$0x3FB1] =	sst s0;
	s0 =	simm.s32 @!p2 $0x0  }
0x16: {  	s3 =	sld [smem:$0x3FDB];
	s0 =	simm.s32 @p2 $0x1  }
0x17: {  	s4 =	simm.s32 $0x1BF5;
	[smem:$0x3FB3] =	sst s0  }
0x18: {  	s0 =	sld [smem:$0x3F96];
	_ =	swait.ge [sflag:s4], $0x0  }
0x19: {  	s7 =	sld [smem:$0x3F97]  }
0x1a: {  	s8 =	sadd.s32 $0xFFFFE003, lr  }
0x1b: {  	s9 =	sadd.s32 $0xFFFFFEF7, lr;
	s5 =	simm.s32 $0xFFFFFFFF;
	p2 =	slt.u32 s8, $0xFFFFF086  }
0x1c: {  	p1 =	slt.u32 s9, $0xF7A;
	s5 =	simm.s32 @!p2 $0x0  }
0x1d: {  	s5 =	simm.s32 @p1 $0x1;
	p0 =	seq.s32 s7, s2  }
0x1e: {  	s7 =	smul.u32 @!p0 $0xF7A, s2;
	p2 =	seq.s32 @!p0 s5, $0x0  }
0x1f: {  	s9 =	smul.u32 $0xF7A, s1;
	s8 =	simm.s32 @!p0 $0x1BF5;
	p2 =	por !p2, p0  }
0x20: {  	[sflag:s8] =	ssyncset.s32 @!p0 $0xFFFFF086;
	s6 =	sadd.s32 @!p0 s3, s7;
	s7 =	simm.s32 @!p0 $0x108  }
0x21: {  	s3 =	sadd.s32 s3, s9;
	s6 =	sadd.s32 @!p0 $0x88, s6;
	s7 =	simm.s32 @p2 $0x1082  }
0x22: {  	[simem:s7], [sflag:s8] =	dma.local @!p0 [hbm:s6], $0xF7A  }
0x23: {  	s9 =	sor.u32 $0xD0000000, s2;
	s6 =	simm.s32 $0x108;
	_ =	swait.ge @!p0 [sflag:s8], $0x0  }
0x24: {  	s3 =	sadd.s32 $0x88, s3;
	s6 =	simm.s32 @!p1 $0x1082;
	[sflag:s4] =	ssyncset.s32 $0xFFFFF086  }
0x25: {  	[simem:s6], [sflag:s4] =	dma.local [hbm:s3], $0xF7A  }
0x26: {  	[smem:$0x3F97] =	sst s1;
	(tag) =	ssettag s2;
	_ =	strace s9  }
0x27: {  	s1 =	sld [smem:$0x3FA7]  }
0x28: {  	s2 =	sld [smem:$0x3FA8]  }
0x29: {  	s4 =	sld [smem:$0x3FAA]  }
0x2a: {  	p0 =	seq.s32 s5, $0x0;
	s5 =	sld [smem:$0x3FAB]  }
0x2b: {  	s6 =	sld [smem:$0x3FAC]  }
0x2c: {  	s7 =	sld [smem:$0x3FAD]  }
0x2d: {  	s3 =	simm.s32 $0x108;
	s8 =	sld [smem:$0x3FAE]  }
0x2e: {  	s3 =	simm.s32 @!p0 $0x1082;
	s9 =	sld [smem:$0x3FAF]  }
0x2f: {  	lr =	sadd.s32 s0, s3;
	s0 =	sld [smem:$0x3FA6]  }
0x30: {  	s3 =	sld [smem:$0x3FA9]  }
0x31: {  	[smem:$0x3FB2] =	sst s10  }
0x32: {  	s10 =	sld [smem:$0x3FB0];
	_ =	sdelay $0x3  }
0x33: {  	p0 =	seq.s32 s10, $0x1;
	s10 =	sld [smem:$0x3FB2];
	_ =	sdelay $0x3  }
0x34: {  	[smem:$0x3FB2] =	sst s10  }
0x35: {  	s10 =	sld [smem:$0x3FB1];
	_ =	sdelay $0x3  }
0x36: {  	p1 =	seq.s32 s10, $0x1;
	s10 =	sld [smem:$0x3FB2];
	_ =	sdelay $0x3  }
0x37: {  	[smem:$0x3FB2] =	sst s10  }
0x38: {  	s10 =	sld [smem:$0x3FB3]  }
0x39: {  	_ = 	snop;
	(pc) =	sbr.ind lr, $3  }
0x3a: {  	_ = 	snop  }
0x3b: {  	_ = 	snop  }
0x3c: {  	p2 =	seq.s32 s10, $0x1;
	s10 =	sld [smem:$0x3FB2]  }
0x3d: {  	_ =	shalt  }
0x3e: {  	_ =	shalt  }
0x3f: {  	_ =	shalt  }
0x40: {  	_ =	shalt  }
0x41: {  	_ =	shalt  }
0x42: {  	_ =	shalt  }
0x43: {  	_ =	shalt  }
0x44: {  	_ =	shalt  }
0x45: {  	_ =	shalt  }
0x46: {  	_ =	shalt  }
0x47: {  	_ =	shalt  }
0x48: {  	_ =	shalt  }
0x49: {  	_ =	shalt  }
0x4a: {  	_ =	shalt  }
0x4b: {  	_ =	shalt  }
0x4c: {  	_ =	shalt  }
0x4d: {  	_ =	shalt  }
0x4e: {  	_ =	shalt  }
0x4f: {  	_ =	shalt  }
0x50: {  	_ =	shalt  }
0x51: {  	_ =	shalt  }
0x52: {  	_ =	shalt  }
0x53: {  	_ =	shalt  }
0x54: {  	_ =	shalt  }
0x55: {  	_ =	shalt  }
0x56: {  	_ =	shalt  }
0x57: {  	_ =	shalt  }
0x58: {  	_ =	shalt  }
0x59: {  	_ =	shalt  }
0x5a: {  	_ =	shalt  }
0x5b: {  	_ =	shalt  }
0x5c: {  	_ =	shalt  }
0x5d: {  	_ =	shalt  }
0x5e: {  	_ =	shalt  }
0x5f: {  	_ =	shalt  }
0x60: {  	_ =	shalt  }
0x61: {  	_ =	shalt  }
0x62: {  	_ =	shalt  }
0x63: {  	_ =	shalt  }
0x64: {  	_ =	shalt  }
0x65: {  	_ =	shalt  }
0x66: {  	_ =	shalt  }
0x67: {  	_ =	shalt  }
0x68: {  	_ =	shalt  }
0x69: {  	_ =	shalt  }
0x6a: {  	_ =	shalt  }
0x6b: {  	_ =	shalt  }
0x6c: {  	_ =	shalt  }
0x6d: {  	_ =	shalt  }
0x6e: {  	_ =	shalt  }
0x6f: {  	_ =	shalt  }
0x70: {  	_ =	shalt  }
0x71: {  	_ =	shalt  }
0x72: {  	_ =	shalt  }
0x73: {  	_ =	shalt  }
0x74: {  	_ =	shalt  }
0x75: {  	_ =	shalt  }
0x76: {  	_ =	shalt  }
0x77: {  	_ =	shalt  }
0x78: {  	_ =	shalt  }
0x79: {  	_ =	shalt  }
0x7a: {  	_ =	shalt  }
0x7b: {  	_ =	shalt  }
0x7c: {  	_ =	shalt  }
0x7d: {  	_ =	shalt  }
0x7e: {  	_ =	shalt  }
0x7f: {  	_ =	shalt  }
0x80: {  	_ =	shalt  }
0x81: {  	_ =	shalt  }
0x82: {  	_ =	shalt  }
0x83: {  	_ =	shalt  }
0x84: {  	_ =	shalt  }
0x85: {  	_ =	shalt  }
0x86: {  	_ =	shalt  }
0x87: {  	_ =	shalt  }
.Lfunc_end0:
.L_simem_size_0:
called_computation.2_lowered:
.L_overlay_start_0:
0x88: {  	s2 =	sld [smem:$0x3FD9]  }
0x89: {  	s3 =	sld [smem:$0x3FFE];
	_ =	sdelay $0x1  }
0x8a: {  	s1 =	srdreg.scid  }
0x8b: {  	s0 =	sand.u32 $0x1, s1  }
0x8c: {  	s14 =	sshll.u32 s0, $0xA;
	s2 =	sadd.s32 s3, s2  }
0x8d: {  	s2 =	sadd.s32 s2, s14  }
0x8e: {  	[smem:$0x3FBE] =	sst s2  }
0x8f: {  	_ = 	snop  }
0x90: {  	s2 =	sld [smem:$0x3FD0];
	_ =	sdelay $0x2  }
0x91: {  	s15 =	simm.s32 $0xA;
	s4 =	simm.s32 $0x10  }
0x92: {  	[smem:s4], [sflag:s15] =	dma.local [hbm:s2], $0x1  }
0x93: {  	_ =	swait.eq [sflag:s15], $0x1  }
0x94: {  	[sflag:s15] =	ssyncset.done $0x0  }
0x95: {  	s16 =	sld [smem:$0x10];
	[sflag:s15] =	ssyncadd.s32 $0xFFFFFFFF  }
0x96: {  	s17 =	sld [smem:$0x11];
	(tm) =	ssettm $0x1  }
0x97: {  	s18 =	sld [smem:$0x3FFB];
	_ =	sdelay $0x3  }
0x98: {  	_ =	strace s18  }
0x99: {  	s4 =	sld [smem:$0x3FFC];
	_ =	sdelay $0x3  }
0x9a: {  	_ =	strace s4  }
0x9b: {  	s4 =	sld [smem:$0x3FFD];
	_ =	sdelay $0x3  }
0x9c: {  	_ =	strace s4  }
0x9d: {  	_ =	strace $0x8FFFFFFF  }
0x9e: {  	s19 =	sld [smem:$0x3FDB];
	_ =	sdelay $0x1  }
0x9f: {  	s5 =	simm.s32 $_scs_section_size  }
0xa0: {  	s6 =	simm.s32 $_size__tile_overlayer_lowered;
	s7 =	simm.s32 $_tile_overlayer_lowered  }
0xa1: {  	s22 =	simm.s32 $0x1BFF;
	s21 =	sshll.u32 s7, $0x1;
	s4 =	sadd.s32 s5, s19  }
0xa2: {  	s8 =	simm.s32 $0x0;
	s20 =	sshll.u32 s6, $0x1;
	s6 =	sadd.s32 s21, s4  }
0xa3: {  	[timem:s8], [sflag:s22] =	dma.local [hbm:s6], s20  }
0xa4: {  	_ =	swait.ge [sflag:s22], s20  }
0xa5: {  	s5 =	ssub.s32 $0x0, s20;
	[sflag:s22] =	ssyncset.done $0x0  }
0xa6: {  	[sflag:s22] =	ssyncadd.s32 s5;
	_ =	sdelay $0x1  }
0xa7: {  	s23 =	simm.s32 $0x1B8B  }
0xa8: {  	_ =	swait.ge [sflag:s23], $0x1  }
0xa9: {  	[sflag:s23] =	ssyncset.done $0x0  }
0xaa: {  	s25 =	simm.s32 $0x1B8E;
	s24 =	sld [smem:$0x3FFE];
	[sflag:s23] =	ssyncadd.s32 $0xFFFFFFFF  }
0xab: {  	s26 =	simm.s32 $execute0_lowered;
	[smem:$0x3FD2] =	sst s25  }
0xac: {  	s6 =	sshll.u32 s26, $0x1;
	_ =	strace $0x8000004C;
	[dreg:$0x1] =	wrdreg $0xFFFFFFFF  }
0xad: {  	s28 =	simm.s32 $_size_execute0_lowered;
	s4 =	sadd.s32 s4, s6;
	[dreg:$0x0] =	wrdreg $0x0  }
0xae: {  	s6 =	sshll.u32 s28, $0x1;
	[dreg:$0x2] =	wrdreg s4  }
0xaf: {  	[dreg:$0x3] =	wrdreg s6  }
0xb0: {  	[dreg:$0x4] =	wrdreg $0xC0  }
0xb1: {  	_ =	task [dreg:s8], $0x5FFFF  }
0xb2: {  	[dreg:$0x1] =	wrdreg $0xFFFFFFFF  }
0xb3: {  	[dreg:$0x0] =	wrdreg $0x60  }
0xb4: {  	[dreg:$0x2] =	wrdreg s24  }
0xb5: {  	[dreg:$0x3] =	wrdreg s16  }
0xb6: {  	[dreg:$0x4] =	wrdreg s17  }
0xb7: {  	[dreg:$0x5] =	wrdreg $0x13D300  }
0xb8: {  	[dreg:$0x6] =	wrdreg $0x9  }
0xb9: {  	_ =	task.clear_ibuf [dreg:s8], $0x7FFFF;
	_ =	strace $0x9000004C  }
0xba: {  	s29 =	simm.s32 $0x9;
	_ =	strace $0x8000004E  }
0xbb: {  	_ =	swait.ge [sflag:s29], $0x1  }
0xbc: {  	[sflag:s29] =	ssyncadd.s32 $0xFFFFFFFF  }
0xbd: {  	_ =	strace $0x9000004E  }
0xbe: {  	_ =	sfence  }
0xbf: {  	s30 =	sld [smem:$0x0];
	_ =	sdelay $0x2  }
0xc0: {  	s31 =	sshll.u32 s1, $0xD;
	s1 =	sshrl.u32 s1, $0x2  }
0xc1: {  	s3 =	sand.u32 $0x4000, s31;
	s1 =	sadd.s32 s1, s30  }
0xc2: {  	s0 =	sor.u32 s3, s0;
	s1 =	sshll.u32 s1, $0x11  }
0xc3: {  	s0 =	sor.u32 s1, s0  }
0xc4: {  	s0 =	sadd.s32 $0x8F2B, s0  }
0xc5: {  	[sflag:s0] =	ssyncadd.remote.s32 $0x1  }
0xc6: {  	_ =	sfence.sel $0xFFFF  }
0xc7: {  	[dreg:$0x0] =	wrdreg $0xFFFFFFFF;
	(pc) =	sbr.abs _section_cstart, $3  }
0xc8: {  	[dreg:$0x1] =	wrdreg $0xFFFFFFFF  }
0xc9: {  	_ =	task.clear_ibuf [dreg:s8], $0x2FFFF;
	_ =	strace $0x9FFFFFFF  }
0xca: {  	(tm) =	ssettm $0x7FFFFFFF  }
0xcb: {  	_ =	shalt  }
tec
execute0_lowered:
.L_overlay_start_1:
0x0: {  	(tag) =	ssettag $0x1  }
0x1: {  	s0 =	rddreg [dreg:$0x0]  }
0x2: {  	s1 =	rddreg [dreg:$0x1]  }
0x3: {  	s10 =	rddreg [dreg:$0x2]  }
0x4: {  	s2 =	rddreg [dreg:$0x3]  }
0x5: {  	s4 =	srdreg.scid;
	s3 =	simm.s32 $0x0;
	s12 =	stileid.u32  }
0x6: {  	s15 =	simm.s32 $0x13A10;
	s16 =	simm.s32 $0x13BA0;
	s17 =	simm.s32 $0x50  }
0x7: {  	s18 =	simm.s32 $0x13A60;
	s19 =	simm.s32 $0x13BF0;
	s20 =	simm.s32 $0x13AB0  }
0x8: {  	s21 =	simm.s32 $0x13C40;
	s22 =	simm.s32 $0x13B00;
	s23 =	simm.s32 $0x13C90  }
0x9: {  	s24 =	simm.s32 $0x13B50;
	s25 =	simm.s32 $0x13CE0;
	s26 =	simm.s32 $0x0  }
0xa: {  	s8 =	sand.u32 $0x1, s4;
	[smem:$0x7FF] =	sst s3;
	s4 =	sadd.s32 $0xC800, s0  }
0xb: {  	s7 =	sadd.s32 $0x16600, s0;
	p0 =	sne.s32 s12, $0x0;
	s5 =	sshll.u32 s8, $0x4  }
0xc: {  	_ =	strace $0x8000004D;
	s11 =	ssub.s32 $0x2, s8;
	s14 =	smul.u32 $0x4E2, s8  }
0xd: {  	s8 =	sadd.s32 $0x20600, s0;
	s9 =	sor.u32 s12, s5;
	s5 =	sadd.s32 $0x2A00, s0  }
0xe: {  	s13 =	sshrl.u32 s11, $0x1;
	s12 =	simm.s32 $0x1;
	s6 =	smul.u32 $0x2710, s9  }
0xf: {  	s31 =	ssub.s32 s11, s13;
	s9 =	smul.u32 $0x7D, s9;
	s10 =	sadd.s32 s10, s14  }
0x10: {  	s13 =	sshrl.u32 @!p0 s2, $0x3;
	s14 =	simm.s32 $0x13880;
	s11 =	smax.u32 s31, $0x1  }
.LBB2_1:
0x11: {  	[tilespmem:s3], [sflag:$0x1] =	stream.linear.gather [hbm4b:s1+s3], $0x13880, $0x38;
	[tilespmem:$0x13FA8] =	vst v63  }
0x12: {  	_ =	swait.ge [sflag:s12], $0x13880  }
0x13: {  	[sflag:s12] =	ssyncset.done $0x0  }
0x14: {  	s0 =	simm.s32 @!p0 $0x1C01;
	[sflag:s12] =	ssyncadd.s32 $0xFFFEC780  }
0x15: {  	[spmem:s13], [sflag:s0] =	dma.local @!p0 [hbm:s7], $0x4E2  }
0x16: {  	s0 =	simm.s32 @!p0 $0x1  }
0x17: {  	_ =	swait.ge @!p0 [sflag:s0], $0x4E2  }
0x18: {  	[sflag:s0] =	ssyncset.done @!p0 $0x0  }
0x19: {  	[sflag:s0] =	ssyncadd.s32 @!p0 $0xFFFFFB1E  }
0x1a: {  	s28 =	simm.s32 $0x0;
	[bflag:$0x0] =	sbarrier.arrive $0xFFFF  }
.LBB2_2:
0x1b: {  	s0 =	smul.u32 $0x5, s28;
	_ =	sdelay $0x1  }
0x1c: {  	s0 =	sadd.s32 s9, s0  }
0x1d: {  	s0 =	smul.u32 $0xA, s0;
	_ =	sdelay $0x1  }
0x1e: {  	s29 =	sadd.s32 s4, s0  }
0x1f: {  	[tilespmem:s14], [sflag:$0x1] =	stream.linear.gather [hbm4b:s29+s3], $0x190, $0x38;
	[tilespmem:$0x13FA8] =	vst v63  }
0x20: {  	_ =	swait.ge [sflag:s12], $0x190  }
0x21: {  	[sflag:s12] =	ssyncset.done $0x0  }
0x22: {  	s0 =	sadd.s32 s5, s0;
	[sflag:s12] =	ssyncadd.s32 $0xFFFFFE70  }
0x23: {  	[tilespmem:s15], [sflag:$0x1] =	stream.linear.gather [hbm4b:s0+s3], $0x190, $0x38;
	[tilespmem:$0x13FA8] =	vst v63  }
0x24: {  	_ =	swait.ge [sflag:s12], $0x190  }
0x25: {  	[sflag:s12] =	ssyncset.done $0x0  }
0x26: {  	s29 =	simm.s32 $0x40;
	[sflag:s12] =	ssyncadd.s32 $0xFFFFFE70  }
0x27: {  	v0 =	vld [tilespmem:s29+$0x139D0]  }
0x28: {  	v1 =	vld [tilespmem:s29+$0x13840];
	_ =	sdelay $0x4  }
0x29: {  	v0 =	vshll.u32 v0, $0x3;
	v1 =	vshll.u32 v1, $0x3  }
0x2a: {  	v0 =	vor.u32 $0x1, v0;
	_ =	sdelay $0x3  }
0x2b: {  	v1 =	vld.idx.msk [tilespmem:v1+s3+$0x0], $0xffff  }
0x2c: {  	v0 =	vld.idx.msk [tilespmem:v0+s3+$0x0], $0xffff;
	_ =	sdelay $0x4  }
0x2d: {  	v0 =	vadd.f32 v0, v1;
	_ =	sdelay $0x1  }
0x2e: {  	v1 =	vmul.f32 $2.000000030e-01, v0  }
0x2f: {  	vm0 =	vge.f32 v0, $0.0e+00  }
0x30: {  	v0 =	vsel vm0, v0, v1  }
0x31: {  	v0 =	vmul.f32 $1.442695020e+00, v0;
	_ =	sdelay $0x1  }
0x32: {  	v1 =	vld [tilespmem:s29+$0x13850];
	(erf) = vpow2.f32 v0  }
0x33: {  	v0 =	vld [tilespmem:s29+$0x139E0];
	_ =	sdelay $0x4  }
0x34: {  	v1 =	vshll.u32 v1, $0x3;
	v0 =	vshll.u32 v0, $0x3  }
0x35: {  	v0 =	vor.u32 $0x1, v0;
	_ =	sdelay $0x1  }
0x36: {  	v8 =	vpop (erf)  }
0x37: {  	[tilespmem:s29+$0x13B60] =	vst v8  }
0x38: {  	v1 =	vld.idx.msk [tilespmem:v1+s3+$0x0], $0xffff  }
0x39: {  	v0 =	vld.idx.msk [tilespmem:v0+s3+$0x0], $0xffff;
	_ =	sdelay $0x4  }
0x3a: {  	v0 =	vadd.f32 v0, v1;
	_ =	sdelay $0x1  }
0x3b: {  	v1 =	vmul.f32 $2.000000030e-01, v0  }
0x3c: {  	vm12 =	vge.f32 v0, $0.0e+00  }
0x3d: {  	v0 =	vsel vm12, v0, v1  }
0x3e: {  	v0 =	vmul.f32 $1.442695020e+00, v0;
	_ =	sdelay $0x1  }
0x3f: {  	v2 =	vld [tilespmem:s29+$0x13860];
	(erf) = vpow2.f32 v0  }
0x40: {  	v3 =	vld [tilespmem:s29+$0x139F0];
	_ =	sdelay $0x4  }
0x41: {  	v1 =	vshll.u32 v2, $0x3;
	v0 =	vshll.u32 v3, $0x3  }
0x42: {  	v0 =	vor.u32 $0x1, v0;
	_ =	sdelay $0x1  }
0x43: {  	v2 =	vpop (erf)  }
0x44: {  	[tilespmem:s29+$0x13B70] =	vst v2  }
0x45: {  	v1 =	vld.idx.msk [tilespmem:v1+s3+$0x0], $0xffff  }
0x46: {  	v0 =	vld.idx.msk [tilespmem:v0+s3+$0x0], $0xffff;
	_ =	sdelay $0x4  }
0x47: {  	v0 =	vadd.f32 v0, v1;
	_ =	sdelay $0x1  }
0x48: {  	v1 =	vmul.f32 $2.000000030e-01, v0  }
0x49: {  	vm13 =	vge.f32 v0, $0.0e+00  }
0x4a: {  	v0 =	vsel vm13, v0, v1  }
0x4b: {  	v0 =	vmul.f32 $1.442695020e+00, v0;
	_ =	sdelay $0x1  }
0x4c: {  	v4 =	vld [tilespmem:s29+$0x13870];
	(erf) = vpow2.f32 v0  }
0x4d: {  	v5 =	vld [tilespmem:s29+$0x13A00];
	_ =	sdelay $0x4  }
0x4e: {  	v1 =	vshll.u32 v4, $0x3;
	v0 =	vshll.u32 v5, $0x3  }
0x4f: {  	v0 =	vor.u32 $0x1, v0;
	_ =	sdelay $0x1  }
0x50: {  	v2 =	vpop (erf)  }
0x51: {  	[tilespmem:s29+$0x13B80] =	vst v2  }
0x52: {  	v1 =	vld.idx.msk [tilespmem:v1+s3+$0x0], $0xffff  }
0x53: {  	v0 =	vld.idx.msk [tilespmem:v0+s3+$0x0], $0xffff;
	_ =	sdelay $0x4  }
0x54: {  	v0 =	vadd.f32 v0, v1;
	_ =	sdelay $0x1  }
0x55: {  	v1 =	vmul.f32 $2.000000030e-01, v0  }
0x56: {  	vm14 =	vge.f32 v0, $0.0e+00  }
0x57: {  	v0 =	vsel vm14, v0, v1  }
0x58: {  	v0 =	vmul.f32 $1.442695020e+00, v0;
	_ =	sdelay $0x1  }
0x59: {  	v6 =	vld [tilespmem:s29+$0x13A10];
	(erf) = vpow2.f32 v0  }
0x5a: {  	v7 =	vld [tilespmem:s29+$0x13880];
	_ =	sdelay $0x4  }
0x5b: {  	v1 =	vshll.u32 v7, $0x3;
	v0 =	vshll.u32 v6, $0x3  }
0x5c: {  	v0 =	vor.u32 $0x1, v0;
	_ =	sdelay $0x1  }
0x5d: {  	v2 =	vpop (erf)  }
0x5e: {  	[tilespmem:s29+$0x13B90] =	vst v2  }
0x5f: {  	v1 =	vld.idx.msk [tilespmem:v1+s3+$0x0], $0xffff  }
0x60: {  	v0 =	vld.idx.msk [tilespmem:v0+s3+$0x0], $0xffff;
	_ =	sdelay $0x4  }
0x61: {  	v0 =	vadd.f32 v0, v1;
	_ =	sdelay $0x1  }
0x62: {  	v1 =	vmul.f32 $2.000000030e-01, v0  }
0x63: {  	vm15 =	vge.f32 v0, $0.0e+00  }
0x64: {  	v0 =	vsel vm15, v0, v1  }
0x65: {  	v2 =	vmul.f32 $1.442695020e+00, v0  }
0x66: {  	s0 =	simm.s32 $0x90  }
0x67: {  	v4 =	vld [tilespmem:s0+$0x139D0];
	(erf) = vpow2.f32 v2  }
0x68: {  	v1 =	vld [tilespmem:s0+$0x13840]  }
0x69: {  	v3 =	vld [tilespmem:s0+$0x13850]  }
0x6a: {  	v0 =	vld [tilespmem:s0+$0x139E0]  }
0x6b: {  	s30 =	simm.s32 $0x380;
	v2 =	vld [tilespmem:s0+$0x13860]  }
.LBB2_3:
0x6c: {  	p1 =	sne.s32 s30, $0x600;
	v4 =	vshll.u32 v4, $0x3;
	v5 =	vld [tilespmem:s0+$0x139F0];
	s31 =	smov.u32 s30;
	s30 =	sadd.s32 $0x140, s30  }
0x6d: {  	v1 =	vshll.u32 v1, $0x3;
	v4 =	vor.u32 $0x1, v4;
	v6 =	vld [tilespmem:s0+$0x13870]  }
0x6e: {  	v7 =	vld [tilespmem:s0+$0x13A00]  }
0x6f: {  	v8 =	vshll.u32 v0, $0x3;
	v9 =	vld [tilespmem:s0+$0x13A10]  }
0x70: {  	v0 =	vld [tilespmem:s0+$0x13880];
	v10 =	vpop (erf)  }
0x71: {  	v5 =	vshll.u32 v5, $0x3;
	[tilespmem:s29+$0x13BA0] =	vst v10;
	s29 =	smov.u32 s0  }
0x72: {  	v4 =	vld.idx.msk [tilespmem:v4+s3+$0x0], $0xffff  }
0x73: {  	v10 =	vld.idx.msk [tilespmem:v1+s3+$0x0], $0xffff;
	v7 =	vshll.u32 v7, $0x3  }
0x74: {  	v1 =	vshll.u32 v9, $0x3;
	_ =	sdelay $0x4  }
0x75: {  	v4 =	vadd.f32 v4, v10;
	_ =	sdelay $0x1  }
0x76: {  	v9 =	vmul.f32 $2.000000030e-01, v4  }
0x77: {  	vm0 =	vge.f32 v4, $0.0e+00  }
0x78: {  	v4 =	vsel vm0, v4, v9  }
0x79: {  	v4 =	vmul.f32 $1.442695020e+00, v4;
	_ =	sdelay $0x1  }
0x7a: {  	(erf) = vpow2.f32 v4;
	_ =	sdelay $0x5  }
0x7b: {  	v3 =	vshll.u32 v3, $0x3  }
0x7c: {  	v4 =	vor.u32 $0x1, v8;
	_ =	sdelay $0x1  }
0x7d: {  	v8 =	vpop (erf)  }
0x7e: {  	[tilespmem:s29+$0x13B60] =	vst v8  }
0x7f: {  	v3 =	vld.idx.msk [tilespmem:v3+s3+$0x0], $0xffff  }
0x80: {  	v4 =	vld.idx.msk [tilespmem:v4+s3+$0x0], $0xffff;
	_ =	sdelay $0x5  }
0x81: {  	v3 =	vadd.f32 v4, v3;
	_ =	sdelay $0x1  }
0x82: {  	v4 =	vmul.f32 $2.000000030e-01, v3  }
0x83: {  	vm0 =	vge.f32 v3, $0.0e+00  }
0x84: {  	v3 =	vsel vm0, v3, v4  }
0x85: {  	v3 =	vmul.f32 $1.442695020e+00, v3;
	_ =	sdelay $0x1  }
0x86: {  	(erf) = vpow2.f32 v3;
	_ =	sdelay $0x5  }
0x87: {  	v2 =	vshll.u32 v2, $0x3  }
0x88: {  	v3 =	vor.u32 $0x1, v5;
	_ =	sdelay $0x1  }
0x89: {  	v4 =	vpop (erf)  }
0x8a: {  	[tilespmem:s29+$0x13B70] =	vst v4  }
0x8b: {  	v2 =	vld.idx.msk [tilespmem:v2+s3+$0x0], $0xffff  }
0x8c: {  	v3 =	vld.idx.msk [tilespmem:v3+s3+$0x0], $0xffff;
	_ =	sdelay $0x5  }
0x8d: {  	v2 =	vadd.f32 v3, v2;
	_ =	sdelay $0x1  }
0x8e: {  	v3 =	vmul.f32 $2.000000030e-01, v2  }
0x8f: {  	vm0 =	vge.f32 v2, $0.0e+00  }
0x90: {  	v2 =	vsel vm0, v2, v3  }
0x91: {  	v2 =	vmul.f32 $1.442695020e+00, v2;
	_ =	sdelay $0x1  }
0x92: {  	(erf) = vpow2.f32 v2;
	_ =	sdelay $0x5  }
0x93: {  	v2 =	vshll.u32 v6, $0x3  }
0x94: {  	v3 =	vor.u32 $0x1, v7;
	_ =	sdelay $0x1  }
0x95: {  	v4 =	vpop (erf)  }
0x96: {  	[tilespmem:s29+$0x13B80] =	vst v4  }
0x97: {  	v2 =	vld.idx.msk [tilespmem:v2+s3+$0x0], $0xffff  }
0x98: {  	v3 =	vld.idx.msk [tilespmem:v3+s3+$0x0], $0xffff;
	_ =	sdelay $0x5  }
0x99: {  	v2 =	vadd.f32 v3, v2;
	_ =	sdelay $0x1  }
0x9a: {  	v3 =	vmul.f32 $2.000000030e-01, v2  }
0x9b: {  	vm0 =	vge.f32 v2, $0.0e+00  }
0x9c: {  	v2 =	vsel vm0, v2, v3  }
0x9d: {  	v2 =	vmul.f32 $1.442695020e+00, v2;
	_ =	sdelay $0x1  }
0x9e: {  	(erf) = vpow2.f32 v2;
	_ =	sdelay $0x5  }
0x9f: {  	v0 =	vshll.u32 v0, $0x3;
	v1 =	vor.u32 $0x1, v1;
	_ =	sdelay $0x2  }
0xa0: {  	v2 =	vpop (erf)  }
0xa1: {  	[tilespmem:s29+$0x13B90] =	vst v2  }
0xa2: {  	v0 =	vld.idx.msk [tilespmem:v0+s3+$0x0], $0xffff  }
0xa3: {  	v1 =	vld.idx.msk [tilespmem:v1+s3+$0x0], $0xffff;
	_ =	sdelay $0x5  }
0xa4: {  	v0 =	vadd.f32 v1, v0;
	_ =	sdelay $0x1  }
0xa5: {  	vm0 =	vge.f32 v0, $0.0e+00;
	v1 =	vmul.f32 $2.000000030e-01, v0;
	_ =	sdelay $0x1  }
0xa6: {  	v0 =	vsel vm0, v0, v1  }
0xa7: {  	v0 =	vmul.f32 $1.442695020e+00, v0  }
0xa8: {  	s0 =	sshra.s32 s31, $0x2  }
.Ltmp0:
0xa9: {  	v4 =	vld [tilespmem:s0+$0x139D0];
	(erf) = vpow2.f32 v0;
	(pc) =	sbr.rel @p1 .LBB2_3-.Ltmp0, $4  }
0xaa: {  	v1 =	vld [tilespmem:s0+$0x13840]  }
0xab: {  	v3 =	vld [tilespmem:s0+$0x13850]  }
0xac: {  	v0 =	vld [tilespmem:s0+$0x139E0]  }
0xad: {  	v2 =	vld [tilespmem:s0+$0x13860]  }
0xae: {  	v4 =	vshll.u32 v4, $0x3  }
0xaf: {  	v5 =	vld [tilespmem:s0+$0x139F0];
	v4 =	vor.u32 $0x1, v4  }
0xb0: {  	v6 =	vld [tilespmem:s0+$0x13870];
	v1 =	vshll.u32 v1, $0x3  }
0xb1: {  	v7 =	vld [tilespmem:s0+$0x13A00]  }
0xb2: {  	v8 =	vld [tilespmem:s0+$0x13A10];
	v10 =	vpop (erf)  }
0xb3: {  	v9 =	vld [tilespmem:s0+$0x13880];
	[tilespmem:s29+$0x13BA0] =	vst v10  }
0xb4: {  	v4 =	vld.idx.msk [tilespmem:v4+s3+$0x0], $0xffff  }
0xb5: {  	v1 =	vld.idx.msk [tilespmem:v1+s3+$0x0], $0xffff;
	_ =	sdelay $0x4  }
0xb6: {  	v1 =	vadd.f32 v4, v1;
	_ =	sdelay $0x1  }
0xb7: {  	v4 =	vmul.f32 $2.000000030e-01, v1  }
0xb8: {  	vm0 =	vge.f32 v1, $0.0e+00  }
0xb9: {  	v1 =	vsel vm0, v1, v4  }
0xba: {  	v1 =	vmul.f32 $1.442695020e+00, v1;
	_ =	sdelay $0x1  }
0xbb: {  	(erf) = vpow2.f32 v1;
	_ =	sdelay $0x5  }
0xbc: {  	v53 =	vshll.u32 v3, $0x3;
	v0 =	vshll.u32 v0, $0x3  }
0xbd: {  	v0 =	vor.u32 $0x1, v0;
	_ =	sdelay $0x1  }
0xbe: {  	v54 =	vpop (erf)  }
0xbf: {  	[tilespmem:s0+$0x13B60] =	vst v54  }
0xc0: {  	v1 =	vld.idx.msk [tilespmem:v53+s3+$0x0], $0xffff  }
0xc1: {  	v0 =	vld.idx.msk [tilespmem:v0+s3+$0x0], $0xffff;
	_ =	sdelay $0x4  }
0xc2: {  	v0 =	vadd.f32 v0, v1;
	_ =	sdelay $0x1  }
0xc3: {  	v1 =	vmul.f32 $2.000000030e-01, v0  }
0xc4: {  	vm12 =	vge.f32 v0, $0.0e+00  }
0xc5: {  	v0 =	vsel vm12, v0, v1  }
0xc6: {  	v0 =	vmul.f32 $1.442695020e+00, v0;
	_ =	sdelay $0x1  }
0xc7: {  	(erf) = vpow2.f32 v0;
	_ =	sdelay $0x5  }
0xc8: {  	v56 =	vshll.u32 v2, $0x3;
	v55 =	vshll.u32 v5, $0x3  }
0xc9: {  	v0 =	vor.u32 $0x1, v55;
	_ =	sdelay $0x1  }
0xca: {  	v57 =	vpop (erf)  }
0xcb: {  	[tilespmem:s0+$0x13B70] =	vst v57  }
0xcc: {  	v1 =	vld.idx.msk [tilespmem:v56+s3+$0x0], $0xffff  }
0xcd: {  	v0 =	vld.idx.msk [tilespmem:v0+s3+$0x0], $0xffff;
	_ =	sdelay $0x4  }
0xce: {  	v0 =	vadd.f32 v0, v1;
	_ =	sdelay $0x1  }
0xcf: {  	v1 =	vmul.f32 $2.000000030e-01, v0  }
0xd0: {  	vm13 =	vge.f32 v0, $0.0e+00  }
0xd1: {  	v0 =	vsel vm13, v0, v1  }
0xd2: {  	v0 =	vmul.f32 $1.442695020e+00, v0;
	_ =	sdelay $0x1  }
0xd3: {  	(erf) = vpow2.f32 v0;
	_ =	sdelay $0x5  }
0xd4: {  	v58 =	vshll.u32 v7, $0x3;
	v59 =	vshll.u32 v6, $0x3  }
0xd5: {  	v0 =	vor.u32 $0x1, v58;
	_ =	sdelay $0x1  }
0xd6: {  	v60 =	vpop (erf)  }
0xd7: {  	[tilespmem:s0+$0x13B80] =	vst v60  }
0xd8: {  	v1 =	vld.idx.msk [tilespmem:v59+s3+$0x0], $0xffff  }
0xd9: {  	v0 =	vld.idx.msk [tilespmem:v0+s3+$0x0], $0xffff;
	_ =	sdelay $0x4  }
0xda: {  	v0 =	vadd.f32 v0, v1;
	_ =	sdelay $0x1  }
0xdb: {  	v1 =	vmul.f32 $2.000000030e-01, v0  }
0xdc: {  	vm14 =	vge.f32 v0, $0.0e+00  }
0xdd: {  	v0 =	vsel vm14, v0, v1  }
0xde: {  	v0 =	vmul.f32 $1.442695020e+00, v0;
	_ =	sdelay $0x1  }
0xdf: {  	(erf) = vpow2.f32 v0;
	_ =	sdelay $0x5  }
0xe0: {  	v61 =	vshll.u32 v8, $0x3;
	v62 =	vshll.u32 v9, $0x3  }
0xe1: {  	v0 =	vor.u32 $0x1, v61;
	_ =	sdelay $0x1  }
0xe2: {  	v63 =	vpop (erf)  }
0xe3: {  	[tilespmem:s0+$0x13B90] =	vst v63  }
0xe4: {  	v1 =	vld.idx.msk [tilespmem:v62+s3+$0x0], $0xffff  }
0xe5: {  	v0 =	vld.idx.msk [tilespmem:v0+s3+$0x0], $0xffff;
	_ =	sdelay $0x4  }
0xe6: {  	v0 =	vadd.f32 v0, v1;
	_ =	sdelay $0x1  }
0xe7: {  	v1 =	vmul.f32 $2.000000030e-01, v0  }
0xe8: {  	vm15 =	vge.f32 v0, $0.0e+00  }
0xe9: {  	v0 =	vsel vm15, v0, v1  }
0xea: {  	v0 =	vmul.f32 $1.442695020e+00, v0;
	_ =	sdelay $0x1  }
0xeb: {  	(erf) = vpow2.f32 v0;
	_ =	sdelay $0x5  }
0xec: {  	s30 =	smul.u32 $0x190, s28;
	_ =	sdelay $0x1  }
0xed: {  	s29 =	sadd.s32 s6, s30  }
0xee: {  	s29 =	sshrl.u32 s29, $0x3;
	v0 =	vpop (erf)  }
0xef: {  	s31 =	sadd.s32 s8, s29;
	[tilespmem:s0+$0x13BA0] =	vst v0  }
0xf0: {  	[hbm4b:s31+s3] =	stream.linear.scatter [tilespmem:s16], [sflag:$0x1], $0x190, $0x38;
	[tilespmem:$0x13FA8] =	vst v63  }
0xf1: {  	_ =	swait.ge [sflag:s12], $0x190  }
0xf2: {  	[sflag:s12] =	ssyncset.done $0x0  }
0xf3: {  	[sflag:s12] =	ssyncadd.s32 $0xFFFFFE70  }
0xf4: {  	[spmem:s2] =	stream.indirect.scatter.add.f32 [tilespmem:s16], [sflag:$0x1], $0x1, s15, s17, $0xb8;
	[tilespmem:$0x13FA8] =	vst v63  }
0xf5: {  	_ =	swait.ge [sflag:s12], $0x50  }
0xf6: {  	[sflag:s12] =	ssyncset.done $0x0  }
0xf7: {  	[sflag:s12] =	ssyncadd.s32 $0xFFFFFFB0  }
0xf8: {  	[spmem:s2] =	stream.indirect.scatter.add.f32 [tilespmem:s19], [sflag:$0x1], $0x1, s18, s17, $0xb8;
	[tilespmem:$0x13FA8] =	vst v63  }
0xf9: {  	_ =	swait.ge [sflag:s12], $0x50  }
0xfa: {  	[sflag:s12] =	ssyncset.done $0x0  }
0xfb: {  	[sflag:s12] =	ssyncadd.s32 $0xFFFFFFB0  }
0xfc: {  	[spmem:s2] =	stream.indirect.scatter.add.f32 [tilespmem:s21], [sflag:$0x1], $0x1, s20, s17, $0xb8;
	[tilespmem:$0x13FA8] =	vst v63  }
0xfd: {  	_ =	swait.ge [sflag:s12], $0x50  }
0xfe: {  	[sflag:s12] =	ssyncset.done $0x0  }
0xff: {  	[sflag:s12] =	ssyncadd.s32 $0xFFFFFFB0  }
0x100: {  	[spmem:s2] =	stream.indirect.scatter.add.f32 [tilespmem:s23], [sflag:$0x1], $0x1, s22, s17, $0xb8;
	[tilespmem:$0x13FA8] =	vst v63  }
0x101: {  	s28 =	sadd.s32 $0x1, s28;
	_ =	swait.ge [sflag:s12], $0x50  }
0x102: {  	p1 =	sne.s32 s28, $0x19;
	[sflag:s12] =	ssyncset.done $0x0  }
.Ltmp1:
0x103: {  	[sflag:s12] =	ssyncadd.s32 $0xFFFFFFB0;
	(pc) =	sbr.rel @p1 .LBB2_2-.Ltmp1, $4  }
0x104: {  	[spmem:s2] =	stream.indirect.scatter.add.f32 [tilespmem:s25], [sflag:$0x1], $0x1, s24, s17, $0xb8;
	[tilespmem:$0x13FA8] =	vst v63  }
0x105: {  	_ =	swait.ge [sflag:s12], $0x50  }
0x106: {  	[sflag:s12] =	ssyncset.done $0x0  }
0x107: {  	[sflag:s12] =	ssyncadd.s32 $0xFFFFFFB0  }
0x108: {  	[bflag:$0x0] =	sbarrier.arrive $0xFFFF;
	s0 =	simm.s32 @!p0 $0x1C01;
	s26 =	sadd.s32 $0x1, s26  }
0x109: {  	[hbm:s10], [sflag:s0] =	dma.local @!p0 [spmem:s13], $0x4E2  }
0x10a: {  	p1 =	sne.s32 s26, s11  }
.Ltmp2:
0x10b: {  	_ = 	snop;
	(pc) =	sbr.rel @p1 .LBB2_1-.Ltmp2, $4  }
0x10c: {  	s0 =	simm.s32 @!p0 $0x1  }
0x10d: {  	_ =	swait.ge @!p0 [sflag:s0], $0x4E2  }
0x10e: {  	[sflag:s0] =	ssyncset.done @!p0 $0x0  }
0x10f: {  	[sflag:s0] =	ssyncadd.s32 @!p0 $0xFFFFFB1E  }
0x110: {  	_ =	sfence.sel $0x180000  }
0x111: {  	[bflag:$0x0] =	sbarrier.arrive $0xFFFF  }
0x112: {  	_ =	strace $0x9000004D  }
0x113: {  	[bflag:$0x2] =	sbarrier.arrive $0xFFFF  }
0x114: {  	s0 =	rddreg [dreg:$0x4]  }
0x115: {  	s0 =	sadd.s32 @!p0 $0x100000, s0  }
0x116: {  	[sflag:s0] =	ssyncadd.tile.s32 @!p0 $0x1;
	_ =	shalt  }
.Lfunc_end2:
_tile_overlayer_lowered:
.L_overlay_start_2:
0x117: {  	(tag) =	ssettag $0x2  }
0x118: {  	s0 =	rddreg [dreg:$0x0];
	s2 =	stileid.u32  }
0x119: {  	s1 =	rddreg [dreg:$0x1];
	p0 =	sne.s32 s2, $0x0  }
0x11a: {  	s3 =	rddreg [dreg:$0x2];
	[bflag:$0x3] =	sbarrier.arrive $0xFFFF;
	s2 =	simm.s32 @!p0 $0x1C01  }
0x11b: {  	[timem:s3], [sflag:s2] =	dma.local @!p0 [hbm:s0], s1  }
0x11c: {  	s0 =	simm.s32 @!p0 $0x1  }
0x11d: {  	_ =	swait.ge @!p0 [sflag:s0], s1  }
0x11e: {  	s1 =	ssub.s32 @!p0 $0x0, s1;
	[sflag:s0] =	ssyncset.done @!p0 $0x0  }
0x11f: {  	[sflag:s0] =	ssyncadd.s32 @!p0 s1  }
0x120: {  	[bflag:$0x3] =	sbarrier.arrive $0xFFFF  }
0x121: {  	_ =	shalt  }

// kernel: kernel.20.cloned.1.call-start
scs
__scs_entry_jumppad:
0x0: {  	(pc) =	sbr.rel $0x88, $3  }
0x1: {  	(tag) =	ssettag $0x0;
	lr =	simm.s32 $0x1  }
0x2: {  	[smem:$0x3F97] =	sst lr;
	_ =	strace $0xD0000000  }
0x3: {  	_ = 	snop  }
0x4: {  	_ = 	snop  }
0x5: {  	_ = 	snop  }
0x6: {  	_ = 	snop  }
0x7: {  	_ = 	snop  }
__scs_overlays_trampoline_lowered:
0x8: {  	[smem:$0x3FA6] =	sst s0  }
0x9: {  	[smem:$0x3FA7] =	sst s1  }
0xa: {  	[smem:$0x3FA8] =	sst s2  }
0xb: {  	[smem:$0x3FA9] =	sst s3  }
0xc: {  	[smem:$0x3FAA] =	sst s4  }
0xd: {  	[smem:$0x3FAB] =	sst s5  }
0xe: {  	[smem:$0x3FAC] =	sst s6  }
0xf: {  	[smem:$0x3FAD] =	sst s7  }
0x10: {  	[smem:$0x3FAE] =	sst s8  }
0x11: {  	[smem:$0x3FAF] =	sst s9;
	s0 =	simm.s32 @!p0 $0x0  }
0x12: {  	s1 =	sld [smem:$0x3F95];
	s0 =	simm.s32 @p0 $0x1  }
0x13: {  	[smem:$0x3FB0] =	sst s0;
	s0 =	simm.s32 @!p1 $0x0  }
0x14: {  	s2 =	sld [smem:$0x3F94];
	s0 =	simm.s32 @p1 $0x1  }
0x15: {  	[smem:$0x3FB1] =	sst s0;
	s0 =	simm.s32 @!p2 $0x0  }
0x16: {  	s3 =	sld [smem:$0x3FDB];
	s0 =	simm.s32 @p2 $0x1  }
0x17: {  	s4 =	simm.s32 $0x1BF5;
	[smem:$0x3FB3] =	sst s0  }
0x18: {  	s0 =	sld [smem:$0x3F96];
	_ =	swait.ge [sflag:s4], $0x0  }
0x19: {  	s7 =	sld [smem:$0x3F97]  }
0x1a: {  	s8 =	sadd.s32 $0xFFFFE003, lr  }
0x1b: {  	s9 =	sadd.s32 $0xFFFFFEF7, lr;
	s5 =	simm.s32 $0xFFFFFFFF;
	p2 =	slt.u32 s8, $0xFFFFF086  }
0x1c: {  	p1 =	slt.u32 s9, $0xF7A;
	s5 =	simm.s32 @!p2 $0x0  }
0x1d: {  	s5 =	simm.s32 @p1 $0x1;
	p0 =	seq.s32 s7, s2  }
0x1e: {  	s7 =	smul.u32 @!p0 $0xF7A, s2;
	p2 =	seq.s32 @!p0 s5, $0x0  }
0x1f: {  	s9 =	smul.u32 $0xF7A, s1;
	s8 =	simm.s32 @!p0 $0x1BF5;
	p2 =	por !p2, p0  }
0x20: {  	[sflag:s8] =	ssyncset.s32 @!p0 $0xFFFFF086;
	s6 =	sadd.s32 @!p0 s3, s7;
	s7 =	simm.s32 @!p0 $0x108  }
0x21: {  	s3 =	sadd.s32 s3, s9;
	s6 =	sadd.s32 @!p0 $0x88, s6;
	s7 =	simm.s32 @p2 $0x1082  }
0x22: {  	[simem:s7], [sflag:s8] =	dma.local @!p0 [hbm:s6], $0xF7A  }
0x23: {  	s9 =	sor.u32 $0xD0000000, s2;
	s6 =	simm.s32 $0x108;
	_ =	swait.ge @!p0 [sflag:s8], $0x0  }
0x24: {  	s3 =	sadd.s32 $0x88, s3;
	s6 =	simm.s32 @!p1 $0x1082;
	[sflag:s4] =	ssyncset.s32 $0xFFFFF086  }
0x25: {  	[simem:s6], [sflag:s4] =	dma.local [hbm:s3], $0xF7A  }
0x26: {  	[smem:$0x3F97] =	sst s1;
	(tag) =	ssettag s2;
	_ =	strace s9  }
0x27: {  	s1 =	sld [smem:$0x3FA7]  }
0x28: {  	s2 =	sld [smem:$0x3FA8]  }
0x29: {  	s4 =	sld [smem:$0x3FAA]  }
0x2a: {  	p0 =	seq.s32 s5, $0x0;
	s5 =	sld [smem:$0x3FAB]  }
0x2b: {  	s6 =	sld [smem:$0x3FAC]  }
0x2c: {  	s7 =	sld [smem:$0x3FAD]  }
0x2d: {  	s3 =	simm.s32 $0x108;
	s8 =	sld [smem:$0x3FAE]  }
0x2e: {  	s3 =	simm.s32 @!p0 $0x1082;
	s9 =	sld [smem:$0x3FAF]  }
0x2f: {  	lr =	sadd.s32 s0, s3;
	s0 =	sld [smem:$0x3FA6]  }
0x30: {  	s3 =	sld [smem:$0x3FA9]  }
0x31: {  	[smem:$0x3FB2] =	sst s10  }
0x32: {  	s10 =	sld [smem:$0x3FB0];
	_ =	sdelay $0x3  }
0x33: {  	p0 =	seq.s32 s10, $0x1;
	s10 =	sld [smem:$0x3FB2];
	_ =	sdelay $0x3  }
0x34: {  	[smem:$0x3FB2] =	sst s10  }
0x35: {  	s10 =	sld [smem:$0x3FB1];
	_ =	sdelay $0x3  }
0x36: {  	p1 =	seq.s32 s10, $0x1;
	s10 =	sld [smem:$0x3FB2];
	_ =	sdelay $0x3  }
0x37: {  	[smem:$0x3FB2] =	sst s10  }
0x38: {  	s10 =	sld [smem:$0x3FB3]  }
0x39: {  	_ = 	snop;
	(pc) =	sbr.ind lr, $3  }
0x3a: {  	_ = 	snop  }
0x3b: {  	_ = 	snop  }
0x3c: {  	p2 =	seq.s32 s10, $0x1;
	s10 =	sld [smem:$0x3FB2]  }
0x3d: {  	_ =	shalt  }
0x3e: {  	_ =	shalt  }
0x3f: {  	_ =	shalt  }
0x40: {  	_ =	shalt  }
0x41: {  	_ =	shalt  }
0x42: {  	_ =	shalt  }
0x43: {  	_ =	shalt  }
0x44: {  	_ =	shalt  }
0x45: {  	_ =	shalt  }
0x46: {  	_ =	shalt  }
0x47: {  	_ =	shalt  }
0x48: {  	_ =	shalt  }
0x49: {  	_ =	shalt  }
0x4a: {  	_ =	shalt  }
0x4b: {  	_ =	shalt  }
0x4c: {  	_ =	shalt  }
0x4d: {  	_ =	shalt  }
0x4e: {  	_ =	shalt  }
0x4f: {  	_ =	shalt  }
0x50: {  	_ =	shalt  }
0x51: {  	_ =	shalt  }
0x52: {  	_ =	shalt  }
0x53: {  	_ =	shalt  }
0x54: {  	_ =	shalt  }
0x55: {  	_ =	shalt  }
0x56: {  	_ =	shalt  }
0x57: {  	_ =	shalt  }
0x58: {  	_ =	shalt  }
0x59: {  	_ =	shalt  }
0x5a: {  	_ =	shalt  }
0x5b: {  	_ =	shalt  }
0x5c: {  	_ =	shalt  }
0x5d: {  	_ =	shalt  }
0x5e: {  	_ =	shalt  }
0x5f: {  	_ =	shalt  }
0x60: {  	_ =	shalt  }
0x61: {  	_ =	shalt  }
0x62: {  	_ =	shalt  }
0x63: {  	_ =	shalt  }
0x64: {  	_ =	shalt  }
0x65: {  	_ =	shalt  }
0x66: {  	_ =	shalt  }
0x67: {  	_ =	shalt  }
0x68: {  	_ =	shalt  }
0x69: {  	_ =	shalt  }
0x6a: {  	_ =	shalt  }
0x6b: {  	_ =	shalt  }
0x6c: {  	_ =	shalt  }
0x6d: {  	_ =	shalt  }
0x6e: {  	_ =	shalt  }
0x6f: {  	_ =	shalt  }
0x70: {  	_ =	shalt  }
0x71: {  	_ =	shalt  }
0x72: {  	_ =	shalt  }
0x73: {  	_ =	shalt  }
0x74: {  	_ =	shalt  }
0x75: {  	_ =	shalt  }
0x76: {  	_ =	shalt  }
0x77: {  	_ =	shalt  }
0x78: {  	_ =	shalt  }
0x79: {  	_ =	shalt  }
0x7a: {  	_ =	shalt  }
0x7b: {  	_ =	shalt  }
0x7c: {  	_ =	shalt  }
0x7d: {  	_ =	shalt  }
0x7e: {  	_ =	shalt  }
0x7f: {  	_ =	shalt  }
0x80: {  	_ =	shalt  }
0x81: {  	_ =	shalt  }
0x82: {  	_ =	shalt  }
0x83: {  	_ =	shalt  }
0x84: {  	_ =	shalt  }
0x85: {  	_ =	shalt  }
0x86: {  	_ =	shalt  }
0x87: {  	_ =	shalt  }
.Lfunc_end0:
.L_simem_size_0:
called_computation.3_lowered:
.L_overlay_start_0:
0x88: {  	s2 =	sld [smem:$0x3FD9]  }
0x89: {  	s3 =	sld [smem:$0x3FFE];
	_ =	sdelay $0x1  }
0x8a: {  	s1 =	srdreg.scid  }
0x8b: {  	s0 =	sand.u32 $0x1, s1  }
0x8c: {  	s14 =	sshll.u32 s0, $0xA;
	s2 =	sadd.s32 s3, s2  }
0x8d: {  	s2 =	sadd.s32 s2, s14  }
0x8e: {  	[smem:$0x3FBE] =	sst s2  }
0x8f: {  	_ = 	snop  }
0x90: {  	s2 =	sld [smem:$0x3FD0];
	_ =	sdelay $0x2  }
0x91: {  	s15 =	simm.s32 $0xA;
	s4 =	simm.s32 $0x10  }
0x92: {  	[smem:s4], [sflag:s15] =	dma.local [hbm:s2], $0x1  }
0x93: {  	_ =	swait.eq [sflag:s15], $0x1  }
0x94: {  	[sflag:s15] =	ssyncset.done $0x0  }
0x95: {  	[sflag:s15] =	ssyncadd.s32 $0xFFFFFFFF  }
0x96: {  	s16 =	sld [smem:$0x11];
	(tm) =	ssettm $0x1  }
0x97: {  	s17 =	sld [smem:$0x3FFB];
	_ =	sdelay $0x3  }
0x98: {  	_ =	strace s17  }
0x99: {  	s3 =	sld [smem:$0x3FFC];
	_ =	sdelay $0x3  }
0x9a: {  	_ =	strace s3  }
0x9b: {  	s3 =	sld [smem:$0x3FFD];
	_ =	sdelay $0x3  }
0x9c: {  	_ =	strace s3  }
0x9d: {  	_ =	strace $0x8FFFFFFF  }
0x9e: {  	s18 =	sld [smem:$0x3FDB];
	_ =	sdelay $0x1  }
0x9f: {  	s19 =	simm.s32 $_scs_section_size  }
0xa0: {  	s5 =	simm.s32 $_size__tile_overlayer_lowered;
	s6 =	simm.s32 $_tile_overlayer_lowered  }
0xa1: {  	s22 =	simm.s32 $0x1BFF;
	s21 =	sshll.u32 s6, $0x1;
	s3 =	sadd.s32 s19, s18  }
0xa2: {  	s7 =	simm.s32 $0x0;
	s20 =	sshll.u32 s5, $0x1;
	s5 =	sadd.s32 s21, s3  }
0xa3: {  	[timem:s7], [sflag:s22] =	dma.local [hbm:s5], s20  }
0xa4: {  	_ =	swait.ge [sflag:s22], s20  }
0xa5: {  	s4 =	ssub.s32 $0x0, s20;
	[sflag:s22] =	ssyncset.done $0x0  }
0xa6: {  	[sflag:s22] =	ssyncadd.s32 s4;
	_ =	sdelay $0x1  }
0xa7: {  	s23 =	simm.s32 $0x1B8B  }
0xa8: {  	_ =	swait.ge [sflag:s23], $0x1  }
0xa9: {  	[sflag:s23] =	ssyncset.done $0x0  }
0xaa: {  	s25 =	simm.s32 $0x1B8E;
	s24 =	sld [smem:$0x3FFE];
	[sflag:s23] =	ssyncadd.s32 $0xFFFFFFFF  }
0xab: {  	s26 =	simm.s32 $execute0_lowered;
	[smem:$0x3FD2] =	sst s25  }
0xac: {  	s5 =	sshll.u32 s26, $0x1;
	_ =	strace $0x8000004F;
	[dreg:$0x1] =	wrdreg $0xFFFFFFFF  }
0xad: {  	s28 =	simm.s32 $_size_execute0_lowered;
	s3 =	sadd.s32 s3, s5;
	[dreg:$0x0] =	wrdreg $0x0  }
0xae: {  	s5 =	sshll.u32 s28, $0x1;
	[dreg:$0x2] =	wrdreg s3  }
0xaf: {  	[dreg:$0x3] =	wrdreg s5  }
0xb0: {  	[dreg:$0x4] =	wrdreg $0xC0  }
0xb1: {  	_ =	task [dreg:s7], $0x5FFFF  }
0xb2: {  	[dreg:$0x1] =	wrdreg $0xFFFFFFFF  }
0xb3: {  	[dreg:$0x0] =	wrdreg $0x60  }
0xb4: {  	[dreg:$0x2] =	wrdreg s24  }
0xb5: {  	[dreg:$0x3] =	wrdreg s16  }
0xb6: {  	[dreg:$0x4] =	wrdreg $0x17D400  }
0xb7: {  	[dreg:$0x5] =	wrdreg $0x9  }
0xb8: {  	_ =	task.clear_ibuf [dreg:s7], $0x6FFFF;
	_ =	strace $0x9000004F  }
0xb9: {  	s29 =	simm.s32 $0x9;
	_ =	strace $0x80000051  }
0xba: {  	_ =	swait.ge [sflag:s29], $0x1  }
0xbb: {  	[sflag:s29] =	ssyncadd.s32 $0xFFFFFFFF  }
0xbc: {  	_ =	strace $0x90000051  }
0xbd: {  	_ =	sfence  }
0xbe: {  	s30 =	sld [smem:$0x0];
	_ =	sdelay $0x2  }
0xbf: {  	s31 =	sshll.u32 s1, $0xD;
	s1 =	sshrl.u32 s1, $0x2  }
0xc0: {  	s3 =	sand.u32 $0x4000, s31;
	s1 =	sadd.s32 s1, s30  }
0xc1: {  	s0 =	sor.u32 s3, s0;
	s1 =	sshll.u32 s1, $0x11  }
0xc2: {  	s0 =	sor.u32 s1, s0  }
0xc3: {  	s0 =	sadd.s32 $0x8F2B, s0  }
0xc4: {  	[sflag:s0] =	ssyncadd.remote.s32 $0x1  }
0xc5: {  	_ =	sfence.sel $0xFFFF  }
0xc6: {  	[dreg:$0x0] =	wrdreg $0xFFFFFFFF;
	(pc) =	sbr.abs _section_cstart, $3  }
0xc7: {  	[dreg:$0x1] =	wrdreg $0xFFFFFFFF  }
0xc8: {  	_ =	task.clear_ibuf [dreg:s7], $0x2FFFF;
	_ =	strace $0x9FFFFFFF  }
0xc9: {  	(tm) =	ssettm $0x7FFFFFFF  }
tec
execute0_lowered:
.L_overlay_start_1:
0x0: {  	(tag) =	ssettag $0x1  }
0x1: {  	s0 =	rddreg [dreg:$0x0]  }
0x2: {  	s2 =	rddreg [dreg:$0x2];
	s3 =	simm.s32 $0x0  }
0x3: {  	s1 =	srdreg.scid;
	s8 =	stileid.u32;
	s13 =	simm.s32 $0x2  }
0x4: {  	s14 =	simm.s32 $0x13880;
	s16 =	simm.s32 $0x1;
	s17 =	simm.s32 $0x50  }
0x5: {  	s19 =	simm.s32 $0x16440;
	s20 =	simm.s32 $0x16170;
	s21 =	simm.s32 $0x16940  }
0x6: {  	s22 =	simm.s32 $0x161C0;
	s23 =	simm.s32 $0x16E40;
	s24 =	simm.s32 $0x16210  }
0x7: {  	s25 =	simm.s32 $0x17340;
	s28 =	simm.s32 $0x17840;
	[smem:$0x7FF] =	sst s3  }
0x8: {  	s4 =	sadd.s32 $0xC800, s0;
	s5 =	sadd.s32 $0x2A00, s0;
	s6 =	sadd.s32 $0x16C00, s0  }
0x9: {  	s7 =	sadd.s32 $0x20600, s0;
	s1 =	sand.u32 $0x1, s1;
	s10 =	sadd.s32 $0x1B600, s0  }
0xa: {  	p0 =	sne.s32 s8, $0x0;
	_ =	strace $0x80000050;
	[dreg:$0x4] =	wrdreg s6  }
0xb: {  	v1 =	vlaneseq.u32;
	v0 =	vimm.s32 $0x0;
	v2 =	vimm.s32 $0x3;
	s26 =	smul.u32 $0x4E20, s1;
	s9 =	sshll.u32 s1, $0x4;
	[dreg:$0x5] =	wrdreg s10  }
0xc: {  	v3 =	vimm.s32 $0x1;
	v4 =	vimm.s32 $0x2;
	v5 =	vimm.s32 $0x4;
	s1 =	ssub.s32 $0x2, s1;
	s6 =	sshrl.u32 @!p0 s2, $0x3;
	s29 =	sor.u32 s8, s9  }
0xd: {  	v6 =	vimm.s32 $0x5;
	v7 =	vimm.s32 $0x6;
	v8 =	vimm.s32 $0x7;
	s30 =	sshrl.u32 s1, $0x1;
	s8 =	simm.s32 $0x0;
	s0 =	sadd.s32 s26, s0  }
0xe: {  	v9 =	vimm.s32 $0x8;
	v10 =	vimm.s32 $0x9;
	v11 =	vimm.s32 $0xA;
	[dreg:$0x8] =	wrdreg s6;
	s1 =	ssub.s32 s1, s30;
	s0 =	sadd.s32 $0x2A400, s0  }
0xf: {  	v12 =	vimm.s32 $0xB;
	v13 =	vimm.s32 $0xC;
	v14 =	vimm.s32 $0xD;
	s9 =	smul.u32 $0x2710, s29;
	s31 =	smax.u32 s1, $0x1;
	[dreg:$0x6] =	wrdreg s0  }
0x10: {  	v15 =	vimm.s32 $0xE;
	v16 =	vimm.s32 $0xF;
	v1 =	vand.u32 $0x3, v1;
	s10 =	smul.u32 $0x7D, s29;
	s26 =	simm.s32 $0x16260;
	[dreg:$0x7] =	wrdreg s31  }
.LBB2_1:
0x11: {  	[dreg:$0x9] =	wrdreg s8  }
0x12: {  	s0 =	rddreg [dreg:$0x4]  }
0x13: {  	[tilespmem:s3], [sflag:$0x2] =	stream.linear.gather [hbm4b:s0+s3], $0x13880, $0x38;
	[tilespmem:$0x1A450] =	vst v63  }
0x14: {  	_ =	swait.ge [sflag:s13], $0x13880  }
0x15: {  	[sflag:s13] =	ssyncset.done $0x0  }
0x16: {  	[sflag:s13] =	ssyncadd.s32 $0xFFFEC780  }
0x17: {  	s31 =	rddreg [dreg:$0x1]  }
0x18: {  	[tilespmem:s14], [sflag:$0x2] =	stream.linear.gather [hbm4b:s31+s3], $0x2710, $0x38;
	[tilespmem:$0x1A450] =	vst v63  }
0x19: {  	_ =	swait.ge [sflag:s13], $0x2710  }
0x1a: {  	[sflag:s13] =	ssyncset.done $0x0  }
0x1b: {  	s0 =	simm.s32 @!p0 $0x1C02;
	s1 =	rddreg [dreg:$0x5];
	[sflag:s13] =	ssyncadd.s32 $0xFFFFD8F0  }
0x1c: {  	[spmem:s6], [sflag:s0] =	dma.local @!p0 [hbm:s1], $0x4E20  }
0x1d: {  	s0 =	simm.s32 @!p0 $0x2  }
0x1e: {  	_ =	swait.ge @!p0 [sflag:s0], $0x4E20  }
0x1f: {  	[sflag:s0] =	ssyncset.done @!p0 $0x0  }
0x20: {  	[sflag:s0] =	ssyncadd.s32 @!p0 $0xFFFFB1E0  }
0x21: {  	s30 =	simm.s32 $0x0;
	[bflag:$0x0] =	sbarrier.arrive $0xFFFF  }
.LBB2_2:
0x22: {  	s0 =	smul.u32 $0x5, s30;
	_ =	sdelay $0x1  }
0x23: {  	s0 =	sadd.s32 s10, s0  }
0x24: {  	s1 =	smul.u32 $0xA, s0;
	_ =	sdelay $0x1  }
0x25: {  	s31 =	simm.s32 $0x0;
	s0 =	simm.s32 $0x15F90;
	s6 =	sadd.s32 s4, s1  }
0x26: {  	[tilespmem:s0], [sflag:$0x2] =	stream.linear.gather [hbm4b:s6+s31], $0x190, $0x38;
	[tilespmem:$0x1A450] =	vst v63  }
0x27: {  	_ =	swait.ge [sflag:s13], $0x190  }
0x28: {  	s18 =	smul.u32 $0x190, s30;
	[sflag:s13] =	ssyncset.done $0x0  }
0x29: {  	s8 =	sadd.s32 s5, s1;
	s1 =	simm.s32 $0x16120;
	[sflag:s13] =	ssyncadd.s32 $0xFFFFFE70  }
0x2a: {  	[tilespmem:s1], [sflag:$0x2] =	stream.linear.gather [hbm4b:s8+s31], $0x190, $0x38;
	[tilespmem:$0x1A450] =	vst v63  }
0x2b: {  	s6 =	sadd.s32 s9, s18;
	_ =	swait.ge [sflag:s13], $0x190  }
0x2c: {  	s6 =	sshrl.u32 s6, $0x3;
	[sflag:s13] =	ssyncset.done $0x0  }
0x2d: {  	s29 =	sadd.s32 s7, s6;
	s6 =	simm.s32 $0x162B0;
	[sflag:s13] =	ssyncadd.s32 $0xFFFFFE70  }
0x2e: {  	[tilespmem:s6], [sflag:$0x1] =	stream.linear.gather [hbm4b:s29+s31], $0x190, $0x38;
	[tilespmem:$0x1A450] =	vst v63  }
0x2f: {  	_ =	swait.ge [sflag:s16], $0x190  }
0x30: {  	[sflag:s16] =	ssyncset.done $0x0  }
0x31: {  	s11 =	simm.s32 $0x164C0;
	[sflag:s16] =	ssyncadd.s32 $0xFFFFFE70  }
.LBB2_3:
0x32: {  	v17 =	vmov s0  }
0x33: {  	v18 =	vmov s1;
	_ =	sdelay $0x2  }
0x34: {  	s8 =	simm.s32 $0x0  }
0x35: {  	v20 =	vld.idx.msk [tilespmem:v17+s8+$0x0 ss:$0x1], $0xffff  }
0x36: {  	v21 =	vld.idx.msk [tilespmem:v18+s8+$0x0 ss:$0x1], $0xffff;
	_ =	sdelay $0x1  }
0x37: {  	v19 =	vmov s6;
	_ =	sdelay $0x1  }
0x38: {  	v22 =	vperm.xlane v20, v0;
	_ =	sdelay $0x1  }
0x39: {  	v22 =	vshll.u32 v22, $0x3  }
0x3a: {  	v23 =	vld.idx.msk [tilespmem:v19+s8+$0x0 ss:$0x1], $0xffff;
	v22 =	vor.u32 v1, v22  }
0x3b: {  	v21 =	vld.idx.msk [tilespmem:v21+s14+$0x0], $0xffff;
	_ =	sdelay $0x3  }
0x3c: {  	v24 =	vperm.xlane v20, v3;
	v22 =	vld.idx.msk [tilespmem:v22+s3+$0x0], $0xffff  }
0x3d: {  	v21 =	vmul.f32 v23, v21  }
0x3e: {  	v23 =	vshll.u32 v24, $0x3  }
0x3f: {  	v23 =	vor.u32 v1, v23;
	v50 =	vperm.xlane v21, v0;
	_ =	sdelay $0x1  }
0x40: {  	v22 =	vmul.f32 v22, v50;
	_ =	sdelay $0x1  }
0x41: {  	[tilespmem:s11+$0xFFFFFF80] =	vst v22  }
0x42: {  	v22 =	vperm.xlane v20, v4;
	v23 =	vld.idx.msk [tilespmem:v23+s3+$0x0], $0xffff;
	_ =	sdelay $0x1  }
0x43: {  	v22 =	vshll.u32 v22, $0x3  }
0x44: {  	v51 =	vperm.xlane v21, v3;
	v22 =	vor.u32 v1, v22;
	_ =	sdelay $0x1  }
0x45: {  	v23 =	vmul.f32 v23, v51;
	_ =	sdelay $0x1  }
0x46: {  	[tilespmem:s11+$0xFFFFFF90] =	vst v23  }
0x47: {  	v23 =	vperm.xlane v20, v2;
	v22 =	vld.idx.msk [tilespmem:v22+s3+$0x0], $0xffff;
	_ =	sdelay $0x1  }
0x48: {  	v23 =	vshll.u32 v23, $0x3  }
0x49: {  	v52 =	vperm.xlane v21, v4;
	v23 =	vor.u32 v1, v23;
	_ =	sdelay $0x1  }
0x4a: {  	v22 =	vmul.f32 v22, v52;
	_ =	sdelay $0x1  }
0x4b: {  	[tilespmem:s11+$0xFFFFFFA0] =	vst v22  }
0x4c: {  	v22 =	vperm.xlane v20, v5;
	v23 =	vld.idx.msk [tilespmem:v23+s3+$0x0], $0xffff;
	_ =	sdelay $0x1  }
0x4d: {  	v22 =	vshll.u32 v22, $0x3  }
0x4e: {  	v53 =	vperm.xlane v21, v2;
	v22 =	vor.u32 v1, v22;
	_ =	sdelay $0x1  }
0x4f: {  	v23 =	vmul.f32 v23, v53;
	_ =	sdelay $0x1  }
0x50: {  	[tilespmem:s11+$0xFFFFFFB0] =	vst v23  }
0x51: {  	v23 =	vperm.xlane v20, v6;
	v22 =	vld.idx.msk [tilespmem:v22+s3+$0x0], $0xffff;
	_ =	sdelay $0x1  }
0x52: {  	v23 =	vshll.u32 v23, $0x3  }
0x53: {  	v54 =	vperm.xlane v21, v5;
	v23 =	vor.u32 v1, v23;
	_ =	sdelay $0x1  }
0x54: {  	v22 =	vmul.f32 v22, v54;
	_ =	sdelay $0x1  }
0x55: {  	[tilespmem:s11+$0xFFFFFFC0] =	vst v22  }
0x56: {  	v22 =	vperm.xlane v20, v7;
	v23 =	vld.idx.msk [tilespmem:v23+s3+$0x0], $0xffff;
	_ =	sdelay $0x1  }
0x57: {  	v22 =	vshll.u32 v22, $0x3  }
0x58: {  	v55 =	vperm.xlane v21, v6;
	v22 =	vor.u32 v1, v22;
	_ =	sdelay $0x1  }
0x59: {  	v23 =	vmul.f32 v23, v55;
	_ =	sdelay $0x1  }
0x5a: {  	[tilespmem:s11+$0xFFFFFFD0] =	vst v23  }
0x5b: {  	v23 =	vperm.xlane v20, v8;
	v22 =	vld.idx.msk [tilespmem:v22+s3+$0x0], $0xffff;
	_ =	sdelay $0x1  }
0x5c: {  	v23 =	vshll.u32 v23, $0x3  }
0x5d: {  	v56 =	vperm.xlane v21, v7;
	v23 =	vor.u32 v1, v23;
	_ =	sdelay $0x1  }
0x5e: {  	v22 =	vmul.f32 v22, v56;
	_ =	sdelay $0x1  }
0x5f: {  	[tilespmem:s11+$0xFFFFFFE0] =	vst v22  }
0x60: {  	v22 =	vperm.xlane v20, v9;
	v23 =	vld.idx.msk [tilespmem:v23+s3+$0x0], $0xffff;
	_ =	sdelay $0x1  }
0x61: {  	v22 =	vshll.u32 v22, $0x3  }
0x62: {  	v57 =	vperm.xlane v21, v8;
	v22 =	vor.u32 v1, v22;
	_ =	sdelay $0x1  }
0x63: {  	v23 =	vmul.f32 v23, v57;
	_ =	sdelay $0x1  }
0x64: {  	[tilespmem:s11+$0xFFFFFFF0] =	vst v23  }
0x65: {  	v23 =	vperm.xlane v20, v10;
	v22 =	vld.idx.msk [tilespmem:v22+s3+$0x0], $0xffff;
	_ =	sdelay $0x1  }
0x66: {  	v23 =	vshll.u32 v23, $0x3  }
0x67: {  	v58 =	vperm.xlane v21, v9;
	v23 =	vor.u32 v1, v23;
	_ =	sdelay $0x1  }
0x68: {  	v22 =	vmul.f32 v22, v58;
	_ =	sdelay $0x1  }
0x69: {  	[tilespmem:s11+$0x0] =	vst v22  }
0x6a: {  	v22 =	vperm.xlane v20, v11;
	v23 =	vld.idx.msk [tilespmem:v23+s3+$0x0], $0xffff;
	_ =	sdelay $0x1  }
0x6b: {  	v22 =	vshll.u32 v22, $0x3  }
0x6c: {  	v59 =	vperm.xlane v21, v10;
	v22 =	vor.u32 v1, v22;
	_ =	sdelay $0x1  }
0x6d: {  	v23 =	vmul.f32 v23, v59;
	_ =	sdelay $0x1  }
0x6e: {  	[tilespmem:s11+$0x10] =	vst v23  }
0x6f: {  	v23 =	vperm.xlane v20, v12;
	v22 =	vld.idx.msk [tilespmem:v22+s3+$0x0], $0xffff;
	_ =	sdelay $0x1  }
0x70: {  	v23 =	vshll.u32 v23, $0x3  }
0x71: {  	v60 =	vperm.xlane v21, v11;
	v23 =	vor.u32 v1, v23;
	_ =	sdelay $0x1  }
0x72: {  	v22 =	vmul.f32 v22, v60;
	_ =	sdelay $0x1  }
0x73: {  	[tilespmem:s11+$0x20] =	vst v22  }
0x74: {  	v22 =	vperm.xlane v20, v13;
	v23 =	vld.idx.msk [tilespmem:v23+s3+$0x0], $0xffff;
	_ =	sdelay $0x1  }
0x75: {  	v22 =	vshll.u32 v22, $0x3  }
0x76: {  	v61 =	vperm.xlane v21, v12;
	v22 =	vor.u32 v1, v22;
	_ =	sdelay $0x1  }
0x77: {  	v23 =	vmul.f32 v23, v61;
	_ =	sdelay $0x1  }
0x78: {  	[tilespmem:s11+$0x30] =	vst v23  }
0x79: {  	v23 =	vperm.xlane v20, v14;
	v22 =	vld.idx.msk [tilespmem:v22+s3+$0x0], $0xffff;
	_ =	sdelay $0x1  }
0x7a: {  	v23 =	vshll.u32 v23, $0x3  }
0x7b: {  	v62 =	vperm.xlane v21, v13;
	v23 =	vor.u32 v1, v23;
	_ =	sdelay $0x1  }
0x7c: {  	v22 =	vmul.f32 v22, v62;
	_ =	sdelay $0x1  }
0x7d: {  	[tilespmem:s11+$0x40] =	vst v22  }
0x7e: {  	v22 =	vperm.xlane v20, v15;
	v23 =	vld.idx.msk [tilespmem:v23+s3+$0x0], $0xffff;
	_ =	sdelay $0x1  }
0x7f: {  	v22 =	vshll.u32 v22, $0x3  }
0x80: {  	v63 =	vperm.xlane v21, v14;
	v22 =	vor.u32 v1, v22;
	_ =	sdelay $0x1  }
0x81: {  	v23 =	vmul.f32 v23, v63;
	_ =	sdelay $0x1  }
0x82: {  	[tilespmem:s11+$0x50] =	vst v23  }
0x83: {  	v20 =	vperm.xlane v20, v16;
	v22 =	vld.idx.msk [tilespmem:v22+s3+$0x0], $0xffff;
	_ =	sdelay $0x1  }
0x84: {  	v20 =	vshll.u32 v20, $0x3  }
0x85: {  	v20 =	vor.u32 v1, v20;
	v23 =	vperm.xlane v21, v15;
	_ =	sdelay $0x1  }
0x86: {  	v22 =	vmul.f32 v22, v23;
	_ =	sdelay $0x1  }
0x87: {  	[tilespmem:s11+$0x60] =	vst v22  }
0x88: {  	v20 =	vld.idx.msk [tilespmem:v20+s3+$0x0], $0xffff;
	_ =	sdelay $0x2  }
0x89: {  	v21 =	vperm.xlane v21, v16;
	_ =	sdelay $0x1  }
0x8a: {  	s12 =	simm.s32 $0x40;
	s15 =	simm.s32 $0x80;
	s8 =	smov.u32 s11;
	v20 =	vmul.f32 v20, v21  }
.LBB2_4:
0x8b: {  	s18 =	sshra.s32 s12, $0x2  }
0x8c: {  	s12 =	smov.u32 s15;
	s29 =	sadd.s32 $0x40, s15;
	[tilespmem:s8+$0x70] =	vst v20;
	s8 =	sadd.s32 $0x100, s8  }
0x8d: {  	p1 =	sne.s32 s15, $0x100;
	v21 =	vld.idx.msk [tilespmem:v17+s18+$0x0 ss:$0x1], $0xffff;
	_ =	sdelay $0x1  }
0x8e: {  	v20 =	vld.idx.msk [tilespmem:v18+s18+$0x0 ss:$0x1], $0xffff;
	_ =	sdelay $0x3  }
0x8f: {  	v22 =	vperm.xlane v21, v0;
	v23 =	vperm.xlane v21, v3  }
0x90: {  	v24 =	vperm.xlane v21, v4;
	v25 =	vperm.xlane v21, v2  }
0x91: {  	v22 =	vshll.u32 v22, $0x3;
	v28 =	vshll.u32 v23, $0x3;
	v23 =	vperm.xlane v21, v5  }
0x92: {  	v30 =	vshll.u32 v24, $0x3;
	v31 =	vshll.u32 v25, $0x3;
	v22 =	vor.u32 v1, v22;
	v29 =	vld.idx.msk [tilespmem:v19+s18+$0x0 ss:$0x1], $0xffff  }
0x93: {  	v24 =	vperm.xlane v21, v7;
	v32 =	vshll.u32 v23, $0x3;
	v23 =	vperm.xlane v21, v6;
	v20 =	vld.idx.msk [tilespmem:v20+s14+$0x0], $0xffff  }
0x94: {  	v26 =	vperm.xlane v21, v9;
	v25 =	vperm.xlane v21, v8  }
0x95: {  	v34 =	vshll.u32 v24, $0x3;
	v33 =	vshll.u32 v23, $0x3;
	v23 =	vperm.xlane v21, v10  }
0x96: {  	v36 =	vshll.u32 v26, $0x3;
	v35 =	vshll.u32 v25, $0x3;
	v24 =	vperm.xlane v21, v11  }
0x97: {  	v27 =	vshll.u32 v23, $0x3;
	v23 =	vperm.xlane v21, v13;
	v37 =	vld.idx.msk [tilespmem:v22+s3+$0x0], $0xffff;
	v22 =	vperm.xlane v21, v12  }
0x98: {  	v38 =	vperm.xlane v21, v14;
	v39 =	vperm.xlane v21, v15;
	v26 =	vshll.u32 v24, $0x3  }
0x99: {  	v20 =	vmul.f32 v29, v20;
	v24 =	vshll.u32 v23, $0x3;
	v25 =	vshll.u32 v22, $0x3  }
0x9a: {  	v21 =	vperm.xlane v21, v16;
	v23 =	vshll.u32 v38, $0x3;
	v22 =	vshll.u32 v39, $0x3  }
0x9b: {  	v28 =	vor.u32 v1, v28;
	v29 =	vperm.xlane v20, v0  }
0x9c: {  	v21 =	vshll.u32 v21, $0x3  }
0x9d: {  	v29 =	vmul.f32 v37, v29;
	_ =	sdelay $0x1  }
0x9e: {  	[tilespmem:s8+$0xFFFFFF80] =	vst v29  }
0x9f: {  	v28 =	vld.idx.msk [tilespmem:v28+s3+$0x0], $0xffff;
	_ =	sdelay $0x3  }
0xa0: {  	v30 =	vor.u32 v1, v30;
	v29 =	vperm.xlane v20, v3;
	_ =	sdelay $0x1  }
0xa1: {  	v28 =	vmul.f32 v28, v29;
	_ =	sdelay $0x1  }
0xa2: {  	[tilespmem:s8+$0xFFFFFF90] =	vst v28  }
0xa3: {  	v28 =	vld.idx.msk [tilespmem:v30+s3+$0x0], $0xffff;
	_ =	sdelay $0x3  }
0xa4: {  	v29 =	vperm.xlane v20, v4;
	v30 =	vor.u32 v1, v31;
	_ =	sdelay $0x1  }
0xa5: {  	v28 =	vmul.f32 v28, v29;
	_ =	sdelay $0x1  }
0xa6: {  	[tilespmem:s8+$0xFFFFFFA0] =	vst v28  }
0xa7: {  	v28 =	vld.idx.msk [tilespmem:v30+s3+$0x0], $0xffff;
	_ =	sdelay $0x3  }
0xa8: {  	v29 =	vperm.xlane v20, v2;
	v30 =	vor.u32 v1, v32;
	_ =	sdelay $0x1  }
0xa9: {  	v28 =	vmul.f32 v28, v29;
	_ =	sdelay $0x1  }
0xaa: {  	[tilespmem:s8+$0xFFFFFFB0] =	vst v28  }
0xab: {  	v28 =	vld.idx.msk [tilespmem:v30+s3+$0x0], $0xffff;
	_ =	sdelay $0x3  }
0xac: {  	v29 =	vperm.xlane v20, v5;
	v30 =	vor.u32 v1, v33;
	_ =	sdelay $0x1  }
0xad: {  	v28 =	vmul.f32 v28, v29;
	_ =	sdelay $0x1  }
0xae: {  	[tilespmem:s8+$0xFFFFFFC0] =	vst v28  }
0xaf: {  	v28 =	vld.idx.msk [tilespmem:v30+s3+$0x0], $0xffff;
	_ =	sdelay $0x3  }
0xb0: {  	v29 =	vperm.xlane v20, v6;
	v30 =	vor.u32 v1, v34;
	_ =	sdelay $0x1  }
0xb1: {  	v28 =	vmul.f32 v28, v29;
	_ =	sdelay $0x1  }
0xb2: {  	[tilespmem:s8+$0xFFFFFFD0] =	vst v28  }
0xb3: {  	v28 =	vld.idx.msk [tilespmem:v30+s3+$0x0], $0xffff;
	_ =	sdelay $0x3  }
0xb4: {  	v29 =	vperm.xlane v20, v7;
	v30 =	vor.u32 v1, v35;
	_ =	sdelay $0x1  }
0xb5: {  	v28 =	vmul.f32 v28, v29;
	_ =	sdelay $0x1  }
0xb6: {  	[tilespmem:s8+$0xFFFFFFE0] =	vst v28  }
0xb7: {  	v28 =	vld.idx.msk [tilespmem:v30+s3+$0x0], $0xffff;
	_ =	sdelay $0x3  }
0xb8: {  	v29 =	vperm.xlane v20, v8;
	v30 =	vor.u32 v1, v36;
	_ =	sdelay $0x1  }
0xb9: {  	v28 =	vmul.f32 v28, v29;
	_ =	sdelay $0x1  }
0xba: {  	[tilespmem:s8+$0xFFFFFFF0] =	vst v28  }
0xbb: {  	v28 =	vld.idx.msk [tilespmem:v30+s3+$0x0], $0xffff;
	_ =	sdelay $0x3  }
0xbc: {  	v27 =	vor.u32 v1, v27;
	v29 =	vperm.xlane v20, v9;
	_ =	sdelay $0x1  }
0xbd: {  	v28 =	vmul.f32 v28, v29;
	_ =	sdelay $0x1  }
0xbe: {  	[tilespmem:s8+$0x0] =	vst v28  }
0xbf: {  	v27 =	vld.idx.msk [tilespmem:v27+s3+$0x0], $0xffff;
	_ =	sdelay $0x3  }
0xc0: {  	v26 =	vor.u32 v1, v26;
	v28 =	vperm.xlane v20, v10;
	_ =	sdelay $0x1  }
0xc1: {  	v27 =	vmul.f32 v27, v28;
	_ =	sdelay $0x1  }
0xc2: {  	[tilespmem:s8+$0x10] =	vst v27  }
0xc3: {  	v26 =	vld.idx.msk [tilespmem:v26+s3+$0x0], $0xffff;
	_ =	sdelay $0x3  }
0xc4: {  	v25 =	vor.u32 v1, v25;
	v27 =	vperm.xlane v20, v11;
	_ =	sdelay $0x1  }
0xc5: {  	v26 =	vmul.f32 v26, v27;
	_ =	sdelay $0x1  }
0xc6: {  	[tilespmem:s8+$0x20] =	vst v26  }
0xc7: {  	v25 =	vld.idx.msk [tilespmem:v25+s3+$0x0], $0xffff;
	_ =	sdelay $0x3  }
0xc8: {  	v24 =	vor.u32 v1, v24;
	v26 =	vperm.xlane v20, v12;
	_ =	sdelay $0x1  }
0xc9: {  	v25 =	vmul.f32 v25, v26;
	_ =	sdelay $0x1  }
0xca: {  	[tilespmem:s8+$0x30] =	vst v25  }
0xcb: {  	v24 =	vld.idx.msk [tilespmem:v24+s3+$0x0], $0xffff;
	_ =	sdelay $0x3  }
0xcc: {  	v23 =	vor.u32 v1, v23;
	v25 =	vperm.xlane v20, v13;
	_ =	sdelay $0x1  }
0xcd: {  	v24 =	vmul.f32 v24, v25;
	_ =	sdelay $0x1  }
0xce: {  	[tilespmem:s8+$0x40] =	vst v24  }
0xcf: {  	v23 =	vld.idx.msk [tilespmem:v23+s3+$0x0], $0xffff;
	_ =	sdelay $0x3  }
0xd0: {  	v22 =	vor.u32 v1, v22;
	v24 =	vperm.xlane v20, v14;
	_ =	sdelay $0x1  }
0xd1: {  	v23 =	vmul.f32 v23, v24;
	_ =	sdelay $0x1  }
0xd2: {  	[tilespmem:s8+$0x50] =	vst v23  }
0xd3: {  	v22 =	vld.idx.msk [tilespmem:v22+s3+$0x0], $0xffff;
	_ =	sdelay $0x3  }
0xd4: {  	v21 =	vor.u32 v1, v21;
	v23 =	vperm.xlane v20, v15;
	_ =	sdelay $0x1  }
0xd5: {  	v22 =	vmul.f32 v22, v23;
	_ =	sdelay $0x1  }
0xd6: {  	[tilespmem:s8+$0x60] =	vst v22  }
0xd7: {  	v21 =	vld.idx.msk [tilespmem:v21+s3+$0x0], $0xffff;
	_ =	sdelay $0x1  }
.Ltmp0:
0xd8: {  	(pc) =	sbr.rel @p1 .LBB2_4-.Ltmp0, $3  }
0xd9: {  	_ = 	snop  }
0xda: {  	v20 =	vperm.xlane v20, v16;
	_ =	sdelay $0x1  }
0xdb: {  	s15 =	smov.u32 s29;
	v20 =	vmul.f32 v21, v20  }
0xdc: {  	_ =	sdelay $0x2  }
0xdd: {  	s12 =	sshra.s32 s12, $0x2;
	[tilespmem:s8+$0x70] =	vst v20  }
0xde: {  	v17 =	vld.idx.msk [tilespmem:v17+s12+$0x0 ss:$0x1], $0xffff  }
0xdf: {  	v18 =	vld.idx.msk [tilespmem:v18+s12+$0x0 ss:$0x1], $0xffff;
	_ =	sdelay $0x3  }
0xe0: {  	v41 =	vperm.xlane v17, v0;
	_ =	sdelay $0x1  }
0xe1: {  	v20 =	vshll.u32 v41, $0x3  }
0xe2: {  	v19 =	vld.idx.msk [tilespmem:v19+s12+$0x0 ss:$0x1], $0xffff;
	v20 =	vor.u32 v1, v20  }
0xe3: {  	v18 =	vld.idx.msk [tilespmem:v18+s14+$0x0], $0xffff;
	_ =	sdelay $0x3  }
0xe4: {  	v21 =	vperm.xlane v17, v3;
	v20 =	vld.idx.msk [tilespmem:v20+s3+$0x0], $0xffff  }
0xe5: {  	v18 =	vmul.f32 v19, v18  }
0xe6: {  	v19 =	vshll.u32 v21, $0x3  }
0xe7: {  	v19 =	vor.u32 v1, v19;
	v42 =	vperm.xlane v18, v0;
	_ =	sdelay $0x1  }
0xe8: {  	v20 =	vmul.f32 v20, v42  }
0xe9: {  	s29 =	sadd.s32 $0x100, s8  }
0xea: {  	[tilespmem:s29+$0xFFFFFF80] =	vst v20  }
0xeb: {  	v43 =	vperm.xlane v17, v4;
	v19 =	vld.idx.msk [tilespmem:v19+s3+$0x0], $0xffff;
	_ =	sdelay $0x1  }
0xec: {  	v20 =	vshll.u32 v43, $0x3  }
0xed: {  	v44 =	vperm.xlane v18, v3;
	v20 =	vor.u32 v1, v20;
	_ =	sdelay $0x1  }
0xee: {  	v19 =	vmul.f32 v19, v44;
	_ =	sdelay $0x1  }
0xef: {  	[tilespmem:s29+$0xFFFFFF90] =	vst v19  }
0xf0: {  	v19 =	vperm.xlane v17, v2;
	v20 =	vld.idx.msk [tilespmem:v20+s3+$0x0], $0xffff;
	_ =	sdelay $0x1  }
0xf1: {  	v19 =	vshll.u32 v19, $0x3  }
0xf2: {  	v45 =	vperm.xlane v18, v4;
	v19 =	vor.u32 v1, v19;
	_ =	sdelay $0x1  }
0xf3: {  	v20 =	vmul.f32 v20, v45;
	_ =	sdelay $0x1  }
0xf4: {  	[tilespmem:s29+$0xFFFFFFA0] =	vst v20  }
0xf5: {  	v46 =	vperm.xlane v17, v5;
	v19 =	vld.idx.msk [tilespmem:v19+s3+$0x0], $0xffff;
	_ =	sdelay $0x1  }
0xf6: {  	v20 =	vshll.u32 v46, $0x3  }
0xf7: {  	v47 =	vperm.xlane v18, v2;
	v20 =	vor.u32 v1, v20;
	_ =	sdelay $0x1  }
0xf8: {  	v19 =	vmul.f32 v19, v47;
	_ =	sdelay $0x1  }
0xf9: {  	[tilespmem:s29+$0xFFFFFFB0] =	vst v19  }
0xfa: {  	v19 =	vperm.xlane v17, v6;
	v20 =	vld.idx.msk [tilespmem:v20+s3+$0x0], $0xffff;
	_ =	sdelay $0x1  }
0xfb: {  	v19 =	vshll.u32 v19, $0x3  }
0xfc: {  	v48 =	vperm.xlane v18, v5;
	v19 =	vor.u32 v1, v19;
	_ =	sdelay $0x1  }
0xfd: {  	v20 =	vmul.f32 v20, v48;
	_ =	sdelay $0x1  }
0xfe: {  	[tilespmem:s29+$0xFFFFFFC0] =	vst v20  }
0xff: {  	v49 =	vperm.xlane v17, v7;
	v19 =	vld.idx.msk [tilespmem:v19+s3+$0x0], $0xffff;
	_ =	sdelay $0x1  }
0x100: {  	v20 =	vshll.u32 v49, $0x3  }
0x101: {  	v50 =	vperm.xlane v18, v6;
	v20 =	vor.u32 v1, v20;
	_ =	sdelay $0x1  }
0x102: {  	v19 =	vmul.f32 v19, v50;
	_ =	sdelay $0x1  }
0x103: {  	[tilespmem:s29+$0xFFFFFFD0] =	vst v19  }
0x104: {  	v19 =	vperm.xlane v17, v8;
	v20 =	vld.idx.msk [tilespmem:v20+s3+$0x0], $0xffff;
	_ =	sdelay $0x1  }
0x105: {  	v19 =	vshll.u32 v19, $0x3  }
0x106: {  	v51 =	vperm.xlane v18, v7;
	v19 =	vor.u32 v1, v19;
	_ =	sdelay $0x1  }
0x107: {  	v20 =	vmul.f32 v20, v51;
	_ =	sdelay $0x1  }
0x108: {  	[tilespmem:s29+$0xFFFFFFE0] =	vst v20  }
0x109: {  	v52 =	vperm.xlane v17, v9;
	v19 =	vld.idx.msk [tilespmem:v19+s3+$0x0], $0xffff;
	_ =	sdelay $0x1  }
0x10a: {  	v20 =	vshll.u32 v52, $0x3  }
0x10b: {  	v53 =	vperm.xlane v18, v8;
	v20 =	vor.u32 v1, v20;
	_ =	sdelay $0x1  }
0x10c: {  	v19 =	vmul.f32 v19, v53;
	_ =	sdelay $0x1  }
0x10d: {  	[tilespmem:s29+$0xFFFFFFF0] =	vst v19  }
0x10e: {  	v19 =	vperm.xlane v17, v10;
	v20 =	vld.idx.msk [tilespmem:v20+s3+$0x0], $0xffff;
	_ =	sdelay $0x1  }
0x10f: {  	v19 =	vshll.u32 v19, $0x3  }
0x110: {  	v54 =	vperm.xlane v18, v9;
	v19 =	vor.u32 v1, v19;
	_ =	sdelay $0x1  }
0x111: {  	v20 =	vmul.f32 v20, v54;
	_ =	sdelay $0x1  }
0x112: {  	[tilespmem:s29+$0x0] =	vst v20  }
0x113: {  	v55 =	vperm.xlane v17, v11;
	v19 =	vld.idx.msk [tilespmem:v19+s3+$0x0], $0xffff;
	_ =	sdelay $0x1  }
0x114: {  	v20 =	vshll.u32 v55, $0x3  }
0x115: {  	v56 =	vperm.xlane v18, v10;
	v20 =	vor.u32 v1, v20;
	_ =	sdelay $0x1  }
0x116: {  	v19 =	vmul.f32 v19, v56;
	_ =	sdelay $0x1  }
0x117: {  	[tilespmem:s29+$0x10] =	vst v19  }
0x118: {  	v19 =	vperm.xlane v17, v12;
	v20 =	vld.idx.msk [tilespmem:v20+s3+$0x0], $0xffff;
	_ =	sdelay $0x1  }
0x119: {  	v19 =	vshll.u32 v19, $0x3  }
0x11a: {  	v57 =	vperm.xlane v18, v11;
	v19 =	vor.u32 v1, v19;
	_ =	sdelay $0x1  }
0x11b: {  	v20 =	vmul.f32 v20, v57;
	_ =	sdelay $0x1  }
0x11c: {  	[tilespmem:s29+$0x20] =	vst v20  }
0x11d: {  	v58 =	vperm.xlane v17, v13;
	v19 =	vld.idx.msk [tilespmem:v19+s3+$0x0], $0xffff;
	_ =	sdelay $0x1  }
0x11e: {  	v20 =	vshll.u32 v58, $0x3  }
0x11f: {  	v59 =	vperm.xlane v18, v12;
	v20 =	vor.u32 v1, v20;
	_ =	sdelay $0x1  }
0x120: {  	v19 =	vmul.f32 v19, v59;
	_ =	sdelay $0x1  }
0x121: {  	[tilespmem:s29+$0x30] =	vst v19  }
0x122: {  	v19 =	vperm.xlane v17, v14;
	v20 =	vld.idx.msk [tilespmem:v20+s3+$0x0], $0xffff;
	_ =	sdelay $0x1  }
0x123: {  	v19 =	vshll.u32 v19, $0x3  }
0x124: {  	v60 =	vperm.xlane v18, v13;
	v19 =	vor.u32 v1, v19;
	_ =	sdelay $0x1  }
0x125: {  	v20 =	vmul.f32 v20, v60;
	_ =	sdelay $0x1  }
0x126: {  	[tilespmem:s29+$0x40] =	vst v20  }
0x127: {  	v61 =	vperm.xlane v17, v15;
	v19 =	vld.idx.msk [tilespmem:v19+s3+$0x0], $0xffff;
	_ =	sdelay $0x1  }
0x128: {  	v20 =	vshll.u32 v61, $0x3  }
0x129: {  	v62 =	vperm.xlane v18, v14;
	v20 =	vor.u32 v1, v20;
	_ =	sdelay $0x1  }
0x12a: {  	v19 =	vmul.f32 v19, v62;
	_ =	sdelay $0x1  }
0x12b: {  	[tilespmem:s29+$0x50] =	vst v19  }
0x12c: {  	v17 =	vperm.xlane v17, v16;
	v19 =	vld.idx.msk [tilespmem:v20+s3+$0x0], $0xffff;
	_ =	sdelay $0x1  }
0x12d: {  	v17 =	vshll.u32 v17, $0x3  }
0x12e: {  	v63 =	vperm.xlane v18, v15;
	v17 =	vor.u32 v1, v17;
	_ =	sdelay $0x1  }
0x12f: {  	v19 =	vmul.f32 v19, v63;
	_ =	sdelay $0x1  }
0x130: {  	[tilespmem:s29+$0x60] =	vst v19  }
0x131: {  	v17 =	vld.idx.msk [tilespmem:v17+s3+$0x0], $0xffff  }
0x132: {  	s31 =	sadd.s32 $0x1, s31  }
0x133: {  	p1 =	sne.s32 s31, $0x5  }
.Ltmp1:
0x134: {  	v18 =	vperm.xlane v18, v16;
	(pc) =	sbr.rel @p1 .LBB2_3-.Ltmp1, $4  }
0x135: {  	_ = 	snop  }
0x136: {  	v17 =	vmul.f32 v17, v18  }
0x137: {  	s6 =	sadd.s32 $0x50, s6  }
0x138: {  	s1 =	sadd.s32 $0x50, s1;
	s0 =	sadd.s32 $0x50, s0;
	s11 =	sadd.s32 $0x500, s11;
	[tilespmem:s29+$0x70] =	vst v17  }
0x139: {  	s0 =	simm.s32 $0x16120  }
0x13a: {  	[spmem:s2] =	stream.indirect.scatter.add.f32 [tilespmem:s19], [sflag:$0x2], $0x10, s0, s17, $0xb8;
	[tilespmem:$0x1A450] =	vst v63  }
0x13b: {  	_ =	swait.ge [sflag:s13], $0x500  }
0x13c: {  	[sflag:s13] =	ssyncset.done $0x0  }
0x13d: {  	[sflag:s13] =	ssyncadd.s32 $0xFFFFFB00  }
0x13e: {  	[spmem:s2] =	stream.indirect.scatter.add.f32 [tilespmem:s21], [sflag:$0x2], $0x10, s20, s17, $0xb8;
	[tilespmem:$0x1A450] =	vst v63  }
0x13f: {  	_ =	swait.ge [sflag:s13], $0x500  }
0x140: {  	[sflag:s13] =	ssyncset.done $0x0  }
0x141: {  	[sflag:s13] =	ssyncadd.s32 $0xFFFFFB00  }
0x142: {  	[spmem:s2] =	stream.indirect.scatter.add.f32 [tilespmem:s23], [sflag:$0x2], $0x10, s22, s17, $0xb8;
	[tilespmem:$0x1A450] =	vst v63  }
0x143: {  	_ =	swait.ge [sflag:s13], $0x500  }
0x144: {  	[sflag:s13] =	ssyncset.done $0x0  }
0x145: {  	[sflag:s13] =	ssyncadd.s32 $0xFFFFFB00  }
0x146: {  	[spmem:s2] =	stream.indirect.scatter.add.f32 [tilespmem:s25], [sflag:$0x2], $0x10, s24, s17, $0xb8;
	[tilespmem:$0x1A450] =	vst v63  }
0x147: {  	s30 =	sadd.s32 $0x1, s30;
	_ =	swait.ge [sflag:s13], $0x500  }
0x148: {  	p1 =	sne.s32 s30, $0x19;
	[sflag:s13] =	ssyncset.done $0x0  }
.Ltmp2:
0x149: {  	[sflag:s13] =	ssyncadd.s32 $0xFFFFFB00;
	(pc) =	sbr.rel @p1 .LBB2_2-.Ltmp2, $4  }
0x14a: {  	[spmem:s2] =	stream.indirect.scatter.add.f32 [tilespmem:s28], [sflag:$0x2], $0x10, s26, s17, $0xb8;
	[tilespmem:$0x1A450] =	vst v63  }
0x14b: {  	_ =	swait.ge [sflag:s13], $0x500  }
0x14c: {  	[sflag:s13] =	ssyncset.done $0x0  }
0x14d: {  	[sflag:s13] =	ssyncadd.s32 $0xFFFFFB00  }
0x14e: {  	[bflag:$0x0] =	sbarrier.arrive $0xFFFF  }
0x14f: {  	s1 =	rddreg [dreg:$0x6]  }
0x150: {  	s0 =	simm.s32 @!p0 $0x1C02;
	s6 =	rddreg [dreg:$0x8]  }
0x151: {  	[hbm:s1], [sflag:s0] =	dma.local @!p0 [spmem:s6], $0x4E20  }
0x152: {  	s0 =	simm.s32 @!p0 $0x2  }
0x153: {  	_ =	swait.ge @!p0 [sflag:s0], $0x4E20  }
0x154: {  	s8 =	rddreg [dreg:$0x9]  }
0x155: {  	s31 =	rddreg [dreg:$0x7];
	s8 =	sadd.s32 $0x1, s8  }
0x156: {  	p1 =	sne.s32 s8, s31  }
.Ltmp3:
0x157: {  	_ = 	snop;
	(pc) =	sbr.rel @p1 .LBB2_1-.Ltmp3, $3  }
0x158: {  	_ =	sdelay $0x1  }
0x159: {  	[sflag:s0] =	ssyncset.done @!p0 $0x0  }
0x15a: {  	[sflag:s0] =	ssyncadd.s32 @!p0 $0xFFFFB1E0  }
0x15b: {  	_ =	sfence.sel $0x180000  }
0x15c: {  	[bflag:$0x0] =	sbarrier.arrive $0xFFFF  }
0x15d: {  	_ =	strace $0x90000050  }
0x15e: {  	[bflag:$0x2] =	sbarrier.arrive $0xFFFF  }
0x15f: {  	s0 =	rddreg [dreg:$0x3]  }
0x160: {  	s0 =	sadd.s32 @!p0 $0x100000, s0  }
0x161: {  	[sflag:s0] =	ssyncadd.tile.s32 @!p0 $0x1;
	_ =	shalt  }
.Lfunc_end2:
_tile_overlayer_lowered:
.L_overlay_start_2:
0x162: {  	(tag) =	ssettag $0x2  }
0x163: {  	s0 =	rddreg [dreg:$0x0];
	s2 =	stileid.u32  }
0x164: {  	s1 =	rddreg [dreg:$0x1];
	p0 =	sne.s32 s2, $0x0  }
0x165: {  	s3 =	rddreg [dreg:$0x2];
	[bflag:$0x3] =	sbarrier.arrive $0xFFFF;
	s2 =	simm.s32 @!p0 $0x1C02  }
0x166: {  	[timem:s3], [sflag:s2] =	dma.local @!p0 [hbm:s0], s1  }
0x167: {  	s0 =	simm.s32 @!p0 $0x2  }
0x168: {  	_ =	swait.ge @!p0 [sflag:s0], s1  }
0x169: {  	s1 =	ssub.s32 @!p0 $0x0, s1;
	[sflag:s0] =	ssyncset.done @!p0 $0x0  }
0x16a: {  	[sflag:s0] =	ssyncadd.s32 @!p0 s1  }
0x16b: {  	[bflag:$0x3] =	sbarrier.arrive $0xFFFF  }
0x16c: {  	_ =	shalt  }

</sc_bundles>
